<compile_context>
chip_gen: v7x
topology: tpu7x:2x2x1
jax: 0.10.2.dev20260603
libtpu: 0.0.44.dev20260713+nightly
codegen_flags: <defaults>
</compile_context>

<pallas_src>
import jax
import jax.numpy as jnp
from jax import lax
from jax.experimental import pallas as pl
from jax.experimental.pallas import tpu as pltpu
from jax.experimental.pallas import tpu_sc as plsc

S2 = 2048
D = 1024
E = 64
TOPK = 8
NG = 8
TG = 4
DFF = 512
RSF = 2.5
SDFF = 1024

NA = S2 * TOPK
TM = 256
NT = NA // TM + E
NROWS = NT * TM
NW = 32
APW = NA // NW
CH = 64
NCH = APW // CH

_NEG = -1e30


def _pack_halves(lo_bf, hi_bf):
    lo = jax.lax.bitcast_convert_type(lo_bf, jnp.uint16).astype(jnp.uint32)
    hi = jax.lax.bitcast_convert_type(hi_bf, jnp.uint16).astype(jnp.uint32)
    return jax.lax.bitcast_convert_type(lo | (hi << 16), jnp.int32)


def _unpack_halves(xi):
    u = jax.lax.bitcast_convert_type(xi, jnp.uint32)
    lo = jax.lax.bitcast_convert_type((u & 0xFFFF).astype(jnp.uint16),
                                      jnp.bfloat16)
    hi = jax.lax.bitcast_convert_type((u >> 16).astype(jnp.uint16),
                                      jnp.bfloat16)
    return lo, hi


def _route_body(x_ref, gw_ref, b_ref, p8_ref, w8_ref, eot_ref, xi_ref, rank_s):
    x = x_ref[...]
    gw = gw_ref[...]
    logits = jax.lax.dot_general(
        x.astype(jnp.bfloat16), gw.astype(jnp.bfloat16),
        (((1,), (1,)), ((), ())),
        preferred_element_type=jnp.float32,
    )
    scores = jax.nn.sigmoid(logits)
    sc = scores + b_ref[...]
    cols = jax.lax.broadcasted_iota(jnp.int32, (S2, E), 1)
    grp = cols // (E // NG)

    gs_full = jnp.zeros_like(sc)
    for g in range(NG):
        ing = grp == g
        vals = jnp.where(ing, sc, _NEG)
        m1 = jnp.max(vals, axis=-1, keepdims=True)
        i1 = jnp.min(jnp.where(vals == m1, cols, 9999), axis=-1, keepdims=True)
        m2 = jnp.max(jnp.where(cols == i1, _NEG, vals), axis=-1, keepdims=True)
        gs_full = gs_full + jnp.where(ing, m1 + m2, 0.0)

    gsr = gs_full
    chosen = jnp.zeros_like(sc, dtype=jnp.bool_)
    for _ in range(TG):
        m = jnp.max(gsr, axis=-1, keepdims=True)
        gidx = jnp.min(jnp.where(gsr == m, grp, 9999), axis=-1, keepdims=True)
        ch = grp == gidx
        chosen = jnp.logical_or(chosen, ch)
        gsr = jnp.where(ch, _NEG, gsr)

    tmp = jnp.where(chosen, sc, 0.0)
    sel = jnp.zeros_like(sc, dtype=jnp.bool_)
    kcols = jax.lax.broadcasted_iota(jnp.int32, (S2, TOPK), 1)
    iks = []
    w8 = jnp.zeros((S2, TOPK), jnp.float32)
    wsum = jnp.zeros((S2, 1), jnp.float32)
    for k in range(TOPK):
        cur = jnp.where(sel, _NEG, tmp)
        m = jnp.max(cur, axis=-1, keepdims=True)
        ik = jnp.min(jnp.where(cur == m, cols, 9999), axis=-1, keepdims=True)
        sel = jnp.logical_or(sel, cols == ik)
        iks.append(ik)
        wk = jnp.sum(jnp.where(cols == ik, scores, 0.0), axis=-1,
                     keepdims=True)
        w8 = w8 + jnp.where(kcols == k, wk, 0.0)
        wsum = wsum + wk
    w8_ref[...] = w8 * (RSF / (wsum + 1e-20))

    oh = sel.astype(jnp.float32)
    r0 = jax.lax.broadcasted_iota(jnp.int32, (128, 128), 0)
    c0 = jax.lax.broadcasted_iota(jnp.int32, (128, 128), 1)
    ls = (r0 > c0).astype(jnp.float32)
    off = jnp.zeros((1, E), jnp.float32)
    for b in range(S2 // 128):
        ohb = oh[b * 128:(b + 1) * 128, :]
        rb = jax.lax.dot_general(ls, ohb, (((1,), (0,)), ((), ())),
                                 preferred_element_type=jnp.float32)
        rank_s[b * 128:(b + 1) * 128, :] = rb + off
        off = off + jnp.sum(ohb, axis=0, keepdims=True)
    counts = off
    tiles = jnp.floor((counts + (TM - 1)) / TM)
    r64 = jax.lax.broadcasted_iota(jnp.int32, (E, E), 0)
    c64 = jax.lax.broadcasted_iota(jnp.int32, (E, E), 1)
    tex = (r64 < c64).astype(jnp.float32)
    base_t = jax.lax.dot_general(tiles, tex, (((1,), (0,)), ((), ())),
                                 preferred_element_type=jnp.float32)
    p_dense = rank_s[...] + base_t * TM

    p8 = jnp.zeros((S2, TOPK), jnp.float32)
    for k in range(TOPK):
        pk = jnp.sum(jnp.where(cols == iks[k], p_dense, 0.0),
                     axis=-1, keepdims=True)
        p8 = p8 + jnp.where(kcols == k, pk, 0.0)
    p8_ref[...] = p8.astype(jnp.int32)

    jrow = jax.lax.broadcasted_iota(jnp.int32, (1, NT), 1).astype(jnp.float32)
    eotf = jnp.zeros((1, NT), jnp.float32)
    for e in range(E):
        eotf = eotf + (jrow >= base_t[0:1, e:e + 1]).astype(jnp.float32)
    total = jnp.sum(tiles, axis=-1, keepdims=True)
    eot = jnp.where(jrow < total, eotf - 1.0, -1.0)
    eot_ref[...] = eot.astype(jnp.int32)

    xbf = x.astype(jnp.bfloat16)
    xi_ref[...] = _pack_halves(xbf[:, :D // 2], xbf[:, D // 2:])


def _dispatch_body(x_hbm, p_hbm, tok_hbm, wf_hbm, sx_hbm, ws_hbm,
                   tokv0, tokv1, tokv2, posv0, posv1, posv2,
                   wvv0, wvv1, wvv2, rows0, rows1, rows2,
                   semg0, semg1, semg2, sems0, sems1, sems2):
    wid = lax.axis_index("s") * 2 + lax.axis_index("c")
    base = wid * APW
    bufs = [(tokv0, posv0, wvv0, rows0, semg0, sems0),
            (tokv1, posv1, wvv1, rows1, semg1, sems1),
            (tokv2, posv2, wvv2, rows2, semg2, sems2)]

    def load_idx(ch):
        tokv, posv, wvv, _, _, _ = bufs[ch % 3]
        off = base + ch * CH
        pltpu.sync_copy(tok_hbm.at[pl.ds(off, CH)], tokv)
        pltpu.sync_copy(p_hbm.at[pl.ds(off, CH)], posv)
        pltpu.sync_copy(wf_hbm.at[pl.ds(off, CH)], wvv)

    def start_gather(ch):
        tokv, _, _, rows, semg, _ = bufs[ch % 3]
        return pltpu.async_copy(x_hbm.at[tokv], rows, semg)

    def start_scatter(ch):
        _, posv, wvv, rows, _, sems = bufs[ch % 3]
        cs = pltpu.async_copy(rows, sx_hbm.at[posv], sems)
        cw = pltpu.async_copy(wvv, ws_hbm.at[posv], sems)
        return cs, cw

    g = {}
    s = {}
    for pre in range(2):
        load_idx(pre)
        g[pre] = start_gather(pre)
    for ch in range(NCH):
        if ch + 2 < NCH:
            if ch - 1 >= 0:
                s[ch - 1][0].wait()
                s[ch - 1][1].wait()
            load_idx(ch + 2)
            g[ch + 2] = start_gather(ch + 2)
        g[ch].wait()
        s[ch] = start_scatter(ch)
    for ch in (NCH - 3, NCH - 2, NCH - 1):
        s[ch][0].wait()
        s[ch][1].wait()


def _combine_gather_body(os_hbm, p_hbm, ot_hbm,
                         pidx0, pidx1, pidx2, rows0, rows1, rows2,
                         semg0, semg1, semg2, sems0, sems1, sems2):
    wid = lax.axis_index("s") * 2 + lax.axis_index("c")
    base = wid * APW
    bufs = [(pidx0, rows0, semg0, sems0), (pidx1, rows1, semg1, sems1),
            (pidx2, rows2, semg2, sems2)]

    def load_idx(ch):
        pidx, _, _, _ = bufs[ch % 3]
        pltpu.sync_copy(p_hbm.at[pl.ds(base + ch * CH, CH)], pidx)

    def start_gather(ch):
        pidx, rows, semg, _ = bufs[ch % 3]
        return pltpu.async_copy(os_hbm.at[pidx], rows, semg)

    def start_store(ch):
        _, rows, _, sems = bufs[ch % 3]
        return pltpu.async_copy(rows, ot_hbm.at[pl.ds(base + ch * CH, CH)],
                                sems)

    g = {}
    s = {}
    for pre in range(2):
        load_idx(pre)
        g[pre] = start_gather(pre)
    for ch in range(NCH):
        if ch + 2 < NCH:
            if ch - 1 >= 0:
                s[ch - 1].wait()
            load_idx(ch + 2)
            g[ch + 2] = start_gather(ch + 2)
        g[ch].wait()
        s[ch] = start_store(ch)
    for ch in (NCH - 3, NCH - 2, NCH - 1):
        s[ch].wait()


def _gemm_body(eot_s, xs_ref, w_ref, g_ref, u_ref, d_ref, o_ref):
    i = pl.program_id(0)

    @pl.when(eot_s[i] >= 0)
    def _():
        xlo, xhi = _unpack_halves(xs_ref[...])
        g = g_ref[0].astype(jnp.bfloat16)
        u = u_ref[0].astype(jnp.bfloat16)
        a = (jax.lax.dot_general(xlo, g[:, :D // 2], (((1,), (1,)), ((), ())),
                                 preferred_element_type=jnp.float32)
             + jax.lax.dot_general(xhi, g[:, D // 2:],
                                   (((1,), (1,)), ((), ())),
                                   preferred_element_type=jnp.float32))
        b = (jax.lax.dot_general(xlo, u[:, :D // 2], (((1,), (1,)), ((), ())),
                                 preferred_element_type=jnp.float32)
             + jax.lax.dot_general(xhi, u[:, D // 2:],
                                   (((1,), (1,)), ((), ())),
                                   preferred_element_type=jnp.float32))
        h = (a * jax.nn.sigmoid(a)) * b
        d = d_ref[0].astype(jnp.bfloat16)
        o = jax.lax.dot_general(h.astype(jnp.bfloat16), d,
                                (((1,), (1,)), ((), ())),
                                preferred_element_type=jnp.float32)
        ob = (o * w_ref[...]).astype(jnp.bfloat16)
        o_ref[...] = _pack_halves(ob[:, :D // 2], ob[:, D // 2:])


def _shared_body(xi_ref, sg_ref, su_ref, sd_ref, out_ref):
    xlo, xhi = _unpack_halves(xi_ref[...])
    sg = sg_ref[...].astype(jnp.bfloat16)
    su = su_ref[...].astype(jnp.bfloat16)
    a = (jax.lax.dot_general(xlo, sg[:, :D // 2], (((1,), (1,)), ((), ())),
                             preferred_element_type=jnp.float32)
         + jax.lax.dot_general(xhi, sg[:, D // 2:], (((1,), (1,)), ((), ())),
                               preferred_element_type=jnp.float32))
    b = (jax.lax.dot_general(xlo, su[:, :D // 2], (((1,), (1,)), ((), ())),
                             preferred_element_type=jnp.float32)
         + jax.lax.dot_general(xhi, su[:, D // 2:], (((1,), (1,)), ((), ())),
                               preferred_element_type=jnp.float32))
    h = (a * jax.nn.sigmoid(a)) * b
    out_ref[...] = jax.lax.dot_general(h.astype(jnp.bfloat16),
                                       sd_ref[...].astype(jnp.bfloat16),
                                       (((1,), (1,)), ((), ())),
                                       preferred_element_type=jnp.float32)


def _reduce_body(ot_ref, sh_ref, out_ref):
    lo, hi = _unpack_halves(ot_ref[...])
    s_lo = jnp.sum(lo.astype(jnp.float32), axis=1)
    s_hi = jnp.sum(hi.astype(jnp.float32), axis=1)
    sh = sh_ref[...]
    out_ref[:, :D // 2] = s_lo + sh[:, :D // 2]
    out_ref[:, D // 2:] = s_hi + sh[:, D // 2:]


def _expert_of(eot_ref, i):
    e = eot_ref[i]
    return jnp.where(e < 0, E - 1, e)


def kernel(hidden_states, gate_weight, e_score_correction_bias, gate_proj,
           up_proj, down_proj, shared_gate, shared_up, shared_down):
    x = hidden_states.reshape(S2, D).astype(jnp.float32)
    bias2d = e_score_correction_bias.reshape(1, E)

    p8, w8, eot, xi = pl.pallas_call(
        _route_body,
        out_shape=(jax.ShapeDtypeStruct((S2, TOPK), jnp.int32),
                   jax.ShapeDtypeStruct((S2, TOPK), jnp.float32),
                   jax.ShapeDtypeStruct((1, NT), jnp.int32),
                   jax.ShapeDtypeStruct((S2, D // 2), jnp.int32)),
        scratch_shapes=[pltpu.VMEM((S2, E), jnp.float32)],
    )(x, gate_weight, bias2d)

    p_flat = p8.reshape(NA)
    w_flat = w8.reshape(NA)
    tok_flat = (jnp.arange(NA, dtype=jnp.int32) // TOPK).astype(jnp.int32)

    mesh = plsc.VectorSubcoreMesh(core_axis_name="c", subcore_axis_name="s",
                                  num_cores=2, num_subcores=16)

    sorted_xi, w_sorted = pl.kernel(
        _dispatch_body,
        out_type=(jax.ShapeDtypeStruct((NROWS, D // 2), jnp.int32),
                  jax.ShapeDtypeStruct((NROWS,), jnp.float32)),
        mesh=mesh,
        scratch_types=(
            [pltpu.VMEM((CH,), jnp.int32)] * 6
            + [pltpu.VMEM((CH,), jnp.float32)] * 3
            + [pltpu.VMEM((CH, D // 2), jnp.int32)] * 3
            + [pltpu.SemaphoreType.DMA] * 6
        ),
    )(xi, p_flat, tok_flat, w_flat)

    shared_out = pl.pallas_call(
        _shared_body,
        grid=(8,),
        in_specs=[
            pl.BlockSpec((S2 // 8, D // 2), lambda i: (i, 0)),
            pl.BlockSpec((SDFF, D), lambda i: (0, 0)),
            pl.BlockSpec((SDFF, D), lambda i: (0, 0)),
            pl.BlockSpec((D, SDFF), lambda i: (0, 0)),
        ],
        out_specs=pl.BlockSpec((S2 // 8, D), lambda i: (i, 0)),
        out_shape=jax.ShapeDtypeStruct((S2, D), jnp.float32),
    )(xi, shared_gate, shared_up, shared_down)

    out_sorted_i = pl.pallas_call(
        _gemm_body,
        grid_spec=pltpu.PrefetchScalarGridSpec(
            num_scalar_prefetch=1,
            grid=(NT,),
            in_specs=[
                pl.BlockSpec((TM, D // 2), lambda i, eot: (i, 0)),
                pl.BlockSpec((TM, 1), lambda i, eot: (i, 0)),
                pl.BlockSpec((1, DFF, D),
                             lambda i, eot: (_expert_of(eot, i), 0, 0)),
                pl.BlockSpec((1, DFF, D),
                             lambda i, eot: (_expert_of(eot, i), 0, 0)),
                pl.BlockSpec((1, D, DFF),
                             lambda i, eot: (_expert_of(eot, i), 0, 0)),
            ],
            out_specs=pl.BlockSpec((TM, D // 2), lambda i, eot: (i, 0)),
        ),
        out_shape=jax.ShapeDtypeStruct((NROWS, D // 2), jnp.int32),
    )(eot.reshape(NT), sorted_xi,
      w_sorted.reshape(NROWS, 1), gate_proj, up_proj, down_proj)

    out_tok_i = pl.kernel(
        _combine_gather_body,
        out_type=jax.ShapeDtypeStruct((NA, D // 2), jnp.int32),
        mesh=mesh,
        scratch_types=(
            [pltpu.VMEM((CH,), jnp.int32)] * 3
            + [pltpu.VMEM((CH, D // 2), jnp.int32)] * 3
            + [pltpu.SemaphoreType.DMA] * 6
        ),
    )(out_sorted_i, p_flat)

    out = pl.pallas_call(
        _reduce_body,
        grid=(8,),
        in_specs=[
            pl.BlockSpec((S2 // 8, TOPK, D // 2), lambda i: (i, 0, 0)),
            pl.BlockSpec((S2 // 8, D), lambda i: (i, 0)),
        ],
        out_specs=pl.BlockSpec((S2 // 8, D), lambda i: (i, 0)),
        out_shape=jax.ShapeDtypeStruct((S2, D), jnp.float32),
    )(out_tok_i.reshape(S2, TOPK, D // 2), shared_out)

    return out.reshape(1, S2, D)

# --- scband reference (transcript-rebuilt; emitter-appended) ---
"""Pipeline reference for scband-deepseek-v3-mo-e-72000831750712 (READ-ONLY COPY).

The authoritative reference and input builder live on the scoring server;
editing this copy changes nothing except your own understanding.
"""

import jax
import jax.numpy as jnp
import numpy as np

B = 1
S = 2048
D = 1024
E = 64
TOPK = 8
NG = 8
TG = 4
DFF = 512
NSHARED = 2
RSF = 2.5
SHARED_DFF = DFF * NSHARED


def setup_inputs(seed: int = 0) -> dict:
    key = jax.random.key(seed)
    ks = jax.random.split(key, 10)
    return {
        "hidden_states": jax.random.normal(ks[0], (B, S, D), dtype=jnp.float32),
        "gate_weight": jax.random.normal(ks[1], (E, D), dtype=jnp.float32) * 0.05,
        "e_score_correction_bias": jax.random.normal(ks[2], (E,), dtype=jnp.float32) * 0.01,
        "gate_proj": jax.random.normal(ks[3], (E, DFF, D), dtype=jnp.float32) * 0.02,
        "up_proj": jax.random.normal(ks[4], (E, DFF, D), dtype=jnp.float32) * 0.02,
        "down_proj": jax.random.normal(ks[5], (E, D, DFF), dtype=jnp.float32) * 0.02,
        "shared_gate": jax.random.normal(ks[6], (SHARED_DFF, D), dtype=jnp.float32) * 0.02,
        "shared_up": jax.random.normal(ks[7], (SHARED_DFF, D), dtype=jnp.float32) * 0.02,
        "shared_down": jax.random.normal(ks[8], (D, SHARED_DFF), dtype=jnp.float32) * 0.02,
    }


def _routing(x2d, gate_weight, bias):
    # MoEGate.forward: sigmoid scoring + noaux_tc group-limited top-k
    logits = x2d.astype(jnp.float32) @ gate_weight.astype(jnp.float32).T
    scores = jax.nn.sigmoid(logits)
    scores_for_choice = scores + bias[None, :]
    # group scores: sum of top-2 within each group
    gs = jax.lax.top_k(scores_for_choice.reshape(-1, NG, E // NG), 2)[0].sum(axis=-1)
    group_idx = jax.lax.top_k(gs, TG)[1]
    group_mask = jax.nn.one_hot(group_idx, NG, dtype=scores.dtype).sum(axis=1)
    score_mask = jnp.repeat(group_mask, E // NG, axis=1)
    tmp_scores = jnp.where(score_mask > 0, scores_for_choice, 0.0)
    topk_idx = jax.lax.top_k(tmp_scores, TOPK)[1]
    return scores, topk_idx


def reference(hidden_states, gate_weight, e_score_correction_bias, gate_proj, up_proj, down_proj, shared_gate, shared_up, shared_down):
    x = hidden_states.reshape(-1, D).astype(jnp.float32)
    scores, topk_idx = _routing(x, gate_weight, e_score_correction_bias)
    # topk weights gathered from raw (un-biased) scores, normalized, scaled
    topk_w = jnp.take_along_axis(scores, topk_idx, axis=1)
    topk_w = topk_w / (topk_w.sum(axis=-1, keepdims=True) + 1e-20) * RSF
    # sort_tokens: dispatch tokens to experts (argsort of expert ids)
    flat = topk_idx.reshape(-1)
    sort_idx = jnp.argsort(flat)
    token_rows = sort_idx // TOPK
    sorted_experts = flat[sort_idx]
    sorted_tokens = x[token_rows]
    # grouped expert MLPs (SwiGLU), equivalent to grouped GEMM over per-expert chunks

    def expert_step(e, out_sorted):
        h = jax.nn.silu(x @ gate_proj[e].T) * (x @ up_proj[e].T)
        dense = h @ down_proj[e].T
        gathered = dense[token_rows]
        return jnp.where((sorted_experts == e)[:, None], gathered, out_sorted)

    out_sorted = jax.lax.fori_loop(0, E, expert_step, jnp.zeros_like(sorted_tokens))
    # combine: weighted scatter-add back to token order
    flat_w = topk_w.reshape(-1)[sort_idx]
    combined = jnp.zeros_like(x).at[token_rows].add(out_sorted * flat_w[:, None])
    # shared experts path
    shared = (jax.nn.silu(x @ shared_gate.T) * (x @ shared_up.T)) @ shared_down.T
    return (combined + shared).reshape(B, S, D)

if __name__ == "__main__":
    import jax
    _d = setup_inputs()
    print(jax.jit(kernel)(*tuple(_d.values())))

</pallas_src>

<mosaic_0001>
#map = affine_map<(d0, d1) -> (0, 0)>
#map1 = affine_map<(d0, d1) -> (0)>
module attributes {stable_mosaic.version = 14 : i64} {
  func.func @_combine_gather_body(%arg0: i32, %arg1: i32, %arg2: memref<32768x512xi32, #tpu.memory_space<hbm>>, %arg3: memref<16384xi32, #tpu.memory_space<hbm>>, %arg4: memref<16384x512xi32, #tpu.memory_space<hbm>>, %arg5: memref<64xi32, #tpu.memory_space<vmem>>, %arg6: memref<64xi32, #tpu.memory_space<vmem>>, %arg7: memref<64xi32, #tpu.memory_space<vmem>>, %arg8: memref<64x512xi32, #tpu.memory_space<vmem>>, %arg9: memref<64x512xi32, #tpu.memory_space<vmem>>, %arg10: memref<64x512xi32, #tpu.memory_space<vmem>>, %arg11: memref<!tpu.dma_semaphore, #tpu.memory_space<semaphore_mem>>, %arg12: memref<!tpu.dma_semaphore, #tpu.memory_space<semaphore_mem>>, %arg13: memref<!tpu.dma_semaphore, #tpu.memory_space<semaphore_mem>>, %arg14: memref<!tpu.dma_semaphore, #tpu.memory_space<semaphore_mem>>, %arg15: memref<!tpu.dma_semaphore, #tpu.memory_space<semaphore_mem>>, %arg16: memref<!tpu.dma_semaphore, #tpu.memory_space<semaphore_mem>>) attributes {dimension_semantics = [#tpu.dimension_semantics<core_parallel>, #tpu.dimension_semantics<subcore_parallel>], iteration_bounds = array<i64: 2, 16>, scalar_prefetch = 0 : i64, scratch_operands = 12 : i64, tpu.core_type = #tpu.core_type<sc_vector_subcore>, window_params = [{transform_indices = #map}, {transform_indices = #map1}, {transform_indices = #map}]} {
    %mul3A = arith.constant 2 : i32
    %mul3A_0 = arith.muli %arg1, %mul3A : i32
    %add3A = arith.addi %mul3A_0, %arg0 : i32
    %mul3A_1 = arith.constant 512 : i32
    %mul3A_2 = arith.muli %add3A, %mul3A_1 : i32
    %add3A_3 = arith.constant 0 : i32
    %add3A_4 = arith.addi %mul3A_2, %add3A_3 : i32
    "tpu.region"() ({
      %run_scoped3A = tpu.sem_alloc : memref<!tpu.dma_semaphore, #tpu.memory_space<semaphore_mem>>
      %dma_start3A_145 = tpu.memref_slice %arg3[%add3A_4] : memref<16384xi32, #tpu.memory_space<hbm>> -> memref<64xi32, #tpu.memory_space<hbm>>
      %dma_start3A_146 = tpu.memref_slice %arg3[%add3A_4] : memref<16384xi32, #tpu.memory_space<hbm>> -> memref<64xi32, #tpu.memory_space<hbm>>
      tpu.enqueue_dma source(%dma_start3A_146 : memref<64xi32, #tpu.memory_space<hbm>>) target(%arg5 : memref<64xi32, #tpu.memory_space<vmem>>) target_semaphore(%run_scoped3A : memref<!tpu.dma_semaphore, #tpu.memory_space<semaphore_mem>>)
      %dma_wait3A_147 = tpu.memref_slice %arg3[%add3A_4] : memref<16384xi32, #tpu.memory_space<hbm>> -> memref<64xi32, #tpu.memory_space<hbm>>
      %dma_wait3A_148 = tpu.memref_slice %arg3[%add3A_4] : memref<16384xi32, #tpu.memory_space<hbm>> -> memref<64xi32, #tpu.memory_space<hbm>>
      tpu.wait_dma2 semaphore(%run_scoped3A : memref<!tpu.dma_semaphore, #tpu.memory_space<semaphore_mem>>) src(%dma_wait3A_148 : memref<64xi32, #tpu.memory_space<hbm>>) dst(%arg5 : memref<64xi32, #tpu.memory_space<vmem>>)
      tpu.yield
    }) : () -> ()
    %dma_start3A = arith.constant 0 : i32
    %dma_start3A_5 = arith.constant 0 : i32
    %dma_start3A_6 = tpu.memref_slice %arg2[%dma_start3A, %dma_start3A_5] : memref<32768x512xi32, #tpu.memory_space<hbm>> -> memref<32768x512xi32, #tpu.memory_space<hbm>>
    tpu.enqueue_indirect_dma source(%dma_start3A_6 : memref<32768x512xi32, #tpu.memory_space<hbm>>) target(%arg8 : memref<64x512xi32, #tpu.memory_space<vmem>>) offsets(%arg5 : memref<64xi32, #tpu.memory_space<vmem>>) semaphore(%arg11 : memref<!tpu.dma_semaphore, #tpu.memory_space<semaphore_mem>>)
    %add3A_7 = arith.constant 64 : i32
    %add3A_8 = arith.addi %mul3A_2, %add3A_7 : i32
    "tpu.region"() ({
      %run_scoped3A = tpu.sem_alloc : memref<!tpu.dma_semaphore, #tpu.memory_space<semaphore_mem>>
      %dma_start3A_145 = tpu.memref_slice %arg3[%add3A_8] : memref<16384xi32, #tpu.memory_space<hbm>> -> memref<64xi32, #tpu.memory_space<hbm>>
      %dma_start3A_146 = tpu.memref_slice %arg3[%add3A_8] : memref<16384xi32, #tpu.memory_space<hbm>> -> memref<64xi32, #tpu.memory_space<hbm>>
      tpu.enqueue_dma source(%dma_start3A_146 : memref<64xi32, #tpu.memory_space<hbm>>) target(%arg6 : memref<64xi32, #tpu.memory_space<vmem>>) target_semaphore(%run_scoped3A : memref<!tpu.dma_semaphore, #tpu.memory_space<semaphore_mem>>)
      %dma_wait3A_147 = tpu.memref_slice %arg3[%add3A_8] : memref<16384xi32, #tpu.memory_space<hbm>> -> memref<64xi32, #tpu.memory_space<hbm>>
      %dma_wait3A_148 = tpu.memref_slice %arg3[%add3A_8] : memref<16384xi32, #tpu.memory_space<hbm>> -> memref<64xi32, #tpu.memory_space<hbm>>
      tpu.wait_dma2 semaphore(%run_scoped3A : memref<!tpu.dma_semaphore, #tpu.memory_space<semaphore_mem>>) src(%dma_wait3A_148 : memref<64xi32, #tpu.memory_space<hbm>>) dst(%arg6 : memref<64xi32, #tpu.memory_space<vmem>>)
      tpu.yield
    }) : () -> ()
    %dma_start3A_9 = arith.constant 0 : i32
    %dma_start3A_10 = arith.constant 0 : i32
    %dma_start3A_11 = tpu.memref_slice %arg2[%dma_start3A_9, %dma_start3A_10] : memref<32768x512xi32, #tpu.memory_space<hbm>> -> memref<32768x512xi32, #tpu.memory_space<hbm>>
    tpu.enqueue_indirect_dma source(%dma_start3A_11 : memref<32768x512xi32, #tpu.memory_space<hbm>>) target(%arg9 : memref<64x512xi32, #tpu.memory_space<vmem>>) offsets(%arg6 : memref<64xi32, #tpu.memory_space<vmem>>) semaphore(%arg12 : memref<!tpu.dma_semaphore, #tpu.memory_space<semaphore_mem>>)
    %add3A_12 = arith.constant 128 : i32
    %add3A_13 = arith.addi %mul3A_2, %add3A_12 : i32
    "tpu.region"() ({
      %run_scoped3A = tpu.sem_alloc : memref<!tpu.dma_semaphore, #tpu.memory_space<semaphore_mem>>
      %dma_start3A_145 = tpu.memref_slice %arg3[%add3A_13] : memref<16384xi32, #tpu.memory_space<hbm>> -> memref<64xi32, #tpu.memory_space<hbm>>
      %dma_start3A_146 = tpu.memref_slice %arg3[%add3A_13] : memref<16384xi32, #tpu.memory_space<hbm>> -> memref<64xi32, #tpu.memory_space<hbm>>
      tpu.enqueue_dma source(%dma_start3A_146 : memref<64xi32, #tpu.memory_space<hbm>>) target(%arg7 : memref<64xi32, #tpu.memory_space<vmem>>) target_semaphore(%run_scoped3A : memref<!tpu.dma_semaphore, #tpu.memory_space<semaphore_mem>>)
      %dma_wait3A_147 = tpu.memref_slice %arg3[%add3A_13] : memref<16384xi32, #tpu.memory_space<hbm>> -> memref<64xi32, #tpu.memory_space<hbm>>
      %dma_wait3A_148 = tpu.memref_slice %arg3[%add3A_13] : memref<16384xi32, #tpu.memory_space<hbm>> -> memref<64xi32, #tpu.memory_space<hbm>>
      tpu.wait_dma2 semaphore(%run_scoped3A : memref<!tpu.dma_semaphore, #tpu.memory_space<semaphore_mem>>) src(%dma_wait3A_148 : memref<64xi32, #tpu.memory_space<hbm>>) dst(%arg7 : memref<64xi32, #tpu.memory_space<vmem>>)
      tpu.yield
    }) : () -> ()
    %dma_start3A_14 = arith.constant 0 : i32
    %dma_start3A_15 = arith.constant 0 : i32
    %dma_start3A_16 = tpu.memref_slice %arg2[%dma_start3A_14, %dma_start3A_15] : memref<32768x512xi32, #tpu.memory_space<hbm>> -> memref<32768x512xi32, #tpu.memory_space<hbm>>
    tpu.enqueue_indirect_dma source(%dma_start3A_16 : memref<32768x512xi32, #tpu.memory_space<hbm>>) target(%arg10 : memref<64x512xi32, #tpu.memory_space<vmem>>) offsets(%arg7 : memref<64xi32, #tpu.memory_space<vmem>>) semaphore(%arg13 : memref<!tpu.dma_semaphore, #tpu.memory_space<semaphore_mem>>)
    %dma_wait3A = arith.constant 0 : i32
    %dma_wait3A_17 = arith.constant 0 : i32
    %dma_wait3A_18 = tpu.memref_slice %arg2[%dma_wait3A, %dma_wait3A_17] : memref<32768x512xi32, #tpu.memory_space<hbm>> -> memref<32768x512xi32, #tpu.memory_space<hbm>>
    tpu.wait_indirect_dma semaphore(%arg11 : memref<!tpu.dma_semaphore, #tpu.memory_space<semaphore_mem>>) src(%dma_wait3A_18 : memref<32768x512xi32, #tpu.memory_space<hbm>>) dst(%arg8 : memref<64x512xi32, #tpu.memory_space<vmem>>)
    %add3A_19 = arith.constant 0 : i32
    %add3A_20 = arith.addi %mul3A_2, %add3A_19 : i32
    %dma_start3A_21 = arith.constant 0 : i32
    %dma_start3A_22 = tpu.memref_slice %arg4[%add3A_20, %dma_start3A_21] : memref<16384x512xi32, #tpu.memory_space<hbm>> -> memref<64x512xi32, #tpu.memory_space<hbm>>
    %dma_start3A_23 = arith.constant 0 : i32
    %dma_start3A_24 = tpu.memref_slice %arg4[%add3A_20, %dma_start3A_23] : memref<16384x512xi32, #tpu.memory_space<hbm>> -> memref<64x512xi32, #tpu.memory_space<hbm>>
    tpu.enqueue_dma source(%arg8 : memref<64x512xi32, #tpu.memory_space<vmem>>) target(%dma_start3A_24 : memref<64x512xi32, #tpu.memory_space<hbm>>) target_semaphore(%arg14 : memref<!tpu.dma_semaphore, #tpu.memory_space<semaphore_mem>>)
    %dma_wait3A_25 = arith.constant 0 : i32
    %dma_wait3A_26 = tpu.memref_slice %arg4[%add3A_20, %dma_wait3A_25] : memref<16384x512xi32, #tpu.memory_space<hbm>> -> memref<64x512xi32, #tpu.memory_space<hbm>>
    %dma_wait3A_27 = arith.constant 0 : i32
    %dma_wait3A_28 = tpu.memref_slice %arg4[%add3A_20, %dma_wait3A_27] : memref<16384x512xi32, #tpu.memory_space<hbm>> -> memref<64x512xi32, #tpu.memory_space<hbm>>
    tpu.wait_dma2 semaphore(%arg14 : memref<!tpu.dma_semaphore, #tpu.memory_space<semaphore_mem>>) src(%arg8 : memref<64x512xi32, #tpu.memory_space<vmem>>) dst(%dma_wait3A_28 : memref<64x512xi32, #tpu.memory_space<hbm>>)
    %add3A_29 = arith.constant 192 : i32
    %add3A_30 = arith.addi %mul3A_2, %add3A_29 : i32
    "tpu.region"() ({
      %run_scoped3A = tpu.sem_alloc : memref<!tpu.dma_semaphore, #tpu.memory_space<semaphore_mem>>
      %dma_start3A_145 = tpu.memref_slice %arg3[%add3A_30] : memref<16384xi32, #tpu.memory_space<hbm>> -> memref<64xi32, #tpu.memory_space<hbm>>
      %dma_start3A_146 = tpu.memref_slice %arg3[%add3A_30] : memref<16384xi32, #tpu.memory_space<hbm>> -> memref<64xi32, #tpu.memory_space<hbm>>
      tpu.enqueue_dma source(%dma_start3A_146 : memref<64xi32, #tpu.memory_space<hbm>>) target(%arg5 : memref<64xi32, #tpu.memory_space<vmem>>) target_semaphore(%run_scoped3A : memref<!tpu.dma_semaphore, #tpu.memory_space<semaphore_mem>>)
      %dma_wait3A_147 = tpu.memref_slice %arg3[%add3A_30] : memref<16384xi32, #tpu.memory_space<hbm>> -> memref<64xi32, #tpu.memory_space<hbm>>
      %dma_wait3A_148 = tpu.memref_slice %arg3[%add3A_30] : memref<16384xi32, #tpu.memory_space<hbm>> -> memref<64xi32, #tpu.memory_space<hbm>>
      tpu.wait_dma2 semaphore(%run_scoped3A : memref<!tpu.dma_semaphore, #tpu.memory_space<semaphore_mem>>) src(%dma_wait3A_148 : memref<64xi32, #tpu.memory_space<hbm>>) dst(%arg5 : memref<64xi32, #tpu.memory_space<vmem>>)
      tpu.yield
    }) : () -> ()
    %dma_start3A_31 = arith.constant 0 : i32
    %dma_start3A_32 = arith.constant 0 : i32
    %dma_start3A_33 = tpu.memref_slice %arg2[%dma_start3A_31, %dma_start3A_32] : memref<32768x512xi32, #tpu.memory_space<hbm>> -> memref<32768x512xi32, #tpu.memory_space<hbm>>
    tpu.enqueue_indirect_dma source(%dma_start3A_33 : memref<32768x512xi32, #tpu.memory_space<hbm>>) target(%arg8 : memref<64x512xi32, #tpu.memory_space<vmem>>) offsets(%arg5 : memref<64xi32, #tpu.memory_space<vmem>>) semaphore(%arg11 : memref<!tpu.dma_semaphore, #tpu.memory_space<semaphore_mem>>)
    %dma_wait3A_34 = arith.constant 0 : i32
    %dma_wait3A_35 = arith.constant 0 : i32
    %dma_wait3A_36 = tpu.memref_slice %arg2[%dma_wait3A_34, %dma_wait3A_35] : memref<32768x512xi32, #tpu.memory_space<hbm>> -> memref<32768x512xi32, #tpu.memory_space<hbm>>
    tpu.wait_indirect_dma semaphore(%arg12 : memref<!tpu.dma_semaphore, #tpu.memory_space<semaphore_mem>>) src(%dma_wait3A_36 : memref<32768x512xi32, #tpu.memory_space<hbm>>) dst(%arg9 : memref<64x512xi32, #tpu.memory_space<vmem>>)
    %add3A_37 = arith.constant 64 : i32
    %add3A_38 = arith.addi %mul3A_2, %add3A_37 : i32
    %dma_start3A_39 = arith.constant 0 : i32
    %dma_start3A_40 = tpu.memref_slice %arg4[%add3A_38, %dma_start3A_39] : memref<16384x512xi32, #tpu.memory_space<hbm>> -> memref<64x512xi32, #tpu.memory_space<hbm>>
    %dma_start3A_41 = arith.constant 0 : i32
    %dma_start3A_42 = tpu.memref_slice %arg4[%add3A_38, %dma_start3A_41] : memref<16384x512xi32, #tpu.memory_space<hbm>> -> memref<64x512xi32, #tpu.memory_space<hbm>>
    tpu.enqueue_dma source(%arg9 : memref<64x512xi32, #tpu.memory_space<vmem>>) target(%dma_start3A_42 : memref<64x512xi32, #tpu.memory_space<hbm>>) target_semaphore(%arg15 : memref<!tpu.dma_semaphore, #tpu.memory_space<semaphore_mem>>)
    %dma_wait3A_43 = arith.constant 0 : i32
    %dma_wait3A_44 = tpu.memref_slice %arg4[%add3A_38, %dma_wait3A_43] : memref<16384x512xi32, #tpu.memory_space<hbm>> -> memref<64x512xi32, #tpu.memory_space<hbm>>
    %dma_wait3A_45 = arith.constant 0 : i32
    %dma_wait3A_46 = tpu.memref_slice %arg4[%add3A_38, %dma_wait3A_45] : memref<16384x512xi32, #tpu.memory_space<hbm>> -> memref<64x512xi32, #tpu.memory_space<hbm>>
    tpu.wait_dma2 semaphore(%arg15 : memref<!tpu.dma_semaphore, #tpu.memory_space<semaphore_mem>>) src(%arg9 : memref<64x512xi32, #tpu.memory_space<vmem>>) dst(%dma_wait3A_46 : memref<64x512xi32, #tpu.memory_space<hbm>>)
    %add3A_47 = arith.constant 256 : i32
    %add3A_48 = arith.addi %mul3A_2, %add3A_47 : i32
    "tpu.region"() ({
      %run_scoped3A = tpu.sem_alloc : memref<!tpu.dma_semaphore, #tpu.memory_space<semaphore_mem>>
      %dma_start3A_145 = tpu.memref_slice %arg3[%add3A_48] : memref<16384xi32, #tpu.memory_space<hbm>> -> memref<64xi32, #tpu.memory_space<hbm>>
      %dma_start3A_146 = tpu.memref_slice %arg3[%add3A_48] : memref<16384xi32, #tpu.memory_space<hbm>> -> memref<64xi32, #tpu.memory_space<hbm>>
      tpu.enqueue_dma source(%dma_start3A_146 : memref<64xi32, #tpu.memory_space<hbm>>) target(%arg6 : memref<64xi32, #tpu.memory_space<vmem>>) target_semaphore(%run_scoped3A : memref<!tpu.dma_semaphore, #tpu.memory_space<semaphore_mem>>)
      %dma_wait3A_147 = tpu.memref_slice %arg3[%add3A_48] : memref<16384xi32, #tpu.memory_space<hbm>> -> memref<64xi32, #tpu.memory_space<hbm>>
      %dma_wait3A_148 = tpu.memref_slice %arg3[%add3A_48] : memref<16384xi32, #tpu.memory_space<hbm>> -> memref<64xi32, #tpu.memory_space<hbm>>
      tpu.wait_dma2 semaphore(%run_scoped3A : memref<!tpu.dma_semaphore, #tpu.memory_space<semaphore_mem>>) src(%dma_wait3A_148 : memref<64xi32, #tpu.memory_space<hbm>>) dst(%arg6 : memref<64xi32, #tpu.memory_space<vmem>>)
      tpu.yield
    }) : () -> ()
    %dma_start3A_49 = arith.constant 0 : i32
    %dma_start3A_50 = arith.constant 0 : i32
    %dma_start3A_51 = tpu.memref_slice %arg2[%dma_start3A_49, %dma_start3A_50] : memref<32768x512xi32, #tpu.memory_space<hbm>> -> memref<32768x512xi32, #tpu.memory_space<hbm>>
    tpu.enqueue_indirect_dma source(%dma_start3A_51 : memref<32768x512xi32, #tpu.memory_space<hbm>>) target(%arg9 : memref<64x512xi32, #tpu.memory_space<vmem>>) offsets(%arg6 : memref<64xi32, #tpu.memory_space<vmem>>) semaphore(%arg12 : memref<!tpu.dma_semaphore, #tpu.memory_space<semaphore_mem>>)
    %dma_wait3A_52 = arith.constant 0 : i32
    %dma_wait3A_53 = arith.constant 0 : i32
    %dma_wait3A_54 = tpu.memref_slice %arg2[%dma_wait3A_52, %dma_wait3A_53] : memref<32768x512xi32, #tpu.memory_space<hbm>> -> memref<32768x512xi32, #tpu.memory_space<hbm>>
    tpu.wait_indirect_dma semaphore(%arg13 : memref<!tpu.dma_semaphore, #tpu.memory_space<semaphore_mem>>) src(%dma_wait3A_54 : memref<32768x512xi32, #tpu.memory_space<hbm>>) dst(%arg10 : memref<64x512xi32, #tpu.memory_space<vmem>>)
    %add3A_55 = arith.constant 128 : i32
    %add3A_56 = arith.addi %mul3A_2, %add3A_55 : i32
    %dma_start3A_57 = arith.constant 0 : i32
    %dma_start3A_58 = tpu.memref_slice %arg4[%add3A_56, %dma_start3A_57] : memref<16384x512xi32, #tpu.memory_space<hbm>> -> memref<64x512xi32, #tpu.memory_space<hbm>>
    %dma_start3A_59 = arith.constant 0 : i32
    %dma_start3A_60 = tpu.memref_slice %arg4[%add3A_56, %dma_start3A_59] : memref<16384x512xi32, #tpu.memory_space<hbm>> -> memref<64x512xi32, #tpu.memory_space<hbm>>
    tpu.enqueue_dma source(%arg10 : memref<64x512xi32, #tpu.memory_space<vmem>>) target(%dma_start3A_60 : memref<64x512xi32, #tpu.memory_space<hbm>>) target_semaphore(%arg16 : memref<!tpu.dma_semaphore, #tpu.memory_space<semaphore_mem>>)
    %dma_wait3A_61 = arith.constant 0 : i32
    %dma_wait3A_62 = tpu.memref_slice %arg4[%add3A_56, %dma_wait3A_61] : memref<16384x512xi32, #tpu.memory_space<hbm>> -> memref<64x512xi32, #tpu.memory_space<hbm>>
    %dma_wait3A_63 = arith.constant 0 : i32
    %dma_wait3A_64 = tpu.memref_slice %arg4[%add3A_56, %dma_wait3A_63] : memref<16384x512xi32, #tpu.memory_space<hbm>> -> memref<64x512xi32, #tpu.memory_space<hbm>>
    tpu.wait_dma2 semaphore(%arg16 : memref<!tpu.dma_semaphore, #tpu.memory_space<semaphore_mem>>) src(%arg10 : memref<64x512xi32, #tpu.memory_space<vmem>>) dst(%dma_wait3A_64 : memref<64x512xi32, #tpu.memory_space<hbm>>)
    %add3A_65 = arith.constant 320 : i32
    %add3A_66 = arith.addi %mul3A_2, %add3A_65 : i32
    "tpu.region"() ({
      %run_scoped3A = tpu.sem_alloc : memref<!tpu.dma_semaphore, #tpu.memory_space<semaphore_mem>>
      %dma_start3A_145 = tpu.memref_slice %arg3[%add3A_66] : memref<16384xi32, #tpu.memory_space<hbm>> -> memref<64xi32, #tpu.memory_space<hbm>>
      %dma_start3A_146 = tpu.memref_slice %arg3[%add3A_66] : memref<16384xi32, #tpu.memory_space<hbm>> -> memref<64xi32, #tpu.memory_space<hbm>>
      tpu.enqueue_dma source(%dma_start3A_146 : memref<64xi32, #tpu.memory_space<hbm>>) target(%arg7 : memref<64xi32, #tpu.memory_space<vmem>>) target_semaphore(%run_scoped3A : memref<!tpu.dma_semaphore, #tpu.memory_space<semaphore_mem>>)
      %dma_wait3A_147 = tpu.memref_slice %arg3[%add3A_66] : memref<16384xi32, #tpu.memory_space<hbm>> -> memref<64xi32, #tpu.memory_space<hbm>>
      %dma_wait3A_148 = tpu.memref_slice %arg3[%add3A_66] : memref<16384xi32, #tpu.memory_space<hbm>> -> memref<64xi32, #tpu.memory_space<hbm>>
      tpu.wait_dma2 semaphore(%run_scoped3A : memref<!tpu.dma_semaphore, #tpu.memory_space<semaphore_mem>>) src(%dma_wait3A_148 : memref<64xi32, #tpu.memory_space<hbm>>) dst(%arg7 : memref<64xi32, #tpu.memory_space<vmem>>)
      tpu.yield
    }) : () -> ()
    %dma_start3A_67 = arith.constant 0 : i32
    %dma_start3A_68 = arith.constant 0 : i32
    %dma_start3A_69 = tpu.memref_slice %arg2[%dma_start3A_67, %dma_start3A_68] : memref<32768x512xi32, #tpu.memory_space<hbm>> -> memref<32768x512xi32, #tpu.memory_space<hbm>>
    tpu.enqueue_indirect_dma source(%dma_start3A_69 : memref<32768x512xi32, #tpu.memory_space<hbm>>) target(%arg10 : memref<64x512xi32, #tpu.memory_space<vmem>>) offsets(%arg7 : memref<64xi32, #tpu.memory_space<vmem>>) semaphore(%arg13 : memref<!tpu.dma_semaphore, #tpu.memory_space<semaphore_mem>>)
    %dma_wait3A_70 = arith.constant 0 : i32
    %dma_wait3A_71 = arith.constant 0 : i32
    %dma_wait3A_72 = tpu.memref_slice %arg2[%dma_wait3A_70, %dma_wait3A_71] : memref<32768x512xi32, #tpu.memory_space<hbm>> -> memref<32768x512xi32, #tpu.memory_space<hbm>>
    tpu.wait_indirect_dma semaphore(%arg11 : memref<!tpu.dma_semaphore, #tpu.memory_space<semaphore_mem>>) src(%dma_wait3A_72 : memref<32768x512xi32, #tpu.memory_space<hbm>>) dst(%arg8 : memref<64x512xi32, #tpu.memory_space<vmem>>)
    %add3A_73 = arith.constant 192 : i32
    %add3A_74 = arith.addi %mul3A_2, %add3A_73 : i32
    %dma_start3A_75 = arith.constant 0 : i32
    %dma_start3A_76 = tpu.memref_slice %arg4[%add3A_74, %dma_start3A_75] : memref<16384x512xi32, #tpu.memory_space<hbm>> -> memref<64x512xi32, #tpu.memory_space<hbm>>
    %dma_start3A_77 = arith.constant 0 : i32
    %dma_start3A_78 = tpu.memref_slice %arg4[%add3A_74, %dma_start3A_77] : memref<16384x512xi32, #tpu.memory_space<hbm>> -> memref<64x512xi32, #tpu.memory_space<hbm>>
    tpu.enqueue_dma source(%arg8 : memref<64x512xi32, #tpu.memory_space<vmem>>) target(%dma_start3A_78 : memref<64x512xi32, #tpu.memory_space<hbm>>) target_semaphore(%arg14 : memref<!tpu.dma_semaphore, #tpu.memory_space<semaphore_mem>>)
    %dma_wait3A_79 = arith.constant 0 : i32
    %dma_wait3A_80 = tpu.memref_slice %arg4[%add3A_74, %dma_wait3A_79] : memref<16384x512xi32, #tpu.memory_space<hbm>> -> memref<64x512xi32, #tpu.memory_space<hbm>>
    %dma_wait3A_81 = arith.constant 0 : i32
    %dma_wait3A_82 = tpu.memref_slice %arg4[%add3A_74, %dma_wait3A_81] : memref<16384x512xi32, #tpu.memory_space<hbm>> -> memref<64x512xi32, #tpu.memory_space<hbm>>
    tpu.wait_dma2 semaphore(%arg14 : memref<!tpu.dma_semaphore, #tpu.memory_space<semaphore_mem>>) src(%arg8 : memref<64x512xi32, #tpu.memory_space<vmem>>) dst(%dma_wait3A_82 : memref<64x512xi32, #tpu.memory_space<hbm>>)
    %add3A_83 = arith.constant 384 : i32
    %add3A_84 = arith.addi %mul3A_2, %add3A_83 : i32
    "tpu.region"() ({
      %run_scoped3A = tpu.sem_alloc : memref<!tpu.dma_semaphore, #tpu.memory_space<semaphore_mem>>
      %dma_start3A_145 = tpu.memref_slice %arg3[%add3A_84] : memref<16384xi32, #tpu.memory_space<hbm>> -> memref<64xi32, #tpu.memory_space<hbm>>
      %dma_start3A_146 = tpu.memref_slice %arg3[%add3A_84] : memref<16384xi32, #tpu.memory_space<hbm>> -> memref<64xi32, #tpu.memory_space<hbm>>
      tpu.enqueue_dma source(%dma_start3A_146 : memref<64xi32, #tpu.memory_space<hbm>>) target(%arg5 : memref<64xi32, #tpu.memory_space<vmem>>) target_semaphore(%run_scoped3A : memref<!tpu.dma_semaphore, #tpu.memory_space<semaphore_mem>>)
      %dma_wait3A_147 = tpu.memref_slice %arg3[%add3A_84] : memref<16384xi32, #tpu.memory_space<hbm>> -> memref<64xi32, #tpu.memory_space<hbm>>
      %dma_wait3A_148 = tpu.memref_slice %arg3[%add3A_84] : memref<16384xi32, #tpu.memory_space<hbm>> -> memref<64xi32, #tpu.memory_space<hbm>>
      tpu.wait_dma2 semaphore(%run_scoped3A : memref<!tpu.dma_semaphore, #tpu.memory_space<semaphore_mem>>) src(%dma_wait3A_148 : memref<64xi32, #tpu.memory_space<hbm>>) dst(%arg5 : memref<64xi32, #tpu.memory_space<vmem>>)
      tpu.yield
    }) : () -> ()
    %dma_start3A_85 = arith.constant 0 : i32
    %dma_start3A_86 = arith.constant 0 : i32
    %dma_start3A_87 = tpu.memref_slice %arg2[%dma_start3A_85, %dma_start3A_86] : memref<32768x512xi32, #tpu.memory_space<hbm>> -> memref<32768x512xi32, #tpu.memory_space<hbm>>
    tpu.enqueue_indirect_dma source(%dma_start3A_87 : memref<32768x512xi32, #tpu.memory_space<hbm>>) target(%arg8 : memref<64x512xi32, #tpu.memory_space<vmem>>) offsets(%arg5 : memref<64xi32, #tpu.memory_space<vmem>>) semaphore(%arg11 : memref<!tpu.dma_semaphore, #tpu.memory_space<semaphore_mem>>)
    %dma_wait3A_88 = arith.constant 0 : i32
    %dma_wait3A_89 = arith.constant 0 : i32
    %dma_wait3A_90 = tpu.memref_slice %arg2[%dma_wait3A_88, %dma_wait3A_89] : memref<32768x512xi32, #tpu.memory_space<hbm>> -> memref<32768x512xi32, #tpu.memory_space<hbm>>
    tpu.wait_indirect_dma semaphore(%arg12 : memref<!tpu.dma_semaphore, #tpu.memory_space<semaphore_mem>>) src(%dma_wait3A_90 : memref<32768x512xi32, #tpu.memory_space<hbm>>) dst(%arg9 : memref<64x512xi32, #tpu.memory_space<vmem>>)
    %add3A_91 = arith.constant 256 : i32
    %add3A_92 = arith.addi %mul3A_2, %add3A_91 : i32
    %dma_start3A_93 = arith.constant 0 : i32
    %dma_start3A_94 = tpu.memref_slice %arg4[%add3A_92, %dma_start3A_93] : memref<16384x512xi32, #tpu.memory_space<hbm>> -> memref<64x512xi32, #tpu.memory_space<hbm>>
    %dma_start3A_95 = arith.constant 0 : i32
    %dma_start3A_96 = tpu.memref_slice %arg4[%add3A_92, %dma_start3A_95] : memref<16384x512xi32, #tpu.memory_space<hbm>> -> memref<64x512xi32, #tpu.memory_space<hbm>>
    tpu.enqueue_dma source(%arg9 : memref<64x512xi32, #tpu.memory_space<vmem>>) target(%dma_start3A_96 : memref<64x512xi32, #tpu.memory_space<hbm>>) target_semaphore(%arg15 : memref<!tpu.dma_semaphore, #tpu.memory_space<semaphore_mem>>)
    %dma_wait3A_97 = arith.constant 0 : i32
    %dma_wait3A_98 = tpu.memref_slice %arg4[%add3A_92, %dma_wait3A_97] : memref<16384x512xi32, #tpu.memory_space<hbm>> -> memref<64x512xi32, #tpu.memory_space<hbm>>
    %dma_wait3A_99 = arith.constant 0 : i32
    %dma_wait3A_100 = tpu.memref_slice %arg4[%add3A_92, %dma_wait3A_99] : memref<16384x512xi32, #tpu.memory_space<hbm>> -> memref<64x512xi32, #tpu.memory_space<hbm>>
    tpu.wait_dma2 semaphore(%arg15 : memref<!tpu.dma_semaphore, #tpu.memory_space<semaphore_mem>>) src(%arg9 : memref<64x512xi32, #tpu.memory_space<vmem>>) dst(%dma_wait3A_100 : memref<64x512xi32, #tpu.memory_space<hbm>>)
    %add3A_101 = arith.constant 448 : i32
    %add3A_102 = arith.addi %mul3A_2, %add3A_101 : i32
    "tpu.region"() ({
      %run_scoped3A = tpu.sem_alloc : memref<!tpu.dma_semaphore, #tpu.memory_space<semaphore_mem>>
      %dma_start3A_145 = tpu.memref_slice %arg3[%add3A_102] : memref<16384xi32, #tpu.memory_space<hbm>> -> memref<64xi32, #tpu.memory_space<hbm>>
      %dma_start3A_146 = tpu.memref_slice %arg3[%add3A_102] : memref<16384xi32, #tpu.memory_space<hbm>> -> memref<64xi32, #tpu.memory_space<hbm>>
      tpu.enqueue_dma source(%dma_start3A_146 : memref<64xi32, #tpu.memory_space<hbm>>) target(%arg6 : memref<64xi32, #tpu.memory_space<vmem>>) target_semaphore(%run_scoped3A : memref<!tpu.dma_semaphore, #tpu.memory_space<semaphore_mem>>)
      %dma_wait3A_147 = tpu.memref_slice %arg3[%add3A_102] : memref<16384xi32, #tpu.memory_space<hbm>> -> memref<64xi32, #tpu.memory_space<hbm>>
      %dma_wait3A_148 = tpu.memref_slice %arg3[%add3A_102] : memref<16384xi32, #tpu.memory_space<hbm>> -> memref<64xi32, #tpu.memory_space<hbm>>
      tpu.wait_dma2 semaphore(%run_scoped3A : memref<!tpu.dma_semaphore, #tpu.memory_space<semaphore_mem>>) src(%dma_wait3A_148 : memref<64xi32, #tpu.memory_space<hbm>>) dst(%arg6 : memref<64xi32, #tpu.memory_space<vmem>>)
      tpu.yield
    }) : () -> ()
    %dma_start3A_103 = arith.constant 0 : i32
    %dma_start3A_104 = arith.constant 0 : i32
    %dma_start3A_105 = tpu.memref_slice %arg2[%dma_start3A_103, %dma_start3A_104] : memref<32768x512xi32, #tpu.memory_space<hbm>> -> memref<32768x512xi32, #tpu.memory_space<hbm>>
    tpu.enqueue_indirect_dma source(%dma_start3A_105 : memref<32768x512xi32, #tpu.memory_space<hbm>>) target(%arg9 : memref<64x512xi32, #tpu.memory_space<vmem>>) offsets(%arg6 : memref<64xi32, #tpu.memory_space<vmem>>) semaphore(%arg12 : memref<!tpu.dma_semaphore, #tpu.memory_space<semaphore_mem>>)
    %dma_wait3A_106 = arith.constant 0 : i32
    %dma_wait3A_107 = arith.constant 0 : i32
    %dma_wait3A_108 = tpu.memref_slice %arg2[%dma_wait3A_106, %dma_wait3A_107] : memref<32768x512xi32, #tpu.memory_space<hbm>> -> memref<32768x512xi32, #tpu.memory_space<hbm>>
    tpu.wait_indirect_dma semaphore(%arg13 : memref<!tpu.dma_semaphore, #tpu.memory_space<semaphore_mem>>) src(%dma_wait3A_108 : memref<32768x512xi32, #tpu.memory_space<hbm>>) dst(%arg10 : memref<64x512xi32, #tpu.memory_space<vmem>>)
    %add3A_109 = arith.constant 320 : i32
    %add3A_110 = arith.addi %mul3A_2, %add3A_109 : i32
    %dma_start3A_111 = arith.constant 0 : i32
    %dma_start3A_112 = tpu.memref_slice %arg4[%add3A_110, %dma_start3A_111] : memref<16384x512xi32, #tpu.memory_space<hbm>> -> memref<64x512xi32, #tpu.memory_space<hbm>>
    %dma_start3A_113 = arith.constant 0 : i32
    %dma_start3A_114 = tpu.memref_slice %arg4[%add3A_110, %dma_start3A_113] : memref<16384x512xi32, #tpu.memory_space<hbm>> -> memref<64x512xi32, #tpu.memory_space<hbm>>
    tpu.enqueue_dma source(%arg10 : memref<64x512xi32, #tpu.memory_space<vmem>>) target(%dma_start3A_114 : memref<64x512xi32, #tpu.memory_space<hbm>>) target_semaphore(%arg16 : memref<!tpu.dma_semaphore, #tpu.memory_space<semaphore_mem>>)
    %dma_wait3A_115 = arith.constant 0 : i32
    %dma_wait3A_116 = arith.constant 0 : i32
    %dma_wait3A_117 = tpu.memref_slice %arg2[%dma_wait3A_115, %dma_wait3A_116] : memref<32768x512xi32, #tpu.memory_space<hbm>> -> memref<32768x512xi32, #tpu.memory_space<hbm>>
    tpu.wait_indirect_dma semaphore(%arg11 : memref<!tpu.dma_semaphore, #tpu.memory_space<semaphore_mem>>) src(%dma_wait3A_117 : memref<32768x512xi32, #tpu.memory_space<hbm>>) dst(%arg8 : memref<64x512xi32, #tpu.memory_space<vmem>>)
    %add3A_118 = arith.constant 384 : i32
    %add3A_119 = arith.addi %mul3A_2, %add3A_118 : i32
    %dma_start3A_120 = arith.constant 0 : i32
    %dma_start3A_121 = tpu.memref_slice %arg4[%add3A_119, %dma_start3A_120] : memref<16384x512xi32, #tpu.memory_space<hbm>> -> memref<64x512xi32, #tpu.memory_space<hbm>>
    %dma_start3A_122 = arith.constant 0 : i32
    %dma_start3A_123 = tpu.memref_slice %arg4[%add3A_119, %dma_start3A_122] : memref<16384x512xi32, #tpu.memory_space<hbm>> -> memref<64x512xi32, #tpu.memory_space<hbm>>
    tpu.enqueue_dma source(%arg8 : memref<64x512xi32, #tpu.memory_space<vmem>>) target(%dma_start3A_123 : memref<64x512xi32, #tpu.memory_space<hbm>>) target_semaphore(%arg14 : memref<!tpu.dma_semaphore, #tpu.memory_space<semaphore_mem>>)
    %dma_wait3A_124 = arith.constant 0 : i32
    %dma_wait3A_125 = arith.constant 0 : i32
    %dma_wait3A_126 = tpu.memref_slice %arg2[%dma_wait3A_124, %dma_wait3A_125] : memref<32768x512xi32, #tpu.memory_space<hbm>> -> memref<32768x512xi32, #tpu.memory_space<hbm>>
    tpu.wait_indirect_dma semaphore(%arg12 : memref<!tpu.dma_semaphore, #tpu.memory_space<semaphore_mem>>) src(%dma_wait3A_126 : memref<32768x512xi32, #tpu.memory_space<hbm>>) dst(%arg9 : memref<64x512xi32, #tpu.memory_space<vmem>>)
    %add3A_127 = arith.constant 448 : i32
    %add3A_128 = arith.addi %mul3A_2, %add3A_127 : i32
    %dma_start3A_129 = arith.constant 0 : i32
    %dma_start3A_130 = tpu.memref_slice %arg4[%add3A_128, %dma_start3A_129] : memref<16384x512xi32, #tpu.memory_space<hbm>> -> memref<64x512xi32, #tpu.memory_space<hbm>>
    %dma_start3A_131 = arith.constant 0 : i32
    %dma_start3A_132 = tpu.memref_slice %arg4[%add3A_128, %dma_start3A_131] : memref<16384x512xi32, #tpu.memory_space<hbm>> -> memref<64x512xi32, #tpu.memory_space<hbm>>
    tpu.enqueue_dma source(%arg9 : memref<64x512xi32, #tpu.memory_space<vmem>>) target(%dma_start3A_132 : memref<64x512xi32, #tpu.memory_space<hbm>>) target_semaphore(%arg15 : memref<!tpu.dma_semaphore, #tpu.memory_space<semaphore_mem>>)
    %dma_wait3A_133 = arith.constant 0 : i32
    %dma_wait3A_134 = tpu.memref_slice %arg4[%add3A_110, %dma_wait3A_133] : memref<16384x512xi32, #tpu.memory_space<hbm>> -> memref<64x512xi32, #tpu.memory_space<hbm>>
    %dma_wait3A_135 = arith.constant 0 : i32
    %dma_wait3A_136 = tpu.memref_slice %arg4[%add3A_110, %dma_wait3A_135] : memref<16384x512xi32, #tpu.memory_space<hbm>> -> memref<64x512xi32, #tpu.memory_space<hbm>>
    tpu.wait_dma2 semaphore(%arg16 : memref<!tpu.dma_semaphore, #tpu.memory_space<semaphore_mem>>) src(%arg10 : memref<64x512xi32, #tpu.memory_space<vmem>>) dst(%dma_wait3A_136 : memref<64x512xi32, #tpu.memory_space<hbm>>)
    %dma_wait3A_137 = arith.constant 0 : i32
    %dma_wait3A_138 = tpu.memref_slice %arg4[%add3A_119, %dma_wait3A_137] : memref<16384x512xi32, #tpu.memory_space<hbm>> -> memref<64x512xi32, #tpu.memory_space<hbm>>
    %dma_wait3A_139 = arith.constant 0 : i32
    %dma_wait3A_140 = tpu.memref_slice %arg4[%add3A_119, %dma_wait3A_139] : memref<16384x512xi32, #tpu.memory_space<hbm>> -> memref<64x512xi32, #tpu.memory_space<hbm>>
    tpu.wait_dma2 semaphore(%arg14 : memref<!tpu.dma_semaphore, #tpu.memory_space<semaphore_mem>>) src(%arg8 : memref<64x512xi32, #tpu.memory_space<vmem>>) dst(%dma_wait3A_140 : memref<64x512xi32, #tpu.memory_space<hbm>>)
    %dma_wait3A_141 = arith.constant 0 : i32
    %dma_wait3A_142 = tpu.memref_slice %arg4[%add3A_128, %dma_wait3A_141] : memref<16384x512xi32, #tpu.memory_space<hbm>> -> memref<64x512xi32, #tpu.memory_space<hbm>>
    %dma_wait3A_143 = arith.constant 0 : i32
    %dma_wait3A_144 = tpu.memref_slice %arg4[%add3A_128, %dma_wait3A_143] : memref<16384x512xi32, #tpu.memory_space<hbm>> -> memref<64x512xi32, #tpu.memory_space<hbm>>
    tpu.wait_dma2 semaphore(%arg15 : memref<!tpu.dma_semaphore, #tpu.memory_space<semaphore_mem>>) src(%arg9 : memref<64x512xi32, #tpu.memory_space<vmem>>) dst(%dma_wait3A_144 : memref<64x512xi32, #tpu.memory_space<hbm>>)
    return
  }
}

#map = affine_map<(d0, d1) -> (0, 0)>
#map1 = affine_map<(d0, d1) -> (0)>
module attributes {stable_mosaic.version = 14 : i64} {
  func.func @_dispatch_body(%arg0: i32, %arg1: i32, %arg2: memref<2048x512xi32, #tpu.memory_space<hbm>>, %arg3: memref<16384xi32, #tpu.memory_space<hbm>>, %arg4: memref<16384xi32, #tpu.memory_space<hbm>>, %arg5: memref<16384xf32, #tpu.memory_space<hbm>>, %arg6: memref<32768x512xi32, #tpu.memory_space<hbm>>, %arg7: memref<32768xf32, #tpu.memory_space<hbm>>, %arg8: memref<64xi32, #tpu.memory_space<vmem>>, %arg9: memref<64xi32, #tpu.memory_space<vmem>>, %arg10: memref<64xi32, #tpu.memory_space<vmem>>, %arg11: memref<64xi32, #tpu.memory_space<vmem>>, %arg12: memref<64xi32, #tpu.memory_space<vmem>>, %arg13: memref<64xi32, #tpu.memory_space<vmem>>, %arg14: memref<64xf32, #tpu.memory_space<vmem>>, %arg15: memref<64xf32, #tpu.memory_space<vmem>>, %arg16: memref<64xf32, #tpu.memory_space<vmem>>, %arg17: memref<64x512xi32, #tpu.memory_space<vmem>>, %arg18: memref<64x512xi32, #tpu.memory_space<vmem>>, %arg19: memref<64x512xi32, #tpu.memory_space<vmem>>, %arg20: memref<!tpu.dma_semaphore, #tpu.memory_space<semaphore_mem>>, %arg21: memref<!tpu.dma_semaphore, #tpu.memory_space<semaphore_mem>>, %arg22: memref<!tpu.dma_semaphore, #tpu.memory_space<semaphore_mem>>, %arg23: memref<!tpu.dma_semaphore, #tpu.memory_space<semaphore_mem>>, %arg24: memref<!tpu.dma_semaphore, #tpu.memory_space<semaphore_mem>>, %arg25: memref<!tpu.dma_semaphore, #tpu.memory_space<semaphore_mem>>) attributes {dimension_semantics = [#tpu.dimension_semantics<core_parallel>, #tpu.dimension_semantics<subcore_parallel>], iteration_bounds = array<i64: 2, 16>, scalar_prefetch = 0 : i64, scratch_operands = 18 : i64, tpu.core_type = #tpu.core_type<sc_vector_subcore>, window_params = [{transform_indices = #map}, {transform_indices = #map1}, {transform_indices = #map1}, {transform_indices = #map1}, {transform_indices = #map}, {transform_indices = #map1}]} {
    %mul3A = arith.constant 2 : i32
    %mul3A_0 = arith.muli %arg1, %mul3A : i32
    %add3A = arith.addi %mul3A_0, %arg0 : i32
    %mul3A_1 = arith.constant 512 : i32
    %mul3A_2 = arith.muli %add3A, %mul3A_1 : i32
    %add3A_3 = arith.constant 0 : i32
    %add3A_4 = arith.addi %mul3A_2, %add3A_3 : i32
    "tpu.region"() ({
      %run_scoped3A = tpu.sem_alloc : memref<!tpu.dma_semaphore, #tpu.memory_space<semaphore_mem>>
      %dma_start3A_145 = tpu.memref_slice %arg4[%add3A_4] : memref<16384xi32, #tpu.memory_space<hbm>> -> memref<64xi32, #tpu.memory_space<hbm>>
      %dma_start3A_146 = tpu.memref_slice %arg4[%add3A_4] : memref<16384xi32, #tpu.memory_space<hbm>> -> memref<64xi32, #tpu.memory_space<hbm>>
      tpu.enqueue_dma source(%dma_start3A_146 : memref<64xi32, #tpu.memory_space<hbm>>) target(%arg8 : memref<64xi32, #tpu.memory_space<vmem>>) target_semaphore(%run_scoped3A : memref<!tpu.dma_semaphore, #tpu.memory_space<semaphore_mem>>)
      %dma_wait3A_147 = tpu.memref_slice %arg4[%add3A_4] : memref<16384xi32, #tpu.memory_space<hbm>> -> memref<64xi32, #tpu.memory_space<hbm>>
      %dma_wait3A_148 = tpu.memref_slice %arg4[%add3A_4] : memref<16384xi32, #tpu.memory_space<hbm>> -> memref<64xi32, #tpu.memory_space<hbm>>
      tpu.wait_dma2 semaphore(%run_scoped3A : memref<!tpu.dma_semaphore, #tpu.memory_space<semaphore_mem>>) src(%dma_wait3A_148 : memref<64xi32, #tpu.memory_space<hbm>>) dst(%arg8 : memref<64xi32, #tpu.memory_space<vmem>>)
      tpu.yield
    }) : () -> ()
    "tpu.region"() ({
      %run_scoped3A = tpu.sem_alloc : memref<!tpu.dma_semaphore, #tpu.memory_space<semaphore_mem>>
      %dma_start3A_145 = tpu.memref_slice %arg3[%add3A_4] : memref<16384xi32, #tpu.memory_space<hbm>> -> memref<64xi32, #tpu.memory_space<hbm>>
      %dma_start3A_146 = tpu.memref_slice %arg3[%add3A_4] : memref<16384xi32, #tpu.memory_space<hbm>> -> memref<64xi32, #tpu.memory_space<hbm>>
      tpu.enqueue_dma source(%dma_start3A_146 : memref<64xi32, #tpu.memory_space<hbm>>) target(%arg11 : memref<64xi32, #tpu.memory_space<vmem>>) target_semaphore(%run_scoped3A : memref<!tpu.dma_semaphore, #tpu.memory_space<semaphore_mem>>)
      %dma_wait3A_147 = tpu.memref_slice %arg3[%add3A_4] : memref<16384xi32, #tpu.memory_space<hbm>> -> memref<64xi32, #tpu.memory_space<hbm>>
      %dma_wait3A_148 = tpu.memref_slice %arg3[%add3A_4] : memref<16384xi32, #tpu.memory_space<hbm>> -> memref<64xi32, #tpu.memory_space<hbm>>
      tpu.wait_dma2 semaphore(%run_scoped3A : memref<!tpu.dma_semaphore, #tpu.memory_space<semaphore_mem>>) src(%dma_wait3A_148 : memref<64xi32, #tpu.memory_space<hbm>>) dst(%arg11 : memref<64xi32, #tpu.memory_space<vmem>>)
      tpu.yield
    }) : () -> ()
    "tpu.region"() ({
      %run_scoped3A = tpu.sem_alloc : memref<!tpu.dma_semaphore, #tpu.memory_space<semaphore_mem>>
      %dma_start3A_145 = tpu.memref_slice %arg5[%add3A_4] : memref<16384xf32, #tpu.memory_space<hbm>> -> memref<64xf32, #tpu.memory_space<hbm>>
      %dma_start3A_146 = tpu.memref_slice %arg5[%add3A_4] : memref<16384xf32, #tpu.memory_space<hbm>> -> memref<64xf32, #tpu.memory_space<hbm>>
      tpu.enqueue_dma source(%dma_start3A_146 : memref<64xf32, #tpu.memory_space<hbm>>) target(%arg14 : memref<64xf32, #tpu.memory_space<vmem>>) target_semaphore(%run_scoped3A : memref<!tpu.dma_semaphore, #tpu.memory_space<semaphore_mem>>)
      %dma_wait3A_147 = tpu.memref_slice %arg5[%add3A_4] : memref<16384xf32, #tpu.memory_space<hbm>> -> memref<64xf32, #tpu.memory_space<hbm>>
      %dma_wait3A_148 = tpu.memref_slice %arg5[%add3A_4] : memref<16384xf32, #tpu.memory_space<hbm>> -> memref<64xf32, #tpu.memory_space<hbm>>
      tpu.wait_dma2 semaphore(%run_scoped3A : memref<!tpu.dma_semaphore, #tpu.memory_space<semaphore_mem>>) src(%dma_wait3A_148 : memref<64xf32, #tpu.memory_space<hbm>>) dst(%arg14 : memref<64xf32, #tpu.memory_space<vmem>>)
      tpu.yield
    }) : () -> ()
    %dma_start3A = arith.constant 0 : i32
    %dma_start3A_5 = arith.constant 0 : i32
    %dma_start3A_6 = tpu.memref_slice %arg2[%dma_start3A, %dma_start3A_5] : memref<2048x512xi32, #tpu.memory_space<hbm>> -> memref<2048x512xi32, #tpu.memory_space<hbm>>
    tpu.enqueue_indirect_dma source(%dma_start3A_6 : memref<2048x512xi32, #tpu.memory_space<hbm>>) target(%arg17 : memref<64x512xi32, #tpu.memory_space<vmem>>) offsets(%arg8 : memref<64xi32, #tpu.memory_space<vmem>>) semaphore(%arg20 : memref<!tpu.dma_semaphore, #tpu.memory_space<semaphore_mem>>)
    %add3A_7 = arith.constant 64 : i32
    %add3A_8 = arith.addi %mul3A_2, %add3A_7 : i32
    "tpu.region"() ({
      %run_scoped3A = tpu.sem_alloc : memref<!tpu.dma_semaphore, #tpu.memory_space<semaphore_mem>>
      %dma_start3A_145 = tpu.memref_slice %arg4[%add3A_8] : memref<16384xi32, #tpu.memory_space<hbm>> -> memref<64xi32, #tpu.memory_space<hbm>>
      %dma_start3A_146 = tpu.memref_slice %arg4[%add3A_8] : memref<16384xi32, #tpu.memory_space<hbm>> -> memref<64xi32, #tpu.memory_space<hbm>>
      tpu.enqueue_dma source(%dma_start3A_146 : memref<64xi32, #tpu.memory_space<hbm>>) target(%arg9 : memref<64xi32, #tpu.memory_space<vmem>>) target_semaphore(%run_scoped3A : memref<!tpu.dma_semaphore, #tpu.memory_space<semaphore_mem>>)
      %dma_wait3A_147 = tpu.memref_slice %arg4[%add3A_8] : memref<16384xi32, #tpu.memory_space<hbm>> -> memref<64xi32, #tpu.memory_space<hbm>>
      %dma_wait3A_148 = tpu.memref_slice %arg4[%add3A_8] : memref<16384xi32, #tpu.memory_space<hbm>> -> memref<64xi32, #tpu.memory_space<hbm>>
      tpu.wait_dma2 semaphore(%run_scoped3A : memref<!tpu.dma_semaphore, #tpu.memory_space<semaphore_mem>>) src(%dma_wait3A_148 : memref<64xi32, #tpu.memory_space<hbm>>) dst(%arg9 : memref<64xi32, #tpu.memory_space<vmem>>)
      tpu.yield
    }) : () -> ()
    "tpu.region"() ({
      %run_scoped3A = tpu.sem_alloc : memref<!tpu.dma_semaphore, #tpu.memory_space<semaphore_mem>>
      %dma_start3A_145 = tpu.memref_slice %arg3[%add3A_8] : memref<16384xi32, #tpu.memory_space<hbm>> -> memref<64xi32, #tpu.memory_space<hbm>>
      %dma_start3A_146 = tpu.memref_slice %arg3[%add3A_8] : memref<16384xi32, #tpu.memory_space<hbm>> -> memref<64xi32, #tpu.memory_space<hbm>>
      tpu.enqueue_dma source(%dma_start3A_146 : memref<64xi32, #tpu.memory_space<hbm>>) target(%arg12 : memref<64xi32, #tpu.memory_space<vmem>>) target_semaphore(%run_scoped3A : memref<!tpu.dma_semaphore, #tpu.memory_space<semaphore_mem>>)
      %dma_wait3A_147 = tpu.memref_slice %arg3[%add3A_8] : memref<16384xi32, #tpu.memory_space<hbm>> -> memref<64xi32, #tpu.memory_space<hbm>>
      %dma_wait3A_148 = tpu.memref_slice %arg3[%add3A_8] : memref<16384xi32, #tpu.memory_space<hbm>> -> memref<64xi32, #tpu.memory_space<hbm>>
      tpu.wait_dma2 semaphore(%run_scoped3A : memref<!tpu.dma_semaphore, #tpu.memory_space<semaphore_mem>>) src(%dma_wait3A_148 : memref<64xi32, #tpu.memory_space<hbm>>) dst(%arg12 : memref<64xi32, #tpu.memory_space<vmem>>)
      tpu.yield
    }) : () -> ()
    "tpu.region"() ({
      %run_scoped3A = tpu.sem_alloc : memref<!tpu.dma_semaphore, #tpu.memory_space<semaphore_mem>>
      %dma_start3A_145 = tpu.memref_slice %arg5[%add3A_8] : memref<16384xf32, #tpu.memory_space<hbm>> -> memref<64xf32, #tpu.memory_space<hbm>>
      %dma_start3A_146 = tpu.memref_slice %arg5[%add3A_8] : memref<16384xf32, #tpu.memory_space<hbm>> -> memref<64xf32, #tpu.memory_space<hbm>>
      tpu.enqueue_dma source(%dma_start3A_146 : memref<64xf32, #tpu.memory_space<hbm>>) target(%arg15 : memref<64xf32, #tpu.memory_space<vmem>>) target_semaphore(%run_scoped3A : memref<!tpu.dma_semaphore, #tpu.memory_space<semaphore_mem>>)
      %dma_wait3A_147 = tpu.memref_slice %arg5[%add3A_8] : memref<16384xf32, #tpu.memory_space<hbm>> -> memref<64xf32, #tpu.memory_space<hbm>>
      %dma_wait3A_148 = tpu.memref_slice %arg5[%add3A_8] : memref<16384xf32, #tpu.memory_space<hbm>> -> memref<64xf32, #tpu.memory_space<hbm>>
      tpu.wait_dma2 semaphore(%run_scoped3A : memref<!tpu.dma_semaphore, #tpu.memory_space<semaphore_mem>>) src(%dma_wait3A_148 : memref<64xf32, #tpu.memory_space<hbm>>) dst(%arg15 : memref<64xf32, #tpu.memory_space<vmem>>)
      tpu.yield
    }) : () -> ()
    %dma_start3A_9 = arith.constant 0 : i32
    %dma_start3A_10 = arith.constant 0 : i32
    %dma_start3A_11 = tpu.memref_slice %arg2[%dma_start3A_9, %dma_start3A_10] : memref<2048x512xi32, #tpu.memory_space<hbm>> -> memref<2048x512xi32, #tpu.memory_space<hbm>>
    tpu.enqueue_indirect_dma source(%dma_start3A_11 : memref<2048x512xi32, #tpu.memory_space<hbm>>) target(%arg18 : memref<64x512xi32, #tpu.memory_space<vmem>>) offsets(%arg9 : memref<64xi32, #tpu.memory_space<vmem>>) semaphore(%arg21 : memref<!tpu.dma_semaphore, #tpu.memory_space<semaphore_mem>>)
    %add3A_12 = arith.constant 128 : i32
    %add3A_13 = arith.addi %mul3A_2, %add3A_12 : i32
    "tpu.region"() ({
      %run_scoped3A = tpu.sem_alloc : memref<!tpu.dma_semaphore, #tpu.memory_space<semaphore_mem>>
      %dma_start3A_145 = tpu.memref_slice %arg4[%add3A_13] : memref<16384xi32, #tpu.memory_space<hbm>> -> memref<64xi32, #tpu.memory_space<hbm>>
      %dma_start3A_146 = tpu.memref_slice %arg4[%add3A_13] : memref<16384xi32, #tpu.memory_space<hbm>> -> memref<64xi32, #tpu.memory_space<hbm>>
      tpu.enqueue_dma source(%dma_start3A_146 : memref<64xi32, #tpu.memory_space<hbm>>) target(%arg10 : memref<64xi32, #tpu.memory_space<vmem>>) target_semaphore(%run_scoped3A : memref<!tpu.dma_semaphore, #tpu.memory_space<semaphore_mem>>)
      %dma_wait3A_147 = tpu.memref_slice %arg4[%add3A_13] : memref<16384xi32, #tpu.memory_space<hbm>> -> memref<64xi32, #tpu.memory_space<hbm>>
      %dma_wait3A_148 = tpu.memref_slice %arg4[%add3A_13] : memref<16384xi32, #tpu.memory_space<hbm>> -> memref<64xi32, #tpu.memory_space<hbm>>
      tpu.wait_dma2 semaphore(%run_scoped3A : memref<!tpu.dma_semaphore, #tpu.memory_space<semaphore_mem>>) src(%dma_wait3A_148 : memref<64xi32, #tpu.memory_space<hbm>>) dst(%arg10 : memref<64xi32, #tpu.memory_space<vmem>>)
      tpu.yield
    }) : () -> ()
    "tpu.region"() ({
      %run_scoped3A = tpu.sem_alloc : memref<!tpu.dma_semaphore, #tpu.memory_space<semaphore_mem>>
      %dma_start3A_145 = tpu.memref_slice %arg3[%add3A_13] : memref<16384xi32, #tpu.memory_space<hbm>> -> memref<64xi32, #tpu.memory_space<hbm>>
      %dma_start3A_146 = tpu.memref_slice %arg3[%add3A_13] : memref<16384xi32, #tpu.memory_space<hbm>> -> memref<64xi32, #tpu.memory_space<hbm>>
      tpu.enqueue_dma source(%dma_start3A_146 : memref<64xi32, #tpu.memory_space<hbm>>) target(%arg13 : memref<64xi32, #tpu.memory_space<vmem>>) target_semaphore(%run_scoped3A : memref<!tpu.dma_semaphore, #tpu.memory_space<semaphore_mem>>)
      %dma_wait3A_147 = tpu.memref_slice %arg3[%add3A_13] : memref<16384xi32, #tpu.memory_space<hbm>> -> memref<64xi32, #tpu.memory_space<hbm>>
      %dma_wait3A_148 = tpu.memref_slice %arg3[%add3A_13] : memref<16384xi32, #tpu.memory_space<hbm>> -> memref<64xi32, #tpu.memory_space<hbm>>
      tpu.wait_dma2 semaphore(%run_scoped3A : memref<!tpu.dma_semaphore, #tpu.memory_space<semaphore_mem>>) src(%dma_wait3A_148 : memref<64xi32, #tpu.memory_space<hbm>>) dst(%arg13 : memref<64xi32, #tpu.memory_space<vmem>>)
      tpu.yield
    }) : () -> ()
    "tpu.region"() ({
      %run_scoped3A = tpu.sem_alloc : memref<!tpu.dma_semaphore, #tpu.memory_space<semaphore_mem>>
      %dma_start3A_145 = tpu.memref_slice %arg5[%add3A_13] : memref<16384xf32, #tpu.memory_space<hbm>> -> memref<64xf32, #tpu.memory_space<hbm>>
      %dma_start3A_146 = tpu.memref_slice %arg5[%add3A_13] : memref<16384xf32, #tpu.memory_space<hbm>> -> memref<64xf32, #tpu.memory_space<hbm>>
      tpu.enqueue_dma source(%dma_start3A_146 : memref<64xf32, #tpu.memory_space<hbm>>) target(%arg16 : memref<64xf32, #tpu.memory_space<vmem>>) target_semaphore(%run_scoped3A : memref<!tpu.dma_semaphore, #tpu.memory_space<semaphore_mem>>)
      %dma_wait3A_147 = tpu.memref_slice %arg5[%add3A_13] : memref<16384xf32, #tpu.memory_space<hbm>> -> memref<64xf32, #tpu.memory_space<hbm>>
      %dma_wait3A_148 = tpu.memref_slice %arg5[%add3A_13] : memref<16384xf32, #tpu.memory_space<hbm>> -> memref<64xf32, #tpu.memory_space<hbm>>
      tpu.wait_dma2 semaphore(%run_scoped3A : memref<!tpu.dma_semaphore, #tpu.memory_space<semaphore_mem>>) src(%dma_wait3A_148 : memref<64xf32, #tpu.memory_space<hbm>>) dst(%arg16 : memref<64xf32, #tpu.memory_space<vmem>>)
      tpu.yield
    }) : () -> ()
    %dma_start3A_14 = arith.constant 0 : i32
    %dma_start3A_15 = arith.constant 0 : i32
    %dma_start3A_16 = tpu.memref_slice %arg2[%dma_start3A_14, %dma_start3A_15] : memref<2048x512xi32, #tpu.memory_space<hbm>> -> memref<2048x512xi32, #tpu.memory_space<hbm>>
    tpu.enqueue_indirect_dma source(%dma_start3A_16 : memref<2048x512xi32, #tpu.memory_space<hbm>>) target(%arg19 : memref<64x512xi32, #tpu.memory_space<vmem>>) offsets(%arg10 : memref<64xi32, #tpu.memory_space<vmem>>) semaphore(%arg22 : memref<!tpu.dma_semaphore, #tpu.memory_space<semaphore_mem>>)
    %dma_wait3A = arith.constant 0 : i32
    %dma_wait3A_17 = arith.constant 0 : i32
    %dma_wait3A_18 = tpu.memref_slice %arg2[%dma_wait3A, %dma_wait3A_17] : memref<2048x512xi32, #tpu.memory_space<hbm>> -> memref<2048x512xi32, #tpu.memory_space<hbm>>
    tpu.wait_indirect_dma semaphore(%arg20 : memref<!tpu.dma_semaphore, #tpu.memory_space<semaphore_mem>>) src(%dma_wait3A_18 : memref<2048x512xi32, #tpu.memory_space<hbm>>) dst(%arg17 : memref<64x512xi32, #tpu.memory_space<vmem>>)
    %dma_start3A_19 = arith.constant 0 : i32
    %dma_start3A_20 = arith.constant 0 : i32
    %dma_start3A_21 = tpu.memref_slice %arg6[%dma_start3A_19, %dma_start3A_20] : memref<32768x512xi32, #tpu.memory_space<hbm>> -> memref<32768x512xi32, #tpu.memory_space<hbm>>
    tpu.enqueue_indirect_dma source(%arg17 : memref<64x512xi32, #tpu.memory_space<vmem>>) target(%dma_start3A_21 : memref<32768x512xi32, #tpu.memory_space<hbm>>) offsets(%arg11 : memref<64xi32, #tpu.memory_space<vmem>>) semaphore(%arg23 : memref<!tpu.dma_semaphore, #tpu.memory_space<semaphore_mem>>)
    %dma_start3A_22 = arith.constant 0 : i32
    %dma_start3A_23 = tpu.memref_slice %arg7[%dma_start3A_22] : memref<32768xf32, #tpu.memory_space<hbm>> -> memref<32768xf32, #tpu.memory_space<hbm>>
    tpu.enqueue_indirect_dma source(%arg14 : memref<64xf32, #tpu.memory_space<vmem>>) target(%dma_start3A_23 : memref<32768xf32, #tpu.memory_space<hbm>>) offsets(%arg11 : memref<64xi32, #tpu.memory_space<vmem>>) semaphore(%arg23 : memref<!tpu.dma_semaphore, #tpu.memory_space<semaphore_mem>>)
    %dma_wait3A_24 = arith.constant 0 : i32
    %dma_wait3A_25 = arith.constant 0 : i32
    %dma_wait3A_26 = tpu.memref_slice %arg6[%dma_wait3A_24, %dma_wait3A_25] : memref<32768x512xi32, #tpu.memory_space<hbm>> -> memref<32768x512xi32, #tpu.memory_space<hbm>>
    tpu.wait_indirect_dma semaphore(%arg23 : memref<!tpu.dma_semaphore, #tpu.memory_space<semaphore_mem>>) src(%arg17 : memref<64x512xi32, #tpu.memory_space<vmem>>) dst(%dma_wait3A_26 : memref<32768x512xi32, #tpu.memory_space<hbm>>)
    %dma_wait3A_27 = arith.constant 0 : i32
    %dma_wait3A_28 = tpu.memref_slice %arg7[%dma_wait3A_27] : memref<32768xf32, #tpu.memory_space<hbm>> -> memref<32768xf32, #tpu.memory_space<hbm>>
    tpu.wait_indirect_dma semaphore(%arg23 : memref<!tpu.dma_semaphore, #tpu.memory_space<semaphore_mem>>) src(%arg14 : memref<64xf32, #tpu.memory_space<vmem>>) dst(%dma_wait3A_28 : memref<32768xf32, #tpu.memory_space<hbm>>)
    %add3A_29 = arith.constant 192 : i32
    %add3A_30 = arith.addi %mul3A_2, %add3A_29 : i32
    "tpu.region"() ({
      %run_scoped3A = tpu.sem_alloc : memref<!tpu.dma_semaphore, #tpu.memory_space<semaphore_mem>>
      %dma_start3A_145 = tpu.memref_slice %arg4[%add3A_30] : memref<16384xi32, #tpu.memory_space<hbm>> -> memref<64xi32, #tpu.memory_space<hbm>>
      %dma_start3A_146 = tpu.memref_slice %arg4[%add3A_30] : memref<16384xi32, #tpu.memory_space<hbm>> -> memref<64xi32, #tpu.memory_space<hbm>>
      tpu.enqueue_dma source(%dma_start3A_146 : memref<64xi32, #tpu.memory_space<hbm>>) target(%arg8 : memref<64xi32, #tpu.memory_space<vmem>>) target_semaphore(%run_scoped3A : memref<!tpu.dma_semaphore, #tpu.memory_space<semaphore_mem>>)
      %dma_wait3A_147 = tpu.memref_slice %arg4[%add3A_30] : memref<16384xi32, #tpu.memory_space<hbm>> -> memref<64xi32, #tpu.memory_space<hbm>>
      %dma_wait3A_148 = tpu.memref_slice %arg4[%add3A_30] : memref<16384xi32, #tpu.memory_space<hbm>> -> memref<64xi32, #tpu.memory_space<hbm>>
      tpu.wait_dma2 semaphore(%run_scoped3A : memref<!tpu.dma_semaphore, #tpu.memory_space<semaphore_mem>>) src(%dma_wait3A_148 : memref<64xi32, #tpu.memory_space<hbm>>) dst(%arg8 : memref<64xi32, #tpu.memory_space<vmem>>)
      tpu.yield
    }) : () -> ()
    "tpu.region"() ({
      %run_scoped3A = tpu.sem_alloc : memref<!tpu.dma_semaphore, #tpu.memory_space<semaphore_mem>>
      %dma_start3A_145 = tpu.memref_slice %arg3[%add3A_30] : memref<16384xi32, #tpu.memory_space<hbm>> -> memref<64xi32, #tpu.memory_space<hbm>>
      %dma_start3A_146 = tpu.memref_slice %arg3[%add3A_30] : memref<16384xi32, #tpu.memory_space<hbm>> -> memref<64xi32, #tpu.memory_space<hbm>>
      tpu.enqueue_dma source(%dma_start3A_146 : memref<64xi32, #tpu.memory_space<hbm>>) target(%arg11 : memref<64xi32, #tpu.memory_space<vmem>>) target_semaphore(%run_scoped3A : memref<!tpu.dma_semaphore, #tpu.memory_space<semaphore_mem>>)
      %dma_wait3A_147 = tpu.memref_slice %arg3[%add3A_30] : memref<16384xi32, #tpu.memory_space<hbm>> -> memref<64xi32, #tpu.memory_space<hbm>>
      %dma_wait3A_148 = tpu.memref_slice %arg3[%add3A_30] : memref<16384xi32, #tpu.memory_space<hbm>> -> memref<64xi32, #tpu.memory_space<hbm>>
      tpu.wait_dma2 semaphore(%run_scoped3A : memref<!tpu.dma_semaphore, #tpu.memory_space<semaphore_mem>>) src(%dma_wait3A_148 : memref<64xi32, #tpu.memory_space<hbm>>) dst(%arg11 : memref<64xi32, #tpu.memory_space<vmem>>)
      tpu.yield
    }) : () -> ()
    "tpu.region"() ({
      %run_scoped3A = tpu.sem_alloc : memref<!tpu.dma_semaphore, #tpu.memory_space<semaphore_mem>>
      %dma_start3A_145 = tpu.memref_slice %arg5[%add3A_30] : memref<16384xf32, #tpu.memory_space<hbm>> -> memref<64xf32, #tpu.memory_space<hbm>>
      %dma_start3A_146 = tpu.memref_slice %arg5[%add3A_30] : memref<16384xf32, #tpu.memory_space<hbm>> -> memref<64xf32, #tpu.memory_space<hbm>>
      tpu.enqueue_dma source(%dma_start3A_146 : memref<64xf32, #tpu.memory_space<hbm>>) target(%arg14 : memref<64xf32, #tpu.memory_space<vmem>>) target_semaphore(%run_scoped3A : memref<!tpu.dma_semaphore, #tpu.memory_space<semaphore_mem>>)
      %dma_wait3A_147 = tpu.memref_slice %arg5[%add3A_30] : memref<16384xf32, #tpu.memory_space<hbm>> -> memref<64xf32, #tpu.memory_space<hbm>>
      %dma_wait3A_148 = tpu.memref_slice %arg5[%add3A_30] : memref<16384xf32, #tpu.memory_space<hbm>> -> memref<64xf32, #tpu.memory_space<hbm>>
      tpu.wait_dma2 semaphore(%run_scoped3A : memref<!tpu.dma_semaphore, #tpu.memory_space<semaphore_mem>>) src(%dma_wait3A_148 : memref<64xf32, #tpu.memory_space<hbm>>) dst(%arg14 : memref<64xf32, #tpu.memory_space<vmem>>)
      tpu.yield
    }) : () -> ()
    %dma_start3A_31 = arith.constant 0 : i32
    %dma_start3A_32 = arith.constant 0 : i32
    %dma_start3A_33 = tpu.memref_slice %arg2[%dma_start3A_31, %dma_start3A_32] : memref<2048x512xi32, #tpu.memory_space<hbm>> -> memref<2048x512xi32, #tpu.memory_space<hbm>>
    tpu.enqueue_indirect_dma source(%dma_start3A_33 : memref<2048x512xi32, #tpu.memory_space<hbm>>) target(%arg17 : memref<64x512xi32, #tpu.memory_space<vmem>>) offsets(%arg8 : memref<64xi32, #tpu.memory_space<vmem>>) semaphore(%arg20 : memref<!tpu.dma_semaphore, #tpu.memory_space<semaphore_mem>>)
    %dma_wait3A_34 = arith.constant 0 : i32
    %dma_wait3A_35 = arith.constant 0 : i32
    %dma_wait3A_36 = tpu.memref_slice %arg2[%dma_wait3A_34, %dma_wait3A_35] : memref<2048x512xi32, #tpu.memory_space<hbm>> -> memref<2048x512xi32, #tpu.memory_space<hbm>>
    tpu.wait_indirect_dma semaphore(%arg21 : memref<!tpu.dma_semaphore, #tpu.memory_space<semaphore_mem>>) src(%dma_wait3A_36 : memref<2048x512xi32, #tpu.memory_space<hbm>>) dst(%arg18 : memref<64x512xi32, #tpu.memory_space<vmem>>)
    %dma_start3A_37 = arith.constant 0 : i32
    %dma_start3A_38 = arith.constant 0 : i32
    %dma_start3A_39 = tpu.memref_slice %arg6[%dma_start3A_37, %dma_start3A_38] : memref<32768x512xi32, #tpu.memory_space<hbm>> -> memref<32768x512xi32, #tpu.memory_space<hbm>>
    tpu.enqueue_indirect_dma source(%arg18 : memref<64x512xi32, #tpu.memory_space<vmem>>) target(%dma_start3A_39 : memref<32768x512xi32, #tpu.memory_space<hbm>>) offsets(%arg12 : memref<64xi32, #tpu.memory_space<vmem>>) semaphore(%arg24 : memref<!tpu.dma_semaphore, #tpu.memory_space<semaphore_mem>>)
    %dma_start3A_40 = arith.constant 0 : i32
    %dma_start3A_41 = tpu.memref_slice %arg7[%dma_start3A_40] : memref<32768xf32, #tpu.memory_space<hbm>> -> memref<32768xf32, #tpu.memory_space<hbm>>
    tpu.enqueue_indirect_dma source(%arg15 : memref<64xf32, #tpu.memory_space<vmem>>) target(%dma_start3A_41 : memref<32768xf32, #tpu.memory_space<hbm>>) offsets(%arg12 : memref<64xi32, #tpu.memory_space<vmem>>) semaphore(%arg24 : memref<!tpu.dma_semaphore, #tpu.memory_space<semaphore_mem>>)
    %dma_wait3A_42 = arith.constant 0 : i32
    %dma_wait3A_43 = arith.constant 0 : i32
    %dma_wait3A_44 = tpu.memref_slice %arg6[%dma_wait3A_42, %dma_wait3A_43] : memref<32768x512xi32, #tpu.memory_space<hbm>> -> memref<32768x512xi32, #tpu.memory_space<hbm>>
    tpu.wait_indirect_dma semaphore(%arg24 : memref<!tpu.dma_semaphore, #tpu.memory_space<semaphore_mem>>) src(%arg18 : memref<64x512xi32, #tpu.memory_space<vmem>>) dst(%dma_wait3A_44 : memref<32768x512xi32, #tpu.memory_space<hbm>>)
    %dma_wait3A_45 = arith.constant 0 : i32
    %dma_wait3A_46 = tpu.memref_slice %arg7[%dma_wait3A_45] : memref<32768xf32, #tpu.memory_space<hbm>> -> memref<32768xf32, #tpu.memory_space<hbm>>
    tpu.wait_indirect_dma semaphore(%arg24 : memref<!tpu.dma_semaphore, #tpu.memory_space<semaphore_mem>>) src(%arg15 : memref<64xf32, #tpu.memory_space<vmem>>) dst(%dma_wait3A_46 : memref<32768xf32, #tpu.memory_space<hbm>>)
    %add3A_47 = arith.constant 256 : i32
    %add3A_48 = arith.addi %mul3A_2, %add3A_47 : i32
    "tpu.region"() ({
      %run_scoped3A = tpu.sem_alloc : memref<!tpu.dma_semaphore, #tpu.memory_space<semaphore_mem>>
      %dma_start3A_145 = tpu.memref_slice %arg4[%add3A_48] : memref<16384xi32, #tpu.memory_space<hbm>> -> memref<64xi32, #tpu.memory_space<hbm>>
      %dma_start3A_146 = tpu.memref_slice %arg4[%add3A_48] : memref<16384xi32, #tpu.memory_space<hbm>> -> memref<64xi32, #tpu.memory_space<hbm>>
      tpu.enqueue_dma source(%dma_start3A_146 : memref<64xi32, #tpu.memory_space<hbm>>) target(%arg9 : memref<64xi32, #tpu.memory_space<vmem>>) target_semaphore(%run_scoped3A : memref<!tpu.dma_semaphore, #tpu.memory_space<semaphore_mem>>)
      %dma_wait3A_147 = tpu.memref_slice %arg4[%add3A_48] : memref<16384xi32, #tpu.memory_space<hbm>> -> memref<64xi32, #tpu.memory_space<hbm>>
      %dma_wait3A_148 = tpu.memref_slice %arg4[%add3A_48] : memref<16384xi32, #tpu.memory_space<hbm>> -> memref<64xi32, #tpu.memory_space<hbm>>
      tpu.wait_dma2 semaphore(%run_scoped3A : memref<!tpu.dma_semaphore, #tpu.memory_space<semaphore_mem>>) src(%dma_wait3A_148 : memref<64xi32, #tpu.memory_space<hbm>>) dst(%arg9 : memref<64xi32, #tpu.memory_space<vmem>>)
      tpu.yield
    }) : () -> ()
    "tpu.region"() ({
      %run_scoped3A = tpu.sem_alloc : memref<!tpu.dma_semaphore, #tpu.memory_space<semaphore_mem>>
      %dma_start3A_145 = tpu.memref_slice %arg3[%add3A_48] : memref<16384xi32, #tpu.memory_space<hbm>> -> memref<64xi32, #tpu.memory_space<hbm>>
      %dma_start3A_146 = tpu.memref_slice %arg3[%add3A_48] : memref<16384xi32, #tpu.memory_space<hbm>> -> memref<64xi32, #tpu.memory_space<hbm>>
      tpu.enqueue_dma source(%dma_start3A_146 : memref<64xi32, #tpu.memory_space<hbm>>) target(%arg12 : memref<64xi32, #tpu.memory_space<vmem>>) target_semaphore(%run_scoped3A : memref<!tpu.dma_semaphore, #tpu.memory_space<semaphore_mem>>)
      %dma_wait3A_147 = tpu.memref_slice %arg3[%add3A_48] : memref<16384xi32, #tpu.memory_space<hbm>> -> memref<64xi32, #tpu.memory_space<hbm>>
      %dma_wait3A_148 = tpu.memref_slice %arg3[%add3A_48] : memref<16384xi32, #tpu.memory_space<hbm>> -> memref<64xi32, #tpu.memory_space<hbm>>
      tpu.wait_dma2 semaphore(%run_scoped3A : memref<!tpu.dma_semaphore, #tpu.memory_space<semaphore_mem>>) src(%dma_wait3A_148 : memref<64xi32, #tpu.memory_space<hbm>>) dst(%arg12 : memref<64xi32, #tpu.memory_space<vmem>>)
      tpu.yield
    }) : () -> ()
    "tpu.region"() ({
      %run_scoped3A = tpu.sem_alloc : memref<!tpu.dma_semaphore, #tpu.memory_space<semaphore_mem>>
      %dma_start3A_145 = tpu.memref_slice %arg5[%add3A_48] : memref<16384xf32, #tpu.memory_space<hbm>> -> memref<64xf32, #tpu.memory_space<hbm>>
      %dma_start3A_146 = tpu.memref_slice %arg5[%add3A_48] : memref<16384xf32, #tpu.memory_space<hbm>> -> memref<64xf32, #tpu.memory_space<hbm>>
      tpu.enqueue_dma source(%dma_start3A_146 : memref<64xf32, #tpu.memory_space<hbm>>) target(%arg15 : memref<64xf32, #tpu.memory_space<vmem>>) target_semaphore(%run_scoped3A : memref<!tpu.dma_semaphore, #tpu.memory_space<semaphore_mem>>)
      %dma_wait3A_147 = tpu.memref_slice %arg5[%add3A_48] : memref<16384xf32, #tpu.memory_space<hbm>> -> memref<64xf32, #tpu.memory_space<hbm>>
      %dma_wait3A_148 = tpu.memref_slice %arg5[%add3A_48] : memref<16384xf32, #tpu.memory_space<hbm>> -> memref<64xf32, #tpu.memory_space<hbm>>
      tpu.wait_dma2 semaphore(%run_scoped3A : memref<!tpu.dma_semaphore, #tpu.memory_space<semaphore_mem>>) src(%dma_wait3A_148 : memref<64xf32, #tpu.memory_space<hbm>>) dst(%arg15 : memref<64xf32, #tpu.memory_space<vmem>>)
      tpu.yield
    }) : () -> ()
    %dma_start3A_49 = arith.constant 0 : i32
    %dma_start3A_50 = arith.constant 0 : i32
    %dma_start3A_51 = tpu.memref_slice %arg2[%dma_start3A_49, %dma_start3A_50] : memref<2048x512xi32, #tpu.memory_space<hbm>> -> memref<2048x512xi32, #tpu.memory_space<hbm>>
    tpu.enqueue_indirect_dma source(%dma_start3A_51 : memref<2048x512xi32, #tpu.memory_space<hbm>>) target(%arg18 : memref<64x512xi32, #tpu.memory_space<vmem>>) offsets(%arg9 : memref<64xi32, #tpu.memory_space<vmem>>) semaphore(%arg21 : memref<!tpu.dma_semaphore, #tpu.memory_space<semaphore_mem>>)
    %dma_wait3A_52 = arith.constant 0 : i32
    %dma_wait3A_53 = arith.constant 0 : i32
    %dma_wait3A_54 = tpu.memref_slice %arg2[%dma_wait3A_52, %dma_wait3A_53] : memref<2048x512xi32, #tpu.memory_space<hbm>> -> memref<2048x512xi32, #tpu.memory_space<hbm>>
    tpu.wait_indirect_dma semaphore(%arg22 : memref<!tpu.dma_semaphore, #tpu.memory_space<semaphore_mem>>) src(%dma_wait3A_54 : memref<2048x512xi32, #tpu.memory_space<hbm>>) dst(%arg19 : memref<64x512xi32, #tpu.memory_space<vmem>>)
    %dma_start3A_55 = arith.constant 0 : i32
    %dma_start3A_56 = arith.constant 0 : i32
    %dma_start3A_57 = tpu.memref_slice %arg6[%dma_start3A_55, %dma_start3A_56] : memref<32768x512xi32, #tpu.memory_space<hbm>> -> memref<32768x512xi32, #tpu.memory_space<hbm>>
    tpu.enqueue_indirect_dma source(%arg19 : memref<64x512xi32, #tpu.memory_space<vmem>>) target(%dma_start3A_57 : memref<32768x512xi32, #tpu.memory_space<hbm>>) offsets(%arg13 : memref<64xi32, #tpu.memory_space<vmem>>) semaphore(%arg25 : memref<!tpu.dma_semaphore, #tpu.memory_space<semaphore_mem>>)
    %dma_start3A_58 = arith.constant 0 : i32
    %dma_start3A_59 = tpu.memref_slice %arg7[%dma_start3A_58] : memref<32768xf32, #tpu.memory_space<hbm>> -> memref<32768xf32, #tpu.memory_space<hbm>>
    tpu.enqueue_indirect_dma source(%arg16 : memref<64xf32, #tpu.memory_space<vmem>>) target(%dma_start3A_59 : memref<32768xf32, #tpu.memory_space<hbm>>) offsets(%arg13 : memref<64xi32, #tpu.memory_space<vmem>>) semaphore(%arg25 : memref<!tpu.dma_semaphore, #tpu.memory_space<semaphore_mem>>)
    %dma_wait3A_60 = arith.constant 0 : i32
    %dma_wait3A_61 = arith.constant 0 : i32
    %dma_wait3A_62 = tpu.memref_slice %arg6[%dma_wait3A_60, %dma_wait3A_61] : memref<32768x512xi32, #tpu.memory_space<hbm>> -> memref<32768x512xi32, #tpu.memory_space<hbm>>
    tpu.wait_indirect_dma semaphore(%arg25 : memref<!tpu.dma_semaphore, #tpu.memory_space<semaphore_mem>>) src(%arg19 : memref<64x512xi32, #tpu.memory_space<vmem>>) dst(%dma_wait3A_62 : memref<32768x512xi32, #tpu.memory_space<hbm>>)
    %dma_wait3A_63 = arith.constant 0 : i32
    %dma_wait3A_64 = tpu.memref_slice %arg7[%dma_wait3A_63] : memref<32768xf32, #tpu.memory_space<hbm>> -> memref<32768xf32, #tpu.memory_space<hbm>>
    tpu.wait_indirect_dma semaphore(%arg25 : memref<!tpu.dma_semaphore, #tpu.memory_space<semaphore_mem>>) src(%arg16 : memref<64xf32, #tpu.memory_space<vmem>>) dst(%dma_wait3A_64 : memref<32768xf32, #tpu.memory_space<hbm>>)
    %add3A_65 = arith.constant 320 : i32
    %add3A_66 = arith.addi %mul3A_2, %add3A_65 : i32
    "tpu.region"() ({
      %run_scoped3A = tpu.sem_alloc : memref<!tpu.dma_semaphore, #tpu.memory_space<semaphore_mem>>
      %dma_start3A_145 = tpu.memref_slice %arg4[%add3A_66] : memref<16384xi32, #tpu.memory_space<hbm>> -> memref<64xi32, #tpu.memory_space<hbm>>
      %dma_start3A_146 = tpu.memref_slice %arg4[%add3A_66] : memref<16384xi32, #tpu.memory_space<hbm>> -> memref<64xi32, #tpu.memory_space<hbm>>
      tpu.enqueue_dma source(%dma_start3A_146 : memref<64xi32, #tpu.memory_space<hbm>>) target(%arg10 : memref<64xi32, #tpu.memory_space<vmem>>) target_semaphore(%run_scoped3A : memref<!tpu.dma_semaphore, #tpu.memory_space<semaphore_mem>>)
      %dma_wait3A_147 = tpu.memref_slice %arg4[%add3A_66] : memref<16384xi32, #tpu.memory_space<hbm>> -> memref<64xi32, #tpu.memory_space<hbm>>
      %dma_wait3A_148 = tpu.memref_slice %arg4[%add3A_66] : memref<16384xi32, #tpu.memory_space<hbm>> -> memref<64xi32, #tpu.memory_space<hbm>>
      tpu.wait_dma2 semaphore(%run_scoped3A : memref<!tpu.dma_semaphore, #tpu.memory_space<semaphore_mem>>) src(%dma_wait3A_148 : memref<64xi32, #tpu.memory_space<hbm>>) dst(%arg10 : memref<64xi32, #tpu.memory_space<vmem>>)
      tpu.yield
    }) : () -> ()
    "tpu.region"() ({
      %run_scoped3A = tpu.sem_alloc : memref<!tpu.dma_semaphore, #tpu.memory_space<semaphore_mem>>
      %dma_start3A_145 = tpu.memref_slice %arg3[%add3A_66] : memref<16384xi32, #tpu.memory_space<hbm>> -> memref<64xi32, #tpu.memory_space<hbm>>
      %dma_start3A_146 = tpu.memref_slice %arg3[%add3A_66] : memref<16384xi32, #tpu.memory_space<hbm>> -> memref<64xi32, #tpu.memory_space<hbm>>
      tpu.enqueue_dma source(%dma_start3A_146 : memref<64xi32, #tpu.memory_space<hbm>>) target(%arg13 : memref<64xi32, #tpu.memory_space<vmem>>) target_semaphore(%run_scoped3A : memref<!tpu.dma_semaphore, #tpu.memory_space<semaphore_mem>>)
      %dma_wait3A_147 = tpu.memref_slice %arg3[%add3A_66] : memref<16384xi32, #tpu.memory_space<hbm>> -> memref<64xi32, #tpu.memory_space<hbm>>
      %dma_wait3A_148 = tpu.memref_slice %arg3[%add3A_66] : memref<16384xi32, #tpu.memory_space<hbm>> -> memref<64xi32, #tpu.memory_space<hbm>>
      tpu.wait_dma2 semaphore(%run_scoped3A : memref<!tpu.dma_semaphore, #tpu.memory_space<semaphore_mem>>) src(%dma_wait3A_148 : memref<64xi32, #tpu.memory_space<hbm>>) dst(%arg13 : memref<64xi32, #tpu.memory_space<vmem>>)
      tpu.yield
    }) : () -> ()
    "tpu.region"() ({
      %run_scoped3A = tpu.sem_alloc : memref<!tpu.dma_semaphore, #tpu.memory_space<semaphore_mem>>
      %dma_start3A_145 = tpu.memref_slice %arg5[%add3A_66] : memref<16384xf32, #tpu.memory_space<hbm>> -> memref<64xf32, #tpu.memory_space<hbm>>
      %dma_start3A_146 = tpu.memref_slice %arg5[%add3A_66] : memref<16384xf32, #tpu.memory_space<hbm>> -> memref<64xf32, #tpu.memory_space<hbm>>
      tpu.enqueue_dma source(%dma_start3A_146 : memref<64xf32, #tpu.memory_space<hbm>>) target(%arg16 : memref<64xf32, #tpu.memory_space<vmem>>) target_semaphore(%run_scoped3A : memref<!tpu.dma_semaphore, #tpu.memory_space<semaphore_mem>>)
      %dma_wait3A_147 = tpu.memref_slice %arg5[%add3A_66] : memref<16384xf32, #tpu.memory_space<hbm>> -> memref<64xf32, #tpu.memory_space<hbm>>
      %dma_wait3A_148 = tpu.memref_slice %arg5[%add3A_66] : memref<16384xf32, #tpu.memory_space<hbm>> -> memref<64xf32, #tpu.memory_space<hbm>>
      tpu.wait_dma2 semaphore(%run_scoped3A : memref<!tpu.dma_semaphore, #tpu.memory_space<semaphore_mem>>) src(%dma_wait3A_148 : memref<64xf32, #tpu.memory_space<hbm>>) dst(%arg16 : memref<64xf32, #tpu.memory_space<vmem>>)
      tpu.yield
    }) : () -> ()
    %dma_start3A_67 = arith.constant 0 : i32
    %dma_start3A_68 = arith.constant 0 : i32
    %dma_start3A_69 = tpu.memref_slice %arg2[%dma_start3A_67, %dma_start3A_68] : memref<2048x512xi32, #tpu.memory_space<hbm>> -> memref<2048x512xi32, #tpu.memory_space<hbm>>
    tpu.enqueue_indirect_dma source(%dma_start3A_69 : memref<2048x512xi32, #tpu.memory_space<hbm>>) target(%arg19 : memref<64x512xi32, #tpu.memory_space<vmem>>) offsets(%arg10 : memref<64xi32, #tpu.memory_space<vmem>>) semaphore(%arg22 : memref<!tpu.dma_semaphore, #tpu.memory_space<semaphore_mem>>)
    %dma_wait3A_70 = arith.constant 0 : i32
    %dma_wait3A_71 = arith.constant 0 : i32
    %dma_wait3A_72 = tpu.memref_slice %arg2[%dma_wait3A_70, %dma_wait3A_71] : memref<2048x512xi32, #tpu.memory_space<hbm>> -> memref<2048x512xi32, #tpu.memory_space<hbm>>
    tpu.wait_indirect_dma semaphore(%arg20 : memref<!tpu.dma_semaphore, #tpu.memory_space<semaphore_mem>>) src(%dma_wait3A_72 : memref<2048x512xi32, #tpu.memory_space<hbm>>) dst(%arg17 : memref<64x512xi32, #tpu.memory_space<vmem>>)
    %dma_start3A_73 = arith.constant 0 : i32
    %dma_start3A_74 = arith.constant 0 : i32
    %dma_start3A_75 = tpu.memref_slice %arg6[%dma_start3A_73, %dma_start3A_74] : memref<32768x512xi32, #tpu.memory_space<hbm>> -> memref<32768x512xi32, #tpu.memory_space<hbm>>
    tpu.enqueue_indirect_dma source(%arg17 : memref<64x512xi32, #tpu.memory_space<vmem>>) target(%dma_start3A_75 : memref<32768x512xi32, #tpu.memory_space<hbm>>) offsets(%arg11 : memref<64xi32, #tpu.memory_space<vmem>>) semaphore(%arg23 : memref<!tpu.dma_semaphore, #tpu.memory_space<semaphore_mem>>)
    %dma_start3A_76 = arith.constant 0 : i32
    %dma_start3A_77 = tpu.memref_slice %arg7[%dma_start3A_76] : memref<32768xf32, #tpu.memory_space<hbm>> -> memref<32768xf32, #tpu.memory_space<hbm>>
    tpu.enqueue_indirect_dma source(%arg14 : memref<64xf32, #tpu.memory_space<vmem>>) target(%dma_start3A_77 : memref<32768xf32, #tpu.memory_space<hbm>>) offsets(%arg11 : memref<64xi32, #tpu.memory_space<vmem>>) semaphore(%arg23 : memref<!tpu.dma_semaphore, #tpu.memory_space<semaphore_mem>>)
    %dma_wait3A_78 = arith.constant 0 : i32
    %dma_wait3A_79 = arith.constant 0 : i32
    %dma_wait3A_80 = tpu.memref_slice %arg6[%dma_wait3A_78, %dma_wait3A_79] : memref<32768x512xi32, #tpu.memory_space<hbm>> -> memref<32768x512xi32, #tpu.memory_space<hbm>>
    tpu.wait_indirect_dma semaphore(%arg23 : memref<!tpu.dma_semaphore, #tpu.memory_space<semaphore_mem>>) src(%arg17 : memref<64x512xi32, #tpu.memory_space<vmem>>) dst(%dma_wait3A_80 : memref<32768x512xi32, #tpu.memory_space<hbm>>)
    %dma_wait3A_81 = arith.constant 0 : i32
    %dma_wait3A_82 = tpu.memref_slice %arg7[%dma_wait3A_81] : memref<32768xf32, #tpu.memory_space<hbm>> -> memref<32768xf32, #tpu.memory_space<hbm>>
    tpu.wait_indirect_dma semaphore(%arg23 : memref<!tpu.dma_semaphore, #tpu.memory_space<semaphore_mem>>) src(%arg14 : memref<64xf32, #tpu.memory_space<vmem>>) dst(%dma_wait3A_82 : memref<32768xf32, #tpu.memory_space<hbm>>)
    %add3A_83 = arith.constant 384 : i32
    %add3A_84 = arith.addi %mul3A_2, %add3A_83 : i32
    "tpu.region"() ({
      %run_scoped3A = tpu.sem_alloc : memref<!tpu.dma_semaphore, #tpu.memory_space<semaphore_mem>>
      %dma_start3A_145 = tpu.memref_slice %arg4[%add3A_84] : memref<16384xi32, #tpu.memory_space<hbm>> -> memref<64xi32, #tpu.memory_space<hbm>>
      %dma_start3A_146 = tpu.memref_slice %arg4[%add3A_84] : memref<16384xi32, #tpu.memory_space<hbm>> -> memref<64xi32, #tpu.memory_space<hbm>>
      tpu.enqueue_dma source(%dma_start3A_146 : memref<64xi32, #tpu.memory_space<hbm>>) target(%arg8 : memref<64xi32, #tpu.memory_space<vmem>>) target_semaphore(%run_scoped3A : memref<!tpu.dma_semaphore, #tpu.memory_space<semaphore_mem>>)
      %dma_wait3A_147 = tpu.memref_slice %arg4[%add3A_84] : memref<16384xi32, #tpu.memory_space<hbm>> -> memref<64xi32, #tpu.memory_space<hbm>>
      %dma_wait3A_148 = tpu.memref_slice %arg4[%add3A_84] : memref<16384xi32, #tpu.memory_space<hbm>> -> memref<64xi32, #tpu.memory_space<hbm>>
      tpu.wait_dma2 semaphore(%run_scoped3A : memref<!tpu.dma_semaphore, #tpu.memory_space<semaphore_mem>>) src(%dma_wait3A_148 : memref<64xi32, #tpu.memory_space<hbm>>) dst(%arg8 : memref<64xi32, #tpu.memory_space<vmem>>)
      tpu.yield
    }) : () -> ()
    "tpu.region"() ({
      %run_scoped3A = tpu.sem_alloc : memref<!tpu.dma_semaphore, #tpu.memory_space<semaphore_mem>>
      %dma_start3A_145 = tpu.memref_slice %arg3[%add3A_84] : memref<16384xi32, #tpu.memory_space<hbm>> -> memref<64xi32, #tpu.memory_space<hbm>>
      %dma_start3A_146 = tpu.memref_slice %arg3[%add3A_84] : memref<16384xi32, #tpu.memory_space<hbm>> -> memref<64xi32, #tpu.memory_space<hbm>>
      tpu.enqueue_dma source(%dma_start3A_146 : memref<64xi32, #tpu.memory_space<hbm>>) target(%arg11 : memref<64xi32, #tpu.memory_space<vmem>>) target_semaphore(%run_scoped3A : memref<!tpu.dma_semaphore, #tpu.memory_space<semaphore_mem>>)
      %dma_wait3A_147 = tpu.memref_slice %arg3[%add3A_84] : memref<16384xi32, #tpu.memory_space<hbm>> -> memref<64xi32, #tpu.memory_space<hbm>>
      %dma_wait3A_148 = tpu.memref_slice %arg3[%add3A_84] : memref<16384xi32, #tpu.memory_space<hbm>> -> memref<64xi32, #tpu.memory_space<hbm>>
      tpu.wait_dma2 semaphore(%run_scoped3A : memref<!tpu.dma_semaphore, #tpu.memory_space<semaphore_mem>>) src(%dma_wait3A_148 : memref<64xi32, #tpu.memory_space<hbm>>) dst(%arg11 : memref<64xi32, #tpu.memory_space<vmem>>)
      tpu.yield
    }) : () -> ()
    "tpu.region"() ({
      %run_scoped3A = tpu.sem_alloc : memref<!tpu.dma_semaphore, #tpu.memory_space<semaphore_mem>>
      %dma_start3A_145 = tpu.memref_slice %arg5[%add3A_84] : memref<16384xf32, #tpu.memory_space<hbm>> -> memref<64xf32, #tpu.memory_space<hbm>>
      %dma_start3A_146 = tpu.memref_slice %arg5[%add3A_84] : memref<16384xf32, #tpu.memory_space<hbm>> -> memref<64xf32, #tpu.memory_space<hbm>>
      tpu.enqueue_dma source(%dma_start3A_146 : memref<64xf32, #tpu.memory_space<hbm>>) target(%arg14 : memref<64xf32, #tpu.memory_space<vmem>>) target_semaphore(%run_scoped3A : memref<!tpu.dma_semaphore, #tpu.memory_space<semaphore_mem>>)
      %dma_wait3A_147 = tpu.memref_slice %arg5[%add3A_84] : memref<16384xf32, #tpu.memory_space<hbm>> -> memref<64xf32, #tpu.memory_space<hbm>>
      %dma_wait3A_148 = tpu.memref_slice %arg5[%add3A_84] : memref<16384xf32, #tpu.memory_space<hbm>> -> memref<64xf32, #tpu.memory_space<hbm>>
      tpu.wait_dma2 semaphore(%run_scoped3A : memref<!tpu.dma_semaphore, #tpu.memory_space<semaphore_mem>>) src(%dma_wait3A_148 : memref<64xf32, #tpu.memory_space<hbm>>) dst(%arg14 : memref<64xf32, #tpu.memory_space<vmem>>)
      tpu.yield
    }) : () -> ()
    %dma_start3A_85 = arith.constant 0 : i32
    %dma_start3A_86 = arith.constant 0 : i32
    %dma_start3A_87 = tpu.memref_slice %arg2[%dma_start3A_85, %dma_start3A_86] : memref<2048x512xi32, #tpu.memory_space<hbm>> -> memref<2048x512xi32, #tpu.memory_space<hbm>>
    tpu.enqueue_indirect_dma source(%dma_start3A_87 : memref<2048x512xi32, #tpu.memory_space<hbm>>) target(%arg17 : memref<64x512xi32, #tpu.memory_space<vmem>>) offsets(%arg8 : memref<64xi32, #tpu.memory_space<vmem>>) semaphore(%arg20 : memref<!tpu.dma_semaphore, #tpu.memory_space<semaphore_mem>>)
    %dma_wait3A_88 = arith.constant 0 : i32
    %dma_wait3A_89 = arith.constant 0 : i32
    %dma_wait3A_90 = tpu.memref_slice %arg2[%dma_wait3A_88, %dma_wait3A_89] : memref<2048x512xi32, #tpu.memory_space<hbm>> -> memref<2048x512xi32, #tpu.memory_space<hbm>>
    tpu.wait_indirect_dma semaphore(%arg21 : memref<!tpu.dma_semaphore, #tpu.memory_space<semaphore_mem>>) src(%dma_wait3A_90 : memref<2048x512xi32, #tpu.memory_space<hbm>>) dst(%arg18 : memref<64x512xi32, #tpu.memory_space<vmem>>)
    %dma_start3A_91 = arith.constant 0 : i32
    %dma_start3A_92 = arith.constant 0 : i32
    %dma_start3A_93 = tpu.memref_slice %arg6[%dma_start3A_91, %dma_start3A_92] : memref<32768x512xi32, #tpu.memory_space<hbm>> -> memref<32768x512xi32, #tpu.memory_space<hbm>>
    tpu.enqueue_indirect_dma source(%arg18 : memref<64x512xi32, #tpu.memory_space<vmem>>) target(%dma_start3A_93 : memref<32768x512xi32, #tpu.memory_space<hbm>>) offsets(%arg12 : memref<64xi32, #tpu.memory_space<vmem>>) semaphore(%arg24 : memref<!tpu.dma_semaphore, #tpu.memory_space<semaphore_mem>>)
    %dma_start3A_94 = arith.constant 0 : i32
    %dma_start3A_95 = tpu.memref_slice %arg7[%dma_start3A_94] : memref<32768xf32, #tpu.memory_space<hbm>> -> memref<32768xf32, #tpu.memory_space<hbm>>
    tpu.enqueue_indirect_dma source(%arg15 : memref<64xf32, #tpu.memory_space<vmem>>) target(%dma_start3A_95 : memref<32768xf32, #tpu.memory_space<hbm>>) offsets(%arg12 : memref<64xi32, #tpu.memory_space<vmem>>) semaphore(%arg24 : memref<!tpu.dma_semaphore, #tpu.memory_space<semaphore_mem>>)
    %dma_wait3A_96 = arith.constant 0 : i32
    %dma_wait3A_97 = arith.constant 0 : i32
    %dma_wait3A_98 = tpu.memref_slice %arg6[%dma_wait3A_96, %dma_wait3A_97] : memref<32768x512xi32, #tpu.memory_space<hbm>> -> memref<32768x512xi32, #tpu.memory_space<hbm>>
    tpu.wait_indirect_dma semaphore(%arg24 : memref<!tpu.dma_semaphore, #tpu.memory_space<semaphore_mem>>) src(%arg18 : memref<64x512xi32, #tpu.memory_space<vmem>>) dst(%dma_wait3A_98 : memref<32768x512xi32, #tpu.memory_space<hbm>>)
    %dma_wait3A_99 = arith.constant 0 : i32
    %dma_wait3A_100 = tpu.memref_slice %arg7[%dma_wait3A_99] : memref<32768xf32, #tpu.memory_space<hbm>> -> memref<32768xf32, #tpu.memory_space<hbm>>
    tpu.wait_indirect_dma semaphore(%arg24 : memref<!tpu.dma_semaphore, #tpu.memory_space<semaphore_mem>>) src(%arg15 : memref<64xf32, #tpu.memory_space<vmem>>) dst(%dma_wait3A_100 : memref<32768xf32, #tpu.memory_space<hbm>>)
    %add3A_101 = arith.constant 448 : i32
    %add3A_102 = arith.addi %mul3A_2, %add3A_101 : i32
    "tpu.region"() ({
      %run_scoped3A = tpu.sem_alloc : memref<!tpu.dma_semaphore, #tpu.memory_space<semaphore_mem>>
      %dma_start3A_145 = tpu.memref_slice %arg4[%add3A_102] : memref<16384xi32, #tpu.memory_space<hbm>> -> memref<64xi32, #tpu.memory_space<hbm>>
      %dma_start3A_146 = tpu.memref_slice %arg4[%add3A_102] : memref<16384xi32, #tpu.memory_space<hbm>> -> memref<64xi32, #tpu.memory_space<hbm>>
      tpu.enqueue_dma source(%dma_start3A_146 : memref<64xi32, #tpu.memory_space<hbm>>) target(%arg9 : memref<64xi32, #tpu.memory_space<vmem>>) target_semaphore(%run_scoped3A : memref<!tpu.dma_semaphore, #tpu.memory_space<semaphore_mem>>)
      %dma_wait3A_147 = tpu.memref_slice %arg4[%add3A_102] : memref<16384xi32, #tpu.memory_space<hbm>> -> memref<64xi32, #tpu.memory_space<hbm>>
      %dma_wait3A_148 = tpu.memref_slice %arg4[%add3A_102] : memref<16384xi32, #tpu.memory_space<hbm>> -> memref<64xi32, #tpu.memory_space<hbm>>
      tpu.wait_dma2 semaphore(%run_scoped3A : memref<!tpu.dma_semaphore, #tpu.memory_space<semaphore_mem>>) src(%dma_wait3A_148 : memref<64xi32, #tpu.memory_space<hbm>>) dst(%arg9 : memref<64xi32, #tpu.memory_space<vmem>>)
      tpu.yield
    }) : () -> ()
    "tpu.region"() ({
      %run_scoped3A = tpu.sem_alloc : memref<!tpu.dma_semaphore, #tpu.memory_space<semaphore_mem>>
      %dma_start3A_145 = tpu.memref_slice %arg3[%add3A_102] : memref<16384xi32, #tpu.memory_space<hbm>> -> memref<64xi32, #tpu.memory_space<hbm>>
      %dma_start3A_146 = tpu.memref_slice %arg3[%add3A_102] : memref<16384xi32, #tpu.memory_space<hbm>> -> memref<64xi32, #tpu.memory_space<hbm>>
      tpu.enqueue_dma source(%dma_start3A_146 : memref<64xi32, #tpu.memory_space<hbm>>) target(%arg12 : memref<64xi32, #tpu.memory_space<vmem>>) target_semaphore(%run_scoped3A : memref<!tpu.dma_semaphore, #tpu.memory_space<semaphore_mem>>)
      %dma_wait3A_147 = tpu.memref_slice %arg3[%add3A_102] : memref<16384xi32, #tpu.memory_space<hbm>> -> memref<64xi32, #tpu.memory_space<hbm>>
      %dma_wait3A_148 = tpu.memref_slice %arg3[%add3A_102] : memref<16384xi32, #tpu.memory_space<hbm>> -> memref<64xi32, #tpu.memory_space<hbm>>
      tpu.wait_dma2 semaphore(%run_scoped3A : memref<!tpu.dma_semaphore, #tpu.memory_space<semaphore_mem>>) src(%dma_wait3A_148 : memref<64xi32, #tpu.memory_space<hbm>>) dst(%arg12 : memref<64xi32, #tpu.memory_space<vmem>>)
      tpu.yield
    }) : () -> ()
    "tpu.region"() ({
      %run_scoped3A = tpu.sem_alloc : memref<!tpu.dma_semaphore, #tpu.memory_space<semaphore_mem>>
      %dma_start3A_145 = tpu.memref_slice %arg5[%add3A_102] : memref<16384xf32, #tpu.memory_space<hbm>> -> memref<64xf32, #tpu.memory_space<hbm>>
      %dma_start3A_146 = tpu.memref_slice %arg5[%add3A_102] : memref<16384xf32, #tpu.memory_space<hbm>> -> memref<64xf32, #tpu.memory_space<hbm>>
      tpu.enqueue_dma source(%dma_start3A_146 : memref<64xf32, #tpu.memory_space<hbm>>) target(%arg15 : memref<64xf32, #tpu.memory_space<vmem>>) target_semaphore(%run_scoped3A : memref<!tpu.dma_semaphore, #tpu.memory_space<semaphore_mem>>)
      %dma_wait3A_147 = tpu.memref_slice %arg5[%add3A_102] : memref<16384xf32, #tpu.memory_space<hbm>> -> memref<64xf32, #tpu.memory_space<hbm>>
      %dma_wait3A_148 = tpu.memref_slice %arg5[%add3A_102] : memref<16384xf32, #tpu.memory_space<hbm>> -> memref<64xf32, #tpu.memory_space<hbm>>
      tpu.wait_dma2 semaphore(%run_scoped3A : memref<!tpu.dma_semaphore, #tpu.memory_space<semaphore_mem>>) src(%dma_wait3A_148 : memref<64xf32, #tpu.memory_space<hbm>>) dst(%arg15 : memref<64xf32, #tpu.memory_space<vmem>>)
      tpu.yield
    }) : () -> ()
    %dma_start3A_103 = arith.constant 0 : i32
    %dma_start3A_104 = arith.constant 0 : i32
    %dma_start3A_105 = tpu.memref_slice %arg2[%dma_start3A_103, %dma_start3A_104] : memref<2048x512xi32, #tpu.memory_space<hbm>> -> memref<2048x512xi32, #tpu.memory_space<hbm>>
    tpu.enqueue_indirect_dma source(%dma_start3A_105 : memref<2048x512xi32, #tpu.memory_space<hbm>>) target(%arg18 : memref<64x512xi32, #tpu.memory_space<vmem>>) offsets(%arg9 : memref<64xi32, #tpu.memory_space<vmem>>) semaphore(%arg21 : memref<!tpu.dma_semaphore, #tpu.memory_space<semaphore_mem>>)
    %dma_wait3A_106 = arith.constant 0 : i32
    %dma_wait3A_107 = arith.constant 0 : i32
    %dma_wait3A_108 = tpu.memref_slice %arg2[%dma_wait3A_106, %dma_wait3A_107] : memref<2048x512xi32, #tpu.memory_space<hbm>> -> memref<2048x512xi32, #tpu.memory_space<hbm>>
    tpu.wait_indirect_dma semaphore(%arg22 : memref<!tpu.dma_semaphore, #tpu.memory_space<semaphore_mem>>) src(%dma_wait3A_108 : memref<2048x512xi32, #tpu.memory_space<hbm>>) dst(%arg19 : memref<64x512xi32, #tpu.memory_space<vmem>>)
    %dma_start3A_109 = arith.constant 0 : i32
    %dma_start3A_110 = arith.constant 0 : i32
    %dma_start3A_111 = tpu.memref_slice %arg6[%dma_start3A_109, %dma_start3A_110] : memref<32768x512xi32, #tpu.memory_space<hbm>> -> memref<32768x512xi32, #tpu.memory_space<hbm>>
    tpu.enqueue_indirect_dma source(%arg19 : memref<64x512xi32, #tpu.memory_space<vmem>>) target(%dma_start3A_111 : memref<32768x512xi32, #tpu.memory_space<hbm>>) offsets(%arg13 : memref<64xi32, #tpu.memory_space<vmem>>) semaphore(%arg25 : memref<!tpu.dma_semaphore, #tpu.memory_space<semaphore_mem>>)
    %dma_start3A_112 = arith.constant 0 : i32
    %dma_start3A_113 = tpu.memref_slice %arg7[%dma_start3A_112] : memref<32768xf32, #tpu.memory_space<hbm>> -> memref<32768xf32, #tpu.memory_space<hbm>>
    tpu.enqueue_indirect_dma source(%arg16 : memref<64xf32, #tpu.memory_space<vmem>>) target(%dma_start3A_113 : memref<32768xf32, #tpu.memory_space<hbm>>) offsets(%arg13 : memref<64xi32, #tpu.memory_space<vmem>>) semaphore(%arg25 : memref<!tpu.dma_semaphore, #tpu.memory_space<semaphore_mem>>)
    %dma_wait3A_114 = arith.constant 0 : i32
    %dma_wait3A_115 = arith.constant 0 : i32
    %dma_wait3A_116 = tpu.memref_slice %arg2[%dma_wait3A_114, %dma_wait3A_115] : memref<2048x512xi32, #tpu.memory_space<hbm>> -> memref<2048x512xi32, #tpu.memory_space<hbm>>
    tpu.wait_indirect_dma semaphore(%arg20 : memref<!tpu.dma_semaphore, #tpu.memory_space<semaphore_mem>>) src(%dma_wait3A_116 : memref<2048x512xi32, #tpu.memory_space<hbm>>) dst(%arg17 : memref<64x512xi32, #tpu.memory_space<vmem>>)
    %dma_start3A_117 = arith.constant 0 : i32
    %dma_start3A_118 = arith.constant 0 : i32
    %dma_start3A_119 = tpu.memref_slice %arg6[%dma_start3A_117, %dma_start3A_118] : memref<32768x512xi32, #tpu.memory_space<hbm>> -> memref<32768x512xi32, #tpu.memory_space<hbm>>
    tpu.enqueue_indirect_dma source(%arg17 : memref<64x512xi32, #tpu.memory_space<vmem>>) target(%dma_start3A_119 : memref<32768x512xi32, #tpu.memory_space<hbm>>) offsets(%arg11 : memref<64xi32, #tpu.memory_space<vmem>>) semaphore(%arg23 : memref<!tpu.dma_semaphore, #tpu.memory_space<semaphore_mem>>)
    %dma_start3A_120 = arith.constant 0 : i32
    %dma_start3A_121 = tpu.memref_slice %arg7[%dma_start3A_120] : memref<32768xf32, #tpu.memory_space<hbm>> -> memref<32768xf32, #tpu.memory_space<hbm>>
    tpu.enqueue_indirect_dma source(%arg14 : memref<64xf32, #tpu.memory_space<vmem>>) target(%dma_start3A_121 : memref<32768xf32, #tpu.memory_space<hbm>>) offsets(%arg11 : memref<64xi32, #tpu.memory_space<vmem>>) semaphore(%arg23 : memref<!tpu.dma_semaphore, #tpu.memory_space<semaphore_mem>>)
    %dma_wait3A_122 = arith.constant 0 : i32
    %dma_wait3A_123 = arith.constant 0 : i32
    %dma_wait3A_124 = tpu.memref_slice %arg2[%dma_wait3A_122, %dma_wait3A_123] : memref<2048x512xi32, #tpu.memory_space<hbm>> -> memref<2048x512xi32, #tpu.memory_space<hbm>>
    tpu.wait_indirect_dma semaphore(%arg21 : memref<!tpu.dma_semaphore, #tpu.memory_space<semaphore_mem>>) src(%dma_wait3A_124 : memref<2048x512xi32, #tpu.memory_space<hbm>>) dst(%arg18 : memref<64x512xi32, #tpu.memory_space<vmem>>)
    %dma_start3A_125 = arith.constant 0 : i32
    %dma_start3A_126 = arith.constant 0 : i32
    %dma_start3A_127 = tpu.memref_slice %arg6[%dma_start3A_125, %dma_start3A_126] : memref<32768x512xi32, #tpu.memory_space<hbm>> -> memref<32768x512xi32, #tpu.memory_space<hbm>>
    tpu.enqueue_indirect_dma source(%arg18 : memref<64x512xi32, #tpu.memory_space<vmem>>) target(%dma_start3A_127 : memref<32768x512xi32, #tpu.memory_space<hbm>>) offsets(%arg12 : memref<64xi32, #tpu.memory_space<vmem>>) semaphore(%arg24 : memref<!tpu.dma_semaphore, #tpu.memory_space<semaphore_mem>>)
    %dma_start3A_128 = arith.constant 0 : i32
    %dma_start3A_129 = tpu.memref_slice %arg7[%dma_start3A_128] : memref<32768xf32, #tpu.memory_space<hbm>> -> memref<32768xf32, #tpu.memory_space<hbm>>
    tpu.enqueue_indirect_dma source(%arg15 : memref<64xf32, #tpu.memory_space<vmem>>) target(%dma_start3A_129 : memref<32768xf32, #tpu.memory_space<hbm>>) offsets(%arg12 : memref<64xi32, #tpu.memory_space<vmem>>) semaphore(%arg24 : memref<!tpu.dma_semaphore, #tpu.memory_space<semaphore_mem>>)
    %dma_wait3A_130 = arith.constant 0 : i32
    %dma_wait3A_131 = arith.constant 0 : i32
    %dma_wait3A_132 = tpu.memref_slice %arg6[%dma_wait3A_130, %dma_wait3A_131] : memref<32768x512xi32, #tpu.memory_space<hbm>> -> memref<32768x512xi32, #tpu.memory_space<hbm>>
    tpu.wait_indirect_dma semaphore(%arg25 : memref<!tpu.dma_semaphore, #tpu.memory_space<semaphore_mem>>) src(%arg19 : memref<64x512xi32, #tpu.memory_space<vmem>>) dst(%dma_wait3A_132 : memref<32768x512xi32, #tpu.memory_space<hbm>>)
    %dma_wait3A_133 = arith.constant 0 : i32
    %dma_wait3A_134 = tpu.memref_slice %arg7[%dma_wait3A_133] : memref<32768xf32, #tpu.memory_space<hbm>> -> memref<32768xf32, #tpu.memory_space<hbm>>
    tpu.wait_indirect_dma semaphore(%arg25 : memref<!tpu.dma_semaphore, #tpu.memory_space<semaphore_mem>>) src(%arg16 : memref<64xf32, #tpu.memory_space<vmem>>) dst(%dma_wait3A_134 : memref<32768xf32, #tpu.memory_space<hbm>>)
    %dma_wait3A_135 = arith.constant 0 : i32
    %dma_wait3A_136 = arith.constant 0 : i32
    %dma_wait3A_137 = tpu.memref_slice %arg6[%dma_wait3A_135, %dma_wait3A_136] : memref<32768x512xi32, #tpu.memory_space<hbm>> -> memref<32768x512xi32, #tpu.memory_space<hbm>>
    tpu.wait_indirect_dma semaphore(%arg23 : memref<!tpu.dma_semaphore, #tpu.memory_space<semaphore_mem>>) src(%arg17 : memref<64x512xi32, #tpu.memory_space<vmem>>) dst(%dma_wait3A_137 : memref<32768x512xi32, #tpu.memory_space<hbm>>)
    %dma_wait3A_138 = arith.constant 0 : i32
    %dma_wait3A_139 = tpu.memref_slice %arg7[%dma_wait3A_138] : memref<32768xf32, #tpu.memory_space<hbm>> -> memref<32768xf32, #tpu.memory_space<hbm>>
    tpu.wait_indirect_dma semaphore(%arg23 : memref<!tpu.dma_semaphore, #tpu.memory_space<semaphore_mem>>) src(%arg14 : memref<64xf32, #tpu.memory_space<vmem>>) dst(%dma_wait3A_139 : memref<32768xf32, #tpu.memory_space<hbm>>)
    %dma_wait3A_140 = arith.constant 0 : i32
    %dma_wait3A_141 = arith.constant 0 : i32
    %dma_wait3A_142 = tpu.memref_slice %arg6[%dma_wait3A_140, %dma_wait3A_141] : memref<32768x512xi32, #tpu.memory_space<hbm>> -> memref<32768x512xi32, #tpu.memory_space<hbm>>
    tpu.wait_indirect_dma semaphore(%arg24 : memref<!tpu.dma_semaphore, #tpu.memory_space<semaphore_mem>>) src(%arg18 : memref<64x512xi32, #tpu.memory_space<vmem>>) dst(%dma_wait3A_142 : memref<32768x512xi32, #tpu.memory_space<hbm>>)
    %dma_wait3A_143 = arith.constant 0 : i32
    %dma_wait3A_144 = tpu.memref_slice %arg7[%dma_wait3A_143] : memref<32768xf32, #tpu.memory_space<hbm>> -> memref<32768xf32, #tpu.memory_space<hbm>>
    tpu.wait_indirect_dma semaphore(%arg24 : memref<!tpu.dma_semaphore, #tpu.memory_space<semaphore_mem>>) src(%arg15 : memref<64xf32, #tpu.memory_space<vmem>>) dst(%dma_wait3A_144 : memref<32768xf32, #tpu.memory_space<hbm>>)
    return
  }
}

module attributes {stable_mosaic.version = 14 : i64} {
  func.func @_route_body(%arg0: memref<2048x1024xf32, #tpu.memory_space<vmem>>, %arg1: memref<64x1024xf32, #tpu.memory_space<vmem>>, %arg2: memref<1x64xf32, #tpu.memory_space<vmem>>, %arg3: memref<2048x8xi32, #tpu.memory_space<vmem>>, %arg4: memref<2048x8xf32, #tpu.memory_space<vmem>>, %arg5: memref<1x128xi32, #tpu.memory_space<vmem>>, %arg6: memref<2048x512xi32, #tpu.memory_space<vmem>>, %arg7: memref<2048x64xf32, #tpu.memory_space<vmem>>) attributes {dimension_semantics = [], scalar_prefetch = 0 : i64, scratch_operands = 1 : i64, tpu.core_type = #tpu.core_type<tc>} {
    %get3A = arith.constant 0 : index
    %get3A_0 = arith.constant 0 : index
    %get3A_1 = vector.load %arg0[%get3A, %get3A_0] : memref<2048x1024xf32, #tpu.memory_space<vmem>>, vector<2048x1024xf32>
    %get3A_2 = arith.constant 0 : index
    %get3A_3 = arith.constant 0 : index
    %get3A_4 = vector.load %arg1[%get3A_2, %get3A_3] : memref<64x1024xf32, #tpu.memory_space<vmem>>, vector<64x1024xf32>
    %convert_element_type3A = arith.truncf %get3A_1 : vector<2048x1024xf32> to vector<2048x1024xbf16>
    %convert_element_type3A_5 = arith.truncf %get3A_4 : vector<64x1024xf32> to vector<64x1024xbf16>
    %dot_general3A = arith.constant dense<0.000000e+00> : vector<2048x64xf32>
    %dot_general3A_6 = tpu.matmul %convert_element_type3A, %convert_element_type3A_5, %dot_general3A {dimension_numbers = #tpu.dot_dimension_numbers<[1], [1], [0], [0], [0, 0, 1, 0], [], []>, transpose_lhs_hint = false} : vector<2048x1024xbf16>, vector<64x1024xbf16>, vector<2048x64xf32> -> vector<2048x64xf32>
    %logistic3A = arith.negf %dot_general3A_6 : vector<2048x64xf32>
    %logistic3A_7 = math.exp %logistic3A : vector<2048x64xf32>
    %logistic3A_8 = arith.constant 1.000000e+00 : f32
    %logistic3A_9 = vector.broadcast %logistic3A_8 : f32 to vector<2048x64xf32>
    %logistic3A_10 = arith.addf %logistic3A_9, %logistic3A_7 : vector<2048x64xf32>
    %logistic3A_11 = arith.divf %logistic3A_9, %logistic3A_10 : vector<2048x64xf32>
    %get3A_12 = arith.constant 0 : index
    %get3A_13 = arith.constant 0 : index
    %get3A_14 = vector.load %arg2[%get3A_12, %get3A_13] : memref<1x64xf32, #tpu.memory_space<vmem>>, vector<1x64xf32>
    %add3A = vector.broadcast %get3A_14 : vector<1x64xf32> to vector<2048x64xf32>
    %add3A_15 = arith.addf %logistic3A_11, %add3A : vector<2048x64xf32>
    %iota3A = tpu.iota {dimensions = array<i32: 1>} : vector<2048x64xi32>
    %jit3A = arith.constant 8 : i32
    %div3A = vector.broadcast %jit3A : i32 to vector<2048x64xi32>
    %div3A_16 = arith.divsi %iota3A, %div3A : vector<2048x64xi32>
    %sign3A = arith.constant 0 : i32
    %sign3A_17 = vector.broadcast %sign3A : i32 to vector<2048x64xi32>
    %sign3A_18 = arith.cmpi sgt, %iota3A, %sign3A_17 : vector<2048x64xi32>
    %sign3A_19 = arith.extui %sign3A_18 : vector<2048x64xi1> to vector<2048x64xi32>
    %sign3A_20 = arith.constant 0 : i32
    %sign3A_21 = vector.broadcast %sign3A_20 : i32 to vector<2048x64xi32>
    %sign3A_22 = arith.cmpi slt, %iota3A, %sign3A_21 : vector<2048x64xi32>
    %sign3A_23 = arith.extui %sign3A_22 : vector<2048x64xi1> to vector<2048x64xi32>
    %sign3A_24 = arith.subi %sign3A_19, %sign3A_23 : vector<2048x64xi32>
    %sign3A_25 = arith.constant 0 : i32
    %sign3A_26 = arith.cmpi sgt, %jit3A, %sign3A_25 : i32
    %sign3A_27 = arith.extui %sign3A_26 : i1 to i32
    %sign3A_28 = arith.constant 0 : i32
    %sign3A_29 = arith.cmpi slt, %jit3A, %sign3A_28 : i32
    %sign3A_30 = arith.extui %sign3A_29 : i1 to i32
    %sign3A_31 = arith.subi %sign3A_27, %sign3A_30 : i32
    %ne3A = vector.broadcast %sign3A_31 : i32 to vector<2048x64xi32>
    %ne3A_32 = arith.cmpi ne, %sign3A_24, %ne3A : vector<2048x64xi32>
    %rem3A = vector.broadcast %jit3A : i32 to vector<2048x64xi32>
    %rem3A_33 = arith.remsi %iota3A, %rem3A : vector<2048x64xi32>
    %ne3A_34 = arith.constant 0 : i32
    %ne3A_35 = vector.broadcast %ne3A_34 : i32 to vector<2048x64xi32>
    %ne3A_36 = arith.cmpi ne, %rem3A_33, %ne3A_35 : vector<2048x64xi32>
    %and3A = arith.andi %ne3A_32, %ne3A_36 : vector<2048x64xi1>
    %sub3A = arith.constant 1 : i32
    %sub3A_37 = vector.broadcast %sub3A : i32 to vector<2048x64xi32>
    %sub3A_38 = arith.subi %div3A_16, %sub3A_37 : vector<2048x64xi32>
    %select_n3A = arith.select %and3A, %sub3A_38, %div3A_16 : vector<2048x64xi1>, vector<2048x64xi32>
    %broadcast_in_dim3A = arith.constant 0.000000e+00 : f32
    %broadcast_in_dim3A_39 = vector.broadcast %broadcast_in_dim3A : f32 to vector<2048x64xf32>
    %eq3A = arith.constant 0 : i32
    %eq3A_40 = vector.broadcast %eq3A : i32 to vector<2048x64xi32>
    %eq3A_41 = arith.cmpi eq, %select_n3A, %eq3A_40 : vector<2048x64xi32>
    %jit3A_42 = arith.constant -1.000000e+30 : f32
    %broadcast_in_dim3A_43 = vector.broadcast %jit3A_42 : f32 to vector<2048x64xf32>
    %select_n3A_44 = arith.select %eq3A_41, %add3A_15, %broadcast_in_dim3A_43 : vector<2048x64xi1>, vector<2048x64xf32>
    %reduce_max3A = arith.constant dense<0xFF800000> : vector<2048xf32>
    %reduce_max3A_45 = vector.multi_reduction <maximumf>, %select_n3A_44, %reduce_max3A [1] : vector<2048x64xf32> to vector<2048xf32>
    %broadcast_in_dim3A_46 = vector.shape_cast %reduce_max3A_45 : vector<2048xf32> to vector<2048x1xf32>
    %eq3A_47 = vector.broadcast %broadcast_in_dim3A_46 : vector<2048x1xf32> to vector<2048x64xf32>
    %eq3A_48 = arith.cmpf oeq, %select_n3A_44, %eq3A_47 : vector<2048x64xf32>
    %jit3A_49 = arith.constant 9999 : i32
    %broadcast_in_dim3A_50 = vector.broadcast %jit3A_49 : i32 to vector<2048x64xi32>
    %select_n3A_51 = arith.select %eq3A_48, %iota3A, %broadcast_in_dim3A_50 : vector<2048x64xi1>, vector<2048x64xi32>
    %reduce_min3A = arith.constant dense<2147483647> : vector<2048xi32>
    %reduce_min3A_52 = vector.multi_reduction <minsi>, %select_n3A_51, %reduce_min3A [1] : vector<2048x64xi32> to vector<2048xi32>
    %broadcast_in_dim3A_53 = vector.shape_cast %reduce_min3A_52 : vector<2048xi32> to vector<2048x1xi32>
    %eq3A_54 = vector.broadcast %broadcast_in_dim3A_53 : vector<2048x1xi32> to vector<2048x64xi32>
    %eq3A_55 = arith.cmpi eq, %iota3A, %eq3A_54 : vector<2048x64xi32>
    %jit3A_56 = arith.constant -1.000000e+30 : f32
    %broadcast_in_dim3A_57 = vector.broadcast %jit3A_56 : f32 to vector<2048x64xf32>
    %select_n3A_58 = arith.select %eq3A_55, %broadcast_in_dim3A_57, %select_n3A_44 : vector<2048x64xi1>, vector<2048x64xf32>
    %reduce_max3A_59 = arith.constant dense<0xFF800000> : vector<2048xf32>
    %reduce_max3A_60 = vector.multi_reduction <maximumf>, %select_n3A_58, %reduce_max3A_59 [1] : vector<2048x64xf32> to vector<2048xf32>
    %broadcast_in_dim3A_61 = vector.shape_cast %reduce_max3A_60 : vector<2048xf32> to vector<2048x1xf32>
    %add3A_62 = arith.addf %broadcast_in_dim3A_46, %broadcast_in_dim3A_61 : vector<2048x1xf32>
    %jit3A_63 = arith.constant 0.000000e+00 : f32
    %broadcast_in_dim3A_64 = vector.shape_cast %add3A_62 : vector<2048x1xf32> to vector<2048x1xf32>
    %broadcast_in_dim3A_65 = vector.broadcast %broadcast_in_dim3A_64 : vector<2048x1xf32> to vector<2048x64xf32>
    %broadcast_in_dim3A_66 = vector.broadcast %jit3A_63 : f32 to vector<2048x64xf32>
    %select_n3A_67 = arith.select %eq3A_41, %broadcast_in_dim3A_65, %broadcast_in_dim3A_66 : vector<2048x64xi1>, vector<2048x64xf32>
    %add3A_68 = arith.addf %broadcast_in_dim3A_39, %select_n3A_67 : vector<2048x64xf32>
    %eq3A_69 = arith.constant 1 : i32
    %eq3A_70 = vector.broadcast %eq3A_69 : i32 to vector<2048x64xi32>
    %eq3A_71 = arith.cmpi eq, %select_n3A, %eq3A_70 : vector<2048x64xi32>
    %jit3A_72 = arith.constant -1.000000e+30 : f32
    %broadcast_in_dim3A_73 = vector.broadcast %jit3A_72 : f32 to vector<2048x64xf32>
    %select_n3A_74 = arith.select %eq3A_71, %add3A_15, %broadcast_in_dim3A_73 : vector<2048x64xi1>, vector<2048x64xf32>
    %reduce_max3A_75 = arith.constant dense<0xFF800000> : vector<2048xf32>
    %reduce_max3A_76 = vector.multi_reduction <maximumf>, %select_n3A_74, %reduce_max3A_75 [1] : vector<2048x64xf32> to vector<2048xf32>
    %broadcast_in_dim3A_77 = vector.shape_cast %reduce_max3A_76 : vector<2048xf32> to vector<2048x1xf32>
    %eq3A_78 = vector.broadcast %broadcast_in_dim3A_77 : vector<2048x1xf32> to vector<2048x64xf32>
    %eq3A_79 = arith.cmpf oeq, %select_n3A_74, %eq3A_78 : vector<2048x64xf32>
    %jit3A_80 = arith.constant 9999 : i32
    %broadcast_in_dim3A_81 = vector.broadcast %jit3A_80 : i32 to vector<2048x64xi32>
    %select_n3A_82 = arith.select %eq3A_79, %iota3A, %broadcast_in_dim3A_81 : vector<2048x64xi1>, vector<2048x64xi32>
    %reduce_min3A_83 = arith.constant dense<2147483647> : vector<2048xi32>
    %reduce_min3A_84 = vector.multi_reduction <minsi>, %select_n3A_82, %reduce_min3A_83 [1] : vector<2048x64xi32> to vector<2048xi32>
    %broadcast_in_dim3A_85 = vector.shape_cast %reduce_min3A_84 : vector<2048xi32> to vector<2048x1xi32>
    %eq3A_86 = vector.broadcast %broadcast_in_dim3A_85 : vector<2048x1xi32> to vector<2048x64xi32>
    %eq3A_87 = arith.cmpi eq, %iota3A, %eq3A_86 : vector<2048x64xi32>
    %jit3A_88 = arith.constant -1.000000e+30 : f32
    %broadcast_in_dim3A_89 = vector.broadcast %jit3A_88 : f32 to vector<2048x64xf32>
    %select_n3A_90 = arith.select %eq3A_87, %broadcast_in_dim3A_89, %select_n3A_74 : vector<2048x64xi1>, vector<2048x64xf32>
    %reduce_max3A_91 = arith.constant dense<0xFF800000> : vector<2048xf32>
    %reduce_max3A_92 = vector.multi_reduction <maximumf>, %select_n3A_90, %reduce_max3A_91 [1] : vector<2048x64xf32> to vector<2048xf32>
    %broadcast_in_dim3A_93 = vector.shape_cast %reduce_max3A_92 : vector<2048xf32> to vector<2048x1xf32>
    %add3A_94 = arith.addf %broadcast_in_dim3A_77, %broadcast_in_dim3A_93 : vector<2048x1xf32>
    %jit3A_95 = arith.constant 0.000000e+00 : f32
    %broadcast_in_dim3A_96 = vector.shape_cast %add3A_94 : vector<2048x1xf32> to vector<2048x1xf32>
    %broadcast_in_dim3A_97 = vector.broadcast %broadcast_in_dim3A_96 : vector<2048x1xf32> to vector<2048x64xf32>
    %broadcast_in_dim3A_98 = vector.broadcast %jit3A_95 : f32 to vector<2048x64xf32>
    %select_n3A_99 = arith.select %eq3A_71, %broadcast_in_dim3A_97, %broadcast_in_dim3A_98 : vector<2048x64xi1>, vector<2048x64xf32>
    %add3A_100 = arith.addf %add3A_68, %select_n3A_99 : vector<2048x64xf32>
    %eq3A_101 = arith.constant 2 : i32
    %eq3A_102 = vector.broadcast %eq3A_101 : i32 to vector<2048x64xi32>
    %eq3A_103 = arith.cmpi eq, %select_n3A, %eq3A_102 : vector<2048x64xi32>
    %jit3A_104 = arith.constant -1.000000e+30 : f32
    %broadcast_in_dim3A_105 = vector.broadcast %jit3A_104 : f32 to vector<2048x64xf32>
    %select_n3A_106 = arith.select %eq3A_103, %add3A_15, %broadcast_in_dim3A_105 : vector<2048x64xi1>, vector<2048x64xf32>
    %reduce_max3A_107 = arith.constant dense<0xFF800000> : vector<2048xf32>
    %reduce_max3A_108 = vector.multi_reduction <maximumf>, %select_n3A_106, %reduce_max3A_107 [1] : vector<2048x64xf32> to vector<2048xf32>
    %broadcast_in_dim3A_109 = vector.shape_cast %reduce_max3A_108 : vector<2048xf32> to vector<2048x1xf32>
    %eq3A_110 = vector.broadcast %broadcast_in_dim3A_109 : vector<2048x1xf32> to vector<2048x64xf32>
    %eq3A_111 = arith.cmpf oeq, %select_n3A_106, %eq3A_110 : vector<2048x64xf32>
    %jit3A_112 = arith.constant 9999 : i32
    %broadcast_in_dim3A_113 = vector.broadcast %jit3A_112 : i32 to vector<2048x64xi32>
    %select_n3A_114 = arith.select %eq3A_111, %iota3A, %broadcast_in_dim3A_113 : vector<2048x64xi1>, vector<2048x64xi32>
    %reduce_min3A_115 = arith.constant dense<2147483647> : vector<2048xi32>
    %reduce_min3A_116 = vector.multi_reduction <minsi>, %select_n3A_114, %reduce_min3A_115 [1] : vector<2048x64xi32> to vector<2048xi32>
    %broadcast_in_dim3A_117 = vector.shape_cast %reduce_min3A_116 : vector<2048xi32> to vector<2048x1xi32>
    %eq3A_118 = vector.broadcast %broadcast_in_dim3A_117 : vector<2048x1xi32> to vector<2048x64xi32>
    %eq3A_119 = arith.cmpi eq, %iota3A, %eq3A_118 : vector<2048x64xi32>
    %jit3A_120 = arith.constant -1.000000e+30 : f32
    %broadcast_in_dim3A_121 = vector.broadcast %jit3A_120 : f32 to vector<2048x64xf32>
    %select_n3A_122 = arith.select %eq3A_119, %broadcast_in_dim3A_121, %select_n3A_106 : vector<2048x64xi1>, vector<2048x64xf32>
    %reduce_max3A_123 = arith.constant dense<0xFF800000> : vector<2048xf32>
    %reduce_max3A_124 = vector.multi_reduction <maximumf>, %select_n3A_122, %reduce_max3A_123 [1] : vector<2048x64xf32> to vector<2048xf32>
    %broadcast_in_dim3A_125 = vector.shape_cast %reduce_max3A_124 : vector<2048xf32> to vector<2048x1xf32>
    %add3A_126 = arith.addf %broadcast_in_dim3A_109, %broadcast_in_dim3A_125 : vector<2048x1xf32>
    %jit3A_127 = arith.constant 0.000000e+00 : f32
    %broadcast_in_dim3A_128 = vector.shape_cast %add3A_126 : vector<2048x1xf32> to vector<2048x1xf32>
    %broadcast_in_dim3A_129 = vector.broadcast %broadcast_in_dim3A_128 : vector<2048x1xf32> to vector<2048x64xf32>
    %broadcast_in_dim3A_130 = vector.broadcast %jit3A_127 : f32 to vector<2048x64xf32>
    %select_n3A_131 = arith.select %eq3A_103, %broadcast_in_dim3A_129, %broadcast_in_dim3A_130 : vector<2048x64xi1>, vector<2048x64xf32>
    %add3A_132 = arith.addf %add3A_100, %select_n3A_131 : vector<2048x64xf32>
    %eq3A_133 = arith.constant 3 : i32
    %eq3A_134 = vector.broadcast %eq3A_133 : i32 to vector<2048x64xi32>
    %eq3A_135 = arith.cmpi eq, %select_n3A, %eq3A_134 : vector<2048x64xi32>
    %jit3A_136 = arith.constant -1.000000e+30 : f32
    %broadcast_in_dim3A_137 = vector.broadcast %jit3A_136 : f32 to vector<2048x64xf32>
    %select_n3A_138 = arith.select %eq3A_135, %add3A_15, %broadcast_in_dim3A_137 : vector<2048x64xi1>, vector<2048x64xf32>
    %reduce_max3A_139 = arith.constant dense<0xFF800000> : vector<2048xf32>
    %reduce_max3A_140 = vector.multi_reduction <maximumf>, %select_n3A_138, %reduce_max3A_139 [1] : vector<2048x64xf32> to vector<2048xf32>
    %broadcast_in_dim3A_141 = vector.shape_cast %reduce_max3A_140 : vector<2048xf32> to vector<2048x1xf32>
    %eq3A_142 = vector.broadcast %broadcast_in_dim3A_141 : vector<2048x1xf32> to vector<2048x64xf32>
    %eq3A_143 = arith.cmpf oeq, %select_n3A_138, %eq3A_142 : vector<2048x64xf32>
    %jit3A_144 = arith.constant 9999 : i32
    %broadcast_in_dim3A_145 = vector.broadcast %jit3A_144 : i32 to vector<2048x64xi32>
    %select_n3A_146 = arith.select %eq3A_143, %iota3A, %broadcast_in_dim3A_145 : vector<2048x64xi1>, vector<2048x64xi32>
    %reduce_min3A_147 = arith.constant dense<2147483647> : vector<2048xi32>
    %reduce_min3A_148 = vector.multi_reduction <minsi>, %select_n3A_146, %reduce_min3A_147 [1] : vector<2048x64xi32> to vector<2048xi32>
    %broadcast_in_dim3A_149 = vector.shape_cast %reduce_min3A_148 : vector<2048xi32> to vector<2048x1xi32>
    %eq3A_150 = vector.broadcast %broadcast_in_dim3A_149 : vector<2048x1xi32> to vector<2048x64xi32>
    %eq3A_151 = arith.cmpi eq, %iota3A, %eq3A_150 : vector<2048x64xi32>
    %jit3A_152 = arith.constant -1.000000e+30 : f32
    %broadcast_in_dim3A_153 = vector.broadcast %jit3A_152 : f32 to vector<2048x64xf32>
    %select_n3A_154 = arith.select %eq3A_151, %broadcast_in_dim3A_153, %select_n3A_138 : vector<2048x64xi1>, vector<2048x64xf32>
    %reduce_max3A_155 = arith.constant dense<0xFF800000> : vector<2048xf32>
    %reduce_max3A_156 = vector.multi_reduction <maximumf>, %select_n3A_154, %reduce_max3A_155 [1] : vector<2048x64xf32> to vector<2048xf32>
    %broadcast_in_dim3A_157 = vector.shape_cast %reduce_max3A_156 : vector<2048xf32> to vector<2048x1xf32>
    %add3A_158 = arith.addf %broadcast_in_dim3A_141, %broadcast_in_dim3A_157 : vector<2048x1xf32>
    %jit3A_159 = arith.constant 0.000000e+00 : f32
    %broadcast_in_dim3A_160 = vector.shape_cast %add3A_158 : vector<2048x1xf32> to vector<2048x1xf32>
    %broadcast_in_dim3A_161 = vector.broadcast %broadcast_in_dim3A_160 : vector<2048x1xf32> to vector<2048x64xf32>
    %broadcast_in_dim3A_162 = vector.broadcast %jit3A_159 : f32 to vector<2048x64xf32>
    %select_n3A_163 = arith.select %eq3A_135, %broadcast_in_dim3A_161, %broadcast_in_dim3A_162 : vector<2048x64xi1>, vector<2048x64xf32>
    %add3A_164 = arith.addf %add3A_132, %select_n3A_163 : vector<2048x64xf32>
    %eq3A_165 = arith.constant 4 : i32
    %eq3A_166 = vector.broadcast %eq3A_165 : i32 to vector<2048x64xi32>
    %eq3A_167 = arith.cmpi eq, %select_n3A, %eq3A_166 : vector<2048x64xi32>
    %jit3A_168 = arith.constant -1.000000e+30 : f32
    %broadcast_in_dim3A_169 = vector.broadcast %jit3A_168 : f32 to vector<2048x64xf32>
    %select_n3A_170 = arith.select %eq3A_167, %add3A_15, %broadcast_in_dim3A_169 : vector<2048x64xi1>, vector<2048x64xf32>
    %reduce_max3A_171 = arith.constant dense<0xFF800000> : vector<2048xf32>
    %reduce_max3A_172 = vector.multi_reduction <maximumf>, %select_n3A_170, %reduce_max3A_171 [1] : vector<2048x64xf32> to vector<2048xf32>
    %broadcast_in_dim3A_173 = vector.shape_cast %reduce_max3A_172 : vector<2048xf32> to vector<2048x1xf32>
    %eq3A_174 = vector.broadcast %broadcast_in_dim3A_173 : vector<2048x1xf32> to vector<2048x64xf32>
    %eq3A_175 = arith.cmpf oeq, %select_n3A_170, %eq3A_174 : vector<2048x64xf32>
    %jit3A_176 = arith.constant 9999 : i32
    %broadcast_in_dim3A_177 = vector.broadcast %jit3A_176 : i32 to vector<2048x64xi32>
    %select_n3A_178 = arith.select %eq3A_175, %iota3A, %broadcast_in_dim3A_177 : vector<2048x64xi1>, vector<2048x64xi32>
    %reduce_min3A_179 = arith.constant dense<2147483647> : vector<2048xi32>
    %reduce_min3A_180 = vector.multi_reduction <minsi>, %select_n3A_178, %reduce_min3A_179 [1] : vector<2048x64xi32> to vector<2048xi32>
    %broadcast_in_dim3A_181 = vector.shape_cast %reduce_min3A_180 : vector<2048xi32> to vector<2048x1xi32>
    %eq3A_182 = vector.broadcast %broadcast_in_dim3A_181 : vector<2048x1xi32> to vector<2048x64xi32>
    %eq3A_183 = arith.cmpi eq, %iota3A, %eq3A_182 : vector<2048x64xi32>
    %jit3A_184 = arith.constant -1.000000e+30 : f32
    %broadcast_in_dim3A_185 = vector.broadcast %jit3A_184 : f32 to vector<2048x64xf32>
    %select_n3A_186 = arith.select %eq3A_183, %broadcast_in_dim3A_185, %select_n3A_170 : vector<2048x64xi1>, vector<2048x64xf32>
    %reduce_max3A_187 = arith.constant dense<0xFF800000> : vector<2048xf32>
    %reduce_max3A_188 = vector.multi_reduction <maximumf>, %select_n3A_186, %reduce_max3A_187 [1] : vector<2048x64xf32> to vector<2048xf32>
    %broadcast_in_dim3A_189 = vector.shape_cast %reduce_max3A_188 : vector<2048xf32> to vector<2048x1xf32>
    %add3A_190 = arith.addf %broadcast_in_dim3A_173, %broadcast_in_dim3A_189 : vector<2048x1xf32>
    %jit3A_191 = arith.constant 0.000000e+00 : f32
    %broadcast_in_dim3A_192 = vector.shape_cast %add3A_190 : vector<2048x1xf32> to vector<2048x1xf32>
    %broadcast_in_dim3A_193 = vector.broadcast %broadcast_in_dim3A_192 : vector<2048x1xf32> to vector<2048x64xf32>
    %broadcast_in_dim3A_194 = vector.broadcast %jit3A_191 : f32 to vector<2048x64xf32>
    %select_n3A_195 = arith.select %eq3A_167, %broadcast_in_dim3A_193, %broadcast_in_dim3A_194 : vector<2048x64xi1>, vector<2048x64xf32>
    %add3A_196 = arith.addf %add3A_164, %select_n3A_195 : vector<2048x64xf32>
    %eq3A_197 = arith.constant 5 : i32
    %eq3A_198 = vector.broadcast %eq3A_197 : i32 to vector<2048x64xi32>
    %eq3A_199 = arith.cmpi eq, %select_n3A, %eq3A_198 : vector<2048x64xi32>
    %jit3A_200 = arith.constant -1.000000e+30 : f32
    %broadcast_in_dim3A_201 = vector.broadcast %jit3A_200 : f32 to vector<2048x64xf32>
    %select_n3A_202 = arith.select %eq3A_199, %add3A_15, %broadcast_in_dim3A_201 : vector<2048x64xi1>, vector<2048x64xf32>
    %reduce_max3A_203 = arith.constant dense<0xFF800000> : vector<2048xf32>
    %reduce_max3A_204 = vector.multi_reduction <maximumf>, %select_n3A_202, %reduce_max3A_203 [1] : vector<2048x64xf32> to vector<2048xf32>
    %broadcast_in_dim3A_205 = vector.shape_cast %reduce_max3A_204 : vector<2048xf32> to vector<2048x1xf32>
    %eq3A_206 = vector.broadcast %broadcast_in_dim3A_205 : vector<2048x1xf32> to vector<2048x64xf32>
    %eq3A_207 = arith.cmpf oeq, %select_n3A_202, %eq3A_206 : vector<2048x64xf32>
    %jit3A_208 = arith.constant 9999 : i32
    %broadcast_in_dim3A_209 = vector.broadcast %jit3A_208 : i32 to vector<2048x64xi32>
    %select_n3A_210 = arith.select %eq3A_207, %iota3A, %broadcast_in_dim3A_209 : vector<2048x64xi1>, vector<2048x64xi32>
    %reduce_min3A_211 = arith.constant dense<2147483647> : vector<2048xi32>
    %reduce_min3A_212 = vector.multi_reduction <minsi>, %select_n3A_210, %reduce_min3A_211 [1] : vector<2048x64xi32> to vector<2048xi32>
    %broadcast_in_dim3A_213 = vector.shape_cast %reduce_min3A_212 : vector<2048xi32> to vector<2048x1xi32>
    %eq3A_214 = vector.broadcast %broadcast_in_dim3A_213 : vector<2048x1xi32> to vector<2048x64xi32>
    %eq3A_215 = arith.cmpi eq, %iota3A, %eq3A_214 : vector<2048x64xi32>
    %jit3A_216 = arith.constant -1.000000e+30 : f32
    %broadcast_in_dim3A_217 = vector.broadcast %jit3A_216 : f32 to vector<2048x64xf32>
    %select_n3A_218 = arith.select %eq3A_215, %broadcast_in_dim3A_217, %select_n3A_202 : vector<2048x64xi1>, vector<2048x64xf32>
    %reduce_max3A_219 = arith.constant dense<0xFF800000> : vector<2048xf32>
    %reduce_max3A_220 = vector.multi_reduction <maximumf>, %select_n3A_218, %reduce_max3A_219 [1] : vector<2048x64xf32> to vector<2048xf32>
    %broadcast_in_dim3A_221 = vector.shape_cast %reduce_max3A_220 : vector<2048xf32> to vector<2048x1xf32>
    %add3A_222 = arith.addf %broadcast_in_dim3A_205, %broadcast_in_dim3A_221 : vector<2048x1xf32>
    %jit3A_223 = arith.constant 0.000000e+00 : f32
    %broadcast_in_dim3A_224 = vector.shape_cast %add3A_222 : vector<2048x1xf32> to vector<2048x1xf32>
    %broadcast_in_dim3A_225 = vector.broadcast %broadcast_in_dim3A_224 : vector<2048x1xf32> to vector<2048x64xf32>
    %broadcast_in_dim3A_226 = vector.broadcast %jit3A_223 : f32 to vector<2048x64xf32>
    %select_n3A_227 = arith.select %eq3A_199, %broadcast_in_dim3A_225, %broadcast_in_dim3A_226 : vector<2048x64xi1>, vector<2048x64xf32>
    %add3A_228 = arith.addf %add3A_196, %select_n3A_227 : vector<2048x64xf32>
    %eq3A_229 = arith.constant 6 : i32
    %eq3A_230 = vector.broadcast %eq3A_229 : i32 to vector<2048x64xi32>
    %eq3A_231 = arith.cmpi eq, %select_n3A, %eq3A_230 : vector<2048x64xi32>
    %jit3A_232 = arith.constant -1.000000e+30 : f32
    %broadcast_in_dim3A_233 = vector.broadcast %jit3A_232 : f32 to vector<2048x64xf32>
    %select_n3A_234 = arith.select %eq3A_231, %add3A_15, %broadcast_in_dim3A_233 : vector<2048x64xi1>, vector<2048x64xf32>
    %reduce_max3A_235 = arith.constant dense<0xFF800000> : vector<2048xf32>
    %reduce_max3A_236 = vector.multi_reduction <maximumf>, %select_n3A_234, %reduce_max3A_235 [1] : vector<2048x64xf32> to vector<2048xf32>
    %broadcast_in_dim3A_237 = vector.shape_cast %reduce_max3A_236 : vector<2048xf32> to vector<2048x1xf32>
    %eq3A_238 = vector.broadcast %broadcast_in_dim3A_237 : vector<2048x1xf32> to vector<2048x64xf32>
    %eq3A_239 = arith.cmpf oeq, %select_n3A_234, %eq3A_238 : vector<2048x64xf32>
    %jit3A_240 = arith.constant 9999 : i32
    %broadcast_in_dim3A_241 = vector.broadcast %jit3A_240 : i32 to vector<2048x64xi32>
    %select_n3A_242 = arith.select %eq3A_239, %iota3A, %broadcast_in_dim3A_241 : vector<2048x64xi1>, vector<2048x64xi32>
    %reduce_min3A_243 = arith.constant dense<2147483647> : vector<2048xi32>
    %reduce_min3A_244 = vector.multi_reduction <minsi>, %select_n3A_242, %reduce_min3A_243 [1] : vector<2048x64xi32> to vector<2048xi32>
    %broadcast_in_dim3A_245 = vector.shape_cast %reduce_min3A_244 : vector<2048xi32> to vector<2048x1xi32>
    %eq3A_246 = vector.broadcast %broadcast_in_dim3A_245 : vector<2048x1xi32> to vector<2048x64xi32>
    %eq3A_247 = arith.cmpi eq, %iota3A, %eq3A_246 : vector<2048x64xi32>
    %jit3A_248 = arith.constant -1.000000e+30 : f32
    %broadcast_in_dim3A_249 = vector.broadcast %jit3A_248 : f32 to vector<2048x64xf32>
    %select_n3A_250 = arith.select %eq3A_247, %broadcast_in_dim3A_249, %select_n3A_234 : vector<2048x64xi1>, vector<2048x64xf32>
    %reduce_max3A_251 = arith.constant dense<0xFF800000> : vector<2048xf32>
    %reduce_max3A_252 = vector.multi_reduction <maximumf>, %select_n3A_250, %reduce_max3A_251 [1] : vector<2048x64xf32> to vector<2048xf32>
    %broadcast_in_dim3A_253 = vector.shape_cast %reduce_max3A_252 : vector<2048xf32> to vector<2048x1xf32>
    %add3A_254 = arith.addf %broadcast_in_dim3A_237, %broadcast_in_dim3A_253 : vector<2048x1xf32>
    %jit3A_255 = arith.constant 0.000000e+00 : f32
    %broadcast_in_dim3A_256 = vector.shape_cast %add3A_254 : vector<2048x1xf32> to vector<2048x1xf32>
    %broadcast_in_dim3A_257 = vector.broadcast %broadcast_in_dim3A_256 : vector<2048x1xf32> to vector<2048x64xf32>
    %broadcast_in_dim3A_258 = vector.broadcast %jit3A_255 : f32 to vector<2048x64xf32>
    %select_n3A_259 = arith.select %eq3A_231, %broadcast_in_dim3A_257, %broadcast_in_dim3A_258 : vector<2048x64xi1>, vector<2048x64xf32>
    %add3A_260 = arith.addf %add3A_228, %select_n3A_259 : vector<2048x64xf32>
    %eq3A_261 = arith.constant 7 : i32
    %eq3A_262 = vector.broadcast %eq3A_261 : i32 to vector<2048x64xi32>
    %eq3A_263 = arith.cmpi eq, %select_n3A, %eq3A_262 : vector<2048x64xi32>
    %jit3A_264 = arith.constant -1.000000e+30 : f32
    %broadcast_in_dim3A_265 = vector.broadcast %jit3A_264 : f32 to vector<2048x64xf32>
    %select_n3A_266 = arith.select %eq3A_263, %add3A_15, %broadcast_in_dim3A_265 : vector<2048x64xi1>, vector<2048x64xf32>
    %reduce_max3A_267 = arith.constant dense<0xFF800000> : vector<2048xf32>
    %reduce_max3A_268 = vector.multi_reduction <maximumf>, %select_n3A_266, %reduce_max3A_267 [1] : vector<2048x64xf32> to vector<2048xf32>
    %broadcast_in_dim3A_269 = vector.shape_cast %reduce_max3A_268 : vector<2048xf32> to vector<2048x1xf32>
    %eq3A_270 = vector.broadcast %broadcast_in_dim3A_269 : vector<2048x1xf32> to vector<2048x64xf32>
    %eq3A_271 = arith.cmpf oeq, %select_n3A_266, %eq3A_270 : vector<2048x64xf32>
    %jit3A_272 = arith.constant 9999 : i32
    %broadcast_in_dim3A_273 = vector.broadcast %jit3A_272 : i32 to vector<2048x64xi32>
    %select_n3A_274 = arith.select %eq3A_271, %iota3A, %broadcast_in_dim3A_273 : vector<2048x64xi1>, vector<2048x64xi32>
    %reduce_min3A_275 = arith.constant dense<2147483647> : vector<2048xi32>
    %reduce_min3A_276 = vector.multi_reduction <minsi>, %select_n3A_274, %reduce_min3A_275 [1] : vector<2048x64xi32> to vector<2048xi32>
    %broadcast_in_dim3A_277 = vector.shape_cast %reduce_min3A_276 : vector<2048xi32> to vector<2048x1xi32>
    %eq3A_278 = vector.broadcast %broadcast_in_dim3A_277 : vector<2048x1xi32> to vector<2048x64xi32>
    %eq3A_279 = arith.cmpi eq, %iota3A, %eq3A_278 : vector<2048x64xi32>
    %jit3A_280 = arith.constant -1.000000e+30 : f32
    %broadcast_in_dim3A_281 = vector.broadcast %jit3A_280 : f32 to vector<2048x64xf32>
    %select_n3A_282 = arith.select %eq3A_279, %broadcast_in_dim3A_281, %select_n3A_266 : vector<2048x64xi1>, vector<2048x64xf32>
    %reduce_max3A_283 = arith.constant dense<0xFF800000> : vector<2048xf32>
    %reduce_max3A_284 = vector.multi_reduction <maximumf>, %select_n3A_282, %reduce_max3A_283 [1] : vector<2048x64xf32> to vector<2048xf32>
    %broadcast_in_dim3A_285 = vector.shape_cast %reduce_max3A_284 : vector<2048xf32> to vector<2048x1xf32>
    %add3A_286 = arith.addf %broadcast_in_dim3A_269, %broadcast_in_dim3A_285 : vector<2048x1xf32>
    %jit3A_287 = arith.constant 0.000000e+00 : f32
    %broadcast_in_dim3A_288 = vector.shape_cast %add3A_286 : vector<2048x1xf32> to vector<2048x1xf32>
    %broadcast_in_dim3A_289 = vector.broadcast %broadcast_in_dim3A_288 : vector<2048x1xf32> to vector<2048x64xf32>
    %broadcast_in_dim3A_290 = vector.broadcast %jit3A_287 : f32 to vector<2048x64xf32>
    %select_n3A_291 = arith.select %eq3A_263, %broadcast_in_dim3A_289, %broadcast_in_dim3A_290 : vector<2048x64xi1>, vector<2048x64xf32>
    %add3A_292 = arith.addf %add3A_260, %select_n3A_291 : vector<2048x64xf32>
    %broadcast_in_dim3A_293 = arith.constant false
    %broadcast_in_dim3A_294 = vector.broadcast %broadcast_in_dim3A_293 : i1 to vector<2048x64xi1>
    %reduce_max3A_295 = arith.constant dense<0xFF800000> : vector<2048xf32>
    %reduce_max3A_296 = vector.multi_reduction <maximumf>, %add3A_292, %reduce_max3A_295 [1] : vector<2048x64xf32> to vector<2048xf32>
    %broadcast_in_dim3A_297 = vector.shape_cast %reduce_max3A_296 : vector<2048xf32> to vector<2048x1xf32>
    %eq3A_298 = vector.broadcast %broadcast_in_dim3A_297 : vector<2048x1xf32> to vector<2048x64xf32>
    %eq3A_299 = arith.cmpf oeq, %add3A_292, %eq3A_298 : vector<2048x64xf32>
    %jit3A_300 = arith.constant 9999 : i32
    %broadcast_in_dim3A_301 = vector.broadcast %jit3A_300 : i32 to vector<2048x64xi32>
    %select_n3A_302 = arith.select %eq3A_299, %select_n3A, %broadcast_in_dim3A_301 : vector<2048x64xi1>, vector<2048x64xi32>
    %reduce_min3A_303 = arith.constant dense<2147483647> : vector<2048xi32>
    %reduce_min3A_304 = vector.multi_reduction <minsi>, %select_n3A_302, %reduce_min3A_303 [1] : vector<2048x64xi32> to vector<2048xi32>
    %broadcast_in_dim3A_305 = vector.shape_cast %reduce_min3A_304 : vector<2048xi32> to vector<2048x1xi32>
    %eq3A_306 = vector.broadcast %broadcast_in_dim3A_305 : vector<2048x1xi32> to vector<2048x64xi32>
    %eq3A_307 = arith.cmpi eq, %select_n3A, %eq3A_306 : vector<2048x64xi32>
    %or3A = arith.ori %broadcast_in_dim3A_294, %eq3A_307 : vector<2048x64xi1>
    %jit3A_308 = arith.constant -1.000000e+30 : f32
    %broadcast_in_dim3A_309 = vector.broadcast %jit3A_308 : f32 to vector<2048x64xf32>
    %select_n3A_310 = arith.select %eq3A_307, %broadcast_in_dim3A_309, %add3A_292 : vector<2048x64xi1>, vector<2048x64xf32>
    %reduce_max3A_311 = arith.constant dense<0xFF800000> : vector<2048xf32>
    %reduce_max3A_312 = vector.multi_reduction <maximumf>, %select_n3A_310, %reduce_max3A_311 [1] : vector<2048x64xf32> to vector<2048xf32>
    %broadcast_in_dim3A_313 = vector.shape_cast %reduce_max3A_312 : vector<2048xf32> to vector<2048x1xf32>
    %eq3A_314 = vector.broadcast %broadcast_in_dim3A_313 : vector<2048x1xf32> to vector<2048x64xf32>
    %eq3A_315 = arith.cmpf oeq, %select_n3A_310, %eq3A_314 : vector<2048x64xf32>
    %jit3A_316 = arith.constant 9999 : i32
    %broadcast_in_dim3A_317 = vector.broadcast %jit3A_316 : i32 to vector<2048x64xi32>
    %select_n3A_318 = arith.select %eq3A_315, %select_n3A, %broadcast_in_dim3A_317 : vector<2048x64xi1>, vector<2048x64xi32>
    %reduce_min3A_319 = arith.constant dense<2147483647> : vector<2048xi32>
    %reduce_min3A_320 = vector.multi_reduction <minsi>, %select_n3A_318, %reduce_min3A_319 [1] : vector<2048x64xi32> to vector<2048xi32>
    %broadcast_in_dim3A_321 = vector.shape_cast %reduce_min3A_320 : vector<2048xi32> to vector<2048x1xi32>
    %eq3A_322 = vector.broadcast %broadcast_in_dim3A_321 : vector<2048x1xi32> to vector<2048x64xi32>
    %eq3A_323 = arith.cmpi eq, %select_n3A, %eq3A_322 : vector<2048x64xi32>
    %or3A_324 = arith.ori %or3A, %eq3A_323 : vector<2048x64xi1>
    %jit3A_325 = arith.constant -1.000000e+30 : f32
    %broadcast_in_dim3A_326 = vector.broadcast %jit3A_325 : f32 to vector<2048x64xf32>
    %select_n3A_327 = arith.select %eq3A_323, %broadcast_in_dim3A_326, %select_n3A_310 : vector<2048x64xi1>, vector<2048x64xf32>
    %reduce_max3A_328 = arith.constant dense<0xFF800000> : vector<2048xf32>
    %reduce_max3A_329 = vector.multi_reduction <maximumf>, %select_n3A_327, %reduce_max3A_328 [1] : vector<2048x64xf32> to vector<2048xf32>
    %broadcast_in_dim3A_330 = vector.shape_cast %reduce_max3A_329 : vector<2048xf32> to vector<2048x1xf32>
    %eq3A_331 = vector.broadcast %broadcast_in_dim3A_330 : vector<2048x1xf32> to vector<2048x64xf32>
    %eq3A_332 = arith.cmpf oeq, %select_n3A_327, %eq3A_331 : vector<2048x64xf32>
    %jit3A_333 = arith.constant 9999 : i32
    %broadcast_in_dim3A_334 = vector.broadcast %jit3A_333 : i32 to vector<2048x64xi32>
    %select_n3A_335 = arith.select %eq3A_332, %select_n3A, %broadcast_in_dim3A_334 : vector<2048x64xi1>, vector<2048x64xi32>
    %reduce_min3A_336 = arith.constant dense<2147483647> : vector<2048xi32>
    %reduce_min3A_337 = vector.multi_reduction <minsi>, %select_n3A_335, %reduce_min3A_336 [1] : vector<2048x64xi32> to vector<2048xi32>
    %broadcast_in_dim3A_338 = vector.shape_cast %reduce_min3A_337 : vector<2048xi32> to vector<2048x1xi32>
    %eq3A_339 = vector.broadcast %broadcast_in_dim3A_338 : vector<2048x1xi32> to vector<2048x64xi32>
    %eq3A_340 = arith.cmpi eq, %select_n3A, %eq3A_339 : vector<2048x64xi32>
    %or3A_341 = arith.ori %or3A_324, %eq3A_340 : vector<2048x64xi1>
    %jit3A_342 = arith.constant -1.000000e+30 : f32
    %broadcast_in_dim3A_343 = vector.broadcast %jit3A_342 : f32 to vector<2048x64xf32>
    %select_n3A_344 = arith.select %eq3A_340, %broadcast_in_dim3A_343, %select_n3A_327 : vector<2048x64xi1>, vector<2048x64xf32>
    %reduce_max3A_345 = arith.constant dense<0xFF800000> : vector<2048xf32>
    %reduce_max3A_346 = vector.multi_reduction <maximumf>, %select_n3A_344, %reduce_max3A_345 [1] : vector<2048x64xf32> to vector<2048xf32>
    %broadcast_in_dim3A_347 = vector.shape_cast %reduce_max3A_346 : vector<2048xf32> to vector<2048x1xf32>
    %eq3A_348 = vector.broadcast %broadcast_in_dim3A_347 : vector<2048x1xf32> to vector<2048x64xf32>
    %eq3A_349 = arith.cmpf oeq, %select_n3A_344, %eq3A_348 : vector<2048x64xf32>
    %jit3A_350 = arith.constant 9999 : i32
    %broadcast_in_dim3A_351 = vector.broadcast %jit3A_350 : i32 to vector<2048x64xi32>
    %select_n3A_352 = arith.select %eq3A_349, %select_n3A, %broadcast_in_dim3A_351 : vector<2048x64xi1>, vector<2048x64xi32>
    %reduce_min3A_353 = arith.constant dense<2147483647> : vector<2048xi32>
    %reduce_min3A_354 = vector.multi_reduction <minsi>, %select_n3A_352, %reduce_min3A_353 [1] : vector<2048x64xi32> to vector<2048xi32>
    %broadcast_in_dim3A_355 = vector.shape_cast %reduce_min3A_354 : vector<2048xi32> to vector<2048x1xi32>
    %eq3A_356 = vector.broadcast %broadcast_in_dim3A_355 : vector<2048x1xi32> to vector<2048x64xi32>
    %eq3A_357 = arith.cmpi eq, %select_n3A, %eq3A_356 : vector<2048x64xi32>
    %or3A_358 = arith.ori %or3A_341, %eq3A_357 : vector<2048x64xi1>
    %jit3A_359 = arith.constant 0.000000e+00 : f32
    %broadcast_in_dim3A_360 = vector.broadcast %jit3A_359 : f32 to vector<2048x64xf32>
    %select_n3A_361 = arith.select %or3A_358, %add3A_15, %broadcast_in_dim3A_360 : vector<2048x64xi1>, vector<2048x64xf32>
    %broadcast_in_dim3A_362 = arith.constant false
    %broadcast_in_dim3A_363 = vector.broadcast %broadcast_in_dim3A_362 : i1 to vector<2048x64xi1>
    %iota3A_364 = tpu.iota {dimensions = array<i32: 1>} : vector<2048x8xi32>
    %broadcast_in_dim3A_365 = arith.constant 0.000000e+00 : f32
    %broadcast_in_dim3A_366 = vector.broadcast %broadcast_in_dim3A_365 : f32 to vector<2048x8xf32>
    %broadcast_in_dim3A_367 = arith.constant 0.000000e+00 : f32
    %broadcast_in_dim3A_368 = vector.broadcast %broadcast_in_dim3A_367 : f32 to vector<2048x1xf32>
    %jit3A_369 = arith.constant -1.000000e+30 : f32
    %broadcast_in_dim3A_370 = vector.broadcast %jit3A_369 : f32 to vector<2048x64xf32>
    %select_n3A_371 = arith.select %broadcast_in_dim3A_363, %broadcast_in_dim3A_370, %select_n3A_361 : vector<2048x64xi1>, vector<2048x64xf32>
    %reduce_max3A_372 = arith.constant dense<0xFF800000> : vector<2048xf32>
    %reduce_max3A_373 = vector.multi_reduction <maximumf>, %select_n3A_371, %reduce_max3A_372 [1] : vector<2048x64xf32> to vector<2048xf32>
    %broadcast_in_dim3A_374 = vector.shape_cast %reduce_max3A_373 : vector<2048xf32> to vector<2048x1xf32>
    %eq3A_375 = vector.broadcast %broadcast_in_dim3A_374 : vector<2048x1xf32> to vector<2048x64xf32>
    %eq3A_376 = arith.cmpf oeq, %select_n3A_371, %eq3A_375 : vector<2048x64xf32>
    %jit3A_377 = arith.constant 9999 : i32
    %broadcast_in_dim3A_378 = vector.broadcast %jit3A_377 : i32 to vector<2048x64xi32>
    %select_n3A_379 = arith.select %eq3A_376, %iota3A, %broadcast_in_dim3A_378 : vector<2048x64xi1>, vector<2048x64xi32>
    %reduce_min3A_380 = arith.constant dense<2147483647> : vector<2048xi32>
    %reduce_min3A_381 = vector.multi_reduction <minsi>, %select_n3A_379, %reduce_min3A_380 [1] : vector<2048x64xi32> to vector<2048xi32>
    %broadcast_in_dim3A_382 = vector.shape_cast %reduce_min3A_381 : vector<2048xi32> to vector<2048x1xi32>
    %eq3A_383 = vector.broadcast %broadcast_in_dim3A_382 : vector<2048x1xi32> to vector<2048x64xi32>
    %eq3A_384 = arith.cmpi eq, %iota3A, %eq3A_383 : vector<2048x64xi32>
    %or3A_385 = arith.ori %broadcast_in_dim3A_363, %eq3A_384 : vector<2048x64xi1>
    %eq3A_386 = vector.broadcast %broadcast_in_dim3A_382 : vector<2048x1xi32> to vector<2048x64xi32>
    %eq3A_387 = arith.cmpi eq, %iota3A, %eq3A_386 : vector<2048x64xi32>
    %jit3A_388 = arith.constant 0.000000e+00 : f32
    %broadcast_in_dim3A_389 = vector.broadcast %jit3A_388 : f32 to vector<2048x64xf32>
    %select_n3A_390 = arith.select %eq3A_387, %logistic3A_11, %broadcast_in_dim3A_389 : vector<2048x64xi1>, vector<2048x64xf32>
    %reduce_sum3A = arith.constant dense<0.000000e+00> : vector<2048xf32>
    %reduce_sum3A_391 = vector.multi_reduction <add>, %select_n3A_390, %reduce_sum3A [1] : vector<2048x64xf32> to vector<2048xf32>
    %broadcast_in_dim3A_392 = vector.shape_cast %reduce_sum3A_391 : vector<2048xf32> to vector<2048x1xf32>
    %eq3A_393 = arith.constant 0 : i32
    %eq3A_394 = vector.broadcast %eq3A_393 : i32 to vector<2048x8xi32>
    %eq3A_395 = arith.cmpi eq, %iota3A_364, %eq3A_394 : vector<2048x8xi32>
    %jit3A_396 = arith.constant 0.000000e+00 : f32
    %broadcast_in_dim3A_397 = vector.shape_cast %broadcast_in_dim3A_392 : vector<2048x1xf32> to vector<2048x1xf32>
    %broadcast_in_dim3A_398 = vector.broadcast %broadcast_in_dim3A_397 : vector<2048x1xf32> to vector<2048x8xf32>
    %broadcast_in_dim3A_399 = vector.broadcast %jit3A_396 : f32 to vector<2048x8xf32>
    %select_n3A_400 = arith.select %eq3A_395, %broadcast_in_dim3A_398, %broadcast_in_dim3A_399 : vector<2048x8xi1>, vector<2048x8xf32>
    %add3A_401 = arith.addf %broadcast_in_dim3A_366, %select_n3A_400 : vector<2048x8xf32>
    %add3A_402 = arith.addf %broadcast_in_dim3A_368, %broadcast_in_dim3A_392 : vector<2048x1xf32>
    %jit3A_403 = arith.constant -1.000000e+30 : f32
    %broadcast_in_dim3A_404 = vector.broadcast %jit3A_403 : f32 to vector<2048x64xf32>
    %select_n3A_405 = arith.select %or3A_385, %broadcast_in_dim3A_404, %select_n3A_361 : vector<2048x64xi1>, vector<2048x64xf32>
    %reduce_max3A_406 = arith.constant dense<0xFF800000> : vector<2048xf32>
    %reduce_max3A_407 = vector.multi_reduction <maximumf>, %select_n3A_405, %reduce_max3A_406 [1] : vector<2048x64xf32> to vector<2048xf32>
    %broadcast_in_dim3A_408 = vector.shape_cast %reduce_max3A_407 : vector<2048xf32> to vector<2048x1xf32>
    %eq3A_409 = vector.broadcast %broadcast_in_dim3A_408 : vector<2048x1xf32> to vector<2048x64xf32>
    %eq3A_410 = arith.cmpf oeq, %select_n3A_405, %eq3A_409 : vector<2048x64xf32>
    %jit3A_411 = arith.constant 9999 : i32
    %broadcast_in_dim3A_412 = vector.broadcast %jit3A_411 : i32 to vector<2048x64xi32>
    %select_n3A_413 = arith.select %eq3A_410, %iota3A, %broadcast_in_dim3A_412 : vector<2048x64xi1>, vector<2048x64xi32>
    %reduce_min3A_414 = arith.constant dense<2147483647> : vector<2048xi32>
    %reduce_min3A_415 = vector.multi_reduction <minsi>, %select_n3A_413, %reduce_min3A_414 [1] : vector<2048x64xi32> to vector<2048xi32>
    %broadcast_in_dim3A_416 = vector.shape_cast %reduce_min3A_415 : vector<2048xi32> to vector<2048x1xi32>
    %eq3A_417 = vector.broadcast %broadcast_in_dim3A_416 : vector<2048x1xi32> to vector<2048x64xi32>
    %eq3A_418 = arith.cmpi eq, %iota3A, %eq3A_417 : vector<2048x64xi32>
    %or3A_419 = arith.ori %or3A_385, %eq3A_418 : vector<2048x64xi1>
    %eq3A_420 = vector.broadcast %broadcast_in_dim3A_416 : vector<2048x1xi32> to vector<2048x64xi32>
    %eq3A_421 = arith.cmpi eq, %iota3A, %eq3A_420 : vector<2048x64xi32>
    %jit3A_422 = arith.constant 0.000000e+00 : f32
    %broadcast_in_dim3A_423 = vector.broadcast %jit3A_422 : f32 to vector<2048x64xf32>
    %select_n3A_424 = arith.select %eq3A_421, %logistic3A_11, %broadcast_in_dim3A_423 : vector<2048x64xi1>, vector<2048x64xf32>
    %reduce_sum3A_425 = arith.constant dense<0.000000e+00> : vector<2048xf32>
    %reduce_sum3A_426 = vector.multi_reduction <add>, %select_n3A_424, %reduce_sum3A_425 [1] : vector<2048x64xf32> to vector<2048xf32>
    %broadcast_in_dim3A_427 = vector.shape_cast %reduce_sum3A_426 : vector<2048xf32> to vector<2048x1xf32>
    %eq3A_428 = arith.constant 1 : i32
    %eq3A_429 = vector.broadcast %eq3A_428 : i32 to vector<2048x8xi32>
    %eq3A_430 = arith.cmpi eq, %iota3A_364, %eq3A_429 : vector<2048x8xi32>
    %jit3A_431 = arith.constant 0.000000e+00 : f32
    %broadcast_in_dim3A_432 = vector.shape_cast %broadcast_in_dim3A_427 : vector<2048x1xf32> to vector<2048x1xf32>
    %broadcast_in_dim3A_433 = vector.broadcast %broadcast_in_dim3A_432 : vector<2048x1xf32> to vector<2048x8xf32>
    %broadcast_in_dim3A_434 = vector.broadcast %jit3A_431 : f32 to vector<2048x8xf32>
    %select_n3A_435 = arith.select %eq3A_430, %broadcast_in_dim3A_433, %broadcast_in_dim3A_434 : vector<2048x8xi1>, vector<2048x8xf32>
    %add3A_436 = arith.addf %add3A_401, %select_n3A_435 : vector<2048x8xf32>
    %add3A_437 = arith.addf %add3A_402, %broadcast_in_dim3A_427 : vector<2048x1xf32>
    %jit3A_438 = arith.constant -1.000000e+30 : f32
    %broadcast_in_dim3A_439 = vector.broadcast %jit3A_438 : f32 to vector<2048x64xf32>
    %select_n3A_440 = arith.select %or3A_419, %broadcast_in_dim3A_439, %select_n3A_361 : vector<2048x64xi1>, vector<2048x64xf32>
    %reduce_max3A_441 = arith.constant dense<0xFF800000> : vector<2048xf32>
    %reduce_max3A_442 = vector.multi_reduction <maximumf>, %select_n3A_440, %reduce_max3A_441 [1] : vector<2048x64xf32> to vector<2048xf32>
    %broadcast_in_dim3A_443 = vector.shape_cast %reduce_max3A_442 : vector<2048xf32> to vector<2048x1xf32>
    %eq3A_444 = vector.broadcast %broadcast_in_dim3A_443 : vector<2048x1xf32> to vector<2048x64xf32>
    %eq3A_445 = arith.cmpf oeq, %select_n3A_440, %eq3A_444 : vector<2048x64xf32>
    %jit3A_446 = arith.constant 9999 : i32
    %broadcast_in_dim3A_447 = vector.broadcast %jit3A_446 : i32 to vector<2048x64xi32>
    %select_n3A_448 = arith.select %eq3A_445, %iota3A, %broadcast_in_dim3A_447 : vector<2048x64xi1>, vector<2048x64xi32>
    %reduce_min3A_449 = arith.constant dense<2147483647> : vector<2048xi32>
    %reduce_min3A_450 = vector.multi_reduction <minsi>, %select_n3A_448, %reduce_min3A_449 [1] : vector<2048x64xi32> to vector<2048xi32>
    %broadcast_in_dim3A_451 = vector.shape_cast %reduce_min3A_450 : vector<2048xi32> to vector<2048x1xi32>
    %eq3A_452 = vector.broadcast %broadcast_in_dim3A_451 : vector<2048x1xi32> to vector<2048x64xi32>
    %eq3A_453 = arith.cmpi eq, %iota3A, %eq3A_452 : vector<2048x64xi32>
    %or3A_454 = arith.ori %or3A_419, %eq3A_453 : vector<2048x64xi1>
    %eq3A_455 = vector.broadcast %broadcast_in_dim3A_451 : vector<2048x1xi32> to vector<2048x64xi32>
    %eq3A_456 = arith.cmpi eq, %iota3A, %eq3A_455 : vector<2048x64xi32>
    %jit3A_457 = arith.constant 0.000000e+00 : f32
    %broadcast_in_dim3A_458 = vector.broadcast %jit3A_457 : f32 to vector<2048x64xf32>
    %select_n3A_459 = arith.select %eq3A_456, %logistic3A_11, %broadcast_in_dim3A_458 : vector<2048x64xi1>, vector<2048x64xf32>
    %reduce_sum3A_460 = arith.constant dense<0.000000e+00> : vector<2048xf32>
    %reduce_sum3A_461 = vector.multi_reduction <add>, %select_n3A_459, %reduce_sum3A_460 [1] : vector<2048x64xf32> to vector<2048xf32>
    %broadcast_in_dim3A_462 = vector.shape_cast %reduce_sum3A_461 : vector<2048xf32> to vector<2048x1xf32>
    %eq3A_463 = arith.constant 2 : i32
    %eq3A_464 = vector.broadcast %eq3A_463 : i32 to vector<2048x8xi32>
    %eq3A_465 = arith.cmpi eq, %iota3A_364, %eq3A_464 : vector<2048x8xi32>
    %jit3A_466 = arith.constant 0.000000e+00 : f32
    %broadcast_in_dim3A_467 = vector.shape_cast %broadcast_in_dim3A_462 : vector<2048x1xf32> to vector<2048x1xf32>
    %broadcast_in_dim3A_468 = vector.broadcast %broadcast_in_dim3A_467 : vector<2048x1xf32> to vector<2048x8xf32>
    %broadcast_in_dim3A_469 = vector.broadcast %jit3A_466 : f32 to vector<2048x8xf32>
    %select_n3A_470 = arith.select %eq3A_465, %broadcast_in_dim3A_468, %broadcast_in_dim3A_469 : vector<2048x8xi1>, vector<2048x8xf32>
    %add3A_471 = arith.addf %add3A_436, %select_n3A_470 : vector<2048x8xf32>
    %add3A_472 = arith.addf %add3A_437, %broadcast_in_dim3A_462 : vector<2048x1xf32>
    %jit3A_473 = arith.constant -1.000000e+30 : f32
    %broadcast_in_dim3A_474 = vector.broadcast %jit3A_473 : f32 to vector<2048x64xf32>
    %select_n3A_475 = arith.select %or3A_454, %broadcast_in_dim3A_474, %select_n3A_361 : vector<2048x64xi1>, vector<2048x64xf32>
    %reduce_max3A_476 = arith.constant dense<0xFF800000> : vector<2048xf32>
    %reduce_max3A_477 = vector.multi_reduction <maximumf>, %select_n3A_475, %reduce_max3A_476 [1] : vector<2048x64xf32> to vector<2048xf32>
    %broadcast_in_dim3A_478 = vector.shape_cast %reduce_max3A_477 : vector<2048xf32> to vector<2048x1xf32>
    %eq3A_479 = vector.broadcast %broadcast_in_dim3A_478 : vector<2048x1xf32> to vector<2048x64xf32>
    %eq3A_480 = arith.cmpf oeq, %select_n3A_475, %eq3A_479 : vector<2048x64xf32>
    %jit3A_481 = arith.constant 9999 : i32
    %broadcast_in_dim3A_482 = vector.broadcast %jit3A_481 : i32 to vector<2048x64xi32>
    %select_n3A_483 = arith.select %eq3A_480, %iota3A, %broadcast_in_dim3A_482 : vector<2048x64xi1>, vector<2048x64xi32>
    %reduce_min3A_484 = arith.constant dense<2147483647> : vector<2048xi32>
    %reduce_min3A_485 = vector.multi_reduction <minsi>, %select_n3A_483, %reduce_min3A_484 [1] : vector<2048x64xi32> to vector<2048xi32>
    %broadcast_in_dim3A_486 = vector.shape_cast %reduce_min3A_485 : vector<2048xi32> to vector<2048x1xi32>
    %eq3A_487 = vector.broadcast %broadcast_in_dim3A_486 : vector<2048x1xi32> to vector<2048x64xi32>
    %eq3A_488 = arith.cmpi eq, %iota3A, %eq3A_487 : vector<2048x64xi32>
    %or3A_489 = arith.ori %or3A_454, %eq3A_488 : vector<2048x64xi1>
    %eq3A_490 = vector.broadcast %broadcast_in_dim3A_486 : vector<2048x1xi32> to vector<2048x64xi32>
    %eq3A_491 = arith.cmpi eq, %iota3A, %eq3A_490 : vector<2048x64xi32>
    %jit3A_492 = arith.constant 0.000000e+00 : f32
    %broadcast_in_dim3A_493 = vector.broadcast %jit3A_492 : f32 to vector<2048x64xf32>
    %select_n3A_494 = arith.select %eq3A_491, %logistic3A_11, %broadcast_in_dim3A_493 : vector<2048x64xi1>, vector<2048x64xf32>
    %reduce_sum3A_495 = arith.constant dense<0.000000e+00> : vector<2048xf32>
    %reduce_sum3A_496 = vector.multi_reduction <add>, %select_n3A_494, %reduce_sum3A_495 [1] : vector<2048x64xf32> to vector<2048xf32>
    %broadcast_in_dim3A_497 = vector.shape_cast %reduce_sum3A_496 : vector<2048xf32> to vector<2048x1xf32>
    %eq3A_498 = arith.constant 3 : i32
    %eq3A_499 = vector.broadcast %eq3A_498 : i32 to vector<2048x8xi32>
    %eq3A_500 = arith.cmpi eq, %iota3A_364, %eq3A_499 : vector<2048x8xi32>
    %jit3A_501 = arith.constant 0.000000e+00 : f32
    %broadcast_in_dim3A_502 = vector.shape_cast %broadcast_in_dim3A_497 : vector<2048x1xf32> to vector<2048x1xf32>
    %broadcast_in_dim3A_503 = vector.broadcast %broadcast_in_dim3A_502 : vector<2048x1xf32> to vector<2048x8xf32>
    %broadcast_in_dim3A_504 = vector.broadcast %jit3A_501 : f32 to vector<2048x8xf32>
    %select_n3A_505 = arith.select %eq3A_500, %broadcast_in_dim3A_503, %broadcast_in_dim3A_504 : vector<2048x8xi1>, vector<2048x8xf32>
    %add3A_506 = arith.addf %add3A_471, %select_n3A_505 : vector<2048x8xf32>
    %add3A_507 = arith.addf %add3A_472, %broadcast_in_dim3A_497 : vector<2048x1xf32>
    %jit3A_508 = arith.constant -1.000000e+30 : f32
    %broadcast_in_dim3A_509 = vector.broadcast %jit3A_508 : f32 to vector<2048x64xf32>
    %select_n3A_510 = arith.select %or3A_489, %broadcast_in_dim3A_509, %select_n3A_361 : vector<2048x64xi1>, vector<2048x64xf32>
    %reduce_max3A_511 = arith.constant dense<0xFF800000> : vector<2048xf32>
    %reduce_max3A_512 = vector.multi_reduction <maximumf>, %select_n3A_510, %reduce_max3A_511 [1] : vector<2048x64xf32> to vector<2048xf32>
    %broadcast_in_dim3A_513 = vector.shape_cast %reduce_max3A_512 : vector<2048xf32> to vector<2048x1xf32>
    %eq3A_514 = vector.broadcast %broadcast_in_dim3A_513 : vector<2048x1xf32> to vector<2048x64xf32>
    %eq3A_515 = arith.cmpf oeq, %select_n3A_510, %eq3A_514 : vector<2048x64xf32>
    %jit3A_516 = arith.constant 9999 : i32
    %broadcast_in_dim3A_517 = vector.broadcast %jit3A_516 : i32 to vector<2048x64xi32>
    %select_n3A_518 = arith.select %eq3A_515, %iota3A, %broadcast_in_dim3A_517 : vector<2048x64xi1>, vector<2048x64xi32>
    %reduce_min3A_519 = arith.constant dense<2147483647> : vector<2048xi32>
    %reduce_min3A_520 = vector.multi_reduction <minsi>, %select_n3A_518, %reduce_min3A_519 [1] : vector<2048x64xi32> to vector<2048xi32>
    %broadcast_in_dim3A_521 = vector.shape_cast %reduce_min3A_520 : vector<2048xi32> to vector<2048x1xi32>
    %eq3A_522 = vector.broadcast %broadcast_in_dim3A_521 : vector<2048x1xi32> to vector<2048x64xi32>
    %eq3A_523 = arith.cmpi eq, %iota3A, %eq3A_522 : vector<2048x64xi32>
    %or3A_524 = arith.ori %or3A_489, %eq3A_523 : vector<2048x64xi1>
    %eq3A_525 = vector.broadcast %broadcast_in_dim3A_521 : vector<2048x1xi32> to vector<2048x64xi32>
    %eq3A_526 = arith.cmpi eq, %iota3A, %eq3A_525 : vector<2048x64xi32>
    %jit3A_527 = arith.constant 0.000000e+00 : f32
    %broadcast_in_dim3A_528 = vector.broadcast %jit3A_527 : f32 to vector<2048x64xf32>
    %select_n3A_529 = arith.select %eq3A_526, %logistic3A_11, %broadcast_in_dim3A_528 : vector<2048x64xi1>, vector<2048x64xf32>
    %reduce_sum3A_530 = arith.constant dense<0.000000e+00> : vector<2048xf32>
    %reduce_sum3A_531 = vector.multi_reduction <add>, %select_n3A_529, %reduce_sum3A_530 [1] : vector<2048x64xf32> to vector<2048xf32>
    %broadcast_in_dim3A_532 = vector.shape_cast %reduce_sum3A_531 : vector<2048xf32> to vector<2048x1xf32>
    %eq3A_533 = arith.constant 4 : i32
    %eq3A_534 = vector.broadcast %eq3A_533 : i32 to vector<2048x8xi32>
    %eq3A_535 = arith.cmpi eq, %iota3A_364, %eq3A_534 : vector<2048x8xi32>
    %jit3A_536 = arith.constant 0.000000e+00 : f32
    %broadcast_in_dim3A_537 = vector.shape_cast %broadcast_in_dim3A_532 : vector<2048x1xf32> to vector<2048x1xf32>
    %broadcast_in_dim3A_538 = vector.broadcast %broadcast_in_dim3A_537 : vector<2048x1xf32> to vector<2048x8xf32>
    %broadcast_in_dim3A_539 = vector.broadcast %jit3A_536 : f32 to vector<2048x8xf32>
    %select_n3A_540 = arith.select %eq3A_535, %broadcast_in_dim3A_538, %broadcast_in_dim3A_539 : vector<2048x8xi1>, vector<2048x8xf32>
    %add3A_541 = arith.addf %add3A_506, %select_n3A_540 : vector<2048x8xf32>
    %add3A_542 = arith.addf %add3A_507, %broadcast_in_dim3A_532 : vector<2048x1xf32>
    %jit3A_543 = arith.constant -1.000000e+30 : f32
    %broadcast_in_dim3A_544 = vector.broadcast %jit3A_543 : f32 to vector<2048x64xf32>
    %select_n3A_545 = arith.select %or3A_524, %broadcast_in_dim3A_544, %select_n3A_361 : vector<2048x64xi1>, vector<2048x64xf32>
    %reduce_max3A_546 = arith.constant dense<0xFF800000> : vector<2048xf32>
    %reduce_max3A_547 = vector.multi_reduction <maximumf>, %select_n3A_545, %reduce_max3A_546 [1] : vector<2048x64xf32> to vector<2048xf32>
    %broadcast_in_dim3A_548 = vector.shape_cast %reduce_max3A_547 : vector<2048xf32> to vector<2048x1xf32>
    %eq3A_549 = vector.broadcast %broadcast_in_dim3A_548 : vector<2048x1xf32> to vector<2048x64xf32>
    %eq3A_550 = arith.cmpf oeq, %select_n3A_545, %eq3A_549 : vector<2048x64xf32>
    %jit3A_551 = arith.constant 9999 : i32
    %broadcast_in_dim3A_552 = vector.broadcast %jit3A_551 : i32 to vector<2048x64xi32>
    %select_n3A_553 = arith.select %eq3A_550, %iota3A, %broadcast_in_dim3A_552 : vector<2048x64xi1>, vector<2048x64xi32>
    %reduce_min3A_554 = arith.constant dense<2147483647> : vector<2048xi32>
    %reduce_min3A_555 = vector.multi_reduction <minsi>, %select_n3A_553, %reduce_min3A_554 [1] : vector<2048x64xi32> to vector<2048xi32>
    %broadcast_in_dim3A_556 = vector.shape_cast %reduce_min3A_555 : vector<2048xi32> to vector<2048x1xi32>
    %eq3A_557 = vector.broadcast %broadcast_in_dim3A_556 : vector<2048x1xi32> to vector<2048x64xi32>
    %eq3A_558 = arith.cmpi eq, %iota3A, %eq3A_557 : vector<2048x64xi32>
    %or3A_559 = arith.ori %or3A_524, %eq3A_558 : vector<2048x64xi1>
    %eq3A_560 = vector.broadcast %broadcast_in_dim3A_556 : vector<2048x1xi32> to vector<2048x64xi32>
    %eq3A_561 = arith.cmpi eq, %iota3A, %eq3A_560 : vector<2048x64xi32>
    %jit3A_562 = arith.constant 0.000000e+00 : f32
    %broadcast_in_dim3A_563 = vector.broadcast %jit3A_562 : f32 to vector<2048x64xf32>
    %select_n3A_564 = arith.select %eq3A_561, %logistic3A_11, %broadcast_in_dim3A_563 : vector<2048x64xi1>, vector<2048x64xf32>
    %reduce_sum3A_565 = arith.constant dense<0.000000e+00> : vector<2048xf32>
    %reduce_sum3A_566 = vector.multi_reduction <add>, %select_n3A_564, %reduce_sum3A_565 [1] : vector<2048x64xf32> to vector<2048xf32>
    %broadcast_in_dim3A_567 = vector.shape_cast %reduce_sum3A_566 : vector<2048xf32> to vector<2048x1xf32>
    %eq3A_568 = arith.constant 5 : i32
    %eq3A_569 = vector.broadcast %eq3A_568 : i32 to vector<2048x8xi32>
    %eq3A_570 = arith.cmpi eq, %iota3A_364, %eq3A_569 : vector<2048x8xi32>
    %jit3A_571 = arith.constant 0.000000e+00 : f32
    %broadcast_in_dim3A_572 = vector.shape_cast %broadcast_in_dim3A_567 : vector<2048x1xf32> to vector<2048x1xf32>
    %broadcast_in_dim3A_573 = vector.broadcast %broadcast_in_dim3A_572 : vector<2048x1xf32> to vector<2048x8xf32>
    %broadcast_in_dim3A_574 = vector.broadcast %jit3A_571 : f32 to vector<2048x8xf32>
    %select_n3A_575 = arith.select %eq3A_570, %broadcast_in_dim3A_573, %broadcast_in_dim3A_574 : vector<2048x8xi1>, vector<2048x8xf32>
    %add3A_576 = arith.addf %add3A_541, %select_n3A_575 : vector<2048x8xf32>
    %add3A_577 = arith.addf %add3A_542, %broadcast_in_dim3A_567 : vector<2048x1xf32>
    %jit3A_578 = arith.constant -1.000000e+30 : f32
    %broadcast_in_dim3A_579 = vector.broadcast %jit3A_578 : f32 to vector<2048x64xf32>
    %select_n3A_580 = arith.select %or3A_559, %broadcast_in_dim3A_579, %select_n3A_361 : vector<2048x64xi1>, vector<2048x64xf32>
    %reduce_max3A_581 = arith.constant dense<0xFF800000> : vector<2048xf32>
    %reduce_max3A_582 = vector.multi_reduction <maximumf>, %select_n3A_580, %reduce_max3A_581 [1] : vector<2048x64xf32> to vector<2048xf32>
    %broadcast_in_dim3A_583 = vector.shape_cast %reduce_max3A_582 : vector<2048xf32> to vector<2048x1xf32>
    %eq3A_584 = vector.broadcast %broadcast_in_dim3A_583 : vector<2048x1xf32> to vector<2048x64xf32>
    %eq3A_585 = arith.cmpf oeq, %select_n3A_580, %eq3A_584 : vector<2048x64xf32>
    %jit3A_586 = arith.constant 9999 : i32
    %broadcast_in_dim3A_587 = vector.broadcast %jit3A_586 : i32 to vector<2048x64xi32>
    %select_n3A_588 = arith.select %eq3A_585, %iota3A, %broadcast_in_dim3A_587 : vector<2048x64xi1>, vector<2048x64xi32>
    %reduce_min3A_589 = arith.constant dense<2147483647> : vector<2048xi32>
    %reduce_min3A_590 = vector.multi_reduction <minsi>, %select_n3A_588, %reduce_min3A_589 [1] : vector<2048x64xi32> to vector<2048xi32>
    %broadcast_in_dim3A_591 = vector.shape_cast %reduce_min3A_590 : vector<2048xi32> to vector<2048x1xi32>
    %eq3A_592 = vector.broadcast %broadcast_in_dim3A_591 : vector<2048x1xi32> to vector<2048x64xi32>
    %eq3A_593 = arith.cmpi eq, %iota3A, %eq3A_592 : vector<2048x64xi32>
    %or3A_594 = arith.ori %or3A_559, %eq3A_593 : vector<2048x64xi1>
    %eq3A_595 = vector.broadcast %broadcast_in_dim3A_591 : vector<2048x1xi32> to vector<2048x64xi32>
    %eq3A_596 = arith.cmpi eq, %iota3A, %eq3A_595 : vector<2048x64xi32>
    %jit3A_597 = arith.constant 0.000000e+00 : f32
    %broadcast_in_dim3A_598 = vector.broadcast %jit3A_597 : f32 to vector<2048x64xf32>
    %select_n3A_599 = arith.select %eq3A_596, %logistic3A_11, %broadcast_in_dim3A_598 : vector<2048x64xi1>, vector<2048x64xf32>
    %reduce_sum3A_600 = arith.constant dense<0.000000e+00> : vector<2048xf32>
    %reduce_sum3A_601 = vector.multi_reduction <add>, %select_n3A_599, %reduce_sum3A_600 [1] : vector<2048x64xf32> to vector<2048xf32>
    %broadcast_in_dim3A_602 = vector.shape_cast %reduce_sum3A_601 : vector<2048xf32> to vector<2048x1xf32>
    %eq3A_603 = arith.constant 6 : i32
    %eq3A_604 = vector.broadcast %eq3A_603 : i32 to vector<2048x8xi32>
    %eq3A_605 = arith.cmpi eq, %iota3A_364, %eq3A_604 : vector<2048x8xi32>
    %jit3A_606 = arith.constant 0.000000e+00 : f32
    %broadcast_in_dim3A_607 = vector.shape_cast %broadcast_in_dim3A_602 : vector<2048x1xf32> to vector<2048x1xf32>
    %broadcast_in_dim3A_608 = vector.broadcast %broadcast_in_dim3A_607 : vector<2048x1xf32> to vector<2048x8xf32>
    %broadcast_in_dim3A_609 = vector.broadcast %jit3A_606 : f32 to vector<2048x8xf32>
    %select_n3A_610 = arith.select %eq3A_605, %broadcast_in_dim3A_608, %broadcast_in_dim3A_609 : vector<2048x8xi1>, vector<2048x8xf32>
    %add3A_611 = arith.addf %add3A_576, %select_n3A_610 : vector<2048x8xf32>
    %add3A_612 = arith.addf %add3A_577, %broadcast_in_dim3A_602 : vector<2048x1xf32>
    %jit3A_613 = arith.constant -1.000000e+30 : f32
    %broadcast_in_dim3A_614 = vector.broadcast %jit3A_613 : f32 to vector<2048x64xf32>
    %select_n3A_615 = arith.select %or3A_594, %broadcast_in_dim3A_614, %select_n3A_361 : vector<2048x64xi1>, vector<2048x64xf32>
    %reduce_max3A_616 = arith.constant dense<0xFF800000> : vector<2048xf32>
    %reduce_max3A_617 = vector.multi_reduction <maximumf>, %select_n3A_615, %reduce_max3A_616 [1] : vector<2048x64xf32> to vector<2048xf32>
    %broadcast_in_dim3A_618 = vector.shape_cast %reduce_max3A_617 : vector<2048xf32> to vector<2048x1xf32>
    %eq3A_619 = vector.broadcast %broadcast_in_dim3A_618 : vector<2048x1xf32> to vector<2048x64xf32>
    %eq3A_620 = arith.cmpf oeq, %select_n3A_615, %eq3A_619 : vector<2048x64xf32>
    %jit3A_621 = arith.constant 9999 : i32
    %broadcast_in_dim3A_622 = vector.broadcast %jit3A_621 : i32 to vector<2048x64xi32>
    %select_n3A_623 = arith.select %eq3A_620, %iota3A, %broadcast_in_dim3A_622 : vector<2048x64xi1>, vector<2048x64xi32>
    %reduce_min3A_624 = arith.constant dense<2147483647> : vector<2048xi32>
    %reduce_min3A_625 = vector.multi_reduction <minsi>, %select_n3A_623, %reduce_min3A_624 [1] : vector<2048x64xi32> to vector<2048xi32>
    %broadcast_in_dim3A_626 = vector.shape_cast %reduce_min3A_625 : vector<2048xi32> to vector<2048x1xi32>
    %eq3A_627 = vector.broadcast %broadcast_in_dim3A_626 : vector<2048x1xi32> to vector<2048x64xi32>
    %eq3A_628 = arith.cmpi eq, %iota3A, %eq3A_627 : vector<2048x64xi32>
    %or3A_629 = arith.ori %or3A_594, %eq3A_628 : vector<2048x64xi1>
    %eq3A_630 = vector.broadcast %broadcast_in_dim3A_626 : vector<2048x1xi32> to vector<2048x64xi32>
    %eq3A_631 = arith.cmpi eq, %iota3A, %eq3A_630 : vector<2048x64xi32>
    %jit3A_632 = arith.constant 0.000000e+00 : f32
    %broadcast_in_dim3A_633 = vector.broadcast %jit3A_632 : f32 to vector<2048x64xf32>
    %select_n3A_634 = arith.select %eq3A_631, %logistic3A_11, %broadcast_in_dim3A_633 : vector<2048x64xi1>, vector<2048x64xf32>
    %reduce_sum3A_635 = arith.constant dense<0.000000e+00> : vector<2048xf32>
    %reduce_sum3A_636 = vector.multi_reduction <add>, %select_n3A_634, %reduce_sum3A_635 [1] : vector<2048x64xf32> to vector<2048xf32>
    %broadcast_in_dim3A_637 = vector.shape_cast %reduce_sum3A_636 : vector<2048xf32> to vector<2048x1xf32>
    %eq3A_638 = arith.constant 7 : i32
    %eq3A_639 = vector.broadcast %eq3A_638 : i32 to vector<2048x8xi32>
    %eq3A_640 = arith.cmpi eq, %iota3A_364, %eq3A_639 : vector<2048x8xi32>
    %jit3A_641 = arith.constant 0.000000e+00 : f32
    %broadcast_in_dim3A_642 = vector.shape_cast %broadcast_in_dim3A_637 : vector<2048x1xf32> to vector<2048x1xf32>
    %broadcast_in_dim3A_643 = vector.broadcast %broadcast_in_dim3A_642 : vector<2048x1xf32> to vector<2048x8xf32>
    %broadcast_in_dim3A_644 = vector.broadcast %jit3A_641 : f32 to vector<2048x8xf32>
    %select_n3A_645 = arith.select %eq3A_640, %broadcast_in_dim3A_643, %broadcast_in_dim3A_644 : vector<2048x8xi1>, vector<2048x8xf32>
    %add3A_646 = arith.addf %add3A_611, %select_n3A_645 : vector<2048x8xf32>
    %add3A_647 = arith.addf %add3A_612, %broadcast_in_dim3A_637 : vector<2048x1xf32>
    %add3A_648 = arith.constant 9.99999968E-21 : f32
    %add3A_649 = vector.broadcast %add3A_648 : f32 to vector<2048x1xf32>
    %add3A_650 = arith.addf %add3A_647, %add3A_649 : vector<2048x1xf32>
    %div3A_651 = arith.constant 2.500000e+00 : f32
    %div3A_652 = vector.broadcast %div3A_651 : f32 to vector<2048x1xf32>
    %div3A_653 = arith.divf %div3A_652, %add3A_650 : vector<2048x1xf32>
    %mul3A = vector.broadcast %div3A_653 : vector<2048x1xf32> to vector<2048x8xf32>
    %mul3A_654 = arith.mulf %add3A_646, %mul3A : vector<2048x8xf32>
    %swap3A = arith.constant 0 : index
    %swap3A_655 = arith.constant 0 : index
    %swap3A_656 = vector.load %arg4[%swap3A, %swap3A_655] : memref<2048x8xf32, #tpu.memory_space<vmem>>, vector<2048x8xf32>
    tpu.vector_store %arg4[%swap3A, %swap3A_655], %mul3A_654 {strides = array<i32>} : memref<2048x8xf32, #tpu.memory_space<vmem>>, vector<2048x8xf32>,
    %convert_element_type3A_657 = arith.extui %or3A_629 : vector<2048x64xi1> to vector<2048x64xi32>
    %convert_element_type3A_658 = arith.sitofp %convert_element_type3A_657 : vector<2048x64xi32> to vector<2048x64xf32>
    %iota3A_659 = tpu.iota {dimensions = array<i32: 0>} : vector<128x128xi32>
    %iota3A_660 = tpu.iota {dimensions = array<i32: 1>} : vector<128x128xi32>
    %gt3A = arith.cmpi sgt, %iota3A_659, %iota3A_660 : vector<128x128xi32>
    %convert_element_type3A_661 = arith.extui %gt3A : vector<128x128xi1> to vector<128x128xi32>
    %convert_element_type3A_662 = arith.sitofp %convert_element_type3A_661 : vector<128x128xi32> to vector<128x128xf32>
    %broadcast_in_dim3A_663 = arith.constant 0.000000e+00 : f32
    %broadcast_in_dim3A_664 = vector.broadcast %broadcast_in_dim3A_663 : f32 to vector<1x64xf32>
    %slice3A = vector.extract_strided_slice %convert_element_type3A_658 {offsets = [0, 0], sizes = [128, 64], strides = [1, 1]} : vector<2048x64xf32> to vector<128x64xf32>
    %dot_general3A_665 = arith.constant dense<0.000000e+00> : vector<128x64xf32>
    %dot_general3A_666 = tpu.matmul %convert_element_type3A_662, %slice3A, %dot_general3A_665 {dimension_numbers = #tpu.dot_dimension_numbers<[1], [0], [0], [1], [0, 0, 1, 1], [], []>, transpose_lhs_hint = false} : vector<128x128xf32>, vector<128x64xf32>, vector<128x64xf32> -> vector<128x64xf32>
    %add3A_667 = vector.broadcast %broadcast_in_dim3A_664 : vector<1x64xf32> to vector<128x64xf32>
    %add3A_668 = arith.addf %dot_general3A_666, %add3A_667 : vector<128x64xf32>
    %swap3A_669 = arith.constant 0 : index
    %swap3A_670 = arith.constant 0 : index
    %swap3A_671 = vector.load %arg7[%swap3A_669, %swap3A_670] : memref<2048x64xf32, #tpu.memory_space<vmem>>, vector<128x64xf32>
    tpu.vector_store %arg7[%swap3A_669, %swap3A_670], %add3A_668 {strides = array<i32>} : memref<2048x64xf32, #tpu.memory_space<vmem>>, vector<128x64xf32>,
    %reduce_sum3A_672 = arith.constant dense<0.000000e+00> : vector<64xf32>
    %reduce_sum3A_673 = vector.multi_reduction <add>, %slice3A, %reduce_sum3A_672 [0] : vector<128x64xf32> to vector<64xf32>
    %broadcast_in_dim3A_674 = vector.shape_cast %reduce_sum3A_673 : vector<64xf32> to vector<1x64xf32>
    %add3A_675 = arith.addf %broadcast_in_dim3A_664, %broadcast_in_dim3A_674 : vector<1x64xf32>
    %slice3A_676 = vector.extract_strided_slice %convert_element_type3A_658 {offsets = [128, 0], sizes = [128, 64], strides = [1, 1]} : vector<2048x64xf32> to vector<128x64xf32>
    %dot_general3A_677 = arith.constant dense<0.000000e+00> : vector<128x64xf32>
    %dot_general3A_678 = tpu.matmul %convert_element_type3A_662, %slice3A_676, %dot_general3A_677 {dimension_numbers = #tpu.dot_dimension_numbers<[1], [0], [0], [1], [0, 0, 1, 1], [], []>, transpose_lhs_hint = false} : vector<128x128xf32>, vector<128x64xf32>, vector<128x64xf32> -> vector<128x64xf32>
    %add3A_679 = vector.broadcast %add3A_675 : vector<1x64xf32> to vector<128x64xf32>
    %add3A_680 = arith.addf %dot_general3A_678, %add3A_679 : vector<128x64xf32>
    %swap3A_681 = arith.constant 128 : index
    %swap3A_682 = arith.constant 0 : index
    %swap3A_683 = vector.load %arg7[%swap3A_681, %swap3A_682] : memref<2048x64xf32, #tpu.memory_space<vmem>>, vector<128x64xf32>
    tpu.vector_store %arg7[%swap3A_681, %swap3A_682], %add3A_680 {strides = array<i32>} : memref<2048x64xf32, #tpu.memory_space<vmem>>, vector<128x64xf32>,
    %reduce_sum3A_684 = arith.constant dense<0.000000e+00> : vector<64xf32>
    %reduce_sum3A_685 = vector.multi_reduction <add>, %slice3A_676, %reduce_sum3A_684 [0] : vector<128x64xf32> to vector<64xf32>
    %broadcast_in_dim3A_686 = vector.shape_cast %reduce_sum3A_685 : vector<64xf32> to vector<1x64xf32>
    %add3A_687 = arith.addf %add3A_675, %broadcast_in_dim3A_686 : vector<1x64xf32>
    %slice3A_688 = vector.extract_strided_slice %convert_element_type3A_658 {offsets = [256, 0], sizes = [128, 64], strides = [1, 1]} : vector<2048x64xf32> to vector<128x64xf32>
    %dot_general3A_689 = arith.constant dense<0.000000e+00> : vector<128x64xf32>
    %dot_general3A_690 = tpu.matmul %convert_element_type3A_662, %slice3A_688, %dot_general3A_689 {dimension_numbers = #tpu.dot_dimension_numbers<[1], [0], [0], [1], [0, 0, 1, 1], [], []>, transpose_lhs_hint = false} : vector<128x128xf32>, vector<128x64xf32>, vector<128x64xf32> -> vector<128x64xf32>
    %add3A_691 = vector.broadcast %add3A_687 : vector<1x64xf32> to vector<128x64xf32>
    %add3A_692 = arith.addf %dot_general3A_690, %add3A_691 : vector<128x64xf32>
    %swap3A_693 = arith.constant 256 : index
    %swap3A_694 = arith.constant 0 : index
    %swap3A_695 = vector.load %arg7[%swap3A_693, %swap3A_694] : memref<2048x64xf32, #tpu.memory_space<vmem>>, vector<128x64xf32>
    tpu.vector_store %arg7[%swap3A_693, %swap3A_694], %add3A_692 {strides = array<i32>} : memref<2048x64xf32, #tpu.memory_space<vmem>>, vector<128x64xf32>,
    %reduce_sum3A_696 = arith.constant dense<0.000000e+00> : vector<64xf32>
    %reduce_sum3A_697 = vector.multi_reduction <add>, %slice3A_688, %reduce_sum3A_696 [0] : vector<128x64xf32> to vector<64xf32>
    %broadcast_in_dim3A_698 = vector.shape_cast %reduce_sum3A_697 : vector<64xf32> to vector<1x64xf32>
    %add3A_699 = arith.addf %add3A_687, %broadcast_in_dim3A_698 : vector<1x64xf32>
    %slice3A_700 = vector.extract_strided_slice %convert_element_type3A_658 {offsets = [384, 0], sizes = [128, 64], strides = [1, 1]} : vector<2048x64xf32> to vector<128x64xf32>
    %dot_general3A_701 = arith.constant dense<0.000000e+00> : vector<128x64xf32>
    %dot_general3A_702 = tpu.matmul %convert_element_type3A_662, %slice3A_700, %dot_general3A_701 {dimension_numbers = #tpu.dot_dimension_numbers<[1], [0], [0], [1], [0, 0, 1, 1], [], []>, transpose_lhs_hint = false} : vector<128x128xf32>, vector<128x64xf32>, vector<128x64xf32> -> vector<128x64xf32>
    %add3A_703 = vector.broadcast %add3A_699 : vector<1x64xf32> to vector<128x64xf32>
    %add3A_704 = arith.addf %dot_general3A_702, %add3A_703 : vector<128x64xf32>
    %swap3A_705 = arith.constant 384 : index
    %swap3A_706 = arith.constant 0 : index
    %swap3A_707 = vector.load %arg7[%swap3A_705, %swap3A_706] : memref<2048x64xf32, #tpu.memory_space<vmem>>, vector<128x64xf32>
    tpu.vector_store %arg7[%swap3A_705, %swap3A_706], %add3A_704 {strides = array<i32>} : memref<2048x64xf32, #tpu.memory_space<vmem>>, vector<128x64xf32>,
    %reduce_sum3A_708 = arith.constant dense<0.000000e+00> : vector<64xf32>
    %reduce_sum3A_709 = vector.multi_reduction <add>, %slice3A_700, %reduce_sum3A_708 [0] : vector<128x64xf32> to vector<64xf32>
    %broadcast_in_dim3A_710 = vector.shape_cast %reduce_sum3A_709 : vector<64xf32> to vector<1x64xf32>
    %add3A_711 = arith.addf %add3A_699, %broadcast_in_dim3A_710 : vector<1x64xf32>
    %slice3A_712 = vector.extract_strided_slice %convert_element_type3A_658 {offsets = [512, 0], sizes = [128, 64], strides = [1, 1]} : vector<2048x64xf32> to vector<128x64xf32>
    %dot_general3A_713 = arith.constant dense<0.000000e+00> : vector<128x64xf32>
    %dot_general3A_714 = tpu.matmul %convert_element_type3A_662, %slice3A_712, %dot_general3A_713 {dimension_numbers = #tpu.dot_dimension_numbers<[1], [0], [0], [1], [0, 0, 1, 1], [], []>, transpose_lhs_hint = false} : vector<128x128xf32>, vector<128x64xf32>, vector<128x64xf32> -> vector<128x64xf32>
    %add3A_715 = vector.broadcast %add3A_711 : vector<1x64xf32> to vector<128x64xf32>
    %add3A_716 = arith.addf %dot_general3A_714, %add3A_715 : vector<128x64xf32>
    %swap3A_717 = arith.constant 512 : index
    %swap3A_718 = arith.constant 0 : index
    %swap3A_719 = vector.load %arg7[%swap3A_717, %swap3A_718] : memref<2048x64xf32, #tpu.memory_space<vmem>>, vector<128x64xf32>
    tpu.vector_store %arg7[%swap3A_717, %swap3A_718], %add3A_716 {strides = array<i32>} : memref<2048x64xf32, #tpu.memory_space<vmem>>, vector<128x64xf32>,
    %reduce_sum3A_720 = arith.constant dense<0.000000e+00> : vector<64xf32>
    %reduce_sum3A_721 = vector.multi_reduction <add>, %slice3A_712, %reduce_sum3A_720 [0] : vector<128x64xf32> to vector<64xf32>
    %broadcast_in_dim3A_722 = vector.shape_cast %reduce_sum3A_721 : vector<64xf32> to vector<1x64xf32>
    %add3A_723 = arith.addf %add3A_711, %broadcast_in_dim3A_722 : vector<1x64xf32>
    %slice3A_724 = vector.extract_strided_slice %convert_element_type3A_658 {offsets = [640, 0], sizes = [128, 64], strides = [1, 1]} : vector<2048x64xf32> to vector<128x64xf32>
    %dot_general3A_725 = arith.constant dense<0.000000e+00> : vector<128x64xf32>
    %dot_general3A_726 = tpu.matmul %convert_element_type3A_662, %slice3A_724, %dot_general3A_725 {dimension_numbers = #tpu.dot_dimension_numbers<[1], [0], [0], [1], [0, 0, 1, 1], [], []>, transpose_lhs_hint = false} : vector<128x128xf32>, vector<128x64xf32>, vector<128x64xf32> -> vector<128x64xf32>
    %add3A_727 = vector.broadcast %add3A_723 : vector<1x64xf32> to vector<128x64xf32>
    %add3A_728 = arith.addf %dot_general3A_726, %add3A_727 : vector<128x64xf32>
    %swap3A_729 = arith.constant 640 : index
    %swap3A_730 = arith.constant 0 : index
    %swap3A_731 = vector.load %arg7[%swap3A_729, %swap3A_730] : memref<2048x64xf32, #tpu.memory_space<vmem>>, vector<128x64xf32>
    tpu.vector_store %arg7[%swap3A_729, %swap3A_730], %add3A_728 {strides = array<i32>} : memref<2048x64xf32, #tpu.memory_space<vmem>>, vector<128x64xf32>,
    %reduce_sum3A_732 = arith.constant dense<0.000000e+00> : vector<64xf32>
    %reduce_sum3A_733 = vector.multi_reduction <add>, %slice3A_724, %reduce_sum3A_732 [0] : vector<128x64xf32> to vector<64xf32>
    %broadcast_in_dim3A_734 = vector.shape_cast %reduce_sum3A_733 : vector<64xf32> to vector<1x64xf32>
    %add3A_735 = arith.addf %add3A_723, %broadcast_in_dim3A_734 : vector<1x64xf32>
    %slice3A_736 = vector.extract_strided_slice %convert_element_type3A_658 {offsets = [768, 0], sizes = [128, 64], strides = [1, 1]} : vector<2048x64xf32> to vector<128x64xf32>
    %dot_general3A_737 = arith.constant dense<0.000000e+00> : vector<128x64xf32>
    %dot_general3A_738 = tpu.matmul %convert_element_type3A_662, %slice3A_736, %dot_general3A_737 {dimension_numbers = #tpu.dot_dimension_numbers<[1], [0], [0], [1], [0, 0, 1, 1], [], []>, transpose_lhs_hint = false} : vector<128x128xf32>, vector<128x64xf32>, vector<128x64xf32> -> vector<128x64xf32>
    %add3A_739 = vector.broadcast %add3A_735 : vector<1x64xf32> to vector<128x64xf32>
    %add3A_740 = arith.addf %dot_general3A_738, %add3A_739 : vector<128x64xf32>
    %swap3A_741 = arith.constant 768 : index
    %swap3A_742 = arith.constant 0 : index
    %swap3A_743 = vector.load %arg7[%swap3A_741, %swap3A_742] : memref<2048x64xf32, #tpu.memory_space<vmem>>, vector<128x64xf32>
    tpu.vector_store %arg7[%swap3A_741, %swap3A_742], %add3A_740 {strides = array<i32>} : memref<2048x64xf32, #tpu.memory_space<vmem>>, vector<128x64xf32>,
    %reduce_sum3A_744 = arith.constant dense<0.000000e+00> : vector<64xf32>
    %reduce_sum3A_745 = vector.multi_reduction <add>, %slice3A_736, %reduce_sum3A_744 [0] : vector<128x64xf32> to vector<64xf32>
    %broadcast_in_dim3A_746 = vector.shape_cast %reduce_sum3A_745 : vector<64xf32> to vector<1x64xf32>
    %add3A_747 = arith.addf %add3A_735, %broadcast_in_dim3A_746 : vector<1x64xf32>
    %slice3A_748 = vector.extract_strided_slice %convert_element_type3A_658 {offsets = [896, 0], sizes = [128, 64], strides = [1, 1]} : vector<2048x64xf32> to vector<128x64xf32>
    %dot_general3A_749 = arith.constant dense<0.000000e+00> : vector<128x64xf32>
    %dot_general3A_750 = tpu.matmul %convert_element_type3A_662, %slice3A_748, %dot_general3A_749 {dimension_numbers = #tpu.dot_dimension_numbers<[1], [0], [0], [1], [0, 0, 1, 1], [], []>, transpose_lhs_hint = false} : vector<128x128xf32>, vector<128x64xf32>, vector<128x64xf32> -> vector<128x64xf32>
    %add3A_751 = vector.broadcast %add3A_747 : vector<1x64xf32> to vector<128x64xf32>
    %add3A_752 = arith.addf %dot_general3A_750, %add3A_751 : vector<128x64xf32>
    %swap3A_753 = arith.constant 896 : index
    %swap3A_754 = arith.constant 0 : index
    %swap3A_755 = vector.load %arg7[%swap3A_753, %swap3A_754] : memref<2048x64xf32, #tpu.memory_space<vmem>>, vector<128x64xf32>
    tpu.vector_store %arg7[%swap3A_753, %swap3A_754], %add3A_752 {strides = array<i32>} : memref<2048x64xf32, #tpu.memory_space<vmem>>, vector<128x64xf32>,
    %reduce_sum3A_756 = arith.constant dense<0.000000e+00> : vector<64xf32>
    %reduce_sum3A_757 = vector.multi_reduction <add>, %slice3A_748, %reduce_sum3A_756 [0] : vector<128x64xf32> to vector<64xf32>
    %broadcast_in_dim3A_758 = vector.shape_cast %reduce_sum3A_757 : vector<64xf32> to vector<1x64xf32>
    %add3A_759 = arith.addf %add3A_747, %broadcast_in_dim3A_758 : vector<1x64xf32>
    %slice3A_760 = vector.extract_strided_slice %convert_element_type3A_658 {offsets = [1024, 0], sizes = [128, 64], strides = [1, 1]} : vector<2048x64xf32> to vector<128x64xf32>
    %dot_general3A_761 = arith.constant dense<0.000000e+00> : vector<128x64xf32>
    %dot_general3A_762 = tpu.matmul %convert_element_type3A_662, %slice3A_760, %dot_general3A_761 {dimension_numbers = #tpu.dot_dimension_numbers<[1], [0], [0], [1], [0, 0, 1, 1], [], []>, transpose_lhs_hint = false} : vector<128x128xf32>, vector<128x64xf32>, vector<128x64xf32> -> vector<128x64xf32>
    %add3A_763 = vector.broadcast %add3A_759 : vector<1x64xf32> to vector<128x64xf32>
    %add3A_764 = arith.addf %dot_general3A_762, %add3A_763 : vector<128x64xf32>
    %swap3A_765 = arith.constant 1024 : index
    %swap3A_766 = arith.constant 0 : index
    %swap3A_767 = vector.load %arg7[%swap3A_765, %swap3A_766] : memref<2048x64xf32, #tpu.memory_space<vmem>>, vector<128x64xf32>
    tpu.vector_store %arg7[%swap3A_765, %swap3A_766], %add3A_764 {strides = array<i32>} : memref<2048x64xf32, #tpu.memory_space<vmem>>, vector<128x64xf32>,
    %reduce_sum3A_768 = arith.constant dense<0.000000e+00> : vector<64xf32>
    %reduce_sum3A_769 = vector.multi_reduction <add>, %slice3A_760, %reduce_sum3A_768 [0] : vector<128x64xf32> to vector<64xf32>
    %broadcast_in_dim3A_770 = vector.shape_cast %reduce_sum3A_769 : vector<64xf32> to vector<1x64xf32>
    %add3A_771 = arith.addf %add3A_759, %broadcast_in_dim3A_770 : vector<1x64xf32>
    %slice3A_772 = vector.extract_strided_slice %convert_element_type3A_658 {offsets = [1152, 0], sizes = [128, 64], strides = [1, 1]} : vector<2048x64xf32> to vector<128x64xf32>
    %dot_general3A_773 = arith.constant dense<0.000000e+00> : vector<128x64xf32>
    %dot_general3A_774 = tpu.matmul %convert_element_type3A_662, %slice3A_772, %dot_general3A_773 {dimension_numbers = #tpu.dot_dimension_numbers<[1], [0], [0], [1], [0, 0, 1, 1], [], []>, transpose_lhs_hint = false} : vector<128x128xf32>, vector<128x64xf32>, vector<128x64xf32> -> vector<128x64xf32>
    %add3A_775 = vector.broadcast %add3A_771 : vector<1x64xf32> to vector<128x64xf32>
    %add3A_776 = arith.addf %dot_general3A_774, %add3A_775 : vector<128x64xf32>
    %swap3A_777 = arith.constant 1152 : index
    %swap3A_778 = arith.constant 0 : index
    %swap3A_779 = vector.load %arg7[%swap3A_777, %swap3A_778] : memref<2048x64xf32, #tpu.memory_space<vmem>>, vector<128x64xf32>
    tpu.vector_store %arg7[%swap3A_777, %swap3A_778], %add3A_776 {strides = array<i32>} : memref<2048x64xf32, #tpu.memory_space<vmem>>, vector<128x64xf32>,
    %reduce_sum3A_780 = arith.constant dense<0.000000e+00> : vector<64xf32>
    %reduce_sum3A_781 = vector.multi_reduction <add>, %slice3A_772, %reduce_sum3A_780 [0] : vector<128x64xf32> to vector<64xf32>
    %broadcast_in_dim3A_782 = vector.shape_cast %reduce_sum3A_781 : vector<64xf32> to vector<1x64xf32>
    %add3A_783 = arith.addf %add3A_771, %broadcast_in_dim3A_782 : vector<1x64xf32>
    %slice3A_784 = vector.extract_strided_slice %convert_element_type3A_658 {offsets = [1280, 0], sizes = [128, 64], strides = [1, 1]} : vector<2048x64xf32> to vector<128x64xf32>
    %dot_general3A_785 = arith.constant dense<0.000000e+00> : vector<128x64xf32>
    %dot_general3A_786 = tpu.matmul %convert_element_type3A_662, %slice3A_784, %dot_general3A_785 {dimension_numbers = #tpu.dot_dimension_numbers<[1], [0], [0], [1], [0, 0, 1, 1], [], []>, transpose_lhs_hint = false} : vector<128x128xf32>, vector<128x64xf32>, vector<128x64xf32> -> vector<128x64xf32>
    %add3A_787 = vector.broadcast %add3A_783 : vector<1x64xf32> to vector<128x64xf32>
    %add3A_788 = arith.addf %dot_general3A_786, %add3A_787 : vector<128x64xf32>
    %swap3A_789 = arith.constant 1280 : index
    %swap3A_790 = arith.constant 0 : index
    %swap3A_791 = vector.load %arg7[%swap3A_789, %swap3A_790] : memref<2048x64xf32, #tpu.memory_space<vmem>>, vector<128x64xf32>
    tpu.vector_store %arg7[%swap3A_789, %swap3A_790], %add3A_788 {strides = array<i32>} : memref<2048x64xf32, #tpu.memory_space<vmem>>, vector<128x64xf32>,
    %reduce_sum3A_792 = arith.constant dense<0.000000e+00> : vector<64xf32>
    %reduce_sum3A_793 = vector.multi_reduction <add>, %slice3A_784, %reduce_sum3A_792 [0] : vector<128x64xf32> to vector<64xf32>
    %broadcast_in_dim3A_794 = vector.shape_cast %reduce_sum3A_793 : vector<64xf32> to vector<1x64xf32>
    %add3A_795 = arith.addf %add3A_783, %broadcast_in_dim3A_794 : vector<1x64xf32>
    %slice3A_796 = vector.extract_strided_slice %convert_element_type3A_658 {offsets = [1408, 0], sizes = [128, 64], strides = [1, 1]} : vector<2048x64xf32> to vector<128x64xf32>
    %dot_general3A_797 = arith.constant dense<0.000000e+00> : vector<128x64xf32>
    %dot_general3A_798 = tpu.matmul %convert_element_type3A_662, %slice3A_796, %dot_general3A_797 {dimension_numbers = #tpu.dot_dimension_numbers<[1], [0], [0], [1], [0, 0, 1, 1], [], []>, transpose_lhs_hint = false} : vector<128x128xf32>, vector<128x64xf32>, vector<128x64xf32> -> vector<128x64xf32>
    %add3A_799 = vector.broadcast %add3A_795 : vector<1x64xf32> to vector<128x64xf32>
    %add3A_800 = arith.addf %dot_general3A_798, %add3A_799 : vector<128x64xf32>
    %swap3A_801 = arith.constant 1408 : index
    %swap3A_802 = arith.constant 0 : index
    %swap3A_803 = vector.load %arg7[%swap3A_801, %swap3A_802] : memref<2048x64xf32, #tpu.memory_space<vmem>>, vector<128x64xf32>
    tpu.vector_store %arg7[%swap3A_801, %swap3A_802], %add3A_800 {strides = array<i32>} : memref<2048x64xf32, #tpu.memory_space<vmem>>, vector<128x64xf32>,
    %reduce_sum3A_804 = arith.constant dense<0.000000e+00> : vector<64xf32>
    %reduce_sum3A_805 = vector.multi_reduction <add>, %slice3A_796, %reduce_sum3A_804 [0] : vector<128x64xf32> to vector<64xf32>
    %broadcast_in_dim3A_806 = vector.shape_cast %reduce_sum3A_805 : vector<64xf32> to vector<1x64xf32>
    %add3A_807 = arith.addf %add3A_795, %broadcast_in_dim3A_806 : vector<1x64xf32>
    %slice3A_808 = vector.extract_strided_slice %convert_element_type3A_658 {offsets = [1536, 0], sizes = [128, 64], strides = [1, 1]} : vector<2048x64xf32> to vector<128x64xf32>
    %dot_general3A_809 = arith.constant dense<0.000000e+00> : vector<128x64xf32>
    %dot_general3A_810 = tpu.matmul %convert_element_type3A_662, %slice3A_808, %dot_general3A_809 {dimension_numbers = #tpu.dot_dimension_numbers<[1], [0], [0], [1], [0, 0, 1, 1], [], []>, transpose_lhs_hint = false} : vector<128x128xf32>, vector<128x64xf32>, vector<128x64xf32> -> vector<128x64xf32>
    %add3A_811 = vector.broadcast %add3A_807 : vector<1x64xf32> to vector<128x64xf32>
    %add3A_812 = arith.addf %dot_general3A_810, %add3A_811 : vector<128x64xf32>
    %swap3A_813 = arith.constant 1536 : index
    %swap3A_814 = arith.constant 0 : index
    %swap3A_815 = vector.load %arg7[%swap3A_813, %swap3A_814] : memref<2048x64xf32, #tpu.memory_space<vmem>>, vector<128x64xf32>
    tpu.vector_store %arg7[%swap3A_813, %swap3A_814], %add3A_812 {strides = array<i32>} : memref<2048x64xf32, #tpu.memory_space<vmem>>, vector<128x64xf32>,
    %reduce_sum3A_816 = arith.constant dense<0.000000e+00> : vector<64xf32>
    %reduce_sum3A_817 = vector.multi_reduction <add>, %slice3A_808, %reduce_sum3A_816 [0] : vector<128x64xf32> to vector<64xf32>
    %broadcast_in_dim3A_818 = vector.shape_cast %reduce_sum3A_817 : vector<64xf32> to vector<1x64xf32>
    %add3A_819 = arith.addf %add3A_807, %broadcast_in_dim3A_818 : vector<1x64xf32>
    %slice3A_820 = vector.extract_strided_slice %convert_element_type3A_658 {offsets = [1664, 0], sizes = [128, 64], strides = [1, 1]} : vector<2048x64xf32> to vector<128x64xf32>
    %dot_general3A_821 = arith.constant dense<0.000000e+00> : vector<128x64xf32>
    %dot_general3A_822 = tpu.matmul %convert_element_type3A_662, %slice3A_820, %dot_general3A_821 {dimension_numbers = #tpu.dot_dimension_numbers<[1], [0], [0], [1], [0, 0, 1, 1], [], []>, transpose_lhs_hint = false} : vector<128x128xf32>, vector<128x64xf32>, vector<128x64xf32> -> vector<128x64xf32>
    %add3A_823 = vector.broadcast %add3A_819 : vector<1x64xf32> to vector<128x64xf32>
    %add3A_824 = arith.addf %dot_general3A_822, %add3A_823 : vector<128x64xf32>
    %swap3A_825 = arith.constant 1664 : index
    %swap3A_826 = arith.constant 0 : index
    %swap3A_827 = vector.load %arg7[%swap3A_825, %swap3A_826] : memref<2048x64xf32, #tpu.memory_space<vmem>>, vector<128x64xf32>
    tpu.vector_store %arg7[%swap3A_825, %swap3A_826], %add3A_824 {strides = array<i32>} : memref<2048x64xf32, #tpu.memory_space<vmem>>, vector<128x64xf32>,
    %reduce_sum3A_828 = arith.constant dense<0.000000e+00> : vector<64xf32>
    %reduce_sum3A_829 = vector.multi_reduction <add>, %slice3A_820, %reduce_sum3A_828 [0] : vector<128x64xf32> to vector<64xf32>
    %broadcast_in_dim3A_830 = vector.shape_cast %reduce_sum3A_829 : vector<64xf32> to vector<1x64xf32>
    %add3A_831 = arith.addf %add3A_819, %broadcast_in_dim3A_830 : vector<1x64xf32>
    %slice3A_832 = vector.extract_strided_slice %convert_element_type3A_658 {offsets = [1792, 0], sizes = [128, 64], strides = [1, 1]} : vector<2048x64xf32> to vector<128x64xf32>
    %dot_general3A_833 = arith.constant dense<0.000000e+00> : vector<128x64xf32>
    %dot_general3A_834 = tpu.matmul %convert_element_type3A_662, %slice3A_832, %dot_general3A_833 {dimension_numbers = #tpu.dot_dimension_numbers<[1], [0], [0], [1], [0, 0, 1, 1], [], []>, transpose_lhs_hint = false} : vector<128x128xf32>, vector<128x64xf32>, vector<128x64xf32> -> vector<128x64xf32>
    %add3A_835 = vector.broadcast %add3A_831 : vector<1x64xf32> to vector<128x64xf32>
    %add3A_836 = arith.addf %dot_general3A_834, %add3A_835 : vector<128x64xf32>
    %swap3A_837 = arith.constant 1792 : index
    %swap3A_838 = arith.constant 0 : index
    %swap3A_839 = vector.load %arg7[%swap3A_837, %swap3A_838] : memref<2048x64xf32, #tpu.memory_space<vmem>>, vector<128x64xf32>
    tpu.vector_store %arg7[%swap3A_837, %swap3A_838], %add3A_836 {strides = array<i32>} : memref<2048x64xf32, #tpu.memory_space<vmem>>, vector<128x64xf32>,
    %reduce_sum3A_840 = arith.constant dense<0.000000e+00> : vector<64xf32>
    %reduce_sum3A_841 = vector.multi_reduction <add>, %slice3A_832, %reduce_sum3A_840 [0] : vector<128x64xf32> to vector<64xf32>
    %broadcast_in_dim3A_842 = vector.shape_cast %reduce_sum3A_841 : vector<64xf32> to vector<1x64xf32>
    %add3A_843 = arith.addf %add3A_831, %broadcast_in_dim3A_842 : vector<1x64xf32>
    %slice3A_844 = vector.extract_strided_slice %convert_element_type3A_658 {offsets = [1920, 0], sizes = [128, 64], strides = [1, 1]} : vector<2048x64xf32> to vector<128x64xf32>
    %dot_general3A_845 = arith.constant dense<0.000000e+00> : vector<128x64xf32>
    %dot_general3A_846 = tpu.matmul %convert_element_type3A_662, %slice3A_844, %dot_general3A_845 {dimension_numbers = #tpu.dot_dimension_numbers<[1], [0], [0], [1], [0, 0, 1, 1], [], []>, transpose_lhs_hint = false} : vector<128x128xf32>, vector<128x64xf32>, vector<128x64xf32> -> vector<128x64xf32>
    %add3A_847 = vector.broadcast %add3A_843 : vector<1x64xf32> to vector<128x64xf32>
    %add3A_848 = arith.addf %dot_general3A_846, %add3A_847 : vector<128x64xf32>
    %swap3A_849 = arith.constant 1920 : index
    %swap3A_850 = arith.constant 0 : index
    %swap3A_851 = vector.load %arg7[%swap3A_849, %swap3A_850] : memref<2048x64xf32, #tpu.memory_space<vmem>>, vector<128x64xf32>
    tpu.vector_store %arg7[%swap3A_849, %swap3A_850], %add3A_848 {strides = array<i32>} : memref<2048x64xf32, #tpu.memory_space<vmem>>, vector<128x64xf32>,
    %reduce_sum3A_852 = arith.constant dense<0.000000e+00> : vector<64xf32>
    %reduce_sum3A_853 = vector.multi_reduction <add>, %slice3A_844, %reduce_sum3A_852 [0] : vector<128x64xf32> to vector<64xf32>
    %broadcast_in_dim3A_854 = vector.shape_cast %reduce_sum3A_853 : vector<64xf32> to vector<1x64xf32>
    %add3A_855 = arith.addf %add3A_843, %broadcast_in_dim3A_854 : vector<1x64xf32>
    %add3A_856 = arith.constant 2.550000e+02 : f32
    %add3A_857 = vector.broadcast %add3A_856 : f32 to vector<1x64xf32>
    %add3A_858 = arith.addf %add3A_855, %add3A_857 : vector<1x64xf32>
    %div3A_859 = arith.constant 2.560000e+02 : f32
    %div3A_860 = vector.broadcast %div3A_859 : f32 to vector<1x64xf32>
    %div3A_861 = arith.divf %add3A_858, %div3A_860 : vector<1x64xf32>
    %floor3A = math.floor %div3A_861 : vector<1x64xf32>
    %iota3A_862 = tpu.iota {dimensions = array<i32: 0>} : vector<64x64xi32>
    %iota3A_863 = tpu.iota {dimensions = array<i32: 1>} : vector<64x64xi32>
    %lt3A = arith.cmpi slt, %iota3A_862, %iota3A_863 : vector<64x64xi32>
    %convert_element_type3A_864 = arith.extui %lt3A : vector<64x64xi1> to vector<64x64xi32>
    %convert_element_type3A_865 = arith.sitofp %convert_element_type3A_864 : vector<64x64xi32> to vector<64x64xf32>
    %dot_general3A_866 = arith.constant dense<0.000000e+00> : vector<1x64xf32>
    %dot_general3A_867 = tpu.matmul %floor3A, %convert_element_type3A_865, %dot_general3A_866 {dimension_numbers = #tpu.dot_dimension_numbers<[1], [0], [0], [1], [0, 0, 1, 1], [], []>, transpose_lhs_hint = false} : vector<1x64xf32>, vector<64x64xf32>, vector<1x64xf32> -> vector<1x64xf32>
    %get3A_868 = arith.constant 0 : index
    %get3A_869 = arith.constant 0 : index
    %get3A_870 = vector.load %arg7[%get3A_868, %get3A_869] : memref<2048x64xf32, #tpu.memory_space<vmem>>, vector<2048x64xf32>
    %mul3A_871 = arith.constant 2.560000e+02 : f32
    %mul3A_872 = vector.broadcast %mul3A_871 : f32 to vector<1x64xf32>
    %mul3A_873 = arith.mulf %dot_general3A_867, %mul3A_872 : vector<1x64xf32>
    %add3A_874 = vector.broadcast %mul3A_873 : vector<1x64xf32> to vector<2048x64xf32>
    %add3A_875 = arith.addf %get3A_870, %add3A_874 : vector<2048x64xf32>
    %broadcast_in_dim3A_876 = arith.constant 0.000000e+00 : f32
    %broadcast_in_dim3A_877 = vector.broadcast %broadcast_in_dim3A_876 : f32 to vector<2048x8xf32>
    %eq3A_878 = vector.broadcast %broadcast_in_dim3A_382 : vector<2048x1xi32> to vector<2048x64xi32>
    %eq3A_879 = arith.cmpi eq, %iota3A, %eq3A_878 : vector<2048x64xi32>
    %jit3A_880 = arith.constant 0.000000e+00 : f32
    %broadcast_in_dim3A_881 = vector.broadcast %jit3A_880 : f32 to vector<2048x64xf32>
    %select_n3A_882 = arith.select %eq3A_879, %add3A_875, %broadcast_in_dim3A_881 : vector<2048x64xi1>, vector<2048x64xf32>
    %reduce_sum3A_883 = arith.constant dense<0.000000e+00> : vector<2048xf32>
    %reduce_sum3A_884 = vector.multi_reduction <add>, %select_n3A_882, %reduce_sum3A_883 [1] : vector<2048x64xf32> to vector<2048xf32>
    %broadcast_in_dim3A_885 = vector.shape_cast %reduce_sum3A_884 : vector<2048xf32> to vector<2048x1xf32>
    %eq3A_886 = arith.constant 0 : i32
    %eq3A_887 = vector.broadcast %eq3A_886 : i32 to vector<2048x8xi32>
    %eq3A_888 = arith.cmpi eq, %iota3A_364, %eq3A_887 : vector<2048x8xi32>
    %jit3A_889 = arith.constant 0.000000e+00 : f32
    %broadcast_in_dim3A_890 = vector.shape_cast %broadcast_in_dim3A_885 : vector<2048x1xf32> to vector<2048x1xf32>
    %broadcast_in_dim3A_891 = vector.broadcast %broadcast_in_dim3A_890 : vector<2048x1xf32> to vector<2048x8xf32>
    %broadcast_in_dim3A_892 = vector.broadcast %jit3A_889 : f32 to vector<2048x8xf32>
    %select_n3A_893 = arith.select %eq3A_888, %broadcast_in_dim3A_891, %broadcast_in_dim3A_892 : vector<2048x8xi1>, vector<2048x8xf32>
    %add3A_894 = arith.addf %broadcast_in_dim3A_877, %select_n3A_893 : vector<2048x8xf32>
    %eq3A_895 = vector.broadcast %broadcast_in_dim3A_416 : vector<2048x1xi32> to vector<2048x64xi32>
    %eq3A_896 = arith.cmpi eq, %iota3A, %eq3A_895 : vector<2048x64xi32>
    %jit3A_897 = arith.constant 0.000000e+00 : f32
    %broadcast_in_dim3A_898 = vector.broadcast %jit3A_897 : f32 to vector<2048x64xf32>
    %select_n3A_899 = arith.select %eq3A_896, %add3A_875, %broadcast_in_dim3A_898 : vector<2048x64xi1>, vector<2048x64xf32>
    %reduce_sum3A_900 = arith.constant dense<0.000000e+00> : vector<2048xf32>
    %reduce_sum3A_901 = vector.multi_reduction <add>, %select_n3A_899, %reduce_sum3A_900 [1] : vector<2048x64xf32> to vector<2048xf32>
    %broadcast_in_dim3A_902 = vector.shape_cast %reduce_sum3A_901 : vector<2048xf32> to vector<2048x1xf32>
    %eq3A_903 = arith.constant 1 : i32
    %eq3A_904 = vector.broadcast %eq3A_903 : i32 to vector<2048x8xi32>
    %eq3A_905 = arith.cmpi eq, %iota3A_364, %eq3A_904 : vector<2048x8xi32>
    %jit3A_906 = arith.constant 0.000000e+00 : f32
    %broadcast_in_dim3A_907 = vector.shape_cast %broadcast_in_dim3A_902 : vector<2048x1xf32> to vector<2048x1xf32>
    %broadcast_in_dim3A_908 = vector.broadcast %broadcast_in_dim3A_907 : vector<2048x1xf32> to vector<2048x8xf32>
    %broadcast_in_dim3A_909 = vector.broadcast %jit3A_906 : f32 to vector<2048x8xf32>
    %select_n3A_910 = arith.select %eq3A_905, %broadcast_in_dim3A_908, %broadcast_in_dim3A_909 : vector<2048x8xi1>, vector<2048x8xf32>
    %add3A_911 = arith.addf %add3A_894, %select_n3A_910 : vector<2048x8xf32>
    %eq3A_912 = vector.broadcast %broadcast_in_dim3A_451 : vector<2048x1xi32> to vector<2048x64xi32>
    %eq3A_913 = arith.cmpi eq, %iota3A, %eq3A_912 : vector<2048x64xi32>
    %jit3A_914 = arith.constant 0.000000e+00 : f32
    %broadcast_in_dim3A_915 = vector.broadcast %jit3A_914 : f32 to vector<2048x64xf32>
    %select_n3A_916 = arith.select %eq3A_913, %add3A_875, %broadcast_in_dim3A_915 : vector<2048x64xi1>, vector<2048x64xf32>
    %reduce_sum3A_917 = arith.constant dense<0.000000e+00> : vector<2048xf32>
    %reduce_sum3A_918 = vector.multi_reduction <add>, %select_n3A_916, %reduce_sum3A_917 [1] : vector<2048x64xf32> to vector<2048xf32>
    %broadcast_in_dim3A_919 = vector.shape_cast %reduce_sum3A_918 : vector<2048xf32> to vector<2048x1xf32>
    %eq3A_920 = arith.constant 2 : i32
    %eq3A_921 = vector.broadcast %eq3A_920 : i32 to vector<2048x8xi32>
    %eq3A_922 = arith.cmpi eq, %iota3A_364, %eq3A_921 : vector<2048x8xi32>
    %jit3A_923 = arith.constant 0.000000e+00 : f32
    %broadcast_in_dim3A_924 = vector.shape_cast %broadcast_in_dim3A_919 : vector<2048x1xf32> to vector<2048x1xf32>
    %broadcast_in_dim3A_925 = vector.broadcast %broadcast_in_dim3A_924 : vector<2048x1xf32> to vector<2048x8xf32>
    %broadcast_in_dim3A_926 = vector.broadcast %jit3A_923 : f32 to vector<2048x8xf32>
    %select_n3A_927 = arith.select %eq3A_922, %broadcast_in_dim3A_925, %broadcast_in_dim3A_926 : vector<2048x8xi1>, vector<2048x8xf32>
    %add3A_928 = arith.addf %add3A_911, %select_n3A_927 : vector<2048x8xf32>
    %eq3A_929 = vector.broadcast %broadcast_in_dim3A_486 : vector<2048x1xi32> to vector<2048x64xi32>
    %eq3A_930 = arith.cmpi eq, %iota3A, %eq3A_929 : vector<2048x64xi32>
    %jit3A_931 = arith.constant 0.000000e+00 : f32
    %broadcast_in_dim3A_932 = vector.broadcast %jit3A_931 : f32 to vector<2048x64xf32>
    %select_n3A_933 = arith.select %eq3A_930, %add3A_875, %broadcast_in_dim3A_932 : vector<2048x64xi1>, vector<2048x64xf32>
    %reduce_sum3A_934 = arith.constant dense<0.000000e+00> : vector<2048xf32>
    %reduce_sum3A_935 = vector.multi_reduction <add>, %select_n3A_933, %reduce_sum3A_934 [1] : vector<2048x64xf32> to vector<2048xf32>
    %broadcast_in_dim3A_936 = vector.shape_cast %reduce_sum3A_935 : vector<2048xf32> to vector<2048x1xf32>
    %eq3A_937 = arith.constant 3 : i32
    %eq3A_938 = vector.broadcast %eq3A_937 : i32 to vector<2048x8xi32>
    %eq3A_939 = arith.cmpi eq, %iota3A_364, %eq3A_938 : vector<2048x8xi32>
    %jit3A_940 = arith.constant 0.000000e+00 : f32
    %broadcast_in_dim3A_941 = vector.shape_cast %broadcast_in_dim3A_936 : vector<2048x1xf32> to vector<2048x1xf32>
    %broadcast_in_dim3A_942 = vector.broadcast %broadcast_in_dim3A_941 : vector<2048x1xf32> to vector<2048x8xf32>
    %broadcast_in_dim3A_943 = vector.broadcast %jit3A_940 : f32 to vector<2048x8xf32>
    %select_n3A_944 = arith.select %eq3A_939, %broadcast_in_dim3A_942, %broadcast_in_dim3A_943 : vector<2048x8xi1>, vector<2048x8xf32>
    %add3A_945 = arith.addf %add3A_928, %select_n3A_944 : vector<2048x8xf32>
    %eq3A_946 = vector.broadcast %broadcast_in_dim3A_521 : vector<2048x1xi32> to vector<2048x64xi32>
    %eq3A_947 = arith.cmpi eq, %iota3A, %eq3A_946 : vector<2048x64xi32>
    %jit3A_948 = arith.constant 0.000000e+00 : f32
    %broadcast_in_dim3A_949 = vector.broadcast %jit3A_948 : f32 to vector<2048x64xf32>
    %select_n3A_950 = arith.select %eq3A_947, %add3A_875, %broadcast_in_dim3A_949 : vector<2048x64xi1>, vector<2048x64xf32>
    %reduce_sum3A_951 = arith.constant dense<0.000000e+00> : vector<2048xf32>
    %reduce_sum3A_952 = vector.multi_reduction <add>, %select_n3A_950, %reduce_sum3A_951 [1] : vector<2048x64xf32> to vector<2048xf32>
    %broadcast_in_dim3A_953 = vector.shape_cast %reduce_sum3A_952 : vector<2048xf32> to vector<2048x1xf32>
    %eq3A_954 = arith.constant 4 : i32
    %eq3A_955 = vector.broadcast %eq3A_954 : i32 to vector<2048x8xi32>
    %eq3A_956 = arith.cmpi eq, %iota3A_364, %eq3A_955 : vector<2048x8xi32>
    %jit3A_957 = arith.constant 0.000000e+00 : f32
    %broadcast_in_dim3A_958 = vector.shape_cast %broadcast_in_dim3A_953 : vector<2048x1xf32> to vector<2048x1xf32>
    %broadcast_in_dim3A_959 = vector.broadcast %broadcast_in_dim3A_958 : vector<2048x1xf32> to vector<2048x8xf32>
    %broadcast_in_dim3A_960 = vector.broadcast %jit3A_957 : f32 to vector<2048x8xf32>
    %select_n3A_961 = arith.select %eq3A_956, %broadcast_in_dim3A_959, %broadcast_in_dim3A_960 : vector<2048x8xi1>, vector<2048x8xf32>
    %add3A_962 = arith.addf %add3A_945, %select_n3A_961 : vector<2048x8xf32>
    %eq3A_963 = vector.broadcast %broadcast_in_dim3A_556 : vector<2048x1xi32> to vector<2048x64xi32>
    %eq3A_964 = arith.cmpi eq, %iota3A, %eq3A_963 : vector<2048x64xi32>
    %jit3A_965 = arith.constant 0.000000e+00 : f32
    %broadcast_in_dim3A_966 = vector.broadcast %jit3A_965 : f32 to vector<2048x64xf32>
    %select_n3A_967 = arith.select %eq3A_964, %add3A_875, %broadcast_in_dim3A_966 : vector<2048x64xi1>, vector<2048x64xf32>
    %reduce_sum3A_968 = arith.constant dense<0.000000e+00> : vector<2048xf32>
    %reduce_sum3A_969 = vector.multi_reduction <add>, %select_n3A_967, %reduce_sum3A_968 [1] : vector<2048x64xf32> to vector<2048xf32>
    %broadcast_in_dim3A_970 = vector.shape_cast %reduce_sum3A_969 : vector<2048xf32> to vector<2048x1xf32>
    %eq3A_971 = arith.constant 5 : i32
    %eq3A_972 = vector.broadcast %eq3A_971 : i32 to vector<2048x8xi32>
    %eq3A_973 = arith.cmpi eq, %iota3A_364, %eq3A_972 : vector<2048x8xi32>
    %jit3A_974 = arith.constant 0.000000e+00 : f32
    %broadcast_in_dim3A_975 = vector.shape_cast %broadcast_in_dim3A_970 : vector<2048x1xf32> to vector<2048x1xf32>
    %broadcast_in_dim3A_976 = vector.broadcast %broadcast_in_dim3A_975 : vector<2048x1xf32> to vector<2048x8xf32>
    %broadcast_in_dim3A_977 = vector.broadcast %jit3A_974 : f32 to vector<2048x8xf32>
    %select_n3A_978 = arith.select %eq3A_973, %broadcast_in_dim3A_976, %broadcast_in_dim3A_977 : vector<2048x8xi1>, vector<2048x8xf32>
    %add3A_979 = arith.addf %add3A_962, %select_n3A_978 : vector<2048x8xf32>
    %eq3A_980 = vector.broadcast %broadcast_in_dim3A_591 : vector<2048x1xi32> to vector<2048x64xi32>
    %eq3A_981 = arith.cmpi eq, %iota3A, %eq3A_980 : vector<2048x64xi32>
    %jit3A_982 = arith.constant 0.000000e+00 : f32
    %broadcast_in_dim3A_983 = vector.broadcast %jit3A_982 : f32 to vector<2048x64xf32>
    %select_n3A_984 = arith.select %eq3A_981, %add3A_875, %broadcast_in_dim3A_983 : vector<2048x64xi1>, vector<2048x64xf32>
    %reduce_sum3A_985 = arith.constant dense<0.000000e+00> : vector<2048xf32>
    %reduce_sum3A_986 = vector.multi_reduction <add>, %select_n3A_984, %reduce_sum3A_985 [1] : vector<2048x64xf32> to vector<2048xf32>
    %broadcast_in_dim3A_987 = vector.shape_cast %reduce_sum3A_986 : vector<2048xf32> to vector<2048x1xf32>
    %eq3A_988 = arith.constant 6 : i32
    %eq3A_989 = vector.broadcast %eq3A_988 : i32 to vector<2048x8xi32>
    %eq3A_990 = arith.cmpi eq, %iota3A_364, %eq3A_989 : vector<2048x8xi32>
    %jit3A_991 = arith.constant 0.000000e+00 : f32
    %broadcast_in_dim3A_992 = vector.shape_cast %broadcast_in_dim3A_987 : vector<2048x1xf32> to vector<2048x1xf32>
    %broadcast_in_dim3A_993 = vector.broadcast %broadcast_in_dim3A_992 : vector<2048x1xf32> to vector<2048x8xf32>
    %broadcast_in_dim3A_994 = vector.broadcast %jit3A_991 : f32 to vector<2048x8xf32>
    %select_n3A_995 = arith.select %eq3A_990, %broadcast_in_dim3A_993, %broadcast_in_dim3A_994 : vector<2048x8xi1>, vector<2048x8xf32>
    %add3A_996 = arith.addf %add3A_979, %select_n3A_995 : vector<2048x8xf32>
    %eq3A_997 = vector.broadcast %broadcast_in_dim3A_626 : vector<2048x1xi32> to vector<2048x64xi32>
    %eq3A_998 = arith.cmpi eq, %iota3A, %eq3A_997 : vector<2048x64xi32>
    %jit3A_999 = arith.constant 0.000000e+00 : f32
    %broadcast_in_dim3A_1000 = vector.broadcast %jit3A_999 : f32 to vector<2048x64xf32>
    %select_n3A_1001 = arith.select %eq3A_998, %add3A_875, %broadcast_in_dim3A_1000 : vector<2048x64xi1>, vector<2048x64xf32>
    %reduce_sum3A_1002 = arith.constant dense<0.000000e+00> : vector<2048xf32>
    %reduce_sum3A_1003 = vector.multi_reduction <add>, %select_n3A_1001, %reduce_sum3A_1002 [1] : vector<2048x64xf32> to vector<2048xf32>
    %broadcast_in_dim3A_1004 = vector.shape_cast %reduce_sum3A_1003 : vector<2048xf32> to vector<2048x1xf32>
    %eq3A_1005 = arith.constant 7 : i32
    %eq3A_1006 = vector.broadcast %eq3A_1005 : i32 to vector<2048x8xi32>
    %eq3A_1007 = arith.cmpi eq, %iota3A_364, %eq3A_1006 : vector<2048x8xi32>
    %jit3A_1008 = arith.constant 0.000000e+00 : f32
    %broadcast_in_dim3A_1009 = vector.shape_cast %broadcast_in_dim3A_1004 : vector<2048x1xf32> to vector<2048x1xf32>
    %broadcast_in_dim3A_1010 = vector.broadcast %broadcast_in_dim3A_1009 : vector<2048x1xf32> to vector<2048x8xf32>
    %broadcast_in_dim3A_1011 = vector.broadcast %jit3A_1008 : f32 to vector<2048x8xf32>
    %select_n3A_1012 = arith.select %eq3A_1007, %broadcast_in_dim3A_1010, %broadcast_in_dim3A_1011 : vector<2048x8xi1>, vector<2048x8xf32>
    %add3A_1013 = arith.addf %add3A_996, %select_n3A_1012 : vector<2048x8xf32>
    %convert_element_type3A_1014 = arith.fptosi %add3A_1013 : vector<2048x8xf32> to vector<2048x8xi32>
    %swap3A_1015 = arith.constant 0 : index
    %swap3A_1016 = arith.constant 0 : index
    %swap3A_1017 = vector.load %arg3[%swap3A_1015, %swap3A_1016] : memref<2048x8xi32, #tpu.memory_space<vmem>>, vector<2048x8xi32>
    tpu.vector_store %arg3[%swap3A_1015, %swap3A_1016], %convert_element_type3A_1014 {strides = array<i32>} : memref<2048x8xi32, #tpu.memory_space<vmem>>, vector<2048x8xi32>,
    %iota3A_1018 = tpu.iota {dimensions = array<i32: 1>} : vector<1x128xi32>
    %convert_element_type3A_1019 = arith.sitofp %iota3A_1018 : vector<1x128xi32> to vector<1x128xf32>
    %broadcast_in_dim3A_1020 = arith.constant 0.000000e+00 : f32
    %broadcast_in_dim3A_1021 = vector.broadcast %broadcast_in_dim3A_1020 : f32 to vector<1x128xf32>
    %slice3A_1022 = vector.extract_strided_slice %dot_general3A_867 {offsets = [0, 0], sizes = [1, 1], strides = [1, 1]} : vector<1x64xf32> to vector<1x1xf32>
    %ge3A = vector.broadcast %slice3A_1022 : vector<1x1xf32> to vector<1x128xf32>
    %ge3A_1023 = arith.cmpf oge, %convert_element_type3A_1019, %ge3A : vector<1x128xf32>
    %convert_element_type3A_1024 = arith.extui %ge3A_1023 : vector<1x128xi1> to vector<1x128xi32>
    %convert_element_type3A_1025 = arith.sitofp %convert_element_type3A_1024 : vector<1x128xi32> to vector<1x128xf32>
    %add3A_1026 = arith.addf %broadcast_in_dim3A_1021, %convert_element_type3A_1025 : vector<1x128xf32>
    %slice3A_1027 = vector.extract_strided_slice %dot_general3A_867 {offsets = [0, 1], sizes = [1, 1], strides = [1, 1]} : vector<1x64xf32> to vector<1x1xf32>
    %ge3A_1028 = vector.broadcast %slice3A_1027 : vector<1x1xf32> to vector<1x128xf32>
    %ge3A_1029 = arith.cmpf oge, %convert_element_type3A_1019, %ge3A_1028 : vector<1x128xf32>
    %convert_element_type3A_1030 = arith.extui %ge3A_1029 : vector<1x128xi1> to vector<1x128xi32>
    %convert_element_type3A_1031 = arith.sitofp %convert_element_type3A_1030 : vector<1x128xi32> to vector<1x128xf32>
    %add3A_1032 = arith.addf %add3A_1026, %convert_element_type3A_1031 : vector<1x128xf32>
    %slice3A_1033 = vector.extract_strided_slice %dot_general3A_867 {offsets = [0, 2], sizes = [1, 1], strides = [1, 1]} : vector<1x64xf32> to vector<1x1xf32>
    %ge3A_1034 = vector.broadcast %slice3A_1033 : vector<1x1xf32> to vector<1x128xf32>
    %ge3A_1035 = arith.cmpf oge, %convert_element_type3A_1019, %ge3A_1034 : vector<1x128xf32>
    %convert_element_type3A_1036 = arith.extui %ge3A_1035 : vector<1x128xi1> to vector<1x128xi32>
    %convert_element_type3A_1037 = arith.sitofp %convert_element_type3A_1036 : vector<1x128xi32> to vector<1x128xf32>
    %add3A_1038 = arith.addf %add3A_1032, %convert_element_type3A_1037 : vector<1x128xf32>
    %slice3A_1039 = vector.extract_strided_slice %dot_general3A_867 {offsets = [0, 3], sizes = [1, 1], strides = [1, 1]} : vector<1x64xf32> to vector<1x1xf32>
    %ge3A_1040 = vector.broadcast %slice3A_1039 : vector<1x1xf32> to vector<1x128xf32>
    %ge3A_1041 = arith.cmpf oge, %convert_element_type3A_1019, %ge3A_1040 : vector<1x128xf32>
    %convert_element_type3A_1042 = arith.extui %ge3A_1041 : vector<1x128xi1> to vector<1x128xi32>
    %convert_element_type3A_1043 = arith.sitofp %convert_element_type3A_1042 : vector<1x128xi32> to vector<1x128xf32>
    %add3A_1044 = arith.addf %add3A_1038, %convert_element_type3A_1043 : vector<1x128xf32>
    %slice3A_1045 = vector.extract_strided_slice %dot_general3A_867 {offsets = [0, 4], sizes = [1, 1], strides = [1, 1]} : vector<1x64xf32> to vector<1x1xf32>
    %ge3A_1046 = vector.broadcast %slice3A_1045 : vector<1x1xf32> to vector<1x128xf32>
    %ge3A_1047 = arith.cmpf oge, %convert_element_type3A_1019, %ge3A_1046 : vector<1x128xf32>
    %convert_element_type3A_1048 = arith.extui %ge3A_1047 : vector<1x128xi1> to vector<1x128xi32>
    %convert_element_type3A_1049 = arith.sitofp %convert_element_type3A_1048 : vector<1x128xi32> to vector<1x128xf32>
    %add3A_1050 = arith.addf %add3A_1044, %convert_element_type3A_1049 : vector<1x128xf32>
    %slice3A_1051 = vector.extract_strided_slice %dot_general3A_867 {offsets = [0, 5], sizes = [1, 1], strides = [1, 1]} : vector<1x64xf32> to vector<1x1xf32>
    %ge3A_1052 = vector.broadcast %slice3A_1051 : vector<1x1xf32> to vector<1x128xf32>
    %ge3A_1053 = arith.cmpf oge, %convert_element_type3A_1019, %ge3A_1052 : vector<1x128xf32>
    %convert_element_type3A_1054 = arith.extui %ge3A_1053 : vector<1x128xi1> to vector<1x128xi32>
    %convert_element_type3A_1055 = arith.sitofp %convert_element_type3A_1054 : vector<1x128xi32> to vector<1x128xf32>
    %add3A_1056 = arith.addf %add3A_1050, %convert_element_type3A_1055 : vector<1x128xf32>
    %slice3A_1057 = vector.extract_strided_slice %dot_general3A_867 {offsets = [0, 6], sizes = [1, 1], strides = [1, 1]} : vector<1x64xf32> to vector<1x1xf32>
    %ge3A_1058 = vector.broadcast %slice3A_1057 : vector<1x1xf32> to vector<1x128xf32>
    %ge3A_1059 = arith.cmpf oge, %convert_element_type3A_1019, %ge3A_1058 : vector<1x128xf32>
    %convert_element_type3A_1060 = arith.extui %ge3A_1059 : vector<1x128xi1> to vector<1x128xi32>
    %convert_element_type3A_1061 = arith.sitofp %convert_element_type3A_1060 : vector<1x128xi32> to vector<1x128xf32>
    %add3A_1062 = arith.addf %add3A_1056, %convert_element_type3A_1061 : vector<1x128xf32>
    %slice3A_1063 = vector.extract_strided_slice %dot_general3A_867 {offsets = [0, 7], sizes = [1, 1], strides = [1, 1]} : vector<1x64xf32> to vector<1x1xf32>
    %ge3A_1064 = vector.broadcast %slice3A_1063 : vector<1x1xf32> to vector<1x128xf32>
    %ge3A_1065 = arith.cmpf oge, %convert_element_type3A_1019, %ge3A_1064 : vector<1x128xf32>
    %convert_element_type3A_1066 = arith.extui %ge3A_1065 : vector<1x128xi1> to vector<1x128xi32>
    %convert_element_type3A_1067 = arith.sitofp %convert_element_type3A_1066 : vector<1x128xi32> to vector<1x128xf32>
    %add3A_1068 = arith.addf %add3A_1062, %convert_element_type3A_1067 : vector<1x128xf32>
    %slice3A_1069 = vector.extract_strided_slice %dot_general3A_867 {offsets = [0, 8], sizes = [1, 1], strides = [1, 1]} : vector<1x64xf32> to vector<1x1xf32>
    %ge3A_1070 = vector.broadcast %slice3A_1069 : vector<1x1xf32> to vector<1x128xf32>
    %ge3A_1071 = arith.cmpf oge, %convert_element_type3A_1019, %ge3A_1070 : vector<1x128xf32>
    %convert_element_type3A_1072 = arith.extui %ge3A_1071 : vector<1x128xi1> to vector<1x128xi32>
    %convert_element_type3A_1073 = arith.sitofp %convert_element_type3A_1072 : vector<1x128xi32> to vector<1x128xf32>
    %add3A_1074 = arith.addf %add3A_1068, %convert_element_type3A_1073 : vector<1x128xf32>
    %slice3A_1075 = vector.extract_strided_slice %dot_general3A_867 {offsets = [0, 9], sizes = [1, 1], strides = [1, 1]} : vector<1x64xf32> to vector<1x1xf32>
    %ge3A_1076 = vector.broadcast %slice3A_1075 : vector<1x1xf32> to vector<1x128xf32>
    %ge3A_1077 = arith.cmpf oge, %convert_element_type3A_1019, %ge3A_1076 : vector<1x128xf32>
    %convert_element_type3A_1078 = arith.extui %ge3A_1077 : vector<1x128xi1> to vector<1x128xi32>
    %convert_element_type3A_1079 = arith.sitofp %convert_element_type3A_1078 : vector<1x128xi32> to vector<1x128xf32>
    %add3A_1080 = arith.addf %add3A_1074, %convert_element_type3A_1079 : vector<1x128xf32>
    %slice3A_1081 = vector.extract_strided_slice %dot_general3A_867 {offsets = [0, 10], sizes = [1, 1], strides = [1, 1]} : vector<1x64xf32> to vector<1x1xf32>
    %ge3A_1082 = vector.broadcast %slice3A_1081 : vector<1x1xf32> to vector<1x128xf32>
    %ge3A_1083 = arith.cmpf oge, %convert_element_type3A_1019, %ge3A_1082 : vector<1x128xf32>
    %convert_element_type3A_1084 = arith.extui %ge3A_1083 : vector<1x128xi1> to vector<1x128xi32>
    %convert_element_type3A_1085 = arith.sitofp %convert_element_type3A_1084 : vector<1x128xi32> to vector<1x128xf32>
    %add3A_1086 = arith.addf %add3A_1080, %convert_element_type3A_1085 : vector<1x128xf32>
    %slice3A_1087 = vector.extract_strided_slice %dot_general3A_867 {offsets = [0, 11], sizes = [1, 1], strides = [1, 1]} : vector<1x64xf32> to vector<1x1xf32>
    %ge3A_1088 = vector.broadcast %slice3A_1087 : vector<1x1xf32> to vector<1x128xf32>
    %ge3A_1089 = arith.cmpf oge, %convert_element_type3A_1019, %ge3A_1088 : vector<1x128xf32>
    %convert_element_type3A_1090 = arith.extui %ge3A_1089 : vector<1x128xi1> to vector<1x128xi32>
    %convert_element_type3A_1091 = arith.sitofp %convert_element_type3A_1090 : vector<1x128xi32> to vector<1x128xf32>
    %add3A_1092 = arith.addf %add3A_1086, %convert_element_type3A_1091 : vector<1x128xf32>
    %slice3A_1093 = vector.extract_strided_slice %dot_general3A_867 {offsets = [0, 12], sizes = [1, 1], strides = [1, 1]} : vector<1x64xf32> to vector<1x1xf32>
    %ge3A_1094 = vector.broadcast %slice3A_1093 : vector<1x1xf32> to vector<1x128xf32>
    %ge3A_1095 = arith.cmpf oge, %convert_element_type3A_1019, %ge3A_1094 : vector<1x128xf32>
    %convert_element_type3A_1096 = arith.extui %ge3A_1095 : vector<1x128xi1> to vector<1x128xi32>
    %convert_element_type3A_1097 = arith.sitofp %convert_element_type3A_1096 : vector<1x128xi32> to vector<1x128xf32>
    %add3A_1098 = arith.addf %add3A_1092, %convert_element_type3A_1097 : vector<1x128xf32>
    %slice3A_1099 = vector.extract_strided_slice %dot_general3A_867 {offsets = [0, 13], sizes = [1, 1], strides = [1, 1]} : vector<1x64xf32> to vector<1x1xf32>
    %ge3A_1100 = vector.broadcast %slice3A_1099 : vector<1x1xf32> to vector<1x128xf32>
    %ge3A_1101 = arith.cmpf oge, %convert_element_type3A_1019, %ge3A_1100 : vector<1x128xf32>
    %convert_element_type3A_1102 = arith.extui %ge3A_1101 : vector<1x128xi1> to vector<1x128xi32>
    %convert_element_type3A_1103 = arith.sitofp %convert_element_type3A_1102 : vector<1x128xi32> to vector<1x128xf32>
    %add3A_1104 = arith.addf %add3A_1098, %convert_element_type3A_1103 : vector<1x128xf32>
    %slice3A_1105 = vector.extract_strided_slice %dot_general3A_867 {offsets = [0, 14], sizes = [1, 1], strides = [1, 1]} : vector<1x64xf32> to vector<1x1xf32>
    %ge3A_1106 = vector.broadcast %slice3A_1105 : vector<1x1xf32> to vector<1x128xf32>
    %ge3A_1107 = arith.cmpf oge, %convert_element_type3A_1019, %ge3A_1106 : vector<1x128xf32>
    %convert_element_type3A_1108 = arith.extui %ge3A_1107 : vector<1x128xi1> to vector<1x128xi32>
    %convert_element_type3A_1109 = arith.sitofp %convert_element_type3A_1108 : vector<1x128xi32> to vector<1x128xf32>
    %add3A_1110 = arith.addf %add3A_1104, %convert_element_type3A_1109 : vector<1x128xf32>
    %slice3A_1111 = vector.extract_strided_slice %dot_general3A_867 {offsets = [0, 15], sizes = [1, 1], strides = [1, 1]} : vector<1x64xf32> to vector<1x1xf32>
    %ge3A_1112 = vector.broadcast %slice3A_1111 : vector<1x1xf32> to vector<1x128xf32>
    %ge3A_1113 = arith.cmpf oge, %convert_element_type3A_1019, %ge3A_1112 : vector<1x128xf32>
    %convert_element_type3A_1114 = arith.extui %ge3A_1113 : vector<1x128xi1> to vector<1x128xi32>
    %convert_element_type3A_1115 = arith.sitofp %convert_element_type3A_1114 : vector<1x128xi32> to vector<1x128xf32>
    %add3A_1116 = arith.addf %add3A_1110, %convert_element_type3A_1115 : vector<1x128xf32>
    %slice3A_1117 = vector.extract_strided_slice %dot_general3A_867 {offsets = [0, 16], sizes = [1, 1], strides = [1, 1]} : vector<1x64xf32> to vector<1x1xf32>
    %ge3A_1118 = vector.broadcast %slice3A_1117 : vector<1x1xf32> to vector<1x128xf32>
    %ge3A_1119 = arith.cmpf oge, %convert_element_type3A_1019, %ge3A_1118 : vector<1x128xf32>
    %convert_element_type3A_1120 = arith.extui %ge3A_1119 : vector<1x128xi1> to vector<1x128xi32>
    %convert_element_type3A_1121 = arith.sitofp %convert_element_type3A_1120 : vector<1x128xi32> to vector<1x128xf32>
    %add3A_1122 = arith.addf %add3A_1116, %convert_element_type3A_1121 : vector<1x128xf32>
    %slice3A_1123 = vector.extract_strided_slice %dot_general3A_867 {offsets = [0, 17], sizes = [1, 1], strides = [1, 1]} : vector<1x64xf32> to vector<1x1xf32>
    %ge3A_1124 = vector.broadcast %slice3A_1123 : vector<1x1xf32> to vector<1x128xf32>
    %ge3A_1125 = arith.cmpf oge, %convert_element_type3A_1019, %ge3A_1124 : vector<1x128xf32>
    %convert_element_type3A_1126 = arith.extui %ge3A_1125 : vector<1x128xi1> to vector<1x128xi32>
    %convert_element_type3A_1127 = arith.sitofp %convert_element_type3A_1126 : vector<1x128xi32> to vector<1x128xf32>
    %add3A_1128 = arith.addf %add3A_1122, %convert_element_type3A_1127 : vector<1x128xf32>
    %slice3A_1129 = vector.extract_strided_slice %dot_general3A_867 {offsets = [0, 18], sizes = [1, 1], strides = [1, 1]} : vector<1x64xf32> to vector<1x1xf32>
    %ge3A_1130 = vector.broadcast %slice3A_1129 : vector<1x1xf32> to vector<1x128xf32>
    %ge3A_1131 = arith.cmpf oge, %convert_element_type3A_1019, %ge3A_1130 : vector<1x128xf32>
    %convert_element_type3A_1132 = arith.extui %ge3A_1131 : vector<1x128xi1> to vector<1x128xi32>
    %convert_element_type3A_1133 = arith.sitofp %convert_element_type3A_1132 : vector<1x128xi32> to vector<1x128xf32>
    %add3A_1134 = arith.addf %add3A_1128, %convert_element_type3A_1133 : vector<1x128xf32>
    %slice3A_1135 = vector.extract_strided_slice %dot_general3A_867 {offsets = [0, 19], sizes = [1, 1], strides = [1, 1]} : vector<1x64xf32> to vector<1x1xf32>
    %ge3A_1136 = vector.broadcast %slice3A_1135 : vector<1x1xf32> to vector<1x128xf32>
    %ge3A_1137 = arith.cmpf oge, %convert_element_type3A_1019, %ge3A_1136 : vector<1x128xf32>
    %convert_element_type3A_1138 = arith.extui %ge3A_1137 : vector<1x128xi1> to vector<1x128xi32>
    %convert_element_type3A_1139 = arith.sitofp %convert_element_type3A_1138 : vector<1x128xi32> to vector<1x128xf32>
    %add3A_1140 = arith.addf %add3A_1134, %convert_element_type3A_1139 : vector<1x128xf32>
    %slice3A_1141 = vector.extract_strided_slice %dot_general3A_867 {offsets = [0, 20], sizes = [1, 1], strides = [1, 1]} : vector<1x64xf32> to vector<1x1xf32>
    %ge3A_1142 = vector.broadcast %slice3A_1141 : vector<1x1xf32> to vector<1x128xf32>
    %ge3A_1143 = arith.cmpf oge, %convert_element_type3A_1019, %ge3A_1142 : vector<1x128xf32>
    %convert_element_type3A_1144 = arith.extui %ge3A_1143 : vector<1x128xi1> to vector<1x128xi32>
    %convert_element_type3A_1145 = arith.sitofp %convert_element_type3A_1144 : vector<1x128xi32> to vector<1x128xf32>
    %add3A_1146 = arith.addf %add3A_1140, %convert_element_type3A_1145 : vector<1x128xf32>
    %slice3A_1147 = vector.extract_strided_slice %dot_general3A_867 {offsets = [0, 21], sizes = [1, 1], strides = [1, 1]} : vector<1x64xf32> to vector<1x1xf32>
    %ge3A_1148 = vector.broadcast %slice3A_1147 : vector<1x1xf32> to vector<1x128xf32>
    %ge3A_1149 = arith.cmpf oge, %convert_element_type3A_1019, %ge3A_1148 : vector<1x128xf32>
    %convert_element_type3A_1150 = arith.extui %ge3A_1149 : vector<1x128xi1> to vector<1x128xi32>
    %convert_element_type3A_1151 = arith.sitofp %convert_element_type3A_1150 : vector<1x128xi32> to vector<1x128xf32>
    %add3A_1152 = arith.addf %add3A_1146, %convert_element_type3A_1151 : vector<1x128xf32>
    %slice3A_1153 = vector.extract_strided_slice %dot_general3A_867 {offsets = [0, 22], sizes = [1, 1], strides = [1, 1]} : vector<1x64xf32> to vector<1x1xf32>
    %ge3A_1154 = vector.broadcast %slice3A_1153 : vector<1x1xf32> to vector<1x128xf32>
    %ge3A_1155 = arith.cmpf oge, %convert_element_type3A_1019, %ge3A_1154 : vector<1x128xf32>
    %convert_element_type3A_1156 = arith.extui %ge3A_1155 : vector<1x128xi1> to vector<1x128xi32>
    %convert_element_type3A_1157 = arith.sitofp %convert_element_type3A_1156 : vector<1x128xi32> to vector<1x128xf32>
    %add3A_1158 = arith.addf %add3A_1152, %convert_element_type3A_1157 : vector<1x128xf32>
    %slice3A_1159 = vector.extract_strided_slice %dot_general3A_867 {offsets = [0, 23], sizes = [1, 1], strides = [1, 1]} : vector<1x64xf32> to vector<1x1xf32>
    %ge3A_1160 = vector.broadcast %slice3A_1159 : vector<1x1xf32> to vector<1x128xf32>
    %ge3A_1161 = arith.cmpf oge, %convert_element_type3A_1019, %ge3A_1160 : vector<1x128xf32>
    %convert_element_type3A_1162 = arith.extui %ge3A_1161 : vector<1x128xi1> to vector<1x128xi32>
    %convert_element_type3A_1163 = arith.sitofp %convert_element_type3A_1162 : vector<1x128xi32> to vector<1x128xf32>
    %add3A_1164 = arith.addf %add3A_1158, %convert_element_type3A_1163 : vector<1x128xf32>
    %slice3A_1165 = vector.extract_strided_slice %dot_general3A_867 {offsets = [0, 24], sizes = [1, 1], strides = [1, 1]} : vector<1x64xf32> to vector<1x1xf32>
    %ge3A_1166 = vector.broadcast %slice3A_1165 : vector<1x1xf32> to vector<1x128xf32>
    %ge3A_1167 = arith.cmpf oge, %convert_element_type3A_1019, %ge3A_1166 : vector<1x128xf32>
    %convert_element_type3A_1168 = arith.extui %ge3A_1167 : vector<1x128xi1> to vector<1x128xi32>
    %convert_element_type3A_1169 = arith.sitofp %convert_element_type3A_1168 : vector<1x128xi32> to vector<1x128xf32>
    %add3A_1170 = arith.addf %add3A_1164, %convert_element_type3A_1169 : vector<1x128xf32>
    %slice3A_1171 = vector.extract_strided_slice %dot_general3A_867 {offsets = [0, 25], sizes = [1, 1], strides = [1, 1]} : vector<1x64xf32> to vector<1x1xf32>
    %ge3A_1172 = vector.broadcast %slice3A_1171 : vector<1x1xf32> to vector<1x128xf32>
    %ge3A_1173 = arith.cmpf oge, %convert_element_type3A_1019, %ge3A_1172 : vector<1x128xf32>
    %convert_element_type3A_1174 = arith.extui %ge3A_1173 : vector<1x128xi1> to vector<1x128xi32>
    %convert_element_type3A_1175 = arith.sitofp %convert_element_type3A_1174 : vector<1x128xi32> to vector<1x128xf32>
    %add3A_1176 = arith.addf %add3A_1170, %convert_element_type3A_1175 : vector<1x128xf32>
    %slice3A_1177 = vector.extract_strided_slice %dot_general3A_867 {offsets = [0, 26], sizes = [1, 1], strides = [1, 1]} : vector<1x64xf32> to vector<1x1xf32>
    %ge3A_1178 = vector.broadcast %slice3A_1177 : vector<1x1xf32> to vector<1x128xf32>
    %ge3A_1179 = arith.cmpf oge, %convert_element_type3A_1019, %ge3A_1178 : vector<1x128xf32>
    %convert_element_type3A_1180 = arith.extui %ge3A_1179 : vector<1x128xi1> to vector<1x128xi32>
    %convert_element_type3A_1181 = arith.sitofp %convert_element_type3A_1180 : vector<1x128xi32> to vector<1x128xf32>
    %add3A_1182 = arith.addf %add3A_1176, %convert_element_type3A_1181 : vector<1x128xf32>
    %slice3A_1183 = vector.extract_strided_slice %dot_general3A_867 {offsets = [0, 27], sizes = [1, 1], strides = [1, 1]} : vector<1x64xf32> to vector<1x1xf32>
    %ge3A_1184 = vector.broadcast %slice3A_1183 : vector<1x1xf32> to vector<1x128xf32>
    %ge3A_1185 = arith.cmpf oge, %convert_element_type3A_1019, %ge3A_1184 : vector<1x128xf32>
    %convert_element_type3A_1186 = arith.extui %ge3A_1185 : vector<1x128xi1> to vector<1x128xi32>
    %convert_element_type3A_1187 = arith.sitofp %convert_element_type3A_1186 : vector<1x128xi32> to vector<1x128xf32>
    %add3A_1188 = arith.addf %add3A_1182, %convert_element_type3A_1187 : vector<1x128xf32>
    %slice3A_1189 = vector.extract_strided_slice %dot_general3A_867 {offsets = [0, 28], sizes = [1, 1], strides = [1, 1]} : vector<1x64xf32> to vector<1x1xf32>
    %ge3A_1190 = vector.broadcast %slice3A_1189 : vector<1x1xf32> to vector<1x128xf32>
    %ge3A_1191 = arith.cmpf oge, %convert_element_type3A_1019, %ge3A_1190 : vector<1x128xf32>
    %convert_element_type3A_1192 = arith.extui %ge3A_1191 : vector<1x128xi1> to vector<1x128xi32>
    %convert_element_type3A_1193 = arith.sitofp %convert_element_type3A_1192 : vector<1x128xi32> to vector<1x128xf32>
    %add3A_1194 = arith.addf %add3A_1188, %convert_element_type3A_1193 : vector<1x128xf32>
    %slice3A_1195 = vector.extract_strided_slice %dot_general3A_867 {offsets = [0, 29], sizes = [1, 1], strides = [1, 1]} : vector<1x64xf32> to vector<1x1xf32>
    %ge3A_1196 = vector.broadcast %slice3A_1195 : vector<1x1xf32> to vector<1x128xf32>
    %ge3A_1197 = arith.cmpf oge, %convert_element_type3A_1019, %ge3A_1196 : vector<1x128xf32>
    %convert_element_type3A_1198 = arith.extui %ge3A_1197 : vector<1x128xi1> to vector<1x128xi32>
    %convert_element_type3A_1199 = arith.sitofp %convert_element_type3A_1198 : vector<1x128xi32> to vector<1x128xf32>
    %add3A_1200 = arith.addf %add3A_1194, %convert_element_type3A_1199 : vector<1x128xf32>
    %slice3A_1201 = vector.extract_strided_slice %dot_general3A_867 {offsets = [0, 30], sizes = [1, 1], strides = [1, 1]} : vector<1x64xf32> to vector<1x1xf32>
    %ge3A_1202 = vector.broadcast %slice3A_1201 : vector<1x1xf32> to vector<1x128xf32>
    %ge3A_1203 = arith.cmpf oge, %convert_element_type3A_1019, %ge3A_1202 : vector<1x128xf32>
    %convert_element_type3A_1204 = arith.extui %ge3A_1203 : vector<1x128xi1> to vector<1x128xi32>
    %convert_element_type3A_1205 = arith.sitofp %convert_element_type3A_1204 : vector<1x128xi32> to vector<1x128xf32>
    %add3A_1206 = arith.addf %add3A_1200, %convert_element_type3A_1205 : vector<1x128xf32>
    %slice3A_1207 = vector.extract_strided_slice %dot_general3A_867 {offsets = [0, 31], sizes = [1, 1], strides = [1, 1]} : vector<1x64xf32> to vector<1x1xf32>
    %ge3A_1208 = vector.broadcast %slice3A_1207 : vector<1x1xf32> to vector<1x128xf32>
    %ge3A_1209 = arith.cmpf oge, %convert_element_type3A_1019, %ge3A_1208 : vector<1x128xf32>
    %convert_element_type3A_1210 = arith.extui %ge3A_1209 : vector<1x128xi1> to vector<1x128xi32>
    %convert_element_type3A_1211 = arith.sitofp %convert_element_type3A_1210 : vector<1x128xi32> to vector<1x128xf32>
    %add3A_1212 = arith.addf %add3A_1206, %convert_element_type3A_1211 : vector<1x128xf32>
    %slice3A_1213 = vector.extract_strided_slice %dot_general3A_867 {offsets = [0, 32], sizes = [1, 1], strides = [1, 1]} : vector<1x64xf32> to vector<1x1xf32>
    %ge3A_1214 = vector.broadcast %slice3A_1213 : vector<1x1xf32> to vector<1x128xf32>
    %ge3A_1215 = arith.cmpf oge, %convert_element_type3A_1019, %ge3A_1214 : vector<1x128xf32>
    %convert_element_type3A_1216 = arith.extui %ge3A_1215 : vector<1x128xi1> to vector<1x128xi32>
    %convert_element_type3A_1217 = arith.sitofp %convert_element_type3A_1216 : vector<1x128xi32> to vector<1x128xf32>
    %add3A_1218 = arith.addf %add3A_1212, %convert_element_type3A_1217 : vector<1x128xf32>
    %slice3A_1219 = vector.extract_strided_slice %dot_general3A_867 {offsets = [0, 33], sizes = [1, 1], strides = [1, 1]} : vector<1x64xf32> to vector<1x1xf32>
    %ge3A_1220 = vector.broadcast %slice3A_1219 : vector<1x1xf32> to vector<1x128xf32>
    %ge3A_1221 = arith.cmpf oge, %convert_element_type3A_1019, %ge3A_1220 : vector<1x128xf32>
    %convert_element_type3A_1222 = arith.extui %ge3A_1221 : vector<1x128xi1> to vector<1x128xi32>
    %convert_element_type3A_1223 = arith.sitofp %convert_element_type3A_1222 : vector<1x128xi32> to vector<1x128xf32>
    %add3A_1224 = arith.addf %add3A_1218, %convert_element_type3A_1223 : vector<1x128xf32>
    %slice3A_1225 = vector.extract_strided_slice %dot_general3A_867 {offsets = [0, 34], sizes = [1, 1], strides = [1, 1]} : vector<1x64xf32> to vector<1x1xf32>
    %ge3A_1226 = vector.broadcast %slice3A_1225 : vector<1x1xf32> to vector<1x128xf32>
    %ge3A_1227 = arith.cmpf oge, %convert_element_type3A_1019, %ge3A_1226 : vector<1x128xf32>
    %convert_element_type3A_1228 = arith.extui %ge3A_1227 : vector<1x128xi1> to vector<1x128xi32>
    %convert_element_type3A_1229 = arith.sitofp %convert_element_type3A_1228 : vector<1x128xi32> to vector<1x128xf32>
    %add3A_1230 = arith.addf %add3A_1224, %convert_element_type3A_1229 : vector<1x128xf32>
    %slice3A_1231 = vector.extract_strided_slice %dot_general3A_867 {offsets = [0, 35], sizes = [1, 1], strides = [1, 1]} : vector<1x64xf32> to vector<1x1xf32>
    %ge3A_1232 = vector.broadcast %slice3A_1231 : vector<1x1xf32> to vector<1x128xf32>
    %ge3A_1233 = arith.cmpf oge, %convert_element_type3A_1019, %ge3A_1232 : vector<1x128xf32>
    %convert_element_type3A_1234 = arith.extui %ge3A_1233 : vector<1x128xi1> to vector<1x128xi32>
    %convert_element_type3A_1235 = arith.sitofp %convert_element_type3A_1234 : vector<1x128xi32> to vector<1x128xf32>
    %add3A_1236 = arith.addf %add3A_1230, %convert_element_type3A_1235 : vector<1x128xf32>
    %slice3A_1237 = vector.extract_strided_slice %dot_general3A_867 {offsets = [0, 36], sizes = [1, 1], strides = [1, 1]} : vector<1x64xf32> to vector<1x1xf32>
    %ge3A_1238 = vector.broadcast %slice3A_1237 : vector<1x1xf32> to vector<1x128xf32>
    %ge3A_1239 = arith.cmpf oge, %convert_element_type3A_1019, %ge3A_1238 : vector<1x128xf32>
    %convert_element_type3A_1240 = arith.extui %ge3A_1239 : vector<1x128xi1> to vector<1x128xi32>
    %convert_element_type3A_1241 = arith.sitofp %convert_element_type3A_1240 : vector<1x128xi32> to vector<1x128xf32>
    %add3A_1242 = arith.addf %add3A_1236, %convert_element_type3A_1241 : vector<1x128xf32>
    %slice3A_1243 = vector.extract_strided_slice %dot_general3A_867 {offsets = [0, 37], sizes = [1, 1], strides = [1, 1]} : vector<1x64xf32> to vector<1x1xf32>
    %ge3A_1244 = vector.broadcast %slice3A_1243 : vector<1x1xf32> to vector<1x128xf32>
    %ge3A_1245 = arith.cmpf oge, %convert_element_type3A_1019, %ge3A_1244 : vector<1x128xf32>
    %convert_element_type3A_1246 = arith.extui %ge3A_1245 : vector<1x128xi1> to vector<1x128xi32>
    %convert_element_type3A_1247 = arith.sitofp %convert_element_type3A_1246 : vector<1x128xi32> to vector<1x128xf32>
    %add3A_1248 = arith.addf %add3A_1242, %convert_element_type3A_1247 : vector<1x128xf32>
    %slice3A_1249 = vector.extract_strided_slice %dot_general3A_867 {offsets = [0, 38], sizes = [1, 1], strides = [1, 1]} : vector<1x64xf32> to vector<1x1xf32>
    %ge3A_1250 = vector.broadcast %slice3A_1249 : vector<1x1xf32> to vector<1x128xf32>
    %ge3A_1251 = arith.cmpf oge, %convert_element_type3A_1019, %ge3A_1250 : vector<1x128xf32>
    %convert_element_type3A_1252 = arith.extui %ge3A_1251 : vector<1x128xi1> to vector<1x128xi32>
    %convert_element_type3A_1253 = arith.sitofp %convert_element_type3A_1252 : vector<1x128xi32> to vector<1x128xf32>
    %add3A_1254 = arith.addf %add3A_1248, %convert_element_type3A_1253 : vector<1x128xf32>
    %slice3A_1255 = vector.extract_strided_slice %dot_general3A_867 {offsets = [0, 39], sizes = [1, 1], strides = [1, 1]} : vector<1x64xf32> to vector<1x1xf32>
    %ge3A_1256 = vector.broadcast %slice3A_1255 : vector<1x1xf32> to vector<1x128xf32>
    %ge3A_1257 = arith.cmpf oge, %convert_element_type3A_1019, %ge3A_1256 : vector<1x128xf32>
    %convert_element_type3A_1258 = arith.extui %ge3A_1257 : vector<1x128xi1> to vector<1x128xi32>
    %convert_element_type3A_1259 = arith.sitofp %convert_element_type3A_1258 : vector<1x128xi32> to vector<1x128xf32>
    %add3A_1260 = arith.addf %add3A_1254, %convert_element_type3A_1259 : vector<1x128xf32>
    %slice3A_1261 = vector.extract_strided_slice %dot_general3A_867 {offsets = [0, 40], sizes = [1, 1], strides = [1, 1]} : vector<1x64xf32> to vector<1x1xf32>
    %ge3A_1262 = vector.broadcast %slice3A_1261 : vector<1x1xf32> to vector<1x128xf32>
    %ge3A_1263 = arith.cmpf oge, %convert_element_type3A_1019, %ge3A_1262 : vector<1x128xf32>
    %convert_element_type3A_1264 = arith.extui %ge3A_1263 : vector<1x128xi1> to vector<1x128xi32>
    %convert_element_type3A_1265 = arith.sitofp %convert_element_type3A_1264 : vector<1x128xi32> to vector<1x128xf32>
    %add3A_1266 = arith.addf %add3A_1260, %convert_element_type3A_1265 : vector<1x128xf32>
    %slice3A_1267 = vector.extract_strided_slice %dot_general3A_867 {offsets = [0, 41], sizes = [1, 1], strides = [1, 1]} : vector<1x64xf32> to vector<1x1xf32>
    %ge3A_1268 = vector.broadcast %slice3A_1267 : vector<1x1xf32> to vector<1x128xf32>
    %ge3A_1269 = arith.cmpf oge, %convert_element_type3A_1019, %ge3A_1268 : vector<1x128xf32>
    %convert_element_type3A_1270 = arith.extui %ge3A_1269 : vector<1x128xi1> to vector<1x128xi32>
    %convert_element_type3A_1271 = arith.sitofp %convert_element_type3A_1270 : vector<1x128xi32> to vector<1x128xf32>
    %add3A_1272 = arith.addf %add3A_1266, %convert_element_type3A_1271 : vector<1x128xf32>
    %slice3A_1273 = vector.extract_strided_slice %dot_general3A_867 {offsets = [0, 42], sizes = [1, 1], strides = [1, 1]} : vector<1x64xf32> to vector<1x1xf32>
    %ge3A_1274 = vector.broadcast %slice3A_1273 : vector<1x1xf32> to vector<1x128xf32>
    %ge3A_1275 = arith.cmpf oge, %convert_element_type3A_1019, %ge3A_1274 : vector<1x128xf32>
    %convert_element_type3A_1276 = arith.extui %ge3A_1275 : vector<1x128xi1> to vector<1x128xi32>
    %convert_element_type3A_1277 = arith.sitofp %convert_element_type3A_1276 : vector<1x128xi32> to vector<1x128xf32>
    %add3A_1278 = arith.addf %add3A_1272, %convert_element_type3A_1277 : vector<1x128xf32>
    %slice3A_1279 = vector.extract_strided_slice %dot_general3A_867 {offsets = [0, 43], sizes = [1, 1], strides = [1, 1]} : vector<1x64xf32> to vector<1x1xf32>
    %ge3A_1280 = vector.broadcast %slice3A_1279 : vector<1x1xf32> to vector<1x128xf32>
    %ge3A_1281 = arith.cmpf oge, %convert_element_type3A_1019, %ge3A_1280 : vector<1x128xf32>
    %convert_element_type3A_1282 = arith.extui %ge3A_1281 : vector<1x128xi1> to vector<1x128xi32>
    %convert_element_type3A_1283 = arith.sitofp %convert_element_type3A_1282 : vector<1x128xi32> to vector<1x128xf32>
    %add3A_1284 = arith.addf %add3A_1278, %convert_element_type3A_1283 : vector<1x128xf32>
    %slice3A_1285 = vector.extract_strided_slice %dot_general3A_867 {offsets = [0, 44], sizes = [1, 1], strides = [1, 1]} : vector<1x64xf32> to vector<1x1xf32>
    %ge3A_1286 = vector.broadcast %slice3A_1285 : vector<1x1xf32> to vector<1x128xf32>
    %ge3A_1287 = arith.cmpf oge, %convert_element_type3A_1019, %ge3A_1286 : vector<1x128xf32>
    %convert_element_type3A_1288 = arith.extui %ge3A_1287 : vector<1x128xi1> to vector<1x128xi32>
    %convert_element_type3A_1289 = arith.sitofp %convert_element_type3A_1288 : vector<1x128xi32> to vector<1x128xf32>
    %add3A_1290 = arith.addf %add3A_1284, %convert_element_type3A_1289 : vector<1x128xf32>
    %slice3A_1291 = vector.extract_strided_slice %dot_general3A_867 {offsets = [0, 45], sizes = [1, 1], strides = [1, 1]} : vector<1x64xf32> to vector<1x1xf32>
    %ge3A_1292 = vector.broadcast %slice3A_1291 : vector<1x1xf32> to vector<1x128xf32>
    %ge3A_1293 = arith.cmpf oge, %convert_element_type3A_1019, %ge3A_1292 : vector<1x128xf32>
    %convert_element_type3A_1294 = arith.extui %ge3A_1293 : vector<1x128xi1> to vector<1x128xi32>
    %convert_element_type3A_1295 = arith.sitofp %convert_element_type3A_1294 : vector<1x128xi32> to vector<1x128xf32>
    %add3A_1296 = arith.addf %add3A_1290, %convert_element_type3A_1295 : vector<1x128xf32>
    %slice3A_1297 = vector.extract_strided_slice %dot_general3A_867 {offsets = [0, 46], sizes = [1, 1], strides = [1, 1]} : vector<1x64xf32> to vector<1x1xf32>
    %ge3A_1298 = vector.broadcast %slice3A_1297 : vector<1x1xf32> to vector<1x128xf32>
    %ge3A_1299 = arith.cmpf oge, %convert_element_type3A_1019, %ge3A_1298 : vector<1x128xf32>
    %convert_element_type3A_1300 = arith.extui %ge3A_1299 : vector<1x128xi1> to vector<1x128xi32>
    %convert_element_type3A_1301 = arith.sitofp %convert_element_type3A_1300 : vector<1x128xi32> to vector<1x128xf32>
    %add3A_1302 = arith.addf %add3A_1296, %convert_element_type3A_1301 : vector<1x128xf32>
    %slice3A_1303 = vector.extract_strided_slice %dot_general3A_867 {offsets = [0, 47], sizes = [1, 1], strides = [1, 1]} : vector<1x64xf32> to vector<1x1xf32>
    %ge3A_1304 = vector.broadcast %slice3A_1303 : vector<1x1xf32> to vector<1x128xf32>
    %ge3A_1305 = arith.cmpf oge, %convert_element_type3A_1019, %ge3A_1304 : vector<1x128xf32>
    %convert_element_type3A_1306 = arith.extui %ge3A_1305 : vector<1x128xi1> to vector<1x128xi32>
    %convert_element_type3A_1307 = arith.sitofp %convert_element_type3A_1306 : vector<1x128xi32> to vector<1x128xf32>
    %add3A_1308 = arith.addf %add3A_1302, %convert_element_type3A_1307 : vector<1x128xf32>
    %slice3A_1309 = vector.extract_strided_slice %dot_general3A_867 {offsets = [0, 48], sizes = [1, 1], strides = [1, 1]} : vector<1x64xf32> to vector<1x1xf32>
    %ge3A_1310 = vector.broadcast %slice3A_1309 : vector<1x1xf32> to vector<1x128xf32>
    %ge3A_1311 = arith.cmpf oge, %convert_element_type3A_1019, %ge3A_1310 : vector<1x128xf32>
    %convert_element_type3A_1312 = arith.extui %ge3A_1311 : vector<1x128xi1> to vector<1x128xi32>
    %convert_element_type3A_1313 = arith.sitofp %convert_element_type3A_1312 : vector<1x128xi32> to vector<1x128xf32>
    %add3A_1314 = arith.addf %add3A_1308, %convert_element_type3A_1313 : vector<1x128xf32>
    %slice3A_1315 = vector.extract_strided_slice %dot_general3A_867 {offsets = [0, 49], sizes = [1, 1], strides = [1, 1]} : vector<1x64xf32> to vector<1x1xf32>
    %ge3A_1316 = vector.broadcast %slice3A_1315 : vector<1x1xf32> to vector<1x128xf32>
    %ge3A_1317 = arith.cmpf oge, %convert_element_type3A_1019, %ge3A_1316 : vector<1x128xf32>
    %convert_element_type3A_1318 = arith.extui %ge3A_1317 : vector<1x128xi1> to vector<1x128xi32>
    %convert_element_type3A_1319 = arith.sitofp %convert_element_type3A_1318 : vector<1x128xi32> to vector<1x128xf32>
    %add3A_1320 = arith.addf %add3A_1314, %convert_element_type3A_1319 : vector<1x128xf32>
    %slice3A_1321 = vector.extract_strided_slice %dot_general3A_867 {offsets = [0, 50], sizes = [1, 1], strides = [1, 1]} : vector<1x64xf32> to vector<1x1xf32>
    %ge3A_1322 = vector.broadcast %slice3A_1321 : vector<1x1xf32> to vector<1x128xf32>
    %ge3A_1323 = arith.cmpf oge, %convert_element_type3A_1019, %ge3A_1322 : vector<1x128xf32>
    %convert_element_type3A_1324 = arith.extui %ge3A_1323 : vector<1x128xi1> to vector<1x128xi32>
    %convert_element_type3A_1325 = arith.sitofp %convert_element_type3A_1324 : vector<1x128xi32> to vector<1x128xf32>
    %add3A_1326 = arith.addf %add3A_1320, %convert_element_type3A_1325 : vector<1x128xf32>
    %slice3A_1327 = vector.extract_strided_slice %dot_general3A_867 {offsets = [0, 51], sizes = [1, 1], strides = [1, 1]} : vector<1x64xf32> to vector<1x1xf32>
    %ge3A_1328 = vector.broadcast %slice3A_1327 : vector<1x1xf32> to vector<1x128xf32>
    %ge3A_1329 = arith.cmpf oge, %convert_element_type3A_1019, %ge3A_1328 : vector<1x128xf32>
    %convert_element_type3A_1330 = arith.extui %ge3A_1329 : vector<1x128xi1> to vector<1x128xi32>
    %convert_element_type3A_1331 = arith.sitofp %convert_element_type3A_1330 : vector<1x128xi32> to vector<1x128xf32>
    %add3A_1332 = arith.addf %add3A_1326, %convert_element_type3A_1331 : vector<1x128xf32>
    %slice3A_1333 = vector.extract_strided_slice %dot_general3A_867 {offsets = [0, 52], sizes = [1, 1], strides = [1, 1]} : vector<1x64xf32> to vector<1x1xf32>
    %ge3A_1334 = vector.broadcast %slice3A_1333 : vector<1x1xf32> to vector<1x128xf32>
    %ge3A_1335 = arith.cmpf oge, %convert_element_type3A_1019, %ge3A_1334 : vector<1x128xf32>
    %convert_element_type3A_1336 = arith.extui %ge3A_1335 : vector<1x128xi1> to vector<1x128xi32>
    %convert_element_type3A_1337 = arith.sitofp %convert_element_type3A_1336 : vector<1x128xi32> to vector<1x128xf32>
    %add3A_1338 = arith.addf %add3A_1332, %convert_element_type3A_1337 : vector<1x128xf32>
    %slice3A_1339 = vector.extract_strided_slice %dot_general3A_867 {offsets = [0, 53], sizes = [1, 1], strides = [1, 1]} : vector<1x64xf32> to vector<1x1xf32>
    %ge3A_1340 = vector.broadcast %slice3A_1339 : vector<1x1xf32> to vector<1x128xf32>
    %ge3A_1341 = arith.cmpf oge, %convert_element_type3A_1019, %ge3A_1340 : vector<1x128xf32>
    %convert_element_type3A_1342 = arith.extui %ge3A_1341 : vector<1x128xi1> to vector<1x128xi32>
    %convert_element_type3A_1343 = arith.sitofp %convert_element_type3A_1342 : vector<1x128xi32> to vector<1x128xf32>
    %add3A_1344 = arith.addf %add3A_1338, %convert_element_type3A_1343 : vector<1x128xf32>
    %slice3A_1345 = vector.extract_strided_slice %dot_general3A_867 {offsets = [0, 54], sizes = [1, 1], strides = [1, 1]} : vector<1x64xf32> to vector<1x1xf32>
    %ge3A_1346 = vector.broadcast %slice3A_1345 : vector<1x1xf32> to vector<1x128xf32>
    %ge3A_1347 = arith.cmpf oge, %convert_element_type3A_1019, %ge3A_1346 : vector<1x128xf32>
    %convert_element_type3A_1348 = arith.extui %ge3A_1347 : vector<1x128xi1> to vector<1x128xi32>
    %convert_element_type3A_1349 = arith.sitofp %convert_element_type3A_1348 : vector<1x128xi32> to vector<1x128xf32>
    %add3A_1350 = arith.addf %add3A_1344, %convert_element_type3A_1349 : vector<1x128xf32>
    %slice3A_1351 = vector.extract_strided_slice %dot_general3A_867 {offsets = [0, 55], sizes = [1, 1], strides = [1, 1]} : vector<1x64xf32> to vector<1x1xf32>
    %ge3A_1352 = vector.broadcast %slice3A_1351 : vector<1x1xf32> to vector<1x128xf32>
    %ge3A_1353 = arith.cmpf oge, %convert_element_type3A_1019, %ge3A_1352 : vector<1x128xf32>
    %convert_element_type3A_1354 = arith.extui %ge3A_1353 : vector<1x128xi1> to vector<1x128xi32>
    %convert_element_type3A_1355 = arith.sitofp %convert_element_type3A_1354 : vector<1x128xi32> to vector<1x128xf32>
    %add3A_1356 = arith.addf %add3A_1350, %convert_element_type3A_1355 : vector<1x128xf32>
    %slice3A_1357 = vector.extract_strided_slice %dot_general3A_867 {offsets = [0, 56], sizes = [1, 1], strides = [1, 1]} : vector<1x64xf32> to vector<1x1xf32>
    %ge3A_1358 = vector.broadcast %slice3A_1357 : vector<1x1xf32> to vector<1x128xf32>
    %ge3A_1359 = arith.cmpf oge, %convert_element_type3A_1019, %ge3A_1358 : vector<1x128xf32>
    %convert_element_type3A_1360 = arith.extui %ge3A_1359 : vector<1x128xi1> to vector<1x128xi32>
    %convert_element_type3A_1361 = arith.sitofp %convert_element_type3A_1360 : vector<1x128xi32> to vector<1x128xf32>
    %add3A_1362 = arith.addf %add3A_1356, %convert_element_type3A_1361 : vector<1x128xf32>
    %slice3A_1363 = vector.extract_strided_slice %dot_general3A_867 {offsets = [0, 57], sizes = [1, 1], strides = [1, 1]} : vector<1x64xf32> to vector<1x1xf32>
    %ge3A_1364 = vector.broadcast %slice3A_1363 : vector<1x1xf32> to vector<1x128xf32>
    %ge3A_1365 = arith.cmpf oge, %convert_element_type3A_1019, %ge3A_1364 : vector<1x128xf32>
    %convert_element_type3A_1366 = arith.extui %ge3A_1365 : vector<1x128xi1> to vector<1x128xi32>
    %convert_element_type3A_1367 = arith.sitofp %convert_element_type3A_1366 : vector<1x128xi32> to vector<1x128xf32>
    %add3A_1368 = arith.addf %add3A_1362, %convert_element_type3A_1367 : vector<1x128xf32>
    %slice3A_1369 = vector.extract_strided_slice %dot_general3A_867 {offsets = [0, 58], sizes = [1, 1], strides = [1, 1]} : vector<1x64xf32> to vector<1x1xf32>
    %ge3A_1370 = vector.broadcast %slice3A_1369 : vector<1x1xf32> to vector<1x128xf32>
    %ge3A_1371 = arith.cmpf oge, %convert_element_type3A_1019, %ge3A_1370 : vector<1x128xf32>
    %convert_element_type3A_1372 = arith.extui %ge3A_1371 : vector<1x128xi1> to vector<1x128xi32>
    %convert_element_type3A_1373 = arith.sitofp %convert_element_type3A_1372 : vector<1x128xi32> to vector<1x128xf32>
    %add3A_1374 = arith.addf %add3A_1368, %convert_element_type3A_1373 : vector<1x128xf32>
    %slice3A_1375 = vector.extract_strided_slice %dot_general3A_867 {offsets = [0, 59], sizes = [1, 1], strides = [1, 1]} : vector<1x64xf32> to vector<1x1xf32>
    %ge3A_1376 = vector.broadcast %slice3A_1375 : vector<1x1xf32> to vector<1x128xf32>
    %ge3A_1377 = arith.cmpf oge, %convert_element_type3A_1019, %ge3A_1376 : vector<1x128xf32>
    %convert_element_type3A_1378 = arith.extui %ge3A_1377 : vector<1x128xi1> to vector<1x128xi32>
    %convert_element_type3A_1379 = arith.sitofp %convert_element_type3A_1378 : vector<1x128xi32> to vector<1x128xf32>
    %add3A_1380 = arith.addf %add3A_1374, %convert_element_type3A_1379 : vector<1x128xf32>
    %slice3A_1381 = vector.extract_strided_slice %dot_general3A_867 {offsets = [0, 60], sizes = [1, 1], strides = [1, 1]} : vector<1x64xf32> to vector<1x1xf32>
    %ge3A_1382 = vector.broadcast %slice3A_1381 : vector<1x1xf32> to vector<1x128xf32>
    %ge3A_1383 = arith.cmpf oge, %convert_element_type3A_1019, %ge3A_1382 : vector<1x128xf32>
    %convert_element_type3A_1384 = arith.extui %ge3A_1383 : vector<1x128xi1> to vector<1x128xi32>
    %convert_element_type3A_1385 = arith.sitofp %convert_element_type3A_1384 : vector<1x128xi32> to vector<1x128xf32>
    %add3A_1386 = arith.addf %add3A_1380, %convert_element_type3A_1385 : vector<1x128xf32>
    %slice3A_1387 = vector.extract_strided_slice %dot_general3A_867 {offsets = [0, 61], sizes = [1, 1], strides = [1, 1]} : vector<1x64xf32> to vector<1x1xf32>
    %ge3A_1388 = vector.broadcast %slice3A_1387 : vector<1x1xf32> to vector<1x128xf32>
    %ge3A_1389 = arith.cmpf oge, %convert_element_type3A_1019, %ge3A_1388 : vector<1x128xf32>
    %convert_element_type3A_1390 = arith.extui %ge3A_1389 : vector<1x128xi1> to vector<1x128xi32>
    %convert_element_type3A_1391 = arith.sitofp %convert_element_type3A_1390 : vector<1x128xi32> to vector<1x128xf32>
    %add3A_1392 = arith.addf %add3A_1386, %convert_element_type3A_1391 : vector<1x128xf32>
    %slice3A_1393 = vector.extract_strided_slice %dot_general3A_867 {offsets = [0, 62], sizes = [1, 1], strides = [1, 1]} : vector<1x64xf32> to vector<1x1xf32>
    %ge3A_1394 = vector.broadcast %slice3A_1393 : vector<1x1xf32> to vector<1x128xf32>
    %ge3A_1395 = arith.cmpf oge, %convert_element_type3A_1019, %ge3A_1394 : vector<1x128xf32>
    %convert_element_type3A_1396 = arith.extui %ge3A_1395 : vector<1x128xi1> to vector<1x128xi32>
    %convert_element_type3A_1397 = arith.sitofp %convert_element_type3A_1396 : vector<1x128xi32> to vector<1x128xf32>
    %add3A_1398 = arith.addf %add3A_1392, %convert_element_type3A_1397 : vector<1x128xf32>
    %slice3A_1399 = vector.extract_strided_slice %dot_general3A_867 {offsets = [0, 63], sizes = [1, 1], strides = [1, 1]} : vector<1x64xf32> to vector<1x1xf32>
    %ge3A_1400 = vector.broadcast %slice3A_1399 : vector<1x1xf32> to vector<1x128xf32>
    %ge3A_1401 = arith.cmpf oge, %convert_element_type3A_1019, %ge3A_1400 : vector<1x128xf32>
    %convert_element_type3A_1402 = arith.extui %ge3A_1401 : vector<1x128xi1> to vector<1x128xi32>
    %convert_element_type3A_1403 = arith.sitofp %convert_element_type3A_1402 : vector<1x128xi32> to vector<1x128xf32>
    %add3A_1404 = arith.addf %add3A_1398, %convert_element_type3A_1403 : vector<1x128xf32>
    %reduce_sum3A_1405 = arith.constant dense<0.000000e+00> : vector<1xf32>
    %reduce_sum3A_1406 = vector.multi_reduction <add>, %floor3A, %reduce_sum3A_1405 [1] : vector<1x64xf32> to vector<1xf32>
    %broadcast_in_dim3A_1407 = vector.shape_cast %reduce_sum3A_1406 : vector<1xf32> to vector<1x1xf32>
    %lt3A_1408 = vector.broadcast %broadcast_in_dim3A_1407 : vector<1x1xf32> to vector<1x128xf32>
    %lt3A_1409 = arith.cmpf olt, %convert_element_type3A_1019, %lt3A_1408 : vector<1x128xf32>
    %sub3A_1410 = arith.constant 1.000000e+00 : f32
    %sub3A_1411 = vector.broadcast %sub3A_1410 : f32 to vector<1x128xf32>
    %sub3A_1412 = arith.subf %add3A_1404, %sub3A_1411 : vector<1x128xf32>
    %jit3A_1413 = arith.constant -1.000000e+00 : f32
    %broadcast_in_dim3A_1414 = vector.broadcast %jit3A_1413 : f32 to vector<1x128xf32>
    %select_n3A_1415 = arith.select %lt3A_1409, %sub3A_1412, %broadcast_in_dim3A_1414 : vector<1x128xi1>, vector<1x128xf32>
    %convert_element_type3A_1416 = arith.fptosi %select_n3A_1415 : vector<1x128xf32> to vector<1x128xi32>
    %swap3A_1417 = arith.constant 0 : index
    %swap3A_1418 = arith.constant 0 : index
    %swap3A_1419 = vector.load %arg5[%swap3A_1417, %swap3A_1418] : memref<1x128xi32, #tpu.memory_space<vmem>>, vector<1x128xi32>
    tpu.vector_store %arg5[%swap3A_1417, %swap3A_1418], %convert_element_type3A_1416 {strides = array<i32>} : memref<1x128xi32, #tpu.memory_space<vmem>>, vector<1x128xi32>,
    %convert_element_type3A_1420 = arith.truncf %get3A_1 : vector<2048x1024xf32> to vector<2048x1024xbf16>
    %slice3A_1421 = vector.extract_strided_slice %convert_element_type3A_1420 {offsets = [0, 0], sizes = [2048, 512], strides = [1, 1]} : vector<2048x1024xbf16> to vector<2048x512xbf16>
    %slice3A_1422 = vector.extract_strided_slice %convert_element_type3A_1420 {offsets = [0, 512], sizes = [2048, 512], strides = [1, 1]} : vector<2048x1024xbf16> to vector<2048x512xbf16>
    %bitcast_convert_type3A = tpu.bitcast %slice3A_1421 : vector<2048x512xbf16> -> vector<2048x512xi16>
    %convert_element_type3A_1423 = arith.extui %bitcast_convert_type3A : vector<2048x512xi16> to vector<2048x512xi32>
    %bitcast_convert_type3A_1424 = tpu.bitcast %slice3A_1422 : vector<2048x512xbf16> -> vector<2048x512xi16>
    %convert_element_type3A_1425 = arith.extui %bitcast_convert_type3A_1424 : vector<2048x512xi16> to vector<2048x512xi32>
    %shift_left3A = arith.constant 16 : i32
    %shift_left3A_1426 = vector.broadcast %shift_left3A : i32 to vector<2048x512xi32>
    %shift_left3A_1427 = arith.shli %convert_element_type3A_1425, %shift_left3A_1426 : vector<2048x512xi32>
    %or3A_1428 = arith.ori %convert_element_type3A_1423, %shift_left3A_1427 : vector<2048x512xi32>
    %bitcast_convert_type3A_1429 = tpu.bitcast %or3A_1428 : vector<2048x512xi32> -> vector<2048x512xi32>
    %swap3A_1430 = arith.constant 0 : index
    %swap3A_1431 = arith.constant 0 : index
    %swap3A_1432 = vector.load %arg6[%swap3A_1430, %swap3A_1431] : memref<2048x512xi32, #tpu.memory_space<vmem>>, vector<2048x512xi32>
    tpu.vector_store %arg6[%swap3A_1430, %swap3A_1431], %bitcast_convert_type3A_1429 {strides = array<i32>} : memref<2048x512xi32, #tpu.memory_space<vmem>>, vector<2048x512xi32>,
    return
  }
}

module attributes {stable_mosaic.version = 14 : i64} {
  func.func @_gemm_body(%arg0: i32, %arg1: memref<128xi32, #tpu.memory_space<smem>>, %arg2: memref<256x512xi32, #tpu.memory_space<vmem>>, %arg3: memref<256x1xf32, #tpu.memory_space<vmem>>, %arg4: memref<1x512x1024xf32, #tpu.memory_space<vmem>>, %arg5: memref<1x512x1024xf32, #tpu.memory_space<vmem>>, %arg6: memref<1x1024x512xf32, #tpu.memory_space<vmem>>, %arg7: memref<256x512xi32, #tpu.memory_space<vmem>>) attributes {dimension_semantics = [#tpu.dimension_semantics<arbitrary>], iteration_bounds = array<i64: 128>, scalar_prefetch = 1 : i64, scratch_operands = 0 : i64, tpu.core_type = #tpu.core_type<tc>, window_params = [{transform_indices = @transform_0, window_bounds = array<i64: 256, 512>}, {transform_indices = @transform_1, window_bounds = array<i64: 256, 1>}, {transform_indices = @transform_2, window_bounds = array<i64: 1, 512, 1024>}, {transform_indices = @transform_3, window_bounds = array<i64: 1, 512, 1024>}, {transform_indices = @transform_4, window_bounds = array<i64: 1, 1024, 512>}, {transform_indices = @transform_5, window_bounds = array<i64: 256, 512>}]} {
    %get3A = arith.index_cast %arg0 : i32 to index
    %get3A_0 = memref.load %arg1[%get3A] : memref<128xi32, #tpu.memory_space<smem>>
    %ge3A = arith.constant 0 : i32
    %ge3A_1 = arith.cmpi sge, %get3A_0, %ge3A : i32
    %convert_element_type3A = arith.extui %ge3A_1 : i1 to i32
    %cond3A = arith.constant 0 : i32
    %cond3A_2 = arith.cmpi ne, %convert_element_type3A, %cond3A : i32
    scf.if %cond3A_2 {
      %get3A_3 = arith.constant 0 : index
      %get3A_4 = arith.constant 0 : index
      %get3A_5 = vector.load %arg2[%get3A_3, %get3A_4] : memref<256x512xi32, #tpu.memory_space<vmem>>, vector<256x512xi32>
      %bitcast_convert_type3A = tpu.bitcast %get3A_5 : vector<256x512xi32> -> vector<256x512xi32>
      %and3A = arith.constant 65535 : i32
      %and3A_6 = vector.broadcast %and3A : i32 to vector<256x512xi32>
      %and3A_7 = arith.andi %bitcast_convert_type3A, %and3A_6 : vector<256x512xi32>
      %convert_element_type3A_8 = arith.trunci %and3A_7 : vector<256x512xi32> to vector<256x512xi16>
      %bitcast_convert_type3A_9 = tpu.bitcast %convert_element_type3A_8 : vector<256x512xi16> -> vector<256x512xbf16>
      %shift_right_logical3A = arith.constant 16 : i32
      %shift_right_logical3A_10 = vector.broadcast %shift_right_logical3A : i32 to vector<256x512xi32>
      %shift_right_logical3A_11 = arith.shrui %bitcast_convert_type3A, %shift_right_logical3A_10 : vector<256x512xi32>
      %convert_element_type3A_12 = arith.trunci %shift_right_logical3A_11 : vector<256x512xi32> to vector<256x512xi16>
      %bitcast_convert_type3A_13 = tpu.bitcast %convert_element_type3A_12 : vector<256x512xi16> -> vector<256x512xbf16>
      %get3A_14 = arith.constant 0 : index
      %get3A_15 = arith.constant 0 : index
      %get3A_16 = arith.constant 0 : index
      %get3A_17 = vector.load %arg4[%get3A_14, %get3A_15, %get3A_16] : memref<1x512x1024xf32, #tpu.memory_space<vmem>>, vector<1x512x1024xf32>
      %get3A_18 = vector.shape_cast %get3A_17 : vector<1x512x1024xf32> to vector<512x1024xf32>
      %convert_element_type3A_19 = arith.truncf %get3A_18 : vector<512x1024xf32> to vector<512x1024xbf16>
      %get3A_20 = arith.constant 0 : index
      %get3A_21 = arith.constant 0 : index
      %get3A_22 = arith.constant 0 : index
      %get3A_23 = vector.load %arg5[%get3A_20, %get3A_21, %get3A_22] : memref<1x512x1024xf32, #tpu.memory_space<vmem>>, vector<1x512x1024xf32>
      %get3A_24 = vector.shape_cast %get3A_23 : vector<1x512x1024xf32> to vector<512x1024xf32>
      %convert_element_type3A_25 = arith.truncf %get3A_24 : vector<512x1024xf32> to vector<512x1024xbf16>
      %slice3A = vector.extract_strided_slice %convert_element_type3A_19 {offsets = [0, 0], sizes = [512, 512], strides = [1, 1]} : vector<512x1024xbf16> to vector<512x512xbf16>
      %dot_general3A = arith.constant dense<0.000000e+00> : vector<256x512xf32>
      %dot_general3A_26 = tpu.matmul %bitcast_convert_type3A_9, %slice3A, %dot_general3A {dimension_numbers = #tpu.dot_dimension_numbers<[1], [1], [0], [0], [0, 0, 1, 0], [], []>, transpose_lhs_hint = false} : vector<256x512xbf16>, vector<512x512xbf16>, vector<256x512xf32> -> vector<256x512xf32>
      %slice3A_27 = vector.extract_strided_slice %convert_element_type3A_19 {offsets = [0, 512], sizes = [512, 512], strides = [1, 1]} : vector<512x1024xbf16> to vector<512x512xbf16>
      %dot_general3A_28 = arith.constant dense<0.000000e+00> : vector<256x512xf32>
      %dot_general3A_29 = tpu.matmul %bitcast_convert_type3A_13, %slice3A_27, %dot_general3A_28 {dimension_numbers = #tpu.dot_dimension_numbers<[1], [1], [0], [0], [0, 0, 1, 0], [], []>, transpose_lhs_hint = false} : vector<256x512xbf16>, vector<512x512xbf16>, vector<256x512xf32> -> vector<256x512xf32>
      %add3A = arith.addf %dot_general3A_26, %dot_general3A_29 : vector<256x512xf32>
      %slice3A_30 = vector.extract_strided_slice %convert_element_type3A_25 {offsets = [0, 0], sizes = [512, 512], strides = [1, 1]} : vector<512x1024xbf16> to vector<512x512xbf16>
      %dot_general3A_31 = arith.constant dense<0.000000e+00> : vector<256x512xf32>
      %dot_general3A_32 = tpu.matmul %bitcast_convert_type3A_9, %slice3A_30, %dot_general3A_31 {dimension_numbers = #tpu.dot_dimension_numbers<[1], [1], [0], [0], [0, 0, 1, 0], [], []>, transpose_lhs_hint = false} : vector<256x512xbf16>, vector<512x512xbf16>, vector<256x512xf32> -> vector<256x512xf32>
      %slice3A_33 = vector.extract_strided_slice %convert_element_type3A_25 {offsets = [0, 512], sizes = [512, 512], strides = [1, 1]} : vector<512x1024xbf16> to vector<512x512xbf16>
      %dot_general3A_34 = arith.constant dense<0.000000e+00> : vector<256x512xf32>
      %dot_general3A_35 = tpu.matmul %bitcast_convert_type3A_13, %slice3A_33, %dot_general3A_34 {dimension_numbers = #tpu.dot_dimension_numbers<[1], [1], [0], [0], [0, 0, 1, 0], [], []>, transpose_lhs_hint = false} : vector<256x512xbf16>, vector<512x512xbf16>, vector<256x512xf32> -> vector<256x512xf32>
      %add3A_36 = arith.addf %dot_general3A_32, %dot_general3A_35 : vector<256x512xf32>
      %logistic3A = arith.negf %add3A : vector<256x512xf32>
      %logistic3A_37 = math.exp %logistic3A : vector<256x512xf32>
      %logistic3A_38 = arith.constant 1.000000e+00 : f32
      %logistic3A_39 = vector.broadcast %logistic3A_38 : f32 to vector<256x512xf32>
      %logistic3A_40 = arith.addf %logistic3A_39, %logistic3A_37 : vector<256x512xf32>
      %logistic3A_41 = arith.divf %logistic3A_39, %logistic3A_40 : vector<256x512xf32>
      %mul3A = arith.mulf %add3A, %logistic3A_41 : vector<256x512xf32>
      %mul3A_42 = arith.mulf %mul3A, %add3A_36 : vector<256x512xf32>
      %get3A_43 = arith.constant 0 : index
      %get3A_44 = arith.constant 0 : index
      %get3A_45 = arith.constant 0 : index
      %get3A_46 = vector.load %arg6[%get3A_43, %get3A_44, %get3A_45] : memref<1x1024x512xf32, #tpu.memory_space<vmem>>, vector<1x1024x512xf32>
      %get3A_47 = vector.shape_cast %get3A_46 : vector<1x1024x512xf32> to vector<1024x512xf32>
      %convert_element_type3A_48 = arith.truncf %get3A_47 : vector<1024x512xf32> to vector<1024x512xbf16>
      %convert_element_type3A_49 = arith.truncf %mul3A_42 : vector<256x512xf32> to vector<256x512xbf16>
      %dot_general3A_50 = arith.constant dense<0.000000e+00> : vector<256x1024xf32>
      %dot_general3A_51 = tpu.matmul %convert_element_type3A_49, %convert_element_type3A_48, %dot_general3A_50 {dimension_numbers = #tpu.dot_dimension_numbers<[1], [1], [0], [0], [0, 0, 1, 0], [], []>, transpose_lhs_hint = false} : vector<256x512xbf16>, vector<1024x512xbf16>, vector<256x1024xf32> -> vector<256x1024xf32>
      %get3A_52 = arith.constant 0 : index
      %get3A_53 = arith.constant 0 : index
      %get3A_54 = vector.load %arg3[%get3A_52, %get3A_53] : memref<256x1xf32, #tpu.memory_space<vmem>>, vector<256x1xf32>
      %mul3A_55 = vector.broadcast %get3A_54 : vector<256x1xf32> to vector<256x1024xf32>
      %mul3A_56 = arith.mulf %dot_general3A_51, %mul3A_55 : vector<256x1024xf32>
      %convert_element_type3A_57 = arith.truncf %mul3A_56 : vector<256x1024xf32> to vector<256x1024xbf16>
      %slice3A_58 = vector.extract_strided_slice %convert_element_type3A_57 {offsets = [0, 0], sizes = [256, 512], strides = [1, 1]} : vector<256x1024xbf16> to vector<256x512xbf16>
      %slice3A_59 = vector.extract_strided_slice %convert_element_type3A_57 {offsets = [0, 512], sizes = [256, 512], strides = [1, 1]} : vector<256x1024xbf16> to vector<256x512xbf16>
      %bitcast_convert_type3A_60 = tpu.bitcast %slice3A_58 : vector<256x512xbf16> -> vector<256x512xi16>
      %convert_element_type3A_61 = arith.extui %bitcast_convert_type3A_60 : vector<256x512xi16> to vector<256x512xi32>
      %bitcast_convert_type3A_62 = tpu.bitcast %slice3A_59 : vector<256x512xbf16> -> vector<256x512xi16>
      %convert_element_type3A_63 = arith.extui %bitcast_convert_type3A_62 : vector<256x512xi16> to vector<256x512xi32>
      %shift_left3A = arith.constant 16 : i32
      %shift_left3A_64 = vector.broadcast %shift_left3A : i32 to vector<256x512xi32>
      %shift_left3A_65 = arith.shli %convert_element_type3A_63, %shift_left3A_64 : vector<256x512xi32>
      %or3A = arith.ori %convert_element_type3A_61, %shift_left3A_65 : vector<256x512xi32>
      %bitcast_convert_type3A_66 = tpu.bitcast %or3A : vector<256x512xi32> -> vector<256x512xi32>
      %swap3A = arith.constant 0 : index
      %swap3A_67 = arith.constant 0 : index
      %swap3A_68 = vector.load %arg7[%swap3A, %swap3A_67] : memref<256x512xi32, #tpu.memory_space<vmem>>, vector<256x512xi32>
      tpu.vector_store %arg7[%swap3A, %swap3A_67], %bitcast_convert_type3A_66 {strides = array<i32>} : memref<256x512xi32, #tpu.memory_space<vmem>>, vector<256x512xi32>,
    } else {
    }
    return
  }
  func.func @transform_0(%arg0: i32, %arg1: memref<128xi32, #tpu.memory_space<smem>>) -> (i32, i32) {
    %c0_i32 = arith.constant 0 : i32
    %c0_i32_0 = arith.constant 0 : i32
    return %arg0, %c0_i32 : i32, i32
  }
  func.func @transform_1(%arg0: i32, %arg1: memref<128xi32, #tpu.memory_space<smem>>) -> (i32, i32) {
    %c0_i32 = arith.constant 0 : i32
    %c0_i32_0 = arith.constant 0 : i32
    return %arg0, %c0_i32 : i32, i32
  }
  func.func @transform_2(%arg0: i32, %arg1: memref<128xi32, #tpu.memory_space<smem>>) -> (i32, i32, i32) {
    %get3A = arith.index_cast %arg0 : i32 to index
    %get3A_0 = memref.load %arg1[%get3A] : memref<128xi32, #tpu.memory_space<smem>>
    %lt3A = arith.constant 0 : i32
    %lt3A_1 = arith.cmpi slt, %get3A_0, %lt3A : i32
    %jit3A = arith.constant 63 : i32
    %select_n3A = arith.select %lt3A_1, %jit3A, %get3A_0 : i32
    %c0_i32 = arith.constant 0 : i32
    %c0_i32_2 = arith.constant 0 : i32
    %c0_i32_3 = arith.constant 0 : i32
    return %select_n3A, %c0_i32, %c0_i32_2 : i32, i32, i32
  }
  func.func @transform_3(%arg0: i32, %arg1: memref<128xi32, #tpu.memory_space<smem>>) -> (i32, i32, i32) {
    %get3A = arith.index_cast %arg0 : i32 to index
    %get3A_0 = memref.load %arg1[%get3A] : memref<128xi32, #tpu.memory_space<smem>>
    %lt3A = arith.constant 0 : i32
    %lt3A_1 = arith.cmpi slt, %get3A_0, %lt3A : i32
    %jit3A = arith.constant 63 : i32
    %select_n3A = arith.select %lt3A_1, %jit3A, %get3A_0 : i32
    %c0_i32 = arith.constant 0 : i32
    %c0_i32_2 = arith.constant 0 : i32
    %c0_i32_3 = arith.constant 0 : i32
    return %select_n3A, %c0_i32, %c0_i32_2 : i32, i32, i32
  }
  func.func @transform_4(%arg0: i32, %arg1: memref<128xi32, #tpu.memory_space<smem>>) -> (i32, i32, i32) {
    %get3A = arith.index_cast %arg0 : i32 to index
    %get3A_0 = memref.load %arg1[%get3A] : memref<128xi32, #tpu.memory_space<smem>>
    %lt3A = arith.constant 0 : i32
    %lt3A_1 = arith.cmpi slt, %get3A_0, %lt3A : i32
    %jit3A = arith.constant 63 : i32
    %select_n3A = arith.select %lt3A_1, %jit3A, %get3A_0 : i32
    %c0_i32 = arith.constant 0 : i32
    %c0_i32_2 = arith.constant 0 : i32
    %c0_i32_3 = arith.constant 0 : i32
    return %select_n3A, %c0_i32, %c0_i32_2 : i32, i32, i32
  }
  func.func @transform_5(%arg0: i32, %arg1: memref<128xi32, #tpu.memory_space<smem>>) -> (i32, i32) {
    %c0_i32 = arith.constant 0 : i32
    %c0_i32_0 = arith.constant 0 : i32
    return %arg0, %c0_i32 : i32, i32
  }
}

module attributes {stable_mosaic.version = 14 : i64} {
  func.func @_reduce_body(%arg0: i32, %arg1: memref<256x8x512xi32, #tpu.memory_space<vmem>>, %arg2: memref<256x1024xf32, #tpu.memory_space<vmem>>, %arg3: memref<256x1024xf32, #tpu.memory_space<vmem>>) attributes {dimension_semantics = [#tpu.dimension_semantics<arbitrary>], iteration_bounds = array<i64: 8>, scalar_prefetch = 0 : i64, scratch_operands = 0 : i64, tpu.core_type = #tpu.core_type<tc>, window_params = [{transform_indices = @transform_0, window_bounds = array<i64: 256, 8, 512>}, {transform_indices = @transform_1, window_bounds = array<i64: 256, 1024>}, {transform_indices = @transform_2, window_bounds = array<i64: 256, 1024>}]} {
    %get3A = arith.constant 0 : index
    %get3A_0 = arith.constant 0 : index
    %get3A_1 = arith.constant 0 : index
    %get3A_2 = vector.load %arg1[%get3A, %get3A_0, %get3A_1] : memref<256x8x512xi32, #tpu.memory_space<vmem>>, vector<256x8x512xi32>
    %bitcast_convert_type3A = tpu.bitcast %get3A_2 : vector<256x8x512xi32> -> vector<256x8x512xi32>
    %and3A = arith.constant 65535 : i32
    %and3A_3 = vector.broadcast %and3A : i32 to vector<256x8x512xi32>
    %and3A_4 = arith.andi %bitcast_convert_type3A, %and3A_3 : vector<256x8x512xi32>
    %convert_element_type3A = arith.trunci %and3A_4 : vector<256x8x512xi32> to vector<256x8x512xi16>
    %bitcast_convert_type3A_5 = tpu.bitcast %convert_element_type3A : vector<256x8x512xi16> -> vector<256x8x512xbf16>
    %shift_right_logical3A = arith.constant 16 : i32
    %shift_right_logical3A_6 = vector.broadcast %shift_right_logical3A : i32 to vector<256x8x512xi32>
    %shift_right_logical3A_7 = arith.shrui %bitcast_convert_type3A, %shift_right_logical3A_6 : vector<256x8x512xi32>
    %convert_element_type3A_8 = arith.trunci %shift_right_logical3A_7 : vector<256x8x512xi32> to vector<256x8x512xi16>
    %bitcast_convert_type3A_9 = tpu.bitcast %convert_element_type3A_8 : vector<256x8x512xi16> -> vector<256x8x512xbf16>
    %convert_element_type3A_10 = arith.extf %bitcast_convert_type3A_5 : vector<256x8x512xbf16> to vector<256x8x512xf32>
    %reduce_sum3A = arith.constant dense<0.000000e+00> : vector<256x512xf32>
    %reduce_sum3A_11 = vector.multi_reduction <add>, %convert_element_type3A_10, %reduce_sum3A [1] : vector<256x8x512xf32> to vector<256x512xf32>
    %convert_element_type3A_12 = arith.extf %bitcast_convert_type3A_9 : vector<256x8x512xbf16> to vector<256x8x512xf32>
    %reduce_sum3A_13 = arith.constant dense<0.000000e+00> : vector<256x512xf32>
    %reduce_sum3A_14 = vector.multi_reduction <add>, %convert_element_type3A_12, %reduce_sum3A_13 [1] : vector<256x8x512xf32> to vector<256x512xf32>
    %get3A_15 = arith.constant 0 : index
    %get3A_16 = arith.constant 0 : index
    %get3A_17 = vector.load %arg2[%get3A_15, %get3A_16] : memref<256x1024xf32, #tpu.memory_space<vmem>>, vector<256x1024xf32>
    %slice3A = vector.extract_strided_slice %get3A_17 {offsets = [0, 0], sizes = [256, 512], strides = [1, 1]} : vector<256x1024xf32> to vector<256x512xf32>
    %add3A = arith.addf %reduce_sum3A_11, %slice3A : vector<256x512xf32>
    %swap3A = arith.constant 0 : index
    %swap3A_18 = arith.constant 0 : index
    %swap3A_19 = vector.load %arg3[%swap3A, %swap3A_18] : memref<256x1024xf32, #tpu.memory_space<vmem>>, vector<256x512xf32>
    tpu.vector_store %arg3[%swap3A, %swap3A_18], %add3A {strides = array<i32>} : memref<256x1024xf32, #tpu.memory_space<vmem>>, vector<256x512xf32>,
    %slice3A_20 = vector.extract_strided_slice %get3A_17 {offsets = [0, 512], sizes = [256, 512], strides = [1, 1]} : vector<256x1024xf32> to vector<256x512xf32>
    %add3A_21 = arith.addf %reduce_sum3A_14, %slice3A_20 : vector<256x512xf32>
    %swap3A_22 = arith.constant 0 : index
    %swap3A_23 = arith.constant 512 : index
    %swap3A_24 = vector.load %arg3[%swap3A_22, %swap3A_23] : memref<256x1024xf32, #tpu.memory_space<vmem>>, vector<256x512xf32>
    tpu.vector_store %arg3[%swap3A_22, %swap3A_23], %add3A_21 {strides = array<i32>} : memref<256x1024xf32, #tpu.memory_space<vmem>>, vector<256x512xf32>,
    return
  }
  func.func @transform_0(%arg0: i32) -> (i32, i32, i32) {
    %c0_i32 = arith.constant 0 : i32
    %c0_i32_0 = arith.constant 0 : i32
    %c0_i32_1 = arith.constant 0 : i32
    return %arg0, %c0_i32, %c0_i32_0 : i32, i32, i32
  }
  func.func @transform_1(%arg0: i32) -> (i32, i32) {
    %c0_i32 = arith.constant 0 : i32
    %c0_i32_0 = arith.constant 0 : i32
    return %arg0, %c0_i32 : i32, i32
  }
  func.func @transform_2(%arg0: i32) -> (i32, i32) {
    %c0_i32 = arith.constant 0 : i32
    %c0_i32_0 = arith.constant 0 : i32
    return %arg0, %c0_i32 : i32, i32
  }
}

module attributes {stable_mosaic.version = 14 : i64} {
  func.func @_shared_body(%arg0: i32, %arg1: memref<256x512xi32, #tpu.memory_space<vmem>>, %arg2: memref<1024x1024xf32, #tpu.memory_space<vmem>>, %arg3: memref<1024x1024xf32, #tpu.memory_space<vmem>>, %arg4: memref<1024x1024xf32, #tpu.memory_space<vmem>>, %arg5: memref<256x1024xf32, #tpu.memory_space<vmem>>) attributes {dimension_semantics = [#tpu.dimension_semantics<arbitrary>], iteration_bounds = array<i64: 8>, scalar_prefetch = 0 : i64, scratch_operands = 0 : i64, tpu.core_type = #tpu.core_type<tc>, window_params = [{transform_indices = @transform_0, window_bounds = array<i64: 256, 512>}, {pipeline_mode = #tpu.pipeline_mode<synchronous>, transform_indices = @transform_1, window_bounds = array<i64: 1024, 1024>}, {pipeline_mode = #tpu.pipeline_mode<synchronous>, transform_indices = @transform_2, window_bounds = array<i64: 1024, 1024>}, {pipeline_mode = #tpu.pipeline_mode<synchronous>, transform_indices = @transform_3, window_bounds = array<i64: 1024, 1024>}, {transform_indices = @transform_4, window_bounds = array<i64: 256, 1024>}]} {
    %get3A = arith.constant 0 : index
    %get3A_0 = arith.constant 0 : index
    %get3A_1 = vector.load %arg1[%get3A, %get3A_0] : memref<256x512xi32, #tpu.memory_space<vmem>>, vector<256x512xi32>
    %bitcast_convert_type3A = tpu.bitcast %get3A_1 : vector<256x512xi32> -> vector<256x512xi32>
    %and3A = arith.constant 65535 : i32
    %and3A_2 = vector.broadcast %and3A : i32 to vector<256x512xi32>
    %and3A_3 = arith.andi %bitcast_convert_type3A, %and3A_2 : vector<256x512xi32>
    %convert_element_type3A = arith.trunci %and3A_3 : vector<256x512xi32> to vector<256x512xi16>
    %bitcast_convert_type3A_4 = tpu.bitcast %convert_element_type3A : vector<256x512xi16> -> vector<256x512xbf16>
    %shift_right_logical3A = arith.constant 16 : i32
    %shift_right_logical3A_5 = vector.broadcast %shift_right_logical3A : i32 to vector<256x512xi32>
    %shift_right_logical3A_6 = arith.shrui %bitcast_convert_type3A, %shift_right_logical3A_5 : vector<256x512xi32>
    %convert_element_type3A_7 = arith.trunci %shift_right_logical3A_6 : vector<256x512xi32> to vector<256x512xi16>
    %bitcast_convert_type3A_8 = tpu.bitcast %convert_element_type3A_7 : vector<256x512xi16> -> vector<256x512xbf16>
    %get3A_9 = arith.constant 0 : index
    %get3A_10 = arith.constant 0 : index
    %get3A_11 = vector.load %arg2[%get3A_9, %get3A_10] : memref<1024x1024xf32, #tpu.memory_space<vmem>>, vector<1024x1024xf32>
    %convert_element_type3A_12 = arith.truncf %get3A_11 : vector<1024x1024xf32> to vector<1024x1024xbf16>
    %get3A_13 = arith.constant 0 : index
    %get3A_14 = arith.constant 0 : index
    %get3A_15 = vector.load %arg3[%get3A_13, %get3A_14] : memref<1024x1024xf32, #tpu.memory_space<vmem>>, vector<1024x1024xf32>
    %convert_element_type3A_16 = arith.truncf %get3A_15 : vector<1024x1024xf32> to vector<1024x1024xbf16>
    %slice3A = vector.extract_strided_slice %convert_element_type3A_12 {offsets = [0, 0], sizes = [1024, 512], strides = [1, 1]} : vector<1024x1024xbf16> to vector<1024x512xbf16>
    %dot_general3A = arith.constant dense<0.000000e+00> : vector<256x1024xf32>
    %dot_general3A_17 = tpu.matmul %bitcast_convert_type3A_4, %slice3A, %dot_general3A {dimension_numbers = #tpu.dot_dimension_numbers<[1], [1], [0], [0], [0, 0, 1, 0], [], []>, transpose_lhs_hint = false} : vector<256x512xbf16>, vector<1024x512xbf16>, vector<256x1024xf32> -> vector<256x1024xf32>
    %slice3A_18 = vector.extract_strided_slice %convert_element_type3A_12 {offsets = [0, 512], sizes = [1024, 512], strides = [1, 1]} : vector<1024x1024xbf16> to vector<1024x512xbf16>
    %dot_general3A_19 = arith.constant dense<0.000000e+00> : vector<256x1024xf32>
    %dot_general3A_20 = tpu.matmul %bitcast_convert_type3A_8, %slice3A_18, %dot_general3A_19 {dimension_numbers = #tpu.dot_dimension_numbers<[1], [1], [0], [0], [0, 0, 1, 0], [], []>, transpose_lhs_hint = false} : vector<256x512xbf16>, vector<1024x512xbf16>, vector<256x1024xf32> -> vector<256x1024xf32>
    %add3A = arith.addf %dot_general3A_17, %dot_general3A_20 : vector<256x1024xf32>
    %slice3A_21 = vector.extract_strided_slice %convert_element_type3A_16 {offsets = [0, 0], sizes = [1024, 512], strides = [1, 1]} : vector<1024x1024xbf16> to vector<1024x512xbf16>
    %dot_general3A_22 = arith.constant dense<0.000000e+00> : vector<256x1024xf32>
    %dot_general3A_23 = tpu.matmul %bitcast_convert_type3A_4, %slice3A_21, %dot_general3A_22 {dimension_numbers = #tpu.dot_dimension_numbers<[1], [1], [0], [0], [0, 0, 1, 0], [], []>, transpose_lhs_hint = false} : vector<256x512xbf16>, vector<1024x512xbf16>, vector<256x1024xf32> -> vector<256x1024xf32>
    %slice3A_24 = vector.extract_strided_slice %convert_element_type3A_16 {offsets = [0, 512], sizes = [1024, 512], strides = [1, 1]} : vector<1024x1024xbf16> to vector<1024x512xbf16>
    %dot_general3A_25 = arith.constant dense<0.000000e+00> : vector<256x1024xf32>
    %dot_general3A_26 = tpu.matmul %bitcast_convert_type3A_8, %slice3A_24, %dot_general3A_25 {dimension_numbers = #tpu.dot_dimension_numbers<[1], [1], [0], [0], [0, 0, 1, 0], [], []>, transpose_lhs_hint = false} : vector<256x512xbf16>, vector<1024x512xbf16>, vector<256x1024xf32> -> vector<256x1024xf32>
    %add3A_27 = arith.addf %dot_general3A_23, %dot_general3A_26 : vector<256x1024xf32>
    %logistic3A = arith.negf %add3A : vector<256x1024xf32>
    %logistic3A_28 = math.exp %logistic3A : vector<256x1024xf32>
    %logistic3A_29 = arith.constant 1.000000e+00 : f32
    %logistic3A_30 = vector.broadcast %logistic3A_29 : f32 to vector<256x1024xf32>
    %logistic3A_31 = arith.addf %logistic3A_30, %logistic3A_28 : vector<256x1024xf32>
    %logistic3A_32 = arith.divf %logistic3A_30, %logistic3A_31 : vector<256x1024xf32>
    %mul3A = arith.mulf %add3A, %logistic3A_32 : vector<256x1024xf32>
    %mul3A_33 = arith.mulf %mul3A, %add3A_27 : vector<256x1024xf32>
    %convert_element_type3A_34 = arith.truncf %mul3A_33 : vector<256x1024xf32> to vector<256x1024xbf16>
    %get3A_35 = arith.constant 0 : index
    %get3A_36 = arith.constant 0 : index
    %get3A_37 = vector.load %arg4[%get3A_35, %get3A_36] : memref<1024x1024xf32, #tpu.memory_space<vmem>>, vector<1024x1024xf32>
    %convert_element_type3A_38 = arith.truncf %get3A_37 : vector<1024x1024xf32> to vector<1024x1024xbf16>
    %dot_general3A_39 = arith.constant dense<0.000000e+00> : vector<256x1024xf32>
    %dot_general3A_40 = tpu.matmul %convert_element_type3A_34, %convert_element_type3A_38, %dot_general3A_39 {dimension_numbers = #tpu.dot_dimension_numbers<[1], [1], [0], [0], [0, 0, 1, 0], [], []>, transpose_lhs_hint = false} : vector<256x1024xbf16>, vector<1024x1024xbf16>, vector<256x1024xf32> -> vector<256x1024xf32>
    %swap3A = arith.constant 0 : index
    %swap3A_41 = arith.constant 0 : index
    %swap3A_42 = vector.load %arg5[%swap3A, %swap3A_41] : memref<256x1024xf32, #tpu.memory_space<vmem>>, vector<256x1024xf32>
    tpu.vector_store %arg5[%swap3A, %swap3A_41], %dot_general3A_40 {strides = array<i32>} : memref<256x1024xf32, #tpu.memory_space<vmem>>, vector<256x1024xf32>,
    return
  }
  func.func @transform_0(%arg0: i32) -> (i32, i32) {
    %c0_i32 = arith.constant 0 : i32
    %c0_i32_0 = arith.constant 0 : i32
    return %arg0, %c0_i32 : i32, i32
  }
  func.func @transform_1(%arg0: i32) -> (i32, i32) {
    %c0_i32 = arith.constant 0 : i32
    %c0_i32_0 = arith.constant 0 : i32
    %c0_i32_1 = arith.constant 0 : i32
    return %c0_i32, %c0_i32_0 : i32, i32
  }
  func.func @transform_2(%arg0: i32) -> (i32, i32) {
    %c0_i32 = arith.constant 0 : i32
    %c0_i32_0 = arith.constant 0 : i32
    %c0_i32_1 = arith.constant 0 : i32
    return %c0_i32, %c0_i32_0 : i32, i32
  }
  func.func @transform_3(%arg0: i32) -> (i32, i32) {
    %c0_i32 = arith.constant 0 : i32
    %c0_i32_0 = arith.constant 0 : i32
    %c0_i32_1 = arith.constant 0 : i32
    return %c0_i32, %c0_i32_0 : i32, i32
  }
  func.func @transform_4(%arg0: i32) -> (i32, i32) {
    %c0_i32 = arith.constant 0 : i32
    %c0_i32_0 = arith.constant 0 : i32
    return %arg0, %c0_i32 : i32, i32
  }
}

</mosaic_0001>

<sc_bundles>
// kernel: kernel.11.cloned.1.call-start
scs
__scs_entry_jumppad:
0x0: {  	(pc) =	sbr.rel $0x88, $3  }
0x1: {  	(tag) =	ssettag $0x0;
	lr =	simm.s32 $0x1  }
0x2: {  	[smem:$0x3F98] =	sst lr;
	_ =	strace $0xD0000000  }
0x3: {  	_ = 	snop  }
0x4: {  	_ = 	snop  }
0x5: {  	_ = 	snop  }
0x6: {  	_ = 	snop  }
0x7: {  	_ = 	snop  }
__scs_overlays_trampoline_lowered:
0x8: {  	[smem:$0x3FA7] =	sst s0  }
0x9: {  	[smem:$0x3FA8] =	sst s1  }
0xa: {  	[smem:$0x3FA9] =	sst s2  }
0xb: {  	[smem:$0x3FAA] =	sst s3  }
0xc: {  	[smem:$0x3FAB] =	sst s4  }
0xd: {  	[smem:$0x3FAC] =	sst s5  }
0xe: {  	[smem:$0x3FAD] =	sst s6  }
0xf: {  	[smem:$0x3FAE] =	sst s7  }
0x10: {  	[smem:$0x3FAF] =	sst s8  }
0x11: {  	[smem:$0x3FB0] =	sst s9;
	s0 =	simm.s32 @!p0 $0x0  }
0x12: {  	s1 =	sld [smem:$0x3F96];
	s0 =	simm.s32 @p0 $0x1  }
0x13: {  	[smem:$0x3FB1] =	sst s0;
	s0 =	simm.s32 @!p1 $0x0  }
0x14: {  	s2 =	sld [smem:$0x3F95];
	s0 =	simm.s32 @p1 $0x1  }
0x15: {  	[smem:$0x3FB2] =	sst s0;
	s0 =	simm.s32 @!p2 $0x0  }
0x16: {  	s3 =	sld [smem:$0x3FDB];
	s0 =	simm.s32 @p2 $0x1  }
0x17: {  	s4 =	simm.s32 $0x1BF5;
	[smem:$0x3FB4] =	sst s0  }
0x18: {  	s0 =	sld [smem:$0x3F97];
	_ =	swait.ge [sflag:s4], $0x0  }
0x19: {  	s7 =	sld [smem:$0x3F98]  }
0x1a: {  	s8 =	sadd.s32 $0xFFFFE003, lr  }
0x1b: {  	s9 =	sadd.s32 $0xFFFFFEF7, lr;
	s5 =	simm.s32 $0xFFFFFFFF;
	p2 =	slt.u32 s8, $0xFFFFF086  }
0x1c: {  	p1 =	slt.u32 s9, $0xF7A;
	s5 =	simm.s32 @!p2 $0x0  }
0x1d: {  	s5 =	simm.s32 @p1 $0x1;
	p0 =	seq.s32 s7, s2  }
0x1e: {  	s7 =	smul.u32 @!p0 $0xF7A, s2;
	p2 =	seq.s32 @!p0 s5, $0x0  }
0x1f: {  	s9 =	smul.u32 $0xF7A, s1;
	s8 =	simm.s32 @!p0 $0x1BF5;
	p2 =	por !p2, p0  }
0x20: {  	[sflag:s8] =	ssyncset.s32 @!p0 $0xFFFFF086;
	s6 =	sadd.s32 @!p0 s3, s7;
	s7 =	simm.s32 @!p0 $0x108  }
0x21: {  	s3 =	sadd.s32 s3, s9;
	s6 =	sadd.s32 @!p0 $0x88, s6;
	s7 =	simm.s32 @p2 $0x1082  }
0x22: {  	[simem:s7], [sflag:s8] =	dma.local @!p0 [hbm:s6], $0xF7A  }
0x23: {  	s9 =	sor.u32 $0xD0000000, s2;
	s6 =	simm.s32 $0x108;
	_ =	swait.ge @!p0 [sflag:s8], $0x0  }
0x24: {  	s3 =	sadd.s32 $0x88, s3;
	s6 =	simm.s32 @!p1 $0x1082;
	[sflag:s4] =	ssyncset.s32 $0xFFFFF086  }
0x25: {  	[simem:s6], [sflag:s4] =	dma.local [hbm:s3], $0xF7A  }
0x26: {  	[smem:$0x3F98] =	sst s1;
	(tag) =	ssettag s2;
	_ =	strace s9  }
0x27: {  	s1 =	sld [smem:$0x3FA8]  }
0x28: {  	s2 =	sld [smem:$0x3FA9]  }
0x29: {  	s4 =	sld [smem:$0x3FAB]  }
0x2a: {  	p0 =	seq.s32 s5, $0x0;
	s5 =	sld [smem:$0x3FAC]  }
0x2b: {  	s6 =	sld [smem:$0x3FAD]  }
0x2c: {  	s7 =	sld [smem:$0x3FAE]  }
0x2d: {  	s3 =	simm.s32 $0x108;
	s8 =	sld [smem:$0x3FAF]  }
0x2e: {  	s3 =	simm.s32 @!p0 $0x1082;
	s9 =	sld [smem:$0x3FB0]  }
0x2f: {  	lr =	sadd.s32 s0, s3;
	s0 =	sld [smem:$0x3FA7]  }
0x30: {  	s3 =	sld [smem:$0x3FAA]  }
0x31: {  	[smem:$0x3FB3] =	sst s10  }
0x32: {  	s10 =	sld [smem:$0x3FB1];
	_ =	sdelay $0x3  }
0x33: {  	p0 =	seq.s32 s10, $0x1;
	s10 =	sld [smem:$0x3FB3];
	_ =	sdelay $0x3  }
0x34: {  	[smem:$0x3FB3] =	sst s10  }
0x35: {  	s10 =	sld [smem:$0x3FB2];
	_ =	sdelay $0x3  }
0x36: {  	p1 =	seq.s32 s10, $0x1;
	s10 =	sld [smem:$0x3FB3];
	_ =	sdelay $0x3  }
0x37: {  	[smem:$0x3FB3] =	sst s10  }
0x38: {  	s10 =	sld [smem:$0x3FB4]  }
0x39: {  	_ = 	snop;
	(pc) =	sbr.ind lr, $3  }
0x3a: {  	_ = 	snop  }
0x3b: {  	_ = 	snop  }
0x3c: {  	p2 =	seq.s32 s10, $0x1;
	s10 =	sld [smem:$0x3FB3]  }
0x3d: {  	_ =	shalt  }
0x3e: {  	_ =	shalt  }
0x3f: {  	_ =	shalt  }
0x40: {  	_ =	shalt  }
0x41: {  	_ =	shalt  }
0x42: {  	_ =	shalt  }
0x43: {  	_ =	shalt  }
0x44: {  	_ =	shalt  }
0x45: {  	_ =	shalt  }
0x46: {  	_ =	shalt  }
0x47: {  	_ =	shalt  }
0x48: {  	_ =	shalt  }
0x49: {  	_ =	shalt  }
0x4a: {  	_ =	shalt  }
0x4b: {  	_ =	shalt  }
0x4c: {  	_ =	shalt  }
0x4d: {  	_ =	shalt  }
0x4e: {  	_ =	shalt  }
0x4f: {  	_ =	shalt  }
0x50: {  	_ =	shalt  }
0x51: {  	_ =	shalt  }
0x52: {  	_ =	shalt  }
0x53: {  	_ =	shalt  }
0x54: {  	_ =	shalt  }
0x55: {  	_ =	shalt  }
0x56: {  	_ =	shalt  }
0x57: {  	_ =	shalt  }
0x58: {  	_ =	shalt  }
0x59: {  	_ =	shalt  }
0x5a: {  	_ =	shalt  }
0x5b: {  	_ =	shalt  }
0x5c: {  	_ =	shalt  }
0x5d: {  	_ =	shalt  }
0x5e: {  	_ =	shalt  }
0x5f: {  	_ =	shalt  }
0x60: {  	_ =	shalt  }
0x61: {  	_ =	shalt  }
0x62: {  	_ =	shalt  }
0x63: {  	_ =	shalt  }
0x64: {  	_ =	shalt  }
0x65: {  	_ =	shalt  }
0x66: {  	_ =	shalt  }
0x67: {  	_ =	shalt  }
0x68: {  	_ =	shalt  }
0x69: {  	_ =	shalt  }
0x6a: {  	_ =	shalt  }
0x6b: {  	_ =	shalt  }
0x6c: {  	_ =	shalt  }
0x6d: {  	_ =	shalt  }
0x6e: {  	_ =	shalt  }
0x6f: {  	_ =	shalt  }
0x70: {  	_ =	shalt  }
0x71: {  	_ =	shalt  }
0x72: {  	_ =	shalt  }
0x73: {  	_ =	shalt  }
0x74: {  	_ =	shalt  }
0x75: {  	_ =	shalt  }
0x76: {  	_ =	shalt  }
0x77: {  	_ =	shalt  }
0x78: {  	_ =	shalt  }
0x79: {  	_ =	shalt  }
0x7a: {  	_ =	shalt  }
0x7b: {  	_ =	shalt  }
0x7c: {  	_ =	shalt  }
0x7d: {  	_ =	shalt  }
0x7e: {  	_ =	shalt  }
0x7f: {  	_ =	shalt  }
0x80: {  	_ =	shalt  }
0x81: {  	_ =	shalt  }
0x82: {  	_ =	shalt  }
0x83: {  	_ =	shalt  }
0x84: {  	_ =	shalt  }
0x85: {  	_ =	shalt  }
0x86: {  	_ =	shalt  }
0x87: {  	_ =	shalt  }
.Lfunc_end0:
.L_simem_size_0:
called_computation.1_lowered:
.L_overlay_start_0:
0x88: {  	s2 =	sld [smem:$0x3FD9]  }
0x89: {  	s3 =	sld [smem:$0x3FFE];
	_ =	sdelay $0x1  }
0x8a: {  	s1 =	srdreg.scid  }
0x8b: {  	s0 =	sand.u32 $0x1, s1  }
0x8c: {  	s16 =	sshll.u32 s0, $0xA;
	s2 =	sadd.s32 s3, s2  }
0x8d: {  	s2 =	sadd.s32 s2, s16  }
0x8e: {  	[smem:$0x3FBF] =	sst s2  }
0x8f: {  	_ = 	snop  }
0x90: {  	(tm) =	ssettm $0x1  }
0x91: {  	s17 =	sld [smem:$0x3FFB];
	_ =	sdelay $0x3  }
0x92: {  	_ =	strace s17  }
0x93: {  	s2 =	sld [smem:$0x3FFC];
	_ =	sdelay $0x3  }
0x94: {  	_ =	strace s2  }
0x95: {  	s2 =	sld [smem:$0x3FFD];
	_ =	sdelay $0x3  }
0x96: {  	_ =	strace s2  }
0x97: {  	_ =	strace $0x8FFFFFFF  }
0x98: {  	s18 =	sld [smem:$0x3FDB];
	_ =	sdelay $0x1  }
0x99: {  	s19 =	simm.s32 $_scs_section_size  }
0x9a: {  	s4 =	simm.s32 $_size__tile_overlayer_lowered;
	s5 =	simm.s32 $_tile_overlayer_lowered  }
0x9b: {  	s22 =	simm.s32 $0x1BFF;
	s21 =	sshll.u32 s5, $0x1;
	s2 =	sadd.s32 s19, s18  }
0x9c: {  	s6 =	simm.s32 $0x0;
	s20 =	sshll.u32 s4, $0x1;
	s4 =	sadd.s32 s21, s2  }
0x9d: {  	[timem:s6], [sflag:s22] =	dma.local [hbm:s4], s20  }
0x9e: {  	_ =	swait.ge [sflag:s22], s20  }
0x9f: {  	s3 =	ssub.s32 $0x0, s20;
	[sflag:s22] =	ssyncset.done $0x0  }
0xa0: {  	[sflag:s22] =	ssyncadd.s32 s3;
	_ =	sdelay $0x1  }
0xa1: {  	s23 =	simm.s32 $0x1B8B  }
0xa2: {  	_ =	swait.ge [sflag:s23], $0x1  }
0xa3: {  	[sflag:s23] =	ssyncset.done $0x0  }
0xa4: {  	s25 =	simm.s32 $0x1B8E;
	s24 =	sld [smem:$0x3FFE];
	[sflag:s23] =	ssyncadd.s32 $0xFFFFFFFF  }
0xa5: {  	s26 =	simm.s32 $execute0_lowered;
	[smem:$0x3FD2] =	sst s25  }
0xa6: {  	s4 =	sshll.u32 s26, $0x1;
	_ =	strace $0x80000049;
	[dreg:$0x1] =	wrdreg $0xFFFFFFFF  }
0xa7: {  	s28 =	simm.s32 $_size_execute0_lowered;
	s2 =	sadd.s32 s2, s4;
	[dreg:$0x0] =	wrdreg $0x0  }
0xa8: {  	s4 =	sshll.u32 s28, $0x1;
	[dreg:$0x2] =	wrdreg s2  }
0xa9: {  	[dreg:$0x3] =	wrdreg s4  }
0xaa: {  	[dreg:$0x4] =	wrdreg $0xC0  }
0xab: {  	_ =	task [dreg:s6], $0x5FFFF  }
0xac: {  	[dreg:$0x1] =	wrdreg $0xFFFFFFFF  }
0xad: {  	[dreg:$0x0] =	wrdreg $0x60  }
0xae: {  	[dreg:$0x2] =	wrdreg s24  }
0xaf: {  	[dreg:$0x3] =	wrdreg $0x9  }
0xb0: {  	_ =	task.clear_ibuf [dreg:s6], $0x4FFFF;
	_ =	strace $0x90000049  }
0xb1: {  	s29 =	simm.s32 $0x9;
	_ =	strace $0x8000004B  }
0xb2: {  	_ =	swait.ge [sflag:s29], $0x1  }
0xb3: {  	[sflag:s29] =	ssyncadd.s32 $0xFFFFFFFF  }
0xb4: {  	_ =	strace $0x9000004B  }
0xb5: {  	_ =	sfence  }
0xb6: {  	s30 =	sld [smem:$0x0];
	_ =	sdelay $0x2  }
0xb7: {  	s31 =	sshll.u32 s1, $0xD;
	s1 =	sshrl.u32 s1, $0x2  }
0xb8: {  	s3 =	sand.u32 $0x4000, s31;
	s1 =	sadd.s32 s1, s30  }
0xb9: {  	s0 =	sor.u32 s3, s0;
	s1 =	sshll.u32 s1, $0x11  }
0xba: {  	s0 =	sor.u32 s1, s0  }
0xbb: {  	s0 =	sadd.s32 $0x8F2B, s0  }
0xbc: {  	[sflag:s0] =	ssyncadd.remote.s32 $0x1  }
0xbd: {  	_ =	sfence.sel $0xFFFF  }
0xbe: {  	[dreg:$0x0] =	wrdreg $0xFFFFFFFF;
	(pc) =	sbr.abs _section_cstart, $3  }
0xbf: {  	[dreg:$0x1] =	wrdreg $0xFFFFFFFF  }
0xc0: {  	_ =	task.clear_ibuf [dreg:s6], $0x2FFFF;
	_ =	strace $0x9FFFFFFF  }
0xc1: {  	(tm) =	ssettm $0x7FFFFFFF  }
tec
execute0_lowered:
.L_overlay_start_1:
0x0: {  	(tag) =	ssettag $0x1  }
0x1: {  	s0 =	rddreg [dreg:$0x0]  }
0x2: {  	s1 =	srdreg.scid;
	s2 =	simm.s32 $0x0;
	s3 =	stileid.u32  }
0x3: {  	s28 =	simm.s32 $0x16180;
	s29 =	simm.s32 $0x16980;
	s30 =	simm.s32 $0x17180  }
0x4: {  	s31 =	simm.s32 $0x17980;
	s1 =	sand.u32 $0x1, s1;
	[smem:$0x7FF] =	sst s2  }
0x5: {  	s3 =	sshll.u32 s3, $0xA;
	s5 =	sadd.s32 $0x2800, s0;
	s4 =	sshll.u32 s1, $0x9  }
0x6: {  	s9 =	sadd.s32 $0x3000, s0;
	_ =	strace $0x8000004A;
	s4 =	sor.u32 s4, s3  }
0x7: {  	s1 =	ssub.s32 $0x2, s1;
	s3 =	sadd.s32 $0x204800, s0;
	s6 =	sshrl.u32 s4, $0x3  }
0x8: {  	s7 =	sor.u32 $0x40, s4;
	s18 =	sor.u32 $0x80, s4;
	s10 =	sshll.u32 s4, $0x6  }
0x9: {  	s11 =	sor.u32 $0xC0, s4;
	s24 =	sor.u32 $0x100, s4;
	s26 =	sor.u32 $0x140, s4  }
0xa: {  	s6 =	sadd.s32 s5, s6;
	s8 =	sshrl.u32 s7, $0x3;
	s19 =	sshrl.u32 s18, $0x3  }
0xb: {  	s20 =	sadd.s32 s9, s10;
	s21 =	sshrl.u32 s11, $0x3;
	s7 =	sshll.u32 s7, $0x6  }
0xc: {  	s25 =	sshrl.u32 s24, $0x3;
	s13 =	sshrl.u32 s26, $0x3;
	s15 =	sshll.u32 s11, $0x6  }
0xd: {  	s10 =	simm.s32 $0x13180;
	s11 =	simm.s32 $0x13980;
	[dreg:$0x2] =	wrdreg s6  }
0xe: {  	s17 =	sadd.s32 s5, s8;
	s6 =	sadd.s32 s5, s19;
	[dreg:$0x5] =	wrdreg s20  }
0xf: {  	s22 =	sadd.s32 s5, s21;
	s23 =	sadd.s32 s9, s7;
	[dreg:$0x3] =	wrdreg s17  }
0x10: {  	s8 =	sshll.u32 s18, $0x6;
	s14 =	sadd.s32 s5, s13;
	[dreg:$0x4] =	wrdreg s6  }
0x11: {  	s16 =	sadd.s32 s9, s15;
	s18 =	sshrl.u32 s1, $0x1;
	[dreg:$0x6] =	wrdreg s22  }
0x12: {  	s7 =	sshll.u32 s24, $0x6;
	s15 =	simm.s32 $0x10180;
	[dreg:$0x7] =	wrdreg s23  }
0x13: {  	s6 =	sadd.s32 s5, s25;
	s12 =	sadd.s32 s9, s8;
	[dreg:$0xa] =	wrdreg s14  }
0x14: {  	s17 =	sor.u32 $0x180, s4;
	[dreg:$0xb] =	wrdreg s16;
	s4 =	sor.u32 $0x1C0, s4  }
0x15: {  	s20 =	sadd.s32 s9, s7;
	s22 =	sshll.u32 s26, $0x6;
	s1 =	ssub.s32 s1, s18  }
0x16: {  	s16 =	simm.s32 $0x1;
	s18 =	simm.s32 $0x2;
	s7 =	simm.s32 $0x100  }
0x17: {  	s14 =	simm.s32 $0x10980;
	s8 =	simm.s32 $0x12180;
	[dreg:$0x8] =	wrdreg s6  }
0x18: {  	[dreg:$0x9] =	wrdreg s12;
	s19 =	sshrl.u32 s17, $0x3;
	s21 =	sshrl.u32 s4, $0x3  }
0x19: {  	[dreg:$0xd] =	wrdreg s20;
	s23 =	sadd.s32 s9, s22;
	s24 =	sshll.u32 s17, $0x6  }
0x1a: {  	s4 =	sshll.u32 s4, $0x6;
	s17 =	simm.s32 $0x4;
	s20 =	simm.s32 $0x8180  }
0x1b: {  	s12 =	simm.s32 $0x14180;
	s6 =	sadd.s32 s5, s19;
	s5 =	sadd.s32 s5, s21  }
0x1c: {  	[dreg:$0xf] =	wrdreg s23;
	s25 =	sadd.s32 s9, s24;
	s26 =	sadd.s32 s9, s4  }
0x1d: {  	s4 =	sadd.s32 $0x204900, s0;
	s19 =	simm.s32 $0x5;
	[dreg:$0xc] =	wrdreg s6  }
0x1e: {  	s21 =	simm.s32 $0x6;
	s0 =	simm.s32 $0x180;
	[dreg:$0xe] =	wrdreg s5  }
0x1f: {  	v2 =	vlaneseq.u32;
	s24 =	simm.s32 $0x11180;
	s9 =	simm.s32 $0x12980;
	[dreg:$0x10] =	wrdreg s25  }
0x20: {  	vm0 =	vmmov $0xffff;
	v1 =	vshrl.u32 v2, $0x3;
	s23 =	simm.s32 $0x14980;
	[dreg:$0x11] =	wrdreg s26;
	s5 =	smax.u32 s1, $0x1  }
0x21: {  	v0 =	vand.u32 $0x7, v2;
	v2 =	vor.u32 $0x8, v2;
	v1 =	vmul.u32 $0x8, v1;
	s6 =	simm.s32 $0x7;
	s25 =	simm.s32 $0x15180;
	s26 =	simm.s32 $0x15980  }
.LBB2_1:
0x22: {  	s22 =	rddreg [dreg:$0x2]  }
0x23: {  	[tilespmem:s2], [sflag:$0x7] =	stream.linear.gather [hbm4b:s22+s2], $0x40, $0x38;
	[tilespmem:$0x18180] =	vst v63  }
0x24: {  	_ =	swait.ge [sflag:s6], $0x40  }
0x25: {  	[sflag:s6] =	ssyncset.done $0x0  }
0x26: {  	[sflag:s6] =	ssyncadd.s32 $0xFFFFFFC0  }
0x27: {  	v3 =	vld [tilespmem:$0x0];
	_ =	sdelay $0x4  }
0x28: {  	v4 =	vshll.u32 v3, $0x2  }
0x29: {  	v3 =	vand.u32 $0x7, v3;
	v4 =	vand.u32 $0xFFFFFFE0, v4  }
0x2a: {  	v3 =	vor.u32 v3, v4  }
0x2b: {  	v4 =	vperm.xlane v3, v0;
	_ =	sdelay $0x1  }
0x2c: {  	v4 =	vadd.s32 v1, v4;
	_ =	sdelay $0x1  }
0x2d: {  	v3 =	vperm.xlane v3, v2;
	_ =	sdelay $0x1  }
0x2e: {  	v3 =	vadd.s32 v1, v3  }
0x2f: {  	[tilespmem:s0], [sflag:$0x1] =	stream.indirect_vreg.gather [hbm4b:s3+s2], $0x80, v4, vm0, $0xb8;
	[tilespmem:$0x18180] =	vst v63  }
0x30: {  	s1 =	simm.s32 $0x980  }
0x31: {  	[tilespmem:s1], [sflag:$0x1] =	stream.indirect_vreg.gather [hbm4b:s4+s2], $0x80, v4, vm0, $0xb8;
	[tilespmem:$0x18180] =	vst v63  }
0x32: {  	s22 =	simm.s32 $0x1180  }
0x33: {  	[tilespmem:s22], [sflag:$0x1] =	stream.indirect_vreg.gather [hbm4b:s3+s2], $0x80, v3, vm0, $0xb8;
	[tilespmem:$0x18180] =	vst v63  }
0x34: {  	s22 =	simm.s32 $0x1980  }
0x35: {  	[tilespmem:s22], [sflag:$0x1] =	stream.indirect_vreg.gather [hbm4b:s4+s2], $0x80, v3, vm0, $0xb8;
	[tilespmem:$0x18180] =	vst v63  }
0x36: {  	v3 =	vld [tilespmem:$0x10];
	_ =	sdelay $0x4  }
0x37: {  	v33 =	vshll.u32 v3, $0x2  }
0x38: {  	v3 =	vand.u32 $0x7, v3;
	v4 =	vand.u32 $0xFFFFFFE0, v33  }
0x39: {  	v3 =	vor.u32 v3, v4  }
0x3a: {  	v4 =	vperm.xlane v3, v0;
	_ =	sdelay $0x1  }
0x3b: {  	v4 =	vadd.s32 v1, v4;
	_ =	sdelay $0x1  }
0x3c: {  	v3 =	vperm.xlane v3, v2;
	_ =	sdelay $0x1  }
0x3d: {  	s22 =	simm.s32 $0x2180;
	v3 =	vadd.s32 v1, v3  }
0x3e: {  	[tilespmem:s22], [sflag:$0x1] =	stream.indirect_vreg.gather [hbm4b:s3+s2], $0x80, v4, vm0, $0xb8;
	[tilespmem:$0x18180] =	vst v63  }
0x3f: {  	s22 =	simm.s32 $0x2980  }
0x40: {  	[tilespmem:s22], [sflag:$0x1] =	stream.indirect_vreg.gather [hbm4b:s4+s2], $0x80, v4, vm0, $0xb8;
	[tilespmem:$0x18180] =	vst v63  }
0x41: {  	s22 =	simm.s32 $0x3180  }
0x42: {  	[tilespmem:s22], [sflag:$0x1] =	stream.indirect_vreg.gather [hbm4b:s3+s2], $0x80, v3, vm0, $0xb8;
	[tilespmem:$0x18180] =	vst v63  }
0x43: {  	s22 =	simm.s32 $0x3980  }
0x44: {  	[tilespmem:s22], [sflag:$0x1] =	stream.indirect_vreg.gather [hbm4b:s4+s2], $0x80, v3, vm0, $0xb8;
	[tilespmem:$0x18180] =	vst v63  }
0x45: {  	v3 =	vld [tilespmem:$0x20];
	_ =	sdelay $0x4  }
0x46: {  	v34 =	vshll.u32 v3, $0x2  }
0x47: {  	v3 =	vand.u32 $0x7, v3;
	v4 =	vand.u32 $0xFFFFFFE0, v34  }
0x48: {  	v3 =	vor.u32 v3, v4  }
0x49: {  	v4 =	vperm.xlane v3, v0;
	_ =	sdelay $0x1  }
0x4a: {  	v4 =	vadd.s32 v1, v4;
	_ =	sdelay $0x1  }
0x4b: {  	v3 =	vperm.xlane v3, v2;
	_ =	sdelay $0x1  }
0x4c: {  	s22 =	simm.s32 $0x4180;
	v3 =	vadd.s32 v1, v3  }
0x4d: {  	[tilespmem:s22], [sflag:$0x1] =	stream.indirect_vreg.gather [hbm4b:s3+s2], $0x80, v4, vm0, $0xb8;
	[tilespmem:$0x18180] =	vst v63  }
0x4e: {  	s22 =	simm.s32 $0x4980  }
0x4f: {  	[tilespmem:s22], [sflag:$0x1] =	stream.indirect_vreg.gather [hbm4b:s4+s2], $0x80, v4, vm0, $0xb8;
	[tilespmem:$0x18180] =	vst v63  }
0x50: {  	s22 =	simm.s32 $0x5180  }
0x51: {  	[tilespmem:s22], [sflag:$0x1] =	stream.indirect_vreg.gather [hbm4b:s3+s2], $0x80, v3, vm0, $0xb8;
	[tilespmem:$0x18180] =	vst v63  }
0x52: {  	s22 =	simm.s32 $0x5980  }
0x53: {  	[tilespmem:s22], [sflag:$0x1] =	stream.indirect_vreg.gather [hbm4b:s4+s2], $0x80, v3, vm0, $0xb8;
	[tilespmem:$0x18180] =	vst v63  }
0x54: {  	v3 =	vld [tilespmem:$0x30];
	_ =	sdelay $0x4  }
0x55: {  	v35 =	vshll.u32 v3, $0x2  }
0x56: {  	v3 =	vand.u32 $0x7, v3;
	v4 =	vand.u32 $0xFFFFFFE0, v35  }
0x57: {  	v3 =	vor.u32 v3, v4  }
0x58: {  	v4 =	vperm.xlane v3, v0;
	_ =	sdelay $0x1  }
0x59: {  	v4 =	vadd.s32 v1, v4;
	_ =	sdelay $0x1  }
0x5a: {  	v3 =	vperm.xlane v3, v2;
	_ =	sdelay $0x1  }
0x5b: {  	s22 =	simm.s32 $0x6180;
	v3 =	vadd.s32 v1, v3  }
0x5c: {  	[tilespmem:s22], [sflag:$0x1] =	stream.indirect_vreg.gather [hbm4b:s3+s2], $0x80, v4, vm0, $0xb8;
	[tilespmem:$0x18180] =	vst v63  }
0x5d: {  	s22 =	simm.s32 $0x6980  }
0x5e: {  	[tilespmem:s22], [sflag:$0x1] =	stream.indirect_vreg.gather [hbm4b:s4+s2], $0x80, v4, vm0, $0xb8;
	[tilespmem:$0x18180] =	vst v63  }
0x5f: {  	s22 =	simm.s32 $0x7180  }
0x60: {  	[tilespmem:s22], [sflag:$0x1] =	stream.indirect_vreg.gather [hbm4b:s3+s2], $0x80, v3, vm0, $0xb8;
	[tilespmem:$0x18180] =	vst v63  }
0x61: {  	s1 =	simm.s32 $0x7980  }
0x62: {  	[tilespmem:s1], [sflag:$0x1] =	stream.indirect_vreg.gather [hbm4b:s4+s2], $0x80, v3, vm0, $0xb8;
	[tilespmem:$0x18180] =	vst v63  }
0x63: {  	s22 =	rddreg [dreg:$0x3];
	s1 =	simm.s32 $0x80  }
0x64: {  	[tilespmem:s1], [sflag:$0x7] =	stream.linear.gather [hbm4b:s22+s2], $0x40, $0x38;
	[tilespmem:$0x18180] =	vst v63  }
0x65: {  	_ =	swait.ge [sflag:s6], $0x40  }
0x66: {  	[sflag:s6] =	ssyncset.done $0x0  }
0x67: {  	[sflag:s6] =	ssyncadd.s32 $0xFFFFFFC0  }
0x68: {  	v3 =	vld [tilespmem:$0x80];
	_ =	sdelay $0x4  }
0x69: {  	v36 =	vshll.u32 v3, $0x2  }
0x6a: {  	v3 =	vand.u32 $0x7, v3;
	v4 =	vand.u32 $0xFFFFFFE0, v36  }
0x6b: {  	v3 =	vor.u32 v3, v4  }
0x6c: {  	v4 =	vperm.xlane v3, v0;
	_ =	sdelay $0x1  }
0x6d: {  	v4 =	vadd.s32 v1, v4;
	_ =	sdelay $0x1  }
0x6e: {  	v3 =	vperm.xlane v3, v2;
	_ =	sdelay $0x1  }
0x6f: {  	v3 =	vadd.s32 v1, v3  }
0x70: {  	[tilespmem:s20], [sflag:$0x2] =	stream.indirect_vreg.gather [hbm4b:s3+s2], $0x80, v4, vm0, $0xb8;
	[tilespmem:$0x18180] =	vst v63  }
0x71: {  	s22 =	simm.s32 $0x8980  }
0x72: {  	[tilespmem:s22], [sflag:$0x2] =	stream.indirect_vreg.gather [hbm4b:s4+s2], $0x80, v4, vm0, $0xb8;
	[tilespmem:$0x18180] =	vst v63  }
0x73: {  	s22 =	simm.s32 $0x9180  }
0x74: {  	[tilespmem:s22], [sflag:$0x2] =	stream.indirect_vreg.gather [hbm4b:s3+s2], $0x80, v3, vm0, $0xb8;
	[tilespmem:$0x18180] =	vst v63  }
0x75: {  	s22 =	simm.s32 $0x9980  }
0x76: {  	[tilespmem:s22], [sflag:$0x2] =	stream.indirect_vreg.gather [hbm4b:s4+s2], $0x80, v3, vm0, $0xb8;
	[tilespmem:$0x18180] =	vst v63  }
0x77: {  	v3 =	vld [tilespmem:$0x90];
	_ =	sdelay $0x4  }
0x78: {  	v37 =	vshll.u32 v3, $0x2  }
0x79: {  	v3 =	vand.u32 $0x7, v3;
	v4 =	vand.u32 $0xFFFFFFE0, v37  }
0x7a: {  	v3 =	vor.u32 v3, v4  }
0x7b: {  	v4 =	vperm.xlane v3, v0;
	_ =	sdelay $0x1  }
0x7c: {  	v4 =	vadd.s32 v1, v4;
	_ =	sdelay $0x1  }
0x7d: {  	v3 =	vperm.xlane v3, v2;
	_ =	sdelay $0x1  }
0x7e: {  	s22 =	simm.s32 $0xA180;
	v3 =	vadd.s32 v1, v3  }
0x7f: {  	[tilespmem:s22], [sflag:$0x2] =	stream.indirect_vreg.gather [hbm4b:s3+s2], $0x80, v4, vm0, $0xb8;
	[tilespmem:$0x18180] =	vst v63  }
0x80: {  	s22 =	simm.s32 $0xA980  }
0x81: {  	[tilespmem:s22], [sflag:$0x2] =	stream.indirect_vreg.gather [hbm4b:s4+s2], $0x80, v4, vm0, $0xb8;
	[tilespmem:$0x18180] =	vst v63  }
0x82: {  	s22 =	simm.s32 $0xB180  }
0x83: {  	[tilespmem:s22], [sflag:$0x2] =	stream.indirect_vreg.gather [hbm4b:s3+s2], $0x80, v3, vm0, $0xb8;
	[tilespmem:$0x18180] =	vst v63  }
0x84: {  	s22 =	simm.s32 $0xB980  }
0x85: {  	[tilespmem:s22], [sflag:$0x2] =	stream.indirect_vreg.gather [hbm4b:s4+s2], $0x80, v3, vm0, $0xb8;
	[tilespmem:$0x18180] =	vst v63  }
0x86: {  	v3 =	vld [tilespmem:$0xA0];
	_ =	sdelay $0x4  }
0x87: {  	v38 =	vshll.u32 v3, $0x2  }
0x88: {  	v3 =	vand.u32 $0x7, v3;
	v4 =	vand.u32 $0xFFFFFFE0, v38  }
0x89: {  	v3 =	vor.u32 v3, v4  }
0x8a: {  	v4 =	vperm.xlane v3, v0;
	_ =	sdelay $0x1  }
0x8b: {  	v4 =	vadd.s32 v1, v4;
	_ =	sdelay $0x1  }
0x8c: {  	v3 =	vperm.xlane v3, v2;
	_ =	sdelay $0x1  }
0x8d: {  	s22 =	simm.s32 $0xC180;
	v3 =	vadd.s32 v1, v3  }
0x8e: {  	[tilespmem:s22], [sflag:$0x2] =	stream.indirect_vreg.gather [hbm4b:s3+s2], $0x80, v4, vm0, $0xb8;
	[tilespmem:$0x18180] =	vst v63  }
0x8f: {  	s22 =	simm.s32 $0xC980  }
0x90: {  	[tilespmem:s22], [sflag:$0x2] =	stream.indirect_vreg.gather [hbm4b:s4+s2], $0x80, v4, vm0, $0xb8;
	[tilespmem:$0x18180] =	vst v63  }
0x91: {  	s22 =	simm.s32 $0xD180  }
0x92: {  	[tilespmem:s22], [sflag:$0x2] =	stream.indirect_vreg.gather [hbm4b:s3+s2], $0x80, v3, vm0, $0xb8;
	[tilespmem:$0x18180] =	vst v63  }
0x93: {  	s22 =	simm.s32 $0xD980  }
0x94: {  	[tilespmem:s22], [sflag:$0x2] =	stream.indirect_vreg.gather [hbm4b:s4+s2], $0x80, v3, vm0, $0xb8;
	[tilespmem:$0x18180] =	vst v63  }
0x95: {  	v3 =	vld [tilespmem:$0xB0];
	_ =	sdelay $0x4  }
0x96: {  	v39 =	vshll.u32 v3, $0x2  }
0x97: {  	v3 =	vand.u32 $0x7, v3;
	v4 =	vand.u32 $0xFFFFFFE0, v39  }
0x98: {  	v3 =	vor.u32 v3, v4  }
0x99: {  	v4 =	vperm.xlane v3, v0;
	_ =	sdelay $0x1  }
0x9a: {  	v4 =	vadd.s32 v1, v4;
	_ =	sdelay $0x1  }
0x9b: {  	v3 =	vperm.xlane v3, v2;
	_ =	sdelay $0x1  }
0x9c: {  	s22 =	simm.s32 $0xE180;
	v3 =	vadd.s32 v1, v3  }
0x9d: {  	[tilespmem:s22], [sflag:$0x2] =	stream.indirect_vreg.gather [hbm4b:s3+s2], $0x80, v4, vm0, $0xb8;
	[tilespmem:$0x18180] =	vst v63  }
0x9e: {  	s22 =	simm.s32 $0xE980  }
0x9f: {  	[tilespmem:s22], [sflag:$0x2] =	stream.indirect_vreg.gather [hbm4b:s4+s2], $0x80, v4, vm0, $0xb8;
	[tilespmem:$0x18180] =	vst v63  }
0xa0: {  	s22 =	simm.s32 $0xF180  }
0xa1: {  	[tilespmem:s22], [sflag:$0x2] =	stream.indirect_vreg.gather [hbm4b:s3+s2], $0x80, v3, vm0, $0xb8;
	[tilespmem:$0x18180] =	vst v63  }
0xa2: {  	s1 =	simm.s32 $0xF980  }
0xa3: {  	[tilespmem:s1], [sflag:$0x2] =	stream.indirect_vreg.gather [hbm4b:s4+s2], $0x80, v3, vm0, $0xb8;
	[tilespmem:$0x18180] =	vst v63  }
0xa4: {  	s22 =	rddreg [dreg:$0x4]  }
0xa5: {  	[tilespmem:s7], [sflag:$0x7] =	stream.linear.gather [hbm4b:s22+s2], $0x40, $0x38;
	[tilespmem:$0x18180] =	vst v63  }
0xa6: {  	_ =	swait.ge [sflag:s6], $0x40  }
0xa7: {  	[sflag:s6] =	ssyncset.done $0x0  }
0xa8: {  	[sflag:s6] =	ssyncadd.s32 $0xFFFFFFC0  }
0xa9: {  	v3 =	vld [tilespmem:$0x100];
	_ =	sdelay $0x4  }
0xaa: {  	v40 =	vshll.u32 v3, $0x2  }
0xab: {  	v3 =	vand.u32 $0x7, v3;
	v4 =	vand.u32 $0xFFFFFFE0, v40  }
0xac: {  	v3 =	vor.u32 v3, v4  }
0xad: {  	v4 =	vperm.xlane v3, v0;
	_ =	sdelay $0x1  }
0xae: {  	v4 =	vadd.s32 v1, v4;
	_ =	sdelay $0x1  }
0xaf: {  	v3 =	vperm.xlane v3, v2;
	_ =	sdelay $0x1  }
0xb0: {  	v3 =	vadd.s32 v1, v3  }
0xb1: {  	[tilespmem:s15], [sflag:$0x3] =	stream.indirect_vreg.gather [hbm4b:s3+s2], $0x80, v4, vm0, $0xb8;
	[tilespmem:$0x18180] =	vst v63  }
0xb2: {  	_ = 	snop  }
0xb3: {  	[tilespmem:s14], [sflag:$0x3] =	stream.indirect_vreg.gather [hbm4b:s4+s2], $0x80, v4, vm0, $0xb8;
	[tilespmem:$0x18180] =	vst v63  }
0xb4: {  	_ = 	snop  }
0xb5: {  	[tilespmem:s24], [sflag:$0x3] =	stream.indirect_vreg.gather [hbm4b:s3+s2], $0x80, v3, vm0, $0xb8;
	[tilespmem:$0x18180] =	vst v63  }
0xb6: {  	s1 =	simm.s32 $0x11980  }
0xb7: {  	[tilespmem:s1], [sflag:$0x3] =	stream.indirect_vreg.gather [hbm4b:s4+s2], $0x80, v3, vm0, $0xb8;
	[tilespmem:$0x18180] =	vst v63  }
0xb8: {  	v3 =	vld [tilespmem:$0x110];
	_ =	sdelay $0x4  }
0xb9: {  	v41 =	vshll.u32 v3, $0x2  }
0xba: {  	v3 =	vand.u32 $0x7, v3;
	v4 =	vand.u32 $0xFFFFFFE0, v41  }
0xbb: {  	v3 =	vor.u32 v3, v4  }
0xbc: {  	v4 =	vperm.xlane v3, v0;
	_ =	sdelay $0x1  }
0xbd: {  	v4 =	vadd.s32 v1, v4;
	_ =	sdelay $0x1  }
0xbe: {  	v3 =	vperm.xlane v3, v2;
	_ =	sdelay $0x1  }
0xbf: {  	v3 =	vadd.s32 v1, v3  }
0xc0: {  	[tilespmem:s8], [sflag:$0x3] =	stream.indirect_vreg.gather [hbm4b:s3+s2], $0x80, v4, vm0, $0xb8;
	[tilespmem:$0x18180] =	vst v63  }
0xc1: {  	_ = 	snop  }
0xc2: {  	[tilespmem:s9], [sflag:$0x3] =	stream.indirect_vreg.gather [hbm4b:s4+s2], $0x80, v4, vm0, $0xb8;
	[tilespmem:$0x18180] =	vst v63  }
0xc3: {  	_ = 	snop  }
0xc4: {  	[tilespmem:s10], [sflag:$0x3] =	stream.indirect_vreg.gather [hbm4b:s3+s2], $0x80, v3, vm0, $0xb8;
	[tilespmem:$0x18180] =	vst v63  }
0xc5: {  	_ = 	snop  }
0xc6: {  	[tilespmem:s11], [sflag:$0x3] =	stream.indirect_vreg.gather [hbm4b:s4+s2], $0x80, v3, vm0, $0xb8;
	[tilespmem:$0x18180] =	vst v63  }
0xc7: {  	v3 =	vld [tilespmem:$0x120];
	_ =	sdelay $0x4  }
0xc8: {  	v42 =	vshll.u32 v3, $0x2  }
0xc9: {  	v3 =	vand.u32 $0x7, v3;
	v4 =	vand.u32 $0xFFFFFFE0, v42  }
0xca: {  	v3 =	vor.u32 v3, v4  }
0xcb: {  	v4 =	vperm.xlane v3, v0;
	_ =	sdelay $0x1  }
0xcc: {  	v4 =	vadd.s32 v1, v4;
	_ =	sdelay $0x1  }
0xcd: {  	v3 =	vperm.xlane v3, v2;
	_ =	sdelay $0x1  }
0xce: {  	v3 =	vadd.s32 v1, v3  }
0xcf: {  	[tilespmem:s12], [sflag:$0x3] =	stream.indirect_vreg.gather [hbm4b:s3+s2], $0x80, v4, vm0, $0xb8;
	[tilespmem:$0x18180] =	vst v63  }
0xd0: {  	_ = 	snop  }
0xd1: {  	[tilespmem:s23], [sflag:$0x3] =	stream.indirect_vreg.gather [hbm4b:s4+s2], $0x80, v4, vm0, $0xb8;
	[tilespmem:$0x18180] =	vst v63  }
0xd2: {  	_ = 	snop  }
0xd3: {  	[tilespmem:s25], [sflag:$0x3] =	stream.indirect_vreg.gather [hbm4b:s3+s2], $0x80, v3, vm0, $0xb8;
	[tilespmem:$0x18180] =	vst v63  }
0xd4: {  	_ = 	snop  }
0xd5: {  	[tilespmem:s26], [sflag:$0x3] =	stream.indirect_vreg.gather [hbm4b:s4+s2], $0x80, v3, vm0, $0xb8;
	[tilespmem:$0x18180] =	vst v63  }
0xd6: {  	v3 =	vld [tilespmem:$0x130];
	_ =	sdelay $0x4  }
0xd7: {  	v43 =	vshll.u32 v3, $0x2  }
0xd8: {  	v3 =	vand.u32 $0x7, v3;
	v4 =	vand.u32 $0xFFFFFFE0, v43  }
0xd9: {  	v3 =	vor.u32 v3, v4  }
0xda: {  	v4 =	vperm.xlane v3, v0;
	_ =	sdelay $0x1  }
0xdb: {  	v4 =	vadd.s32 v1, v4;
	_ =	sdelay $0x1  }
0xdc: {  	v3 =	vperm.xlane v3, v2;
	_ =	sdelay $0x1  }
0xdd: {  	v3 =	vadd.s32 v1, v3  }
0xde: {  	[tilespmem:s28], [sflag:$0x3] =	stream.indirect_vreg.gather [hbm4b:s3+s2], $0x80, v4, vm0, $0xb8;
	[tilespmem:$0x18180] =	vst v63  }
0xdf: {  	_ = 	snop  }
0xe0: {  	[tilespmem:s29], [sflag:$0x3] =	stream.indirect_vreg.gather [hbm4b:s4+s2], $0x80, v4, vm0, $0xb8;
	[tilespmem:$0x18180] =	vst v63  }
0xe1: {  	_ = 	snop  }
0xe2: {  	[tilespmem:s30], [sflag:$0x3] =	stream.indirect_vreg.gather [hbm4b:s3+s2], $0x80, v3, vm0, $0xb8;
	[tilespmem:$0x18180] =	vst v63  }
0xe3: {  	_ = 	snop  }
0xe4: {  	[tilespmem:s31], [sflag:$0x3] =	stream.indirect_vreg.gather [hbm4b:s4+s2], $0x80, v3, vm0, $0xb8;
	[tilespmem:$0x18180] =	vst v63  }
0xe5: {  	_ =	swait.ge [sflag:s16], $0x8000  }
0xe6: {  	[sflag:s16] =	ssyncset.done $0x0  }
0xe7: {  	s22 =	rddreg [dreg:$0x5];
	[sflag:s16] =	ssyncadd.s32 $0xFFFF8000  }
0xe8: {  	[hbm4b:s22+s2] =	stream.linear.scatter [tilespmem:s0], [sflag:$0x4], $0x8000, $0x38;
	[tilespmem:$0x18180] =	vst v63  }
0xe9: {  	_ =	swait.ge [sflag:s17], $0x8000  }
0xea: {  	[sflag:s17] =	ssyncset.done $0x0  }
0xeb: {  	s22 =	rddreg [dreg:$0x6];
	[sflag:s17] =	ssyncadd.s32 $0xFFFF8000  }
0xec: {  	[tilespmem:s2], [sflag:$0x7] =	stream.linear.gather [hbm4b:s22+s2], $0x40, $0x38;
	[tilespmem:$0x18180] =	vst v63  }
0xed: {  	_ =	swait.ge [sflag:s6], $0x40  }
0xee: {  	[sflag:s6] =	ssyncset.done $0x0  }
0xef: {  	[sflag:s6] =	ssyncadd.s32 $0xFFFFFFC0  }
0xf0: {  	v3 =	vld [tilespmem:$0x0];
	_ =	sdelay $0x4  }
0xf1: {  	v44 =	vshll.u32 v3, $0x2  }
0xf2: {  	v3 =	vand.u32 $0x7, v3;
	v4 =	vand.u32 $0xFFFFFFE0, v44  }
0xf3: {  	v3 =	vor.u32 v3, v4  }
0xf4: {  	v4 =	vperm.xlane v3, v0;
	_ =	sdelay $0x1  }
0xf5: {  	v4 =	vadd.s32 v1, v4;
	_ =	sdelay $0x1  }
0xf6: {  	v3 =	vperm.xlane v3, v2;
	_ =	sdelay $0x1  }
0xf7: {  	v3 =	vadd.s32 v1, v3  }
0xf8: {  	[tilespmem:s0], [sflag:$0x1] =	stream.indirect_vreg.gather [hbm4b:s3+s2], $0x80, v4, vm0, $0xb8;
	[tilespmem:$0x18180] =	vst v63  }
0xf9: {  	s13 =	simm.s32 $0x980  }
0xfa: {  	[tilespmem:s13], [sflag:$0x1] =	stream.indirect_vreg.gather [hbm4b:s4+s2], $0x80, v4, vm0, $0xb8;
	[tilespmem:$0x18180] =	vst v63  }
0xfb: {  	s22 =	simm.s32 $0x1180  }
0xfc: {  	[tilespmem:s22], [sflag:$0x1] =	stream.indirect_vreg.gather [hbm4b:s3+s2], $0x80, v3, vm0, $0xb8;
	[tilespmem:$0x18180] =	vst v63  }
0xfd: {  	s22 =	simm.s32 $0x1980  }
0xfe: {  	[tilespmem:s22], [sflag:$0x1] =	stream.indirect_vreg.gather [hbm4b:s4+s2], $0x80, v3, vm0, $0xb8;
	[tilespmem:$0x18180] =	vst v63  }
0xff: {  	v3 =	vld [tilespmem:$0x10];
	_ =	sdelay $0x4  }
0x100: {  	v45 =	vshll.u32 v3, $0x2  }
0x101: {  	v3 =	vand.u32 $0x7, v3;
	v4 =	vand.u32 $0xFFFFFFE0, v45  }
0x102: {  	v3 =	vor.u32 v3, v4  }
0x103: {  	v4 =	vperm.xlane v3, v0;
	_ =	sdelay $0x1  }
0x104: {  	v4 =	vadd.s32 v1, v4;
	_ =	sdelay $0x1  }
0x105: {  	v3 =	vperm.xlane v3, v2;
	_ =	sdelay $0x1  }
0x106: {  	s22 =	simm.s32 $0x2180;
	v3 =	vadd.s32 v1, v3  }
0x107: {  	[tilespmem:s22], [sflag:$0x1] =	stream.indirect_vreg.gather [hbm4b:s3+s2], $0x80, v4, vm0, $0xb8;
	[tilespmem:$0x18180] =	vst v63  }
0x108: {  	s22 =	simm.s32 $0x2980  }
0x109: {  	[tilespmem:s22], [sflag:$0x1] =	stream.indirect_vreg.gather [hbm4b:s4+s2], $0x80, v4, vm0, $0xb8;
	[tilespmem:$0x18180] =	vst v63  }
0x10a: {  	s22 =	simm.s32 $0x3180  }
0x10b: {  	[tilespmem:s22], [sflag:$0x1] =	stream.indirect_vreg.gather [hbm4b:s3+s2], $0x80, v3, vm0, $0xb8;
	[tilespmem:$0x18180] =	vst v63  }
0x10c: {  	s22 =	simm.s32 $0x3980  }
0x10d: {  	[tilespmem:s22], [sflag:$0x1] =	stream.indirect_vreg.gather [hbm4b:s4+s2], $0x80, v3, vm0, $0xb8;
	[tilespmem:$0x18180] =	vst v63  }
0x10e: {  	v3 =	vld [tilespmem:$0x20];
	_ =	sdelay $0x4  }
0x10f: {  	v46 =	vshll.u32 v3, $0x2  }
0x110: {  	v3 =	vand.u32 $0x7, v3;
	v4 =	vand.u32 $0xFFFFFFE0, v46  }
0x111: {  	v3 =	vor.u32 v3, v4  }
0x112: {  	v4 =	vperm.xlane v3, v0;
	_ =	sdelay $0x1  }
0x113: {  	v4 =	vadd.s32 v1, v4;
	_ =	sdelay $0x1  }
0x114: {  	v3 =	vperm.xlane v3, v2;
	_ =	sdelay $0x1  }
0x115: {  	s22 =	simm.s32 $0x4180;
	v3 =	vadd.s32 v1, v3  }
0x116: {  	[tilespmem:s22], [sflag:$0x1] =	stream.indirect_vreg.gather [hbm4b:s3+s2], $0x80, v4, vm0, $0xb8;
	[tilespmem:$0x18180] =	vst v63  }
0x117: {  	s22 =	simm.s32 $0x4980  }
0x118: {  	[tilespmem:s22], [sflag:$0x1] =	stream.indirect_vreg.gather [hbm4b:s4+s2], $0x80, v4, vm0, $0xb8;
	[tilespmem:$0x18180] =	vst v63  }
0x119: {  	s22 =	simm.s32 $0x5180  }
0x11a: {  	[tilespmem:s22], [sflag:$0x1] =	stream.indirect_vreg.gather [hbm4b:s3+s2], $0x80, v3, vm0, $0xb8;
	[tilespmem:$0x18180] =	vst v63  }
0x11b: {  	s22 =	simm.s32 $0x5980  }
0x11c: {  	[tilespmem:s22], [sflag:$0x1] =	stream.indirect_vreg.gather [hbm4b:s4+s2], $0x80, v3, vm0, $0xb8;
	[tilespmem:$0x18180] =	vst v63  }
0x11d: {  	v3 =	vld [tilespmem:$0x30];
	_ =	sdelay $0x4  }
0x11e: {  	v47 =	vshll.u32 v3, $0x2  }
0x11f: {  	v3 =	vand.u32 $0x7, v3;
	v4 =	vand.u32 $0xFFFFFFE0, v47  }
0x120: {  	v3 =	vor.u32 v3, v4  }
0x121: {  	v4 =	vperm.xlane v3, v0;
	_ =	sdelay $0x1  }
0x122: {  	v4 =	vadd.s32 v1, v4;
	_ =	sdelay $0x1  }
0x123: {  	v3 =	vperm.xlane v3, v2;
	_ =	sdelay $0x1  }
0x124: {  	s22 =	simm.s32 $0x6180;
	v3 =	vadd.s32 v1, v3  }
0x125: {  	[tilespmem:s22], [sflag:$0x1] =	stream.indirect_vreg.gather [hbm4b:s3+s2], $0x80, v4, vm0, $0xb8;
	[tilespmem:$0x18180] =	vst v63  }
0x126: {  	s22 =	simm.s32 $0x6980  }
0x127: {  	[tilespmem:s22], [sflag:$0x1] =	stream.indirect_vreg.gather [hbm4b:s4+s2], $0x80, v4, vm0, $0xb8;
	[tilespmem:$0x18180] =	vst v63  }
0x128: {  	s22 =	simm.s32 $0x7180  }
0x129: {  	[tilespmem:s22], [sflag:$0x1] =	stream.indirect_vreg.gather [hbm4b:s3+s2], $0x80, v3, vm0, $0xb8;
	[tilespmem:$0x18180] =	vst v63  }
0x12a: {  	s22 =	simm.s32 $0x7980  }
0x12b: {  	[tilespmem:s22], [sflag:$0x1] =	stream.indirect_vreg.gather [hbm4b:s4+s2], $0x80, v3, vm0, $0xb8;
	[tilespmem:$0x18180] =	vst v63  }
0x12c: {  	_ =	swait.ge [sflag:s18], $0x8000  }
0x12d: {  	[sflag:s18] =	ssyncset.done $0x0  }
0x12e: {  	s13 =	rddreg [dreg:$0x7];
	[sflag:s18] =	ssyncadd.s32 $0xFFFF8000  }
0x12f: {  	[hbm4b:s13+s2] =	stream.linear.scatter [tilespmem:s20], [sflag:$0x5], $0x8000, $0x38;
	[tilespmem:$0x18180] =	vst v63  }
0x130: {  	_ =	swait.ge [sflag:s19], $0x8000  }
0x131: {  	[sflag:s19] =	ssyncset.done $0x0  }
0x132: {  	s13 =	simm.s32 $0x80;
	s22 =	rddreg [dreg:$0x8];
	[sflag:s19] =	ssyncadd.s32 $0xFFFF8000  }
0x133: {  	[tilespmem:s13], [sflag:$0x7] =	stream.linear.gather [hbm4b:s22+s2], $0x40, $0x38;
	[tilespmem:$0x18180] =	vst v63  }
0x134: {  	_ =	swait.ge [sflag:s6], $0x40  }
0x135: {  	[sflag:s6] =	ssyncset.done $0x0  }
0x136: {  	[sflag:s6] =	ssyncadd.s32 $0xFFFFFFC0  }
0x137: {  	v3 =	vld [tilespmem:$0x80];
	_ =	sdelay $0x4  }
0x138: {  	v48 =	vshll.u32 v3, $0x2  }
0x139: {  	v3 =	vand.u32 $0x7, v3;
	v4 =	vand.u32 $0xFFFFFFE0, v48  }
0x13a: {  	v3 =	vor.u32 v3, v4  }
0x13b: {  	v4 =	vperm.xlane v3, v0;
	_ =	sdelay $0x1  }
0x13c: {  	v4 =	vadd.s32 v1, v4;
	_ =	sdelay $0x1  }
0x13d: {  	v3 =	vperm.xlane v3, v2;
	_ =	sdelay $0x1  }
0x13e: {  	v3 =	vadd.s32 v1, v3  }
0x13f: {  	[tilespmem:s20], [sflag:$0x2] =	stream.indirect_vreg.gather [hbm4b:s3+s2], $0x80, v4, vm0, $0xb8;
	[tilespmem:$0x18180] =	vst v63  }
0x140: {  	s13 =	simm.s32 $0x8980  }
0x141: {  	[tilespmem:s13], [sflag:$0x2] =	stream.indirect_vreg.gather [hbm4b:s4+s2], $0x80, v4, vm0, $0xb8;
	[tilespmem:$0x18180] =	vst v63  }
0x142: {  	s13 =	simm.s32 $0x9180  }
0x143: {  	[tilespmem:s13], [sflag:$0x2] =	stream.indirect_vreg.gather [hbm4b:s3+s2], $0x80, v3, vm0, $0xb8;
	[tilespmem:$0x18180] =	vst v63  }
0x144: {  	s22 =	simm.s32 $0x9980  }
0x145: {  	[tilespmem:s22], [sflag:$0x2] =	stream.indirect_vreg.gather [hbm4b:s4+s2], $0x80, v3, vm0, $0xb8;
	[tilespmem:$0x18180] =	vst v63  }
0x146: {  	v3 =	vld [tilespmem:$0x90];
	_ =	sdelay $0x4  }
0x147: {  	v49 =	vshll.u32 v3, $0x2  }
0x148: {  	v3 =	vand.u32 $0x7, v3;
	v4 =	vand.u32 $0xFFFFFFE0, v49  }
0x149: {  	v3 =	vor.u32 v3, v4  }
0x14a: {  	v4 =	vperm.xlane v3, v0;
	_ =	sdelay $0x1  }
0x14b: {  	v4 =	vadd.s32 v1, v4;
	_ =	sdelay $0x1  }
0x14c: {  	v3 =	vperm.xlane v3, v2;
	_ =	sdelay $0x1  }
0x14d: {  	s13 =	simm.s32 $0xA180;
	v3 =	vadd.s32 v1, v3  }
0x14e: {  	[tilespmem:s13], [sflag:$0x2] =	stream.indirect_vreg.gather [hbm4b:s3+s2], $0x80, v4, vm0, $0xb8;
	[tilespmem:$0x18180] =	vst v63  }
0x14f: {  	s13 =	simm.s32 $0xA980  }
0x150: {  	[tilespmem:s13], [sflag:$0x2] =	stream.indirect_vreg.gather [hbm4b:s4+s2], $0x80, v4, vm0, $0xb8;
	[tilespmem:$0x18180] =	vst v63  }
0x151: {  	s13 =	simm.s32 $0xB180  }
0x152: {  	[tilespmem:s13], [sflag:$0x2] =	stream.indirect_vreg.gather [hbm4b:s3+s2], $0x80, v3, vm0, $0xb8;
	[tilespmem:$0x18180] =	vst v63  }
0x153: {  	s22 =	simm.s32 $0xB980  }
0x154: {  	[tilespmem:s22], [sflag:$0x2] =	stream.indirect_vreg.gather [hbm4b:s4+s2], $0x80, v3, vm0, $0xb8;
	[tilespmem:$0x18180] =	vst v63  }
0x155: {  	v3 =	vld [tilespmem:$0xA0];
	_ =	sdelay $0x4  }
0x156: {  	v50 =	vshll.u32 v3, $0x2  }
0x157: {  	v3 =	vand.u32 $0x7, v3;
	v4 =	vand.u32 $0xFFFFFFE0, v50  }
0x158: {  	v3 =	vor.u32 v3, v4  }
0x159: {  	v4 =	vperm.xlane v3, v0;
	_ =	sdelay $0x1  }
0x15a: {  	v4 =	vadd.s32 v1, v4;
	_ =	sdelay $0x1  }
0x15b: {  	v3 =	vperm.xlane v3, v2;
	_ =	sdelay $0x1  }
0x15c: {  	s13 =	simm.s32 $0xC180;
	v3 =	vadd.s32 v1, v3  }
0x15d: {  	[tilespmem:s13], [sflag:$0x2] =	stream.indirect_vreg.gather [hbm4b:s3+s2], $0x80, v4, vm0, $0xb8;
	[tilespmem:$0x18180] =	vst v63  }
0x15e: {  	s13 =	simm.s32 $0xC980  }
0x15f: {  	[tilespmem:s13], [sflag:$0x2] =	stream.indirect_vreg.gather [hbm4b:s4+s2], $0x80, v4, vm0, $0xb8;
	[tilespmem:$0x18180] =	vst v63  }
0x160: {  	s13 =	simm.s32 $0xD180  }
0x161: {  	[tilespmem:s13], [sflag:$0x2] =	stream.indirect_vreg.gather [hbm4b:s3+s2], $0x80, v3, vm0, $0xb8;
	[tilespmem:$0x18180] =	vst v63  }
0x162: {  	s22 =	simm.s32 $0xD980  }
0x163: {  	[tilespmem:s22], [sflag:$0x2] =	stream.indirect_vreg.gather [hbm4b:s4+s2], $0x80, v3, vm0, $0xb8;
	[tilespmem:$0x18180] =	vst v63  }
0x164: {  	v3 =	vld [tilespmem:$0xB0];
	_ =	sdelay $0x4  }
0x165: {  	v51 =	vshll.u32 v3, $0x2  }
0x166: {  	v3 =	vand.u32 $0x7, v3;
	v4 =	vand.u32 $0xFFFFFFE0, v51  }
0x167: {  	v3 =	vor.u32 v3, v4  }
0x168: {  	v4 =	vperm.xlane v3, v0;
	_ =	sdelay $0x1  }
0x169: {  	v4 =	vadd.s32 v1, v4;
	_ =	sdelay $0x1  }
0x16a: {  	v3 =	vperm.xlane v3, v2;
	_ =	sdelay $0x1  }
0x16b: {  	s13 =	simm.s32 $0xE180;
	v3 =	vadd.s32 v1, v3  }
0x16c: {  	[tilespmem:s13], [sflag:$0x2] =	stream.indirect_vreg.gather [hbm4b:s3+s2], $0x80, v4, vm0, $0xb8;
	[tilespmem:$0x18180] =	vst v63  }
0x16d: {  	s13 =	simm.s32 $0xE980  }
0x16e: {  	[tilespmem:s13], [sflag:$0x2] =	stream.indirect_vreg.gather [hbm4b:s4+s2], $0x80, v4, vm0, $0xb8;
	[tilespmem:$0x18180] =	vst v63  }
0x16f: {  	s22 =	simm.s32 $0xF180  }
0x170: {  	[tilespmem:s22], [sflag:$0x2] =	stream.indirect_vreg.gather [hbm4b:s3+s2], $0x80, v3, vm0, $0xb8;
	[tilespmem:$0x18180] =	vst v63  }
0x171: {  	s13 =	simm.s32 $0x3;
	s22 =	simm.s32 $0xF980  }
0x172: {  	[tilespmem:s22], [sflag:$0x2] =	stream.indirect_vreg.gather [hbm4b:s4+s2], $0x80, v3, vm0, $0xb8;
	[tilespmem:$0x18180] =	vst v63  }
0x173: {  	_ =	swait.ge [sflag:s13], $0x8000  }
0x174: {  	[sflag:s13] =	ssyncset.done $0x0  }
0x175: {  	s22 =	rddreg [dreg:$0x9];
	[sflag:s13] =	ssyncadd.s32 $0xFFFF8000  }
0x176: {  	[hbm4b:s22+s2] =	stream.linear.scatter [tilespmem:s15], [sflag:$0x6], $0x8000, $0x38;
	[tilespmem:$0x18180] =	vst v63  }
0x177: {  	_ =	swait.ge [sflag:s21], $0x8000  }
0x178: {  	[sflag:s21] =	ssyncset.done $0x0  }
0x179: {  	s22 =	rddreg [dreg:$0xa];
	[sflag:s21] =	ssyncadd.s32 $0xFFFF8000  }
0x17a: {  	[tilespmem:s7], [sflag:$0x7] =	stream.linear.gather [hbm4b:s22+s2], $0x40, $0x38;
	[tilespmem:$0x18180] =	vst v63  }
0x17b: {  	_ =	swait.ge [sflag:s6], $0x40  }
0x17c: {  	[sflag:s6] =	ssyncset.done $0x0  }
0x17d: {  	[sflag:s6] =	ssyncadd.s32 $0xFFFFFFC0  }
0x17e: {  	v3 =	vld [tilespmem:$0x100];
	_ =	sdelay $0x4  }
0x17f: {  	v52 =	vshll.u32 v3, $0x2  }
0x180: {  	v3 =	vand.u32 $0x7, v3;
	v4 =	vand.u32 $0xFFFFFFE0, v52  }
0x181: {  	v3 =	vor.u32 v3, v4  }
0x182: {  	v4 =	vperm.xlane v3, v0;
	_ =	sdelay $0x1  }
0x183: {  	v4 =	vadd.s32 v1, v4;
	_ =	sdelay $0x1  }
0x184: {  	v3 =	vperm.xlane v3, v2;
	_ =	sdelay $0x1  }
0x185: {  	v3 =	vadd.s32 v1, v3  }
0x186: {  	[tilespmem:s15], [sflag:$0x3] =	stream.indirect_vreg.gather [hbm4b:s3+s2], $0x80, v4, vm0, $0xb8;
	[tilespmem:$0x18180] =	vst v63  }
0x187: {  	_ = 	snop  }
0x188: {  	[tilespmem:s14], [sflag:$0x3] =	stream.indirect_vreg.gather [hbm4b:s4+s2], $0x80, v4, vm0, $0xb8;
	[tilespmem:$0x18180] =	vst v63  }
0x189: {  	_ = 	snop  }
0x18a: {  	[tilespmem:s24], [sflag:$0x3] =	stream.indirect_vreg.gather [hbm4b:s3+s2], $0x80, v3, vm0, $0xb8;
	[tilespmem:$0x18180] =	vst v63  }
0x18b: {  	_ = 	snop  }
0x18c: {  	[tilespmem:s1], [sflag:$0x3] =	stream.indirect_vreg.gather [hbm4b:s4+s2], $0x80, v3, vm0, $0xb8;
	[tilespmem:$0x18180] =	vst v63  }
0x18d: {  	v3 =	vld [tilespmem:$0x110];
	_ =	sdelay $0x4  }
0x18e: {  	v53 =	vshll.u32 v3, $0x2  }
0x18f: {  	v3 =	vand.u32 $0x7, v3;
	v4 =	vand.u32 $0xFFFFFFE0, v53  }
0x190: {  	v3 =	vor.u32 v3, v4  }
0x191: {  	v4 =	vperm.xlane v3, v0;
	_ =	sdelay $0x1  }
0x192: {  	v4 =	vadd.s32 v1, v4;
	_ =	sdelay $0x1  }
0x193: {  	v3 =	vperm.xlane v3, v2;
	_ =	sdelay $0x1  }
0x194: {  	v3 =	vadd.s32 v1, v3  }
0x195: {  	[tilespmem:s8], [sflag:$0x3] =	stream.indirect_vreg.gather [hbm4b:s3+s2], $0x80, v4, vm0, $0xb8;
	[tilespmem:$0x18180] =	vst v63  }
0x196: {  	_ = 	snop  }
0x197: {  	[tilespmem:s9], [sflag:$0x3] =	stream.indirect_vreg.gather [hbm4b:s4+s2], $0x80, v4, vm0, $0xb8;
	[tilespmem:$0x18180] =	vst v63  }
0x198: {  	_ = 	snop  }
0x199: {  	[tilespmem:s10], [sflag:$0x3] =	stream.indirect_vreg.gather [hbm4b:s3+s2], $0x80, v3, vm0, $0xb8;
	[tilespmem:$0x18180] =	vst v63  }
0x19a: {  	_ = 	snop  }
0x19b: {  	[tilespmem:s11], [sflag:$0x3] =	stream.indirect_vreg.gather [hbm4b:s4+s2], $0x80, v3, vm0, $0xb8;
	[tilespmem:$0x18180] =	vst v63  }
0x19c: {  	v3 =	vld [tilespmem:$0x120];
	_ =	sdelay $0x4  }
0x19d: {  	v54 =	vshll.u32 v3, $0x2  }
0x19e: {  	v3 =	vand.u32 $0x7, v3;
	v4 =	vand.u32 $0xFFFFFFE0, v54  }
0x19f: {  	v3 =	vor.u32 v3, v4  }
0x1a0: {  	v4 =	vperm.xlane v3, v0;
	_ =	sdelay $0x1  }
0x1a1: {  	v4 =	vadd.s32 v1, v4;
	_ =	sdelay $0x1  }
0x1a2: {  	v3 =	vperm.xlane v3, v2;
	_ =	sdelay $0x1  }
0x1a3: {  	v3 =	vadd.s32 v1, v3  }
0x1a4: {  	[tilespmem:s12], [sflag:$0x3] =	stream.indirect_vreg.gather [hbm4b:s3+s2], $0x80, v4, vm0, $0xb8;
	[tilespmem:$0x18180] =	vst v63  }
0x1a5: {  	_ = 	snop  }
0x1a6: {  	[tilespmem:s23], [sflag:$0x3] =	stream.indirect_vreg.gather [hbm4b:s4+s2], $0x80, v4, vm0, $0xb8;
	[tilespmem:$0x18180] =	vst v63  }
0x1a7: {  	_ = 	snop  }
0x1a8: {  	[tilespmem:s25], [sflag:$0x3] =	stream.indirect_vreg.gather [hbm4b:s3+s2], $0x80, v3, vm0, $0xb8;
	[tilespmem:$0x18180] =	vst v63  }
0x1a9: {  	_ = 	snop  }
0x1aa: {  	[tilespmem:s26], [sflag:$0x3] =	stream.indirect_vreg.gather [hbm4b:s4+s2], $0x80, v3, vm0, $0xb8;
	[tilespmem:$0x18180] =	vst v63  }
0x1ab: {  	v3 =	vld [tilespmem:$0x130];
	_ =	sdelay $0x4  }
0x1ac: {  	v55 =	vshll.u32 v3, $0x2  }
0x1ad: {  	v3 =	vand.u32 $0x7, v3;
	v4 =	vand.u32 $0xFFFFFFE0, v55  }
0x1ae: {  	v3 =	vor.u32 v3, v4  }
0x1af: {  	v4 =	vperm.xlane v3, v0;
	_ =	sdelay $0x1  }
0x1b0: {  	v4 =	vadd.s32 v1, v4;
	_ =	sdelay $0x1  }
0x1b1: {  	v3 =	vperm.xlane v3, v2;
	_ =	sdelay $0x1  }
0x1b2: {  	v3 =	vadd.s32 v1, v3  }
0x1b3: {  	[tilespmem:s28], [sflag:$0x3] =	stream.indirect_vreg.gather [hbm4b:s3+s2], $0x80, v4, vm0, $0xb8;
	[tilespmem:$0x18180] =	vst v63  }
0x1b4: {  	_ = 	snop  }
0x1b5: {  	[tilespmem:s29], [sflag:$0x3] =	stream.indirect_vreg.gather [hbm4b:s4+s2], $0x80, v4, vm0, $0xb8;
	[tilespmem:$0x18180] =	vst v63  }
0x1b6: {  	_ = 	snop  }
0x1b7: {  	[tilespmem:s30], [sflag:$0x3] =	stream.indirect_vreg.gather [hbm4b:s3+s2], $0x80, v3, vm0, $0xb8;
	[tilespmem:$0x18180] =	vst v63  }
0x1b8: {  	_ = 	snop  }
0x1b9: {  	[tilespmem:s31], [sflag:$0x3] =	stream.indirect_vreg.gather [hbm4b:s4+s2], $0x80, v3, vm0, $0xb8;
	[tilespmem:$0x18180] =	vst v63  }
0x1ba: {  	_ =	swait.ge [sflag:s16], $0x8000  }
0x1bb: {  	[sflag:s16] =	ssyncset.done $0x0  }
0x1bc: {  	s1 =	rddreg [dreg:$0xb];
	[sflag:s16] =	ssyncadd.s32 $0xFFFF8000  }
0x1bd: {  	[hbm4b:s1+s2] =	stream.linear.scatter [tilespmem:s0], [sflag:$0x4], $0x8000, $0x38;
	[tilespmem:$0x18180] =	vst v63  }
0x1be: {  	_ =	swait.ge [sflag:s17], $0x8000  }
0x1bf: {  	[sflag:s17] =	ssyncset.done $0x0  }
0x1c0: {  	s1 =	rddreg [dreg:$0xc];
	[sflag:s17] =	ssyncadd.s32 $0xFFFF8000  }
0x1c1: {  	[tilespmem:s2], [sflag:$0x7] =	stream.linear.gather [hbm4b:s1+s2], $0x40, $0x38;
	[tilespmem:$0x18180] =	vst v63  }
0x1c2: {  	_ =	swait.ge [sflag:s6], $0x40  }
0x1c3: {  	[sflag:s6] =	ssyncset.done $0x0  }
0x1c4: {  	[sflag:s6] =	ssyncadd.s32 $0xFFFFFFC0  }
0x1c5: {  	v3 =	vld [tilespmem:$0x0];
	_ =	sdelay $0x4  }
0x1c6: {  	v56 =	vshll.u32 v3, $0x2  }
0x1c7: {  	v3 =	vand.u32 $0x7, v3;
	v4 =	vand.u32 $0xFFFFFFE0, v56  }
0x1c8: {  	v3 =	vor.u32 v3, v4  }
0x1c9: {  	v4 =	vperm.xlane v3, v0;
	_ =	sdelay $0x1  }
0x1ca: {  	v4 =	vadd.s32 v1, v4;
	_ =	sdelay $0x1  }
0x1cb: {  	v3 =	vperm.xlane v3, v2;
	_ =	sdelay $0x1  }
0x1cc: {  	v3 =	vadd.s32 v1, v3  }
0x1cd: {  	[tilespmem:s0], [sflag:$0x1] =	stream.indirect_vreg.gather [hbm4b:s3+s2], $0x80, v4, vm0, $0xb8;
	[tilespmem:$0x18180] =	vst v63  }
0x1ce: {  	s22 =	simm.s32 $0x980  }
0x1cf: {  	[tilespmem:s22], [sflag:$0x1] =	stream.indirect_vreg.gather [hbm4b:s4+s2], $0x80, v4, vm0, $0xb8;
	[tilespmem:$0x18180] =	vst v63  }
0x1d0: {  	s22 =	simm.s32 $0x1180  }
0x1d1: {  	[tilespmem:s22], [sflag:$0x1] =	stream.indirect_vreg.gather [hbm4b:s3+s2], $0x80, v3, vm0, $0xb8;
	[tilespmem:$0x18180] =	vst v63  }
0x1d2: {  	s22 =	simm.s32 $0x1980  }
0x1d3: {  	[tilespmem:s22], [sflag:$0x1] =	stream.indirect_vreg.gather [hbm4b:s4+s2], $0x80, v3, vm0, $0xb8;
	[tilespmem:$0x18180] =	vst v63  }
0x1d4: {  	v3 =	vld [tilespmem:$0x10];
	_ =	sdelay $0x4  }
0x1d5: {  	v57 =	vshll.u32 v3, $0x2  }
0x1d6: {  	v3 =	vand.u32 $0x7, v3;
	v4 =	vand.u32 $0xFFFFFFE0, v57  }
0x1d7: {  	v3 =	vor.u32 v3, v4  }
0x1d8: {  	v4 =	vperm.xlane v3, v0;
	_ =	sdelay $0x1  }
0x1d9: {  	v4 =	vadd.s32 v1, v4;
	_ =	sdelay $0x1  }
0x1da: {  	v3 =	vperm.xlane v3, v2;
	_ =	sdelay $0x1  }
0x1db: {  	s22 =	simm.s32 $0x2180;
	v3 =	vadd.s32 v1, v3  }
0x1dc: {  	[tilespmem:s22], [sflag:$0x1] =	stream.indirect_vreg.gather [hbm4b:s3+s2], $0x80, v4, vm0, $0xb8;
	[tilespmem:$0x18180] =	vst v63  }
0x1dd: {  	s22 =	simm.s32 $0x2980  }
0x1de: {  	[tilespmem:s22], [sflag:$0x1] =	stream.indirect_vreg.gather [hbm4b:s4+s2], $0x80, v4, vm0, $0xb8;
	[tilespmem:$0x18180] =	vst v63  }
0x1df: {  	s22 =	simm.s32 $0x3180  }
0x1e0: {  	[tilespmem:s22], [sflag:$0x1] =	stream.indirect_vreg.gather [hbm4b:s3+s2], $0x80, v3, vm0, $0xb8;
	[tilespmem:$0x18180] =	vst v63  }
0x1e1: {  	s22 =	simm.s32 $0x3980  }
0x1e2: {  	[tilespmem:s22], [sflag:$0x1] =	stream.indirect_vreg.gather [hbm4b:s4+s2], $0x80, v3, vm0, $0xb8;
	[tilespmem:$0x18180] =	vst v63  }
0x1e3: {  	v3 =	vld [tilespmem:$0x20];
	_ =	sdelay $0x4  }
0x1e4: {  	v58 =	vshll.u32 v3, $0x2  }
0x1e5: {  	v3 =	vand.u32 $0x7, v3;
	v4 =	vand.u32 $0xFFFFFFE0, v58  }
0x1e6: {  	v3 =	vor.u32 v3, v4  }
0x1e7: {  	v4 =	vperm.xlane v3, v0;
	_ =	sdelay $0x1  }
0x1e8: {  	v4 =	vadd.s32 v1, v4;
	_ =	sdelay $0x1  }
0x1e9: {  	v3 =	vperm.xlane v3, v2;
	_ =	sdelay $0x1  }
0x1ea: {  	s22 =	simm.s32 $0x4180;
	v3 =	vadd.s32 v1, v3  }
0x1eb: {  	[tilespmem:s22], [sflag:$0x1] =	stream.indirect_vreg.gather [hbm4b:s3+s2], $0x80, v4, vm0, $0xb8;
	[tilespmem:$0x18180] =	vst v63  }
0x1ec: {  	s22 =	simm.s32 $0x4980  }
0x1ed: {  	[tilespmem:s22], [sflag:$0x1] =	stream.indirect_vreg.gather [hbm4b:s4+s2], $0x80, v4, vm0, $0xb8;
	[tilespmem:$0x18180] =	vst v63  }
0x1ee: {  	s22 =	simm.s32 $0x5180  }
0x1ef: {  	[tilespmem:s22], [sflag:$0x1] =	stream.indirect_vreg.gather [hbm4b:s3+s2], $0x80, v3, vm0, $0xb8;
	[tilespmem:$0x18180] =	vst v63  }
0x1f0: {  	s22 =	simm.s32 $0x5980  }
0x1f1: {  	[tilespmem:s22], [sflag:$0x1] =	stream.indirect_vreg.gather [hbm4b:s4+s2], $0x80, v3, vm0, $0xb8;
	[tilespmem:$0x18180] =	vst v63  }
0x1f2: {  	v3 =	vld [tilespmem:$0x30];
	_ =	sdelay $0x4  }
0x1f3: {  	v59 =	vshll.u32 v3, $0x2  }
0x1f4: {  	v3 =	vand.u32 $0x7, v3;
	v4 =	vand.u32 $0xFFFFFFE0, v59  }
0x1f5: {  	v3 =	vor.u32 v3, v4  }
0x1f6: {  	v4 =	vperm.xlane v3, v0;
	_ =	sdelay $0x1  }
0x1f7: {  	v4 =	vadd.s32 v1, v4;
	_ =	sdelay $0x1  }
0x1f8: {  	v3 =	vperm.xlane v3, v2;
	_ =	sdelay $0x1  }
0x1f9: {  	s22 =	simm.s32 $0x6180;
	v3 =	vadd.s32 v1, v3  }
0x1fa: {  	[tilespmem:s22], [sflag:$0x1] =	stream.indirect_vreg.gather [hbm4b:s3+s2], $0x80, v4, vm0, $0xb8;
	[tilespmem:$0x18180] =	vst v63  }
0x1fb: {  	s22 =	simm.s32 $0x6980  }
0x1fc: {  	[tilespmem:s22], [sflag:$0x1] =	stream.indirect_vreg.gather [hbm4b:s4+s2], $0x80, v4, vm0, $0xb8;
	[tilespmem:$0x18180] =	vst v63  }
0x1fd: {  	s22 =	simm.s32 $0x7180  }
0x1fe: {  	[tilespmem:s22], [sflag:$0x1] =	stream.indirect_vreg.gather [hbm4b:s3+s2], $0x80, v3, vm0, $0xb8;
	[tilespmem:$0x18180] =	vst v63  }
0x1ff: {  	s22 =	simm.s32 $0x7980  }
0x200: {  	[tilespmem:s22], [sflag:$0x1] =	stream.indirect_vreg.gather [hbm4b:s4+s2], $0x80, v3, vm0, $0xb8;
	[tilespmem:$0x18180] =	vst v63  }
0x201: {  	_ =	swait.ge [sflag:s18], $0x8000  }
0x202: {  	[sflag:s18] =	ssyncset.done $0x0  }
0x203: {  	s1 =	rddreg [dreg:$0xd];
	[sflag:s18] =	ssyncadd.s32 $0xFFFF8000  }
0x204: {  	[hbm4b:s1+s2] =	stream.linear.scatter [tilespmem:s20], [sflag:$0x5], $0x8000, $0x38;
	[tilespmem:$0x18180] =	vst v63  }
0x205: {  	_ =	swait.ge [sflag:s19], $0x8000  }
0x206: {  	[sflag:s19] =	ssyncset.done $0x0  }
0x207: {  	s1 =	simm.s32 $0x80;
	s22 =	rddreg [dreg:$0xe];
	[sflag:s19] =	ssyncadd.s32 $0xFFFF8000  }
0x208: {  	[tilespmem:s1], [sflag:$0x7] =	stream.linear.gather [hbm4b:s22+s2], $0x40, $0x38;
	[tilespmem:$0x18180] =	vst v63  }
0x209: {  	_ =	swait.ge [sflag:s6], $0x40  }
0x20a: {  	[sflag:s6] =	ssyncset.done $0x0  }
0x20b: {  	[sflag:s6] =	ssyncadd.s32 $0xFFFFFFC0  }
0x20c: {  	v3 =	vld [tilespmem:$0x80];
	_ =	sdelay $0x4  }
0x20d: {  	v60 =	vshll.u32 v3, $0x2  }
0x20e: {  	v3 =	vand.u32 $0x7, v3;
	v4 =	vand.u32 $0xFFFFFFE0, v60  }
0x20f: {  	v3 =	vor.u32 v3, v4  }
0x210: {  	v4 =	vperm.xlane v3, v0;
	_ =	sdelay $0x1  }
0x211: {  	v4 =	vadd.s32 v1, v4;
	_ =	sdelay $0x1  }
0x212: {  	v3 =	vperm.xlane v3, v2;
	_ =	sdelay $0x1  }
0x213: {  	v3 =	vadd.s32 v1, v3  }
0x214: {  	[tilespmem:s20], [sflag:$0x2] =	stream.indirect_vreg.gather [hbm4b:s3+s2], $0x80, v4, vm0, $0xb8;
	[tilespmem:$0x18180] =	vst v63  }
0x215: {  	s22 =	simm.s32 $0x8980  }
0x216: {  	[tilespmem:s22], [sflag:$0x2] =	stream.indirect_vreg.gather [hbm4b:s4+s2], $0x80, v4, vm0, $0xb8;
	[tilespmem:$0x18180] =	vst v63  }
0x217: {  	s22 =	simm.s32 $0x9180  }
0x218: {  	[tilespmem:s22], [sflag:$0x2] =	stream.indirect_vreg.gather [hbm4b:s3+s2], $0x80, v3, vm0, $0xb8;
	[tilespmem:$0x18180] =	vst v63  }
0x219: {  	s22 =	simm.s32 $0x9980  }
0x21a: {  	[tilespmem:s22], [sflag:$0x2] =	stream.indirect_vreg.gather [hbm4b:s4+s2], $0x80, v3, vm0, $0xb8;
	[tilespmem:$0x18180] =	vst v63  }
0x21b: {  	v3 =	vld [tilespmem:$0x90];
	_ =	sdelay $0x4  }
0x21c: {  	v61 =	vshll.u32 v3, $0x2  }
0x21d: {  	v3 =	vand.u32 $0x7, v3;
	v4 =	vand.u32 $0xFFFFFFE0, v61  }
0x21e: {  	v3 =	vor.u32 v3, v4  }
0x21f: {  	v4 =	vperm.xlane v3, v0;
	_ =	sdelay $0x1  }
0x220: {  	v4 =	vadd.s32 v1, v4;
	_ =	sdelay $0x1  }
0x221: {  	v3 =	vperm.xlane v3, v2;
	_ =	sdelay $0x1  }
0x222: {  	s22 =	simm.s32 $0xA180;
	v3 =	vadd.s32 v1, v3  }
0x223: {  	[tilespmem:s22], [sflag:$0x2] =	stream.indirect_vreg.gather [hbm4b:s3+s2], $0x80, v4, vm0, $0xb8;
	[tilespmem:$0x18180] =	vst v63  }
0x224: {  	s22 =	simm.s32 $0xA980  }
0x225: {  	[tilespmem:s22], [sflag:$0x2] =	stream.indirect_vreg.gather [hbm4b:s4+s2], $0x80, v4, vm0, $0xb8;
	[tilespmem:$0x18180] =	vst v63  }
0x226: {  	s22 =	simm.s32 $0xB180  }
0x227: {  	[tilespmem:s22], [sflag:$0x2] =	stream.indirect_vreg.gather [hbm4b:s3+s2], $0x80, v3, vm0, $0xb8;
	[tilespmem:$0x18180] =	vst v63  }
0x228: {  	s22 =	simm.s32 $0xB980  }
0x229: {  	[tilespmem:s22], [sflag:$0x2] =	stream.indirect_vreg.gather [hbm4b:s4+s2], $0x80, v3, vm0, $0xb8;
	[tilespmem:$0x18180] =	vst v63  }
0x22a: {  	v3 =	vld [tilespmem:$0xA0];
	_ =	sdelay $0x4  }
0x22b: {  	v62 =	vshll.u32 v3, $0x2  }
0x22c: {  	v3 =	vand.u32 $0x7, v3;
	v4 =	vand.u32 $0xFFFFFFE0, v62  }
0x22d: {  	v3 =	vor.u32 v3, v4  }
0x22e: {  	v4 =	vperm.xlane v3, v0;
	_ =	sdelay $0x1  }
0x22f: {  	v4 =	vadd.s32 v1, v4;
	_ =	sdelay $0x1  }
0x230: {  	v3 =	vperm.xlane v3, v2;
	_ =	sdelay $0x1  }
0x231: {  	s22 =	simm.s32 $0xC180;
	v3 =	vadd.s32 v1, v3  }
0x232: {  	[tilespmem:s22], [sflag:$0x2] =	stream.indirect_vreg.gather [hbm4b:s3+s2], $0x80, v4, vm0, $0xb8;
	[tilespmem:$0x18180] =	vst v63  }
0x233: {  	s22 =	simm.s32 $0xC980  }
0x234: {  	[tilespmem:s22], [sflag:$0x2] =	stream.indirect_vreg.gather [hbm4b:s4+s2], $0x80, v4, vm0, $0xb8;
	[tilespmem:$0x18180] =	vst v63  }
0x235: {  	s22 =	simm.s32 $0xD180  }
0x236: {  	[tilespmem:s22], [sflag:$0x2] =	stream.indirect_vreg.gather [hbm4b:s3+s2], $0x80, v3, vm0, $0xb8;
	[tilespmem:$0x18180] =	vst v63  }
0x237: {  	s22 =	simm.s32 $0xD980  }
0x238: {  	[tilespmem:s22], [sflag:$0x2] =	stream.indirect_vreg.gather [hbm4b:s4+s2], $0x80, v3, vm0, $0xb8;
	[tilespmem:$0x18180] =	vst v63  }
0x239: {  	v3 =	vld [tilespmem:$0xB0];
	_ =	sdelay $0x4  }
0x23a: {  	v63 =	vshll.u32 v3, $0x2  }
0x23b: {  	v3 =	vand.u32 $0x7, v3;
	v4 =	vand.u32 $0xFFFFFFE0, v63  }
0x23c: {  	v3 =	vor.u32 v3, v4  }
0x23d: {  	v4 =	vperm.xlane v3, v0;
	_ =	sdelay $0x1  }
0x23e: {  	v4 =	vadd.s32 v1, v4;
	_ =	sdelay $0x1  }
0x23f: {  	v3 =	vperm.xlane v3, v2;
	_ =	sdelay $0x1  }
0x240: {  	s22 =	simm.s32 $0xE180;
	v3 =	vadd.s32 v1, v3  }
0x241: {  	[tilespmem:s22], [sflag:$0x2] =	stream.indirect_vreg.gather [hbm4b:s3+s2], $0x80, v4, vm0, $0xb8;
	[tilespmem:$0x18180] =	vst v63  }
0x242: {  	s22 =	simm.s32 $0xE980  }
0x243: {  	[tilespmem:s22], [sflag:$0x2] =	stream.indirect_vreg.gather [hbm4b:s4+s2], $0x80, v4, vm0, $0xb8;
	[tilespmem:$0x18180] =	vst v63  }
0x244: {  	s22 =	simm.s32 $0xF180  }
0x245: {  	[tilespmem:s22], [sflag:$0x2] =	stream.indirect_vreg.gather [hbm4b:s3+s2], $0x80, v3, vm0, $0xb8;
	[tilespmem:$0x18180] =	vst v63  }
0x246: {  	s22 =	simm.s32 $0xF980  }
0x247: {  	[tilespmem:s22], [sflag:$0x2] =	stream.indirect_vreg.gather [hbm4b:s4+s2], $0x80, v3, vm0, $0xb8;
	[tilespmem:$0x18180] =	vst v63  }
0x248: {  	_ =	swait.ge [sflag:s13], $0x8000  }
0x249: {  	[sflag:s13] =	ssyncset.done $0x0  }
0x24a: {  	s1 =	rddreg [dreg:$0xf];
	[sflag:s13] =	ssyncadd.s32 $0xFFFF8000  }
0x24b: {  	[hbm4b:s1+s2] =	stream.linear.scatter [tilespmem:s15], [sflag:$0x6], $0x8000, $0x38;
	[tilespmem:$0x18180] =	vst v63  }
0x24c: {  	_ =	swait.ge [sflag:s16], $0x8000  }
0x24d: {  	[sflag:s16] =	ssyncset.done $0x0  }
0x24e: {  	s1 =	rddreg [dreg:$0x10];
	[sflag:s16] =	ssyncadd.s32 $0xFFFF8000  }
0x24f: {  	[hbm4b:s1+s2] =	stream.linear.scatter [tilespmem:s0], [sflag:$0x4], $0x8000, $0x38;
	[tilespmem:$0x18180] =	vst v63  }
0x250: {  	_ =	swait.ge [sflag:s18], $0x8000  }
0x251: {  	[sflag:s18] =	ssyncset.done $0x0  }
0x252: {  	s13 =	rddreg [dreg:$0x11];
	[sflag:s18] =	ssyncadd.s32 $0xFFFF8000  }
0x253: {  	[hbm4b:s13+s2] =	stream.linear.scatter [tilespmem:s20], [sflag:$0x5], $0x8000, $0x38;
	[tilespmem:$0x18180] =	vst v63  }
0x254: {  	_ =	swait.ge [sflag:s21], $0x8000  }
0x255: {  	[sflag:s21] =	ssyncset.done $0x0  }
0x256: {  	[sflag:s21] =	ssyncadd.s32 $0xFFFF8000  }
0x257: {  	p0 =	sne.s32 s5, $0x1;
	_ =	swait.ge [sflag:s17], $0x8000  }
.Ltmp0:
0x258: {  	[sflag:s17] =	ssyncset.done $0x0;
	(pc) =	sbr.rel @p0 .LBB2_1-.Ltmp0, $4  }
0x259: {  	[sflag:s17] =	ssyncadd.s32 $0xFFFF8000  }
0x25a: {  	_ =	swait.ge [sflag:s19], $0x8000  }
0x25b: {  	[sflag:s19] =	ssyncset.done $0x0  }
0x25c: {  	s5 =	sadd.s32 $0xFFFFFFFF, s5;
	[sflag:s19] =	ssyncadd.s32 $0xFFFF8000  }
0x25d: {  	_ =	sfence.sel $0x180000  }
0x25e: {  	[bflag:$0x0] =	sbarrier.arrive $0xFFFF  }
0x25f: {  	_ =	strace $0x9000004A  }
0x260: {  	s0 =	stileid.u32;
	[bflag:$0x2] =	sbarrier.arrive $0xFFFF  }
0x261: {  	p0 =	sne.s32 s0, $0x0;
	s0 =	rddreg [dreg:$0x1]  }
0x262: {  	s0 =	sadd.s32 @!p0 $0x100000, s0  }
0x263: {  	[sflag:s0] =	ssyncadd.tile.s32 @!p0 $0x1;
	_ =	shalt  }
.Lfunc_end2:
_tile_overlayer_lowered:
.L_overlay_start_2:
0x264: {  	(tag) =	ssettag $0x2  }
0x265: {  	s0 =	rddreg [dreg:$0x0];
	s2 =	stileid.u32  }
0x266: {  	s1 =	rddreg [dreg:$0x1];
	p0 =	sne.s32 s2, $0x0  }
0x267: {  	s3 =	rddreg [dreg:$0x2];
	[bflag:$0x3] =	sbarrier.arrive $0xFFFF;
	s2 =	simm.s32 @!p0 $0x1C07  }
0x268: {  	[timem:s3], [sflag:s2] =	dma.local @!p0 [hbm:s0], s1  }
0x269: {  	s0 =	simm.s32 @!p0 $0x7  }
0x26a: {  	_ =	swait.ge @!p0 [sflag:s0], s1  }
0x26b: {  	s1 =	ssub.s32 @!p0 $0x0, s1;
	[sflag:s0] =	ssyncset.done @!p0 $0x0  }
0x26c: {  	[sflag:s0] =	ssyncadd.s32 @!p0 s1  }
0x26d: {  	[bflag:$0x3] =	sbarrier.arrive $0xFFFF  }
0x26e: {  	_ =	shalt  }

// kernel: kernel.8.cloned.1.call-start
scs
__scs_entry_jumppad:
0x0: {  	(pc) =	sbr.rel $0x88, $3  }
0x1: {  	(tag) =	ssettag $0x0;
	lr =	simm.s32 $0x1  }
0x2: {  	[smem:$0x3F98] =	sst lr;
	_ =	strace $0xD0000000  }
0x3: {  	_ = 	snop  }
0x4: {  	_ = 	snop  }
0x5: {  	_ = 	snop  }
0x6: {  	_ = 	snop  }
0x7: {  	_ = 	snop  }
__scs_overlays_trampoline_lowered:
0x8: {  	[smem:$0x3FA7] =	sst s0  }
0x9: {  	[smem:$0x3FA8] =	sst s1  }
0xa: {  	[smem:$0x3FA9] =	sst s2  }
0xb: {  	[smem:$0x3FAA] =	sst s3  }
0xc: {  	[smem:$0x3FAB] =	sst s4  }
0xd: {  	[smem:$0x3FAC] =	sst s5  }
0xe: {  	[smem:$0x3FAD] =	sst s6  }
0xf: {  	[smem:$0x3FAE] =	sst s7  }
0x10: {  	[smem:$0x3FAF] =	sst s8  }
0x11: {  	[smem:$0x3FB0] =	sst s9;
	s0 =	simm.s32 @!p0 $0x0  }
0x12: {  	s1 =	sld [smem:$0x3F96];
	s0 =	simm.s32 @p0 $0x1  }
0x13: {  	[smem:$0x3FB1] =	sst s0;
	s0 =	simm.s32 @!p1 $0x0  }
0x14: {  	s2 =	sld [smem:$0x3F95];
	s0 =	simm.s32 @p1 $0x1  }
0x15: {  	[smem:$0x3FB2] =	sst s0;
	s0 =	simm.s32 @!p2 $0x0  }
0x16: {  	s3 =	sld [smem:$0x3FDB];
	s0 =	simm.s32 @p2 $0x1  }
0x17: {  	s4 =	simm.s32 $0x1BF5;
	[smem:$0x3FB4] =	sst s0  }
0x18: {  	s0 =	sld [smem:$0x3F97];
	_ =	swait.ge [sflag:s4], $0x0  }
0x19: {  	s7 =	sld [smem:$0x3F98]  }
0x1a: {  	s8 =	sadd.s32 $0xFFFFE003, lr  }
0x1b: {  	s9 =	sadd.s32 $0xFFFFFEF7, lr;
	s5 =	simm.s32 $0xFFFFFFFF;
	p2 =	slt.u32 s8, $0xFFFFF086  }
0x1c: {  	p1 =	slt.u32 s9, $0xF7A;
	s5 =	simm.s32 @!p2 $0x0  }
0x1d: {  	s5 =	simm.s32 @p1 $0x1;
	p0 =	seq.s32 s7, s2  }
0x1e: {  	s7 =	smul.u32 @!p0 $0xF7A, s2;
	p2 =	seq.s32 @!p0 s5, $0x0  }
0x1f: {  	s9 =	smul.u32 $0xF7A, s1;
	s8 =	simm.s32 @!p0 $0x1BF5;
	p2 =	por !p2, p0  }
0x20: {  	[sflag:s8] =	ssyncset.s32 @!p0 $0xFFFFF086;
	s6 =	sadd.s32 @!p0 s3, s7;
	s7 =	simm.s32 @!p0 $0x108  }
0x21: {  	s3 =	sadd.s32 s3, s9;
	s6 =	sadd.s32 @!p0 $0x88, s6;
	s7 =	simm.s32 @p2 $0x1082  }
0x22: {  	[simem:s7], [sflag:s8] =	dma.local @!p0 [hbm:s6], $0xF7A  }
0x23: {  	s9 =	sor.u32 $0xD0000000, s2;
	s6 =	simm.s32 $0x108;
	_ =	swait.ge @!p0 [sflag:s8], $0x0  }
0x24: {  	s3 =	sadd.s32 $0x88, s3;
	s6 =	simm.s32 @!p1 $0x1082;
	[sflag:s4] =	ssyncset.s32 $0xFFFFF086  }
0x25: {  	[simem:s6], [sflag:s4] =	dma.local [hbm:s3], $0xF7A  }
0x26: {  	[smem:$0x3F98] =	sst s1;
	(tag) =	ssettag s2;
	_ =	strace s9  }
0x27: {  	s1 =	sld [smem:$0x3FA8]  }
0x28: {  	s2 =	sld [smem:$0x3FA9]  }
0x29: {  	s4 =	sld [smem:$0x3FAB]  }
0x2a: {  	p0 =	seq.s32 s5, $0x0;
	s5 =	sld [smem:$0x3FAC]  }
0x2b: {  	s6 =	sld [smem:$0x3FAD]  }
0x2c: {  	s7 =	sld [smem:$0x3FAE]  }
0x2d: {  	s3 =	simm.s32 $0x108;
	s8 =	sld [smem:$0x3FAF]  }
0x2e: {  	s3 =	simm.s32 @!p0 $0x1082;
	s9 =	sld [smem:$0x3FB0]  }
0x2f: {  	lr =	sadd.s32 s0, s3;
	s0 =	sld [smem:$0x3FA7]  }
0x30: {  	s3 =	sld [smem:$0x3FAA]  }
0x31: {  	[smem:$0x3FB3] =	sst s10  }
0x32: {  	s10 =	sld [smem:$0x3FB1];
	_ =	sdelay $0x3  }
0x33: {  	p0 =	seq.s32 s10, $0x1;
	s10 =	sld [smem:$0x3FB3];
	_ =	sdelay $0x3  }
0x34: {  	[smem:$0x3FB3] =	sst s10  }
0x35: {  	s10 =	sld [smem:$0x3FB2];
	_ =	sdelay $0x3  }
0x36: {  	p1 =	seq.s32 s10, $0x1;
	s10 =	sld [smem:$0x3FB3];
	_ =	sdelay $0x3  }
0x37: {  	[smem:$0x3FB3] =	sst s10  }
0x38: {  	s10 =	sld [smem:$0x3FB4]  }
0x39: {  	_ = 	snop;
	(pc) =	sbr.ind lr, $3  }
0x3a: {  	_ = 	snop  }
0x3b: {  	_ = 	snop  }
0x3c: {  	p2 =	seq.s32 s10, $0x1;
	s10 =	sld [smem:$0x3FB3]  }
0x3d: {  	_ =	shalt  }
0x3e: {  	_ =	shalt  }
0x3f: {  	_ =	shalt  }
0x40: {  	_ =	shalt  }
0x41: {  	_ =	shalt  }
0x42: {  	_ =	shalt  }
0x43: {  	_ =	shalt  }
0x44: {  	_ =	shalt  }
0x45: {  	_ =	shalt  }
0x46: {  	_ =	shalt  }
0x47: {  	_ =	shalt  }
0x48: {  	_ =	shalt  }
0x49: {  	_ =	shalt  }
0x4a: {  	_ =	shalt  }
0x4b: {  	_ =	shalt  }
0x4c: {  	_ =	shalt  }
0x4d: {  	_ =	shalt  }
0x4e: {  	_ =	shalt  }
0x4f: {  	_ =	shalt  }
0x50: {  	_ =	shalt  }
0x51: {  	_ =	shalt  }
0x52: {  	_ =	shalt  }
0x53: {  	_ =	shalt  }
0x54: {  	_ =	shalt  }
0x55: {  	_ =	shalt  }
0x56: {  	_ =	shalt  }
0x57: {  	_ =	shalt  }
0x58: {  	_ =	shalt  }
0x59: {  	_ =	shalt  }
0x5a: {  	_ =	shalt  }
0x5b: {  	_ =	shalt  }
0x5c: {  	_ =	shalt  }
0x5d: {  	_ =	shalt  }
0x5e: {  	_ =	shalt  }
0x5f: {  	_ =	shalt  }
0x60: {  	_ =	shalt  }
0x61: {  	_ =	shalt  }
0x62: {  	_ =	shalt  }
0x63: {  	_ =	shalt  }
0x64: {  	_ =	shalt  }
0x65: {  	_ =	shalt  }
0x66: {  	_ =	shalt  }
0x67: {  	_ =	shalt  }
0x68: {  	_ =	shalt  }
0x69: {  	_ =	shalt  }
0x6a: {  	_ =	shalt  }
0x6b: {  	_ =	shalt  }
0x6c: {  	_ =	shalt  }
0x6d: {  	_ =	shalt  }
0x6e: {  	_ =	shalt  }
0x6f: {  	_ =	shalt  }
0x70: {  	_ =	shalt  }
0x71: {  	_ =	shalt  }
0x72: {  	_ =	shalt  }
0x73: {  	_ =	shalt  }
0x74: {  	_ =	shalt  }
0x75: {  	_ =	shalt  }
0x76: {  	_ =	shalt  }
0x77: {  	_ =	shalt  }
0x78: {  	_ =	shalt  }
0x79: {  	_ =	shalt  }
0x7a: {  	_ =	shalt  }
0x7b: {  	_ =	shalt  }
0x7c: {  	_ =	shalt  }
0x7d: {  	_ =	shalt  }
0x7e: {  	_ =	shalt  }
0x7f: {  	_ =	shalt  }
0x80: {  	_ =	shalt  }
0x81: {  	_ =	shalt  }
0x82: {  	_ =	shalt  }
0x83: {  	_ =	shalt  }
0x84: {  	_ =	shalt  }
0x85: {  	_ =	shalt  }
0x86: {  	_ =	shalt  }
0x87: {  	_ =	shalt  }
.Lfunc_end0:
.L_simem_size_0:
called_computation_lowered:
.L_overlay_start_0:
0x88: {  	s2 =	sld [smem:$0x3FD9]  }
0x89: {  	s3 =	sld [smem:$0x3FFE];
	_ =	sdelay $0x1  }
0x8a: {  	s1 =	srdreg.scid  }
0x8b: {  	s0 =	sand.u32 $0x1, s1  }
0x8c: {  	s17 =	sshll.u32 s0, $0xA;
	s2 =	sadd.s32 s3, s2  }
0x8d: {  	s2 =	sadd.s32 s2, s17  }
0x8e: {  	[smem:$0x3FBF] =	sst s2  }
0x8f: {  	_ = 	snop  }
0x90: {  	s2 =	sld [smem:$0x3FD0];
	(tm) =	ssettm $0x1  }
0x91: {  	s18 =	sld [smem:$0x3FFB];
	_ =	sdelay $0x3  }
0x92: {  	_ =	strace s18  }
0x93: {  	s3 =	sld [smem:$0x3FFC];
	_ =	sdelay $0x3  }
0x94: {  	_ =	strace s3  }
0x95: {  	s3 =	sld [smem:$0x3FFD];
	_ =	sdelay $0x3  }
0x96: {  	_ =	strace s3  }
0x97: {  	_ =	strace $0x8FFFFFFF  }
0x98: {  	s19 =	sld [smem:$0x3FDB];
	_ =	sdelay $0x1  }
0x99: {  	s4 =	simm.s32 $_scs_section_size  }
0x9a: {  	s5 =	simm.s32 $_size__tile_overlayer_lowered;
	s6 =	simm.s32 $_tile_overlayer_lowered  }
0x9b: {  	s22 =	simm.s32 $0x1BFF;
	s21 =	sshll.u32 s6, $0x1;
	s3 =	sadd.s32 s4, s19  }
0x9c: {  	s7 =	simm.s32 $0x0;
	s20 =	sshll.u32 s5, $0x1;
	s5 =	sadd.s32 s21, s3  }
0x9d: {  	[timem:s7], [sflag:s22] =	dma.local [hbm:s5], s20  }
0x9e: {  	_ =	swait.ge [sflag:s22], s20  }
0x9f: {  	s4 =	ssub.s32 $0x0, s20;
	[sflag:s22] =	ssyncset.done $0x0  }
0xa0: {  	[sflag:s22] =	ssyncadd.s32 s4;
	_ =	sdelay $0x1  }
0xa1: {  	s23 =	simm.s32 $0x1B8B  }
0xa2: {  	_ =	swait.ge [sflag:s23], $0x1  }
0xa3: {  	[sflag:s23] =	ssyncset.done $0x0  }
0xa4: {  	s25 =	simm.s32 $0x1B8E;
	s24 =	sld [smem:$0x3FFE];
	[sflag:s23] =	ssyncadd.s32 $0xFFFFFFFF  }
0xa5: {  	s26 =	simm.s32 $execute0_lowered;
	[smem:$0x3FD2] =	sst s25  }
0xa6: {  	s5 =	sshll.u32 s26, $0x1;
	_ =	strace $0x80000046;
	[dreg:$0x1] =	wrdreg $0xFFFFFFFF  }
0xa7: {  	s28 =	simm.s32 $_size_execute0_lowered;
	s3 =	sadd.s32 s3, s5;
	[dreg:$0x0] =	wrdreg $0x0  }
0xa8: {  	s5 =	sshll.u32 s28, $0x1;
	[dreg:$0x2] =	wrdreg s3  }
0xa9: {  	[dreg:$0x3] =	wrdreg s5  }
0xaa: {  	[dreg:$0x4] =	wrdreg $0xC0  }
0xab: {  	_ =	task [dreg:s7], $0x5FFFF  }
0xac: {  	[dreg:$0x1] =	wrdreg $0xFFFFFFFF  }
0xad: {  	[dreg:$0x0] =	wrdreg $0x60  }
0xae: {  	[dreg:$0x2] =	wrdreg s2  }
0xaf: {  	[dreg:$0x3] =	wrdreg s24  }
0xb0: {  	[dreg:$0x4] =	wrdreg $0x9  }
0xb1: {  	_ =	task.clear_ibuf [dreg:s7], $0x5FFFF;
	_ =	strace $0x90000046  }
0xb2: {  	s29 =	simm.s32 $0x9;
	_ =	strace $0x80000048  }
0xb3: {  	_ =	swait.ge [sflag:s29], $0x1  }
0xb4: {  	[sflag:s29] =	ssyncadd.s32 $0xFFFFFFFF  }
0xb5: {  	_ =	strace $0x90000048  }
0xb6: {  	_ =	sfence  }
0xb7: {  	s30 =	sld [smem:$0x0];
	_ =	sdelay $0x2  }
0xb8: {  	s31 =	sshll.u32 s1, $0xD;
	s1 =	sshrl.u32 s1, $0x2  }
0xb9: {  	s3 =	sand.u32 $0x4000, s31;
	s1 =	sadd.s32 s1, s30  }
0xba: {  	s0 =	sor.u32 s3, s0;
	s1 =	sshll.u32 s1, $0x11  }
0xbb: {  	s0 =	sor.u32 s1, s0  }
0xbc: {  	s0 =	sadd.s32 $0x8F2B, s0  }
0xbd: {  	[sflag:s0] =	ssyncadd.remote.s32 $0x1  }
0xbe: {  	_ =	sfence.sel $0xFFFF  }
0xbf: {  	[dreg:$0x0] =	wrdreg $0xFFFFFFFF;
	(pc) =	sbr.abs _section_cstart, $3  }
0xc0: {  	[dreg:$0x1] =	wrdreg $0xFFFFFFFF  }
0xc1: {  	_ =	task.clear_ibuf [dreg:s7], $0x2FFFF;
	_ =	strace $0x9FFFFFFF  }
0xc2: {  	(tm) =	ssettm $0x7FFFFFFF  }
0xc3: {  	_ =	shalt  }
tec
execute0_lowered:
.L_overlay_start_1:
0x0: {  	(tag) =	ssettag $0x1  }
0x1: {  	s2 =	rddreg [dreg:$0x0]  }
0x2: {  	s0 =	rddreg [dreg:$0x1]  }
0x3: {  	s1 =	srdreg.scid;
	s4 =	stileid.u32  }
0x4: {  	s3 =	simm.s32 $0x0;
	s1 =	sand.u32 $0x1, s1;
	s4 =	sshll.u32 s4, $0x7  }
0x5: {  	[smem:$0x7FF] =	sst s3;
	s6 =	sadd.s32 $0x2000, s0;
	s5 =	sshll.u32 s1, $0x6  }
0x6: {  	s8 =	sadd.s32 $0x2800, s0;
	s23 =	sadd.s32 $0x3800, s0;
	s7 =	sor.u32 s5, s4  }
0x7: {  	_ =	strace $0x80000047;
	[dreg:$0x1c] =	wrdreg s23;
	s4 =	sadd.s32 s6, s7  }
0x8: {  	s9 =	sadd.s32 $0x3000, s0;
	s29 =	sadd.s32 s8, s7;
	[dreg:$0x3] =	wrdreg s4  }
0x9: {  	s30 =	sadd.s32 s9, s7;
	s5 =	sor.u32 $0x8, s7;
	[dreg:$0x4] =	wrdreg s29  }
0xa: {  	[dreg:$0x5] =	wrdreg s30;
	s31 =	sadd.s32 s6, s5  }
0xb: {  	s10 =	sadd.s32 s8, s5;
	[dreg:$0x6] =	wrdreg s31  }
0xc: {  	s12 =	sor.u32 $0x10, s7;
	s11 =	sadd.s32 s9, s5;
	[dreg:$0x7] =	wrdreg s10  }
0xd: {  	s13 =	sadd.s32 s6, s12;
	[dreg:$0x8] =	wrdreg s11  }
0xe: {  	s14 =	sadd.s32 s8, s12;
	[dreg:$0x9] =	wrdreg s13  }
0xf: {  	s16 =	sor.u32 $0x18, s7;
	s15 =	sadd.s32 s9, s12;
	[dreg:$0xa] =	wrdreg s14  }
0x10: {  	s17 =	sadd.s32 s6, s16;
	[dreg:$0xb] =	wrdreg s15  }
0x11: {  	s18 =	sadd.s32 s8, s16;
	[dreg:$0xc] =	wrdreg s17  }
0x12: {  	s20 =	sor.u32 $0x20, s7;
	s19 =	sadd.s32 s9, s16;
	[dreg:$0xd] =	wrdreg s18  }
0x13: {  	s21 =	sadd.s32 s6, s20;
	[dreg:$0xe] =	wrdreg s19  }
0x14: {  	s22 =	sadd.s32 s8, s20;
	[dreg:$0xf] =	wrdreg s21  }
0x15: {  	s25 =	sor.u32 $0x30, s7;
	s5 =	sadd.s32 s9, s20;
	[dreg:$0x10] =	wrdreg s22  }
0x16: {  	s26 =	sadd.s32 s6, s25;
	[dreg:$0x11] =	wrdreg s5  }
0x17: {  	s1 =	ssub.s32 $0x2, s1;
	s28 =	sadd.s32 s8, s25;
	[dreg:$0x15] =	wrdreg s26  }
0x18: {  	s29 =	sadd.s32 s9, s25;
	s30 =	sor.u32 $0x38, s7;
	[dreg:$0x16] =	wrdreg s28  }
0x19: {  	s10 =	sor.u32 $0x28, s7;
	[dreg:$0x17] =	wrdreg s29;
	s7 =	sadd.s32 s6, s30  }
0x1a: {  	s4 =	sadd.s32 $0x4800, s0;
	s31 =	sadd.s32 s9, s30;
	[dreg:$0x18] =	wrdreg s7  }
0x1b: {  	s12 =	sshrl.u32 s1, $0x1;
	s11 =	sadd.s32 s6, s10;
	[dreg:$0x1a] =	wrdreg s31  }
0x1c: {  	s1 =	ssub.s32 s1, s12;
	s24 =	sadd.s32 s8, s10;
	[dreg:$0x12] =	wrdreg s11  }
0x1d: {  	v2 =	vlaneseq.u32;
	s10 =	sadd.s32 s9, s10;
	s6 =	sadd.s32 $0x100, s2;
	[dreg:$0x13] =	wrdreg s24  }
0x1e: {  	vm0 =	vmmov $0xffff;
	v1 =	vshrl.u32 v2, $0x3;
	s8 =	sadd.s32 s8, s30;
	s7 =	sadd.s32 $0x4900, s0;
	[dreg:$0x14] =	wrdreg s10  }
0x1f: {  	v0 =	vand.u32 $0x7, v2;
	v2 =	vor.u32 $0x8, v2;
	v1 =	vmul.u32 $0x8, v1;
	s0 =	smax.u32 s1, $0x1;
	s9 =	simm.s32 $0x7;
	[dreg:$0x19] =	wrdreg s8  }
.LBB2_1:
0x20: {  	[dreg:$0x1b] =	wrdreg s0  }
0x21: {  	s12 =	rddreg [dreg:$0x3]  }
0x22: {  	[tilespmem:s3], [sflag:$0x7] =	stream.linear.gather [hbm4b:s12+s3], $0x40, $0x38;
	[tilespmem:$0x18480] =	vst v63  }
0x23: {  	_ =	swait.ge [sflag:s9], $0x40  }
0x24: {  	[sflag:s9] =	ssyncset.done $0x0  }
0x25: {  	s1 =	simm.s32 $0x180;
	s13 =	rddreg [dreg:$0x4];
	[sflag:s9] =	ssyncadd.s32 $0xFFFFFFC0  }
0x26: {  	[tilespmem:s1], [sflag:$0x7] =	stream.linear.gather [hbm4b:s13+s3], $0x40, $0x38;
	[tilespmem:$0x18480] =	vst v63  }
0x27: {  	_ =	swait.ge [sflag:s9], $0x40  }
0x28: {  	[sflag:s9] =	ssyncset.done $0x0  }
0x29: {  	s15 =	simm.s32 $0x300;
	s14 =	rddreg [dreg:$0x5];
	[sflag:s9] =	ssyncadd.s32 $0xFFFFFFC0  }
0x2a: {  	[tilespmem:s15], [sflag:$0x7] =	stream.linear.gather [hbm4b:s14+s3], $0x40, $0x38;
	[tilespmem:$0x18480] =	vst v63  }
0x2b: {  	_ =	swait.ge [sflag:s9], $0x40  }
0x2c: {  	[sflag:s9] =	ssyncset.done $0x0  }
0x2d: {  	[sflag:s9] =	ssyncadd.s32 $0xFFFFFFC0  }
0x2e: {  	v3 =	vld [tilespmem:$0x0];
	_ =	sdelay $0x4  }
0x2f: {  	v4 =	vshll.u32 v3, $0x2  }
0x30: {  	v3 =	vand.u32 $0x7, v3;
	v4 =	vand.u32 $0xFFFFFFE0, v4  }
0x31: {  	v3 =	vor.u32 v3, v4  }
0x32: {  	v4 =	vperm.xlane v3, v0;
	_ =	sdelay $0x1  }
0x33: {  	v4 =	vadd.s32 v1, v4;
	_ =	sdelay $0x1  }
0x34: {  	v3 =	vperm.xlane v3, v2;
	_ =	sdelay $0x1  }
0x35: {  	s16 =	simm.s32 $0x480;
	v3 =	vadd.s32 v1, v3  }
0x36: {  	[tilespmem:s16], [sflag:$0x1] =	stream.indirect_vreg.gather [hbm4b:s2+s3], $0x80, v4, vm0, $0xb8;
	[tilespmem:$0x18480] =	vst v63  }
0x37: {  	s17 =	simm.s32 $0xC80  }
0x38: {  	[tilespmem:s17], [sflag:$0x1] =	stream.indirect_vreg.gather [hbm4b:s6+s3], $0x80, v4, vm0, $0xb8;
	[tilespmem:$0x18480] =	vst v63  }
0x39: {  	s18 =	simm.s32 $0x1480  }
0x3a: {  	[tilespmem:s18], [sflag:$0x1] =	stream.indirect_vreg.gather [hbm4b:s2+s3], $0x80, v3, vm0, $0xb8;
	[tilespmem:$0x18480] =	vst v63  }
0x3b: {  	s19 =	simm.s32 $0x1C80  }
0x3c: {  	[tilespmem:s19], [sflag:$0x1] =	stream.indirect_vreg.gather [hbm4b:s6+s3], $0x80, v3, vm0, $0xb8;
	[tilespmem:$0x18480] =	vst v63  }
0x3d: {  	v3 =	vld [tilespmem:$0x10];
	_ =	sdelay $0x4  }
0x3e: {  	v57 =	vshll.u32 v3, $0x2  }
0x3f: {  	v3 =	vand.u32 $0x7, v3;
	v4 =	vand.u32 $0xFFFFFFE0, v57  }
0x40: {  	v3 =	vor.u32 v3, v4  }
0x41: {  	v4 =	vperm.xlane v3, v0;
	_ =	sdelay $0x1  }
0x42: {  	v4 =	vadd.s32 v1, v4;
	_ =	sdelay $0x1  }
0x43: {  	v3 =	vperm.xlane v3, v2;
	_ =	sdelay $0x1  }
0x44: {  	s20 =	simm.s32 $0x2480;
	v3 =	vadd.s32 v1, v3  }
0x45: {  	[tilespmem:s20], [sflag:$0x1] =	stream.indirect_vreg.gather [hbm4b:s2+s3], $0x80, v4, vm0, $0xb8;
	[tilespmem:$0x18480] =	vst v63  }
0x46: {  	s21 =	simm.s32 $0x2C80  }
0x47: {  	[tilespmem:s21], [sflag:$0x1] =	stream.indirect_vreg.gather [hbm4b:s6+s3], $0x80, v4, vm0, $0xb8;
	[tilespmem:$0x18480] =	vst v63  }
0x48: {  	s22 =	simm.s32 $0x3480  }
0x49: {  	[tilespmem:s22], [sflag:$0x1] =	stream.indirect_vreg.gather [hbm4b:s2+s3], $0x80, v3, vm0, $0xb8;
	[tilespmem:$0x18480] =	vst v63  }
0x4a: {  	s24 =	simm.s32 $0x3C80  }
0x4b: {  	[tilespmem:s24], [sflag:$0x1] =	stream.indirect_vreg.gather [hbm4b:s6+s3], $0x80, v3, vm0, $0xb8;
	[tilespmem:$0x18480] =	vst v63  }
0x4c: {  	v3 =	vld [tilespmem:$0x20];
	_ =	sdelay $0x4  }
0x4d: {  	v58 =	vshll.u32 v3, $0x2  }
0x4e: {  	v3 =	vand.u32 $0x7, v3;
	v4 =	vand.u32 $0xFFFFFFE0, v58  }
0x4f: {  	v3 =	vor.u32 v3, v4  }
0x50: {  	v4 =	vperm.xlane v3, v0;
	_ =	sdelay $0x1  }
0x51: {  	v4 =	vadd.s32 v1, v4;
	_ =	sdelay $0x1  }
0x52: {  	v3 =	vperm.xlane v3, v2;
	_ =	sdelay $0x1  }
0x53: {  	s25 =	simm.s32 $0x4480;
	v3 =	vadd.s32 v1, v3  }
0x54: {  	[tilespmem:s25], [sflag:$0x1] =	stream.indirect_vreg.gather [hbm4b:s2+s3], $0x80, v4, vm0, $0xb8;
	[tilespmem:$0x18480] =	vst v63  }
0x55: {  	s26 =	simm.s32 $0x4C80  }
0x56: {  	[tilespmem:s26], [sflag:$0x1] =	stream.indirect_vreg.gather [hbm4b:s6+s3], $0x80, v4, vm0, $0xb8;
	[tilespmem:$0x18480] =	vst v63  }
0x57: {  	s28 =	simm.s32 $0x5480  }
0x58: {  	[tilespmem:s28], [sflag:$0x1] =	stream.indirect_vreg.gather [hbm4b:s2+s3], $0x80, v3, vm0, $0xb8;
	[tilespmem:$0x18480] =	vst v63  }
0x59: {  	s29 =	simm.s32 $0x5C80  }
0x5a: {  	[tilespmem:s29], [sflag:$0x1] =	stream.indirect_vreg.gather [hbm4b:s6+s3], $0x80, v3, vm0, $0xb8;
	[tilespmem:$0x18480] =	vst v63  }
0x5b: {  	v3 =	vld [tilespmem:$0x30];
	_ =	sdelay $0x4  }
0x5c: {  	v59 =	vshll.u32 v3, $0x2  }
0x5d: {  	v3 =	vand.u32 $0x7, v3;
	v4 =	vand.u32 $0xFFFFFFE0, v59  }
0x5e: {  	v3 =	vor.u32 v3, v4  }
0x5f: {  	v4 =	vperm.xlane v3, v0;
	_ =	sdelay $0x1  }
0x60: {  	v4 =	vadd.s32 v1, v4;
	_ =	sdelay $0x1  }
0x61: {  	v3 =	vperm.xlane v3, v2;
	_ =	sdelay $0x1  }
0x62: {  	s30 =	simm.s32 $0x6480;
	v3 =	vadd.s32 v1, v3  }
0x63: {  	[tilespmem:s30], [sflag:$0x1] =	stream.indirect_vreg.gather [hbm4b:s2+s3], $0x80, v4, vm0, $0xb8;
	[tilespmem:$0x18480] =	vst v63  }
0x64: {  	s31 =	simm.s32 $0x6C80  }
0x65: {  	[tilespmem:s31], [sflag:$0x1] =	stream.indirect_vreg.gather [hbm4b:s6+s3], $0x80, v4, vm0, $0xb8;
	[tilespmem:$0x18480] =	vst v63  }
0x66: {  	s1 =	simm.s32 $0x7480  }
0x67: {  	[tilespmem:s1], [sflag:$0x1] =	stream.indirect_vreg.gather [hbm4b:s2+s3], $0x80, v3, vm0, $0xb8;
	[tilespmem:$0x18480] =	vst v63  }
0x68: {  	s12 =	simm.s32 $0x7C80  }
0x69: {  	[tilespmem:s12], [sflag:$0x1] =	stream.indirect_vreg.gather [hbm4b:s6+s3], $0x80, v3, vm0, $0xb8;
	[tilespmem:$0x18480] =	vst v63  }
0x6a: {  	s13 =	simm.s32 $0x80;
	s5 =	rddreg [dreg:$0x6]  }
0x6b: {  	[tilespmem:s13], [sflag:$0x7] =	stream.linear.gather [hbm4b:s5+s3], $0x40, $0x38;
	[tilespmem:$0x18480] =	vst v63  }
0x6c: {  	_ =	swait.ge [sflag:s9], $0x40  }
0x6d: {  	[sflag:s9] =	ssyncset.done $0x0  }
0x6e: {  	s16 =	simm.s32 $0x200;
	s15 =	rddreg [dreg:$0x7];
	[sflag:s9] =	ssyncadd.s32 $0xFFFFFFC0  }
0x6f: {  	[tilespmem:s16], [sflag:$0x7] =	stream.linear.gather [hbm4b:s15+s3], $0x40, $0x38;
	[tilespmem:$0x18480] =	vst v63  }
0x70: {  	_ =	swait.ge [sflag:s9], $0x40  }
0x71: {  	[sflag:s9] =	ssyncset.done $0x0  }
0x72: {  	s18 =	simm.s32 $0x380;
	s17 =	rddreg [dreg:$0x8];
	[sflag:s9] =	ssyncadd.s32 $0xFFFFFFC0  }
0x73: {  	[tilespmem:s18], [sflag:$0x7] =	stream.linear.gather [hbm4b:s17+s3], $0x40, $0x38;
	[tilespmem:$0x18480] =	vst v63  }
0x74: {  	_ =	swait.ge [sflag:s9], $0x40  }
0x75: {  	[sflag:s9] =	ssyncset.done $0x0  }
0x76: {  	[sflag:s9] =	ssyncadd.s32 $0xFFFFFFC0  }
0x77: {  	v3 =	vld [tilespmem:$0x80];
	_ =	sdelay $0x4  }
0x78: {  	v60 =	vshll.u32 v3, $0x2  }
0x79: {  	v3 =	vand.u32 $0x7, v3;
	v4 =	vand.u32 $0xFFFFFFE0, v60  }
0x7a: {  	v3 =	vor.u32 v3, v4  }
0x7b: {  	v4 =	vperm.xlane v3, v0;
	_ =	sdelay $0x1  }
0x7c: {  	v4 =	vadd.s32 v1, v4;
	_ =	sdelay $0x1  }
0x7d: {  	v3 =	vperm.xlane v3, v2;
	_ =	sdelay $0x1  }
0x7e: {  	s19 =	simm.s32 $0x8480;
	v3 =	vadd.s32 v1, v3  }
0x7f: {  	[tilespmem:s19], [sflag:$0x2] =	stream.indirect_vreg.gather [hbm4b:s2+s3], $0x80, v4, vm0, $0xb8;
	[tilespmem:$0x18480] =	vst v63  }
0x80: {  	s20 =	simm.s32 $0x8C80  }
0x81: {  	[tilespmem:s20], [sflag:$0x2] =	stream.indirect_vreg.gather [hbm4b:s6+s3], $0x80, v4, vm0, $0xb8;
	[tilespmem:$0x18480] =	vst v63  }
0x82: {  	s21 =	simm.s32 $0x9480  }
0x83: {  	[tilespmem:s21], [sflag:$0x2] =	stream.indirect_vreg.gather [hbm4b:s2+s3], $0x80, v3, vm0, $0xb8;
	[tilespmem:$0x18480] =	vst v63  }
0x84: {  	s22 =	simm.s32 $0x9C80  }
0x85: {  	[tilespmem:s22], [sflag:$0x2] =	stream.indirect_vreg.gather [hbm4b:s6+s3], $0x80, v3, vm0, $0xb8;
	[tilespmem:$0x18480] =	vst v63  }
0x86: {  	v3 =	vld [tilespmem:$0x90];
	_ =	sdelay $0x4  }
0x87: {  	v61 =	vshll.u32 v3, $0x2  }
0x88: {  	v3 =	vand.u32 $0x7, v3;
	v4 =	vand.u32 $0xFFFFFFE0, v61  }
0x89: {  	v3 =	vor.u32 v3, v4  }
0x8a: {  	v4 =	vperm.xlane v3, v0;
	_ =	sdelay $0x1  }
0x8b: {  	v4 =	vadd.s32 v1, v4;
	_ =	sdelay $0x1  }
0x8c: {  	v3 =	vperm.xlane v3, v2;
	_ =	sdelay $0x1  }
0x8d: {  	s24 =	simm.s32 $0xA480;
	v3 =	vadd.s32 v1, v3  }
0x8e: {  	[tilespmem:s24], [sflag:$0x2] =	stream.indirect_vreg.gather [hbm4b:s2+s3], $0x80, v4, vm0, $0xb8;
	[tilespmem:$0x18480] =	vst v63  }
0x8f: {  	s25 =	simm.s32 $0xAC80  }
0x90: {  	[tilespmem:s25], [sflag:$0x2] =	stream.indirect_vreg.gather [hbm4b:s6+s3], $0x80, v4, vm0, $0xb8;
	[tilespmem:$0x18480] =	vst v63  }
0x91: {  	s28 =	simm.s32 $0xB480  }
0x92: {  	[tilespmem:s28], [sflag:$0x2] =	stream.indirect_vreg.gather [hbm4b:s2+s3], $0x80, v3, vm0, $0xb8;
	[tilespmem:$0x18480] =	vst v63  }
0x93: {  	s29 =	simm.s32 $0xBC80  }
0x94: {  	[tilespmem:s29], [sflag:$0x2] =	stream.indirect_vreg.gather [hbm4b:s6+s3], $0x80, v3, vm0, $0xb8;
	[tilespmem:$0x18480] =	vst v63  }
0x95: {  	v3 =	vld [tilespmem:$0xA0];
	_ =	sdelay $0x4  }
0x96: {  	v62 =	vshll.u32 v3, $0x2  }
0x97: {  	v3 =	vand.u32 $0x7, v3;
	v4 =	vand.u32 $0xFFFFFFE0, v62  }
0x98: {  	v3 =	vor.u32 v3, v4  }
0x99: {  	v4 =	vperm.xlane v3, v0;
	_ =	sdelay $0x1  }
0x9a: {  	v4 =	vadd.s32 v1, v4;
	_ =	sdelay $0x1  }
0x9b: {  	v3 =	vperm.xlane v3, v2;
	_ =	sdelay $0x1  }
0x9c: {  	s30 =	simm.s32 $0xC480;
	v3 =	vadd.s32 v1, v3  }
0x9d: {  	[tilespmem:s30], [sflag:$0x2] =	stream.indirect_vreg.gather [hbm4b:s2+s3], $0x80, v4, vm0, $0xb8;
	[tilespmem:$0x18480] =	vst v63  }
0x9e: {  	s1 =	simm.s32 $0xCC80  }
0x9f: {  	[tilespmem:s1], [sflag:$0x2] =	stream.indirect_vreg.gather [hbm4b:s6+s3], $0x80, v4, vm0, $0xb8;
	[tilespmem:$0x18480] =	vst v63  }
0xa0: {  	s5 =	simm.s32 $0xD480  }
0xa1: {  	[tilespmem:s5], [sflag:$0x2] =	stream.indirect_vreg.gather [hbm4b:s2+s3], $0x80, v3, vm0, $0xb8;
	[tilespmem:$0x18480] =	vst v63  }
0xa2: {  	s13 =	simm.s32 $0xDC80  }
0xa3: {  	[tilespmem:s13], [sflag:$0x2] =	stream.indirect_vreg.gather [hbm4b:s6+s3], $0x80, v3, vm0, $0xb8;
	[tilespmem:$0x18480] =	vst v63  }
0xa4: {  	v3 =	vld [tilespmem:$0xB0];
	_ =	sdelay $0x4  }
0xa5: {  	v63 =	vshll.u32 v3, $0x2  }
0xa6: {  	v3 =	vand.u32 $0x7, v3;
	v4 =	vand.u32 $0xFFFFFFE0, v63  }
0xa7: {  	v3 =	vor.u32 v3, v4  }
0xa8: {  	v4 =	vperm.xlane v3, v0;
	_ =	sdelay $0x1  }
0xa9: {  	v4 =	vadd.s32 v1, v4;
	_ =	sdelay $0x1  }
0xaa: {  	v3 =	vperm.xlane v3, v2;
	_ =	sdelay $0x1  }
0xab: {  	s15 =	simm.s32 $0xE480;
	v3 =	vadd.s32 v1, v3  }
0xac: {  	[tilespmem:s15], [sflag:$0x2] =	stream.indirect_vreg.gather [hbm4b:s2+s3], $0x80, v4, vm0, $0xb8;
	[tilespmem:$0x18480] =	vst v63  }
0xad: {  	s16 =	simm.s32 $0xEC80  }
0xae: {  	[tilespmem:s16], [sflag:$0x2] =	stream.indirect_vreg.gather [hbm4b:s6+s3], $0x80, v4, vm0, $0xb8;
	[tilespmem:$0x18480] =	vst v63  }
0xaf: {  	s17 =	simm.s32 $0xF480  }
0xb0: {  	[tilespmem:s17], [sflag:$0x2] =	stream.indirect_vreg.gather [hbm4b:s2+s3], $0x80, v3, vm0, $0xb8;
	[tilespmem:$0x18480] =	vst v63  }
0xb1: {  	s19 =	simm.s32 $0xFC80  }
0xb2: {  	[tilespmem:s19], [sflag:$0x2] =	stream.indirect_vreg.gather [hbm4b:s6+s3], $0x80, v3, vm0, $0xb8;
	[tilespmem:$0x18480] =	vst v63  }
0xb3: {  	s18 =	rddreg [dreg:$0x9];
	s20 =	simm.s32 $0x100  }
0xb4: {  	[tilespmem:s20], [sflag:$0x7] =	stream.linear.gather [hbm4b:s18+s3], $0x40, $0x38;
	[tilespmem:$0x18480] =	vst v63  }
0xb5: {  	_ =	swait.ge [sflag:s9], $0x40  }
0xb6: {  	[sflag:s9] =	ssyncset.done $0x0  }
0xb7: {  	s22 =	simm.s32 $0x280;
	s21 =	rddreg [dreg:$0xa];
	[sflag:s9] =	ssyncadd.s32 $0xFFFFFFC0  }
0xb8: {  	[tilespmem:s22], [sflag:$0x7] =	stream.linear.gather [hbm4b:s21+s3], $0x40, $0x38;
	[tilespmem:$0x18480] =	vst v63  }
0xb9: {  	_ =	swait.ge [sflag:s9], $0x40  }
0xba: {  	[sflag:s9] =	ssyncset.done $0x0  }
0xbb: {  	s25 =	simm.s32 $0x400;
	s24 =	rddreg [dreg:$0xb];
	[sflag:s9] =	ssyncadd.s32 $0xFFFFFFC0  }
0xbc: {  	[tilespmem:s25], [sflag:$0x7] =	stream.linear.gather [hbm4b:s24+s3], $0x40, $0x38;
	[tilespmem:$0x18480] =	vst v63  }
0xbd: {  	_ =	swait.ge [sflag:s9], $0x40  }
0xbe: {  	[sflag:s9] =	ssyncset.done $0x0  }
0xbf: {  	[sflag:s9] =	ssyncadd.s32 $0xFFFFFFC0  }
0xc0: {  	v3 =	vld [tilespmem:$0x100];
	_ =	sdelay $0x4  }
0xc1: {  	v8 =	vshll.u32 v3, $0x2  }
0xc2: {  	v3 =	vand.u32 $0x7, v3;
	v4 =	vand.u32 $0xFFFFFFE0, v8  }
0xc3: {  	v3 =	vor.u32 v3, v4  }
0xc4: {  	v4 =	vperm.xlane v3, v0;
	_ =	sdelay $0x1  }
0xc5: {  	v4 =	vadd.s32 v1, v4;
	_ =	sdelay $0x1  }
0xc6: {  	v3 =	vperm.xlane v3, v2;
	_ =	sdelay $0x1  }
0xc7: {  	s28 =	simm.s32 $0x10480;
	v3 =	vadd.s32 v1, v3  }
0xc8: {  	[tilespmem:s28], [sflag:$0x3] =	stream.indirect_vreg.gather [hbm4b:s2+s3], $0x80, v4, vm0, $0xb8;
	[tilespmem:$0x18480] =	vst v63  }
0xc9: {  	s29 =	simm.s32 $0x10C80  }
0xca: {  	[tilespmem:s29], [sflag:$0x3] =	stream.indirect_vreg.gather [hbm4b:s6+s3], $0x80, v4, vm0, $0xb8;
	[tilespmem:$0x18480] =	vst v63  }
0xcb: {  	s30 =	simm.s32 $0x11480  }
0xcc: {  	[tilespmem:s30], [sflag:$0x3] =	stream.indirect_vreg.gather [hbm4b:s2+s3], $0x80, v3, vm0, $0xb8;
	[tilespmem:$0x18480] =	vst v63  }
0xcd: {  	s1 =	simm.s32 $0x11C80  }
0xce: {  	[tilespmem:s1], [sflag:$0x3] =	stream.indirect_vreg.gather [hbm4b:s6+s3], $0x80, v3, vm0, $0xb8;
	[tilespmem:$0x18480] =	vst v63  }
0xcf: {  	v3 =	vld [tilespmem:$0x110];
	_ =	sdelay $0x4  }
0xd0: {  	v9 =	vshll.u32 v3, $0x2  }
0xd1: {  	v3 =	vand.u32 $0x7, v3;
	v4 =	vand.u32 $0xFFFFFFE0, v9  }
0xd2: {  	v3 =	vor.u32 v3, v4  }
0xd3: {  	v4 =	vperm.xlane v3, v0;
	_ =	sdelay $0x1  }
0xd4: {  	v4 =	vadd.s32 v1, v4;
	_ =	sdelay $0x1  }
0xd5: {  	v3 =	vperm.xlane v3, v2;
	_ =	sdelay $0x1  }
0xd6: {  	s13 =	simm.s32 $0x12480;
	v3 =	vadd.s32 v1, v3  }
0xd7: {  	[tilespmem:s13], [sflag:$0x3] =	stream.indirect_vreg.gather [hbm4b:s2+s3], $0x80, v4, vm0, $0xb8;
	[tilespmem:$0x18480] =	vst v63  }
0xd8: {  	s15 =	simm.s32 $0x12C80  }
0xd9: {  	[tilespmem:s15], [sflag:$0x3] =	stream.indirect_vreg.gather [hbm4b:s6+s3], $0x80, v4, vm0, $0xb8;
	[tilespmem:$0x18480] =	vst v63  }
0xda: {  	s16 =	simm.s32 $0x13480  }
0xdb: {  	[tilespmem:s16], [sflag:$0x3] =	stream.indirect_vreg.gather [hbm4b:s2+s3], $0x80, v3, vm0, $0xb8;
	[tilespmem:$0x18480] =	vst v63  }
0xdc: {  	s17 =	simm.s32 $0x13C80  }
0xdd: {  	[tilespmem:s17], [sflag:$0x3] =	stream.indirect_vreg.gather [hbm4b:s6+s3], $0x80, v3, vm0, $0xb8;
	[tilespmem:$0x18480] =	vst v63  }
0xde: {  	v3 =	vld [tilespmem:$0x120];
	_ =	sdelay $0x4  }
0xdf: {  	v10 =	vshll.u32 v3, $0x2  }
0xe0: {  	v3 =	vand.u32 $0x7, v3;
	v4 =	vand.u32 $0xFFFFFFE0, v10  }
0xe1: {  	v3 =	vor.u32 v3, v4  }
0xe2: {  	v4 =	vperm.xlane v3, v0;
	_ =	sdelay $0x1  }
0xe3: {  	v4 =	vadd.s32 v1, v4;
	_ =	sdelay $0x1  }
0xe4: {  	v3 =	vperm.xlane v3, v2;
	_ =	sdelay $0x1  }
0xe5: {  	s18 =	simm.s32 $0x14480;
	v3 =	vadd.s32 v1, v3  }
0xe6: {  	[tilespmem:s18], [sflag:$0x3] =	stream.indirect_vreg.gather [hbm4b:s2+s3], $0x80, v4, vm0, $0xb8;
	[tilespmem:$0x18480] =	vst v63  }
0xe7: {  	s19 =	simm.s32 $0x14C80  }
0xe8: {  	[tilespmem:s19], [sflag:$0x3] =	stream.indirect_vreg.gather [hbm4b:s6+s3], $0x80, v4, vm0, $0xb8;
	[tilespmem:$0x18480] =	vst v63  }
0xe9: {  	s20 =	simm.s32 $0x15480  }
0xea: {  	[tilespmem:s20], [sflag:$0x3] =	stream.indirect_vreg.gather [hbm4b:s2+s3], $0x80, v3, vm0, $0xb8;
	[tilespmem:$0x18480] =	vst v63  }
0xeb: {  	s21 =	simm.s32 $0x15C80  }
0xec: {  	[tilespmem:s21], [sflag:$0x3] =	stream.indirect_vreg.gather [hbm4b:s6+s3], $0x80, v3, vm0, $0xb8;
	[tilespmem:$0x18480] =	vst v63  }
0xed: {  	v3 =	vld [tilespmem:$0x130];
	_ =	sdelay $0x4  }
0xee: {  	v11 =	vshll.u32 v3, $0x2  }
0xef: {  	v3 =	vand.u32 $0x7, v3;
	v4 =	vand.u32 $0xFFFFFFE0, v11  }
0xf0: {  	v3 =	vor.u32 v3, v4  }
0xf1: {  	v4 =	vperm.xlane v3, v0;
	_ =	sdelay $0x1  }
0xf2: {  	v4 =	vadd.s32 v1, v4;
	_ =	sdelay $0x1  }
0xf3: {  	v3 =	vperm.xlane v3, v2;
	_ =	sdelay $0x1  }
0xf4: {  	s22 =	simm.s32 $0x16480;
	v3 =	vadd.s32 v1, v3  }
0xf5: {  	[tilespmem:s22], [sflag:$0x3] =	stream.indirect_vreg.gather [hbm4b:s2+s3], $0x80, v4, vm0, $0xb8;
	[tilespmem:$0x18480] =	vst v63  }
0xf6: {  	s24 =	simm.s32 $0x16C80  }
0xf7: {  	[tilespmem:s24], [sflag:$0x3] =	stream.indirect_vreg.gather [hbm4b:s6+s3], $0x80, v4, vm0, $0xb8;
	[tilespmem:$0x18480] =	vst v63  }
0xf8: {  	s25 =	simm.s32 $0x17480  }
0xf9: {  	[tilespmem:s25], [sflag:$0x3] =	stream.indirect_vreg.gather [hbm4b:s2+s3], $0x80, v3, vm0, $0xb8;
	[tilespmem:$0x18480] =	vst v63  }
0xfa: {  	s28 =	simm.s32 $0x17C80;
	s29 =	simm.s32 $0x1  }
0xfb: {  	[tilespmem:s28], [sflag:$0x3] =	stream.indirect_vreg.gather [hbm4b:s6+s3], $0x80, v3, vm0, $0xb8;
	[tilespmem:$0x18480] =	vst v63  }
0xfc: {  	_ =	swait.ge [sflag:s29], $0x8000  }
0xfd: {  	[sflag:s29] =	ssyncset.done $0x0  }
0xfe: {  	[sflag:s29] =	ssyncadd.s32 $0xFFFF8000  }
0xff: {  	v3 =	vld [tilespmem:$0x180];
	_ =	sdelay $0x4  }
0x100: {  	v12 =	vshll.u32 v3, $0x2  }
0x101: {  	v3 =	vand.u32 $0x7, v3;
	v4 =	vand.u32 $0xFFFFFFE0, v12  }
0x102: {  	v3 =	vor.u32 v3, v4  }
0x103: {  	v4 =	vperm.xlane v3, v0;
	_ =	sdelay $0x1  }
0x104: {  	v4 =	vadd.s32 v1, v4;
	_ =	sdelay $0x1  }
0x105: {  	v3 =	vperm.xlane v3, v2;
	_ =	sdelay $0x1  }
0x106: {  	s13 =	simm.s32 $0x480;
	v3 =	vadd.s32 v1, v3  }
0x107: {  	[hbm4b:s4+s3] =	stream.indirect_vreg.scatter [tilespmem:s13], [sflag:$0x4], $0x80, v4, vm0, $0xb8;
	[tilespmem:$0x18480] =	vst v63  }
0x108: {  	s15 =	simm.s32 $0xC80  }
0x109: {  	[hbm4b:s7+s3] =	stream.indirect_vreg.scatter [tilespmem:s15], [sflag:$0x4], $0x80, v4, vm0, $0xb8;
	[tilespmem:$0x18480] =	vst v63  }
0x10a: {  	s16 =	simm.s32 $0x1480  }
0x10b: {  	[hbm4b:s4+s3] =	stream.indirect_vreg.scatter [tilespmem:s16], [sflag:$0x4], $0x80, v3, vm0, $0xb8;
	[tilespmem:$0x18480] =	vst v63  }
0x10c: {  	s8 =	simm.s32 $0x1C80  }
0x10d: {  	[hbm4b:s7+s3] =	stream.indirect_vreg.scatter [tilespmem:s8], [sflag:$0x4], $0x80, v3, vm0, $0xb8;
	[tilespmem:$0x18480] =	vst v63  }
0x10e: {  	v3 =	vld [tilespmem:$0x190];
	_ =	sdelay $0x4  }
0x10f: {  	v13 =	vshll.u32 v3, $0x2  }
0x110: {  	v3 =	vand.u32 $0x7, v3;
	v4 =	vand.u32 $0xFFFFFFE0, v13  }
0x111: {  	v3 =	vor.u32 v3, v4  }
0x112: {  	v4 =	vperm.xlane v3, v0;
	_ =	sdelay $0x1  }
0x113: {  	v4 =	vadd.s32 v1, v4;
	_ =	sdelay $0x1  }
0x114: {  	v3 =	vperm.xlane v3, v2;
	_ =	sdelay $0x1  }
0x115: {  	s17 =	simm.s32 $0x2480;
	v3 =	vadd.s32 v1, v3  }
0x116: {  	[hbm4b:s4+s3] =	stream.indirect_vreg.scatter [tilespmem:s17], [sflag:$0x4], $0x80, v4, vm0, $0xb8;
	[tilespmem:$0x18480] =	vst v63  }
0x117: {  	s18 =	simm.s32 $0x2C80  }
0x118: {  	[hbm4b:s7+s3] =	stream.indirect_vreg.scatter [tilespmem:s18], [sflag:$0x4], $0x80, v4, vm0, $0xb8;
	[tilespmem:$0x18480] =	vst v63  }
0x119: {  	s19 =	simm.s32 $0x3480  }
0x11a: {  	[hbm4b:s4+s3] =	stream.indirect_vreg.scatter [tilespmem:s19], [sflag:$0x4], $0x80, v3, vm0, $0xb8;
	[tilespmem:$0x18480] =	vst v63  }
0x11b: {  	s14 =	simm.s32 $0x3C80  }
0x11c: {  	[hbm4b:s7+s3] =	stream.indirect_vreg.scatter [tilespmem:s14], [sflag:$0x4], $0x80, v3, vm0, $0xb8;
	[tilespmem:$0x18480] =	vst v63  }
0x11d: {  	v3 =	vld [tilespmem:$0x1A0];
	_ =	sdelay $0x4  }
0x11e: {  	v14 =	vshll.u32 v3, $0x2  }
0x11f: {  	v3 =	vand.u32 $0x7, v3;
	v4 =	vand.u32 $0xFFFFFFE0, v14  }
0x120: {  	v3 =	vor.u32 v3, v4  }
0x121: {  	v4 =	vperm.xlane v3, v0;
	_ =	sdelay $0x1  }
0x122: {  	v4 =	vadd.s32 v1, v4;
	_ =	sdelay $0x1  }
0x123: {  	v3 =	vperm.xlane v3, v2;
	_ =	sdelay $0x1  }
0x124: {  	s20 =	simm.s32 $0x4480;
	v3 =	vadd.s32 v1, v3  }
0x125: {  	[hbm4b:s4+s3] =	stream.indirect_vreg.scatter [tilespmem:s20], [sflag:$0x4], $0x80, v4, vm0, $0xb8;
	[tilespmem:$0x18480] =	vst v63  }
0x126: {  	s21 =	simm.s32 $0x4C80  }
0x127: {  	[hbm4b:s7+s3] =	stream.indirect_vreg.scatter [tilespmem:s21], [sflag:$0x4], $0x80, v4, vm0, $0xb8;
	[tilespmem:$0x18480] =	vst v63  }
0x128: {  	s22 =	simm.s32 $0x5480  }
0x129: {  	[hbm4b:s4+s3] =	stream.indirect_vreg.scatter [tilespmem:s22], [sflag:$0x4], $0x80, v3, vm0, $0xb8;
	[tilespmem:$0x18480] =	vst v63  }
0x12a: {  	s10 =	simm.s32 $0x5C80  }
0x12b: {  	[hbm4b:s7+s3] =	stream.indirect_vreg.scatter [tilespmem:s10], [sflag:$0x4], $0x80, v3, vm0, $0xb8;
	[tilespmem:$0x18480] =	vst v63  }
0x12c: {  	v3 =	vld [tilespmem:$0x1B0];
	_ =	sdelay $0x4  }
0x12d: {  	v15 =	vshll.u32 v3, $0x2  }
0x12e: {  	v3 =	vand.u32 $0x7, v3;
	v4 =	vand.u32 $0xFFFFFFE0, v15  }
0x12f: {  	v3 =	vor.u32 v3, v4  }
0x130: {  	v4 =	vperm.xlane v3, v0;
	_ =	sdelay $0x1  }
0x131: {  	v4 =	vadd.s32 v1, v4;
	_ =	sdelay $0x1  }
0x132: {  	v3 =	vperm.xlane v3, v2;
	_ =	sdelay $0x1  }
0x133: {  	s24 =	simm.s32 $0x6480;
	v3 =	vadd.s32 v1, v3  }
0x134: {  	[hbm4b:s4+s3] =	stream.indirect_vreg.scatter [tilespmem:s24], [sflag:$0x4], $0x80, v4, vm0, $0xb8;
	[tilespmem:$0x18480] =	vst v63  }
0x135: {  	s29 =	simm.s32 $0x6C80  }
0x136: {  	[hbm4b:s7+s3] =	stream.indirect_vreg.scatter [tilespmem:s29], [sflag:$0x4], $0x80, v4, vm0, $0xb8;
	[tilespmem:$0x18480] =	vst v63  }
0x137: {  	s1 =	simm.s32 $0x7480  }
0x138: {  	[hbm4b:s4+s3] =	stream.indirect_vreg.scatter [tilespmem:s1], [sflag:$0x4], $0x80, v3, vm0, $0xb8;
	[tilespmem:$0x18480] =	vst v63  }
0x139: {  	s23 =	simm.s32 $0x180;
	s11 =	simm.s32 $0x300;
	s31 =	simm.s32 $0x7C80  }
0x13a: {  	[hbm4b:s7+s3] =	stream.indirect_vreg.scatter [tilespmem:s31], [sflag:$0x4], $0x80, v3, vm0, $0xb8;
	[tilespmem:$0x18480] =	vst v63  }
0x13b: {  	s30 =	simm.s32 $0x40;
	s28 =	simm.s32 $0x4;
	s25 =	rddreg [dreg:$0x1c]  }
0x13c: {  	[hbm4b:s25+s30] =	stream.indirect.scatter [tilespmem:s11], [sflag:$0x4], $0x1, s23, s30, $0xb8;
	[tilespmem:$0x18480] =	vst v63  }
0x13d: {  	_ =	swait.ge [sflag:s28], $0x8000  }
0x13e: {  	[sflag:s28] =	ssyncset.done $0x0  }
0x13f: {  	[sflag:s28] =	ssyncadd.s32 $0xFFFF8000  }
0x140: {  	_ =	swait.ge [sflag:s28], $0x40  }
0x141: {  	[sflag:s28] =	ssyncset.done $0x0  }
0x142: {  	s0 =	rddreg [dreg:$0xc];
	[sflag:s28] =	ssyncadd.s32 $0xFFFFFFC0  }
0x143: {  	[tilespmem:s3], [sflag:$0x7] =	stream.linear.gather [hbm4b:s0+s3], $0x40, $0x38;
	[tilespmem:$0x18480] =	vst v63  }
0x144: {  	_ =	swait.ge [sflag:s9], $0x40  }
0x145: {  	[sflag:s9] =	ssyncset.done $0x0  }
0x146: {  	s28 =	rddreg [dreg:$0xd];
	[sflag:s9] =	ssyncadd.s32 $0xFFFFFFC0  }
0x147: {  	[tilespmem:s23], [sflag:$0x7] =	stream.linear.gather [hbm4b:s28+s3], $0x40, $0x38;
	[tilespmem:$0x18480] =	vst v63  }
0x148: {  	_ =	swait.ge [sflag:s9], $0x40  }
0x149: {  	[sflag:s9] =	ssyncset.done $0x0  }
0x14a: {  	s28 =	rddreg [dreg:$0xe];
	[sflag:s9] =	ssyncadd.s32 $0xFFFFFFC0  }
0x14b: {  	[tilespmem:s11], [sflag:$0x7] =	stream.linear.gather [hbm4b:s28+s3], $0x40, $0x38;
	[tilespmem:$0x18480] =	vst v63  }
0x14c: {  	_ =	swait.ge [sflag:s9], $0x40  }
0x14d: {  	[sflag:s9] =	ssyncset.done $0x0  }
0x14e: {  	[sflag:s9] =	ssyncadd.s32 $0xFFFFFFC0  }
0x14f: {  	v3 =	vld [tilespmem:$0x0];
	_ =	sdelay $0x4  }
0x150: {  	v16 =	vshll.u32 v3, $0x2  }
0x151: {  	v3 =	vand.u32 $0x7, v3;
	v4 =	vand.u32 $0xFFFFFFE0, v16  }
0x152: {  	v3 =	vor.u32 v3, v4  }
0x153: {  	v4 =	vperm.xlane v3, v0;
	_ =	sdelay $0x1  }
0x154: {  	v4 =	vadd.s32 v1, v4;
	_ =	sdelay $0x1  }
0x155: {  	v3 =	vperm.xlane v3, v2;
	_ =	sdelay $0x1  }
0x156: {  	v3 =	vadd.s32 v1, v3  }
0x157: {  	[tilespmem:s13], [sflag:$0x1] =	stream.indirect_vreg.gather [hbm4b:s2+s3], $0x80, v4, vm0, $0xb8;
	[tilespmem:$0x18480] =	vst v63  }
0x158: {  	_ = 	snop  }
0x159: {  	[tilespmem:s15], [sflag:$0x1] =	stream.indirect_vreg.gather [hbm4b:s6+s3], $0x80, v4, vm0, $0xb8;
	[tilespmem:$0x18480] =	vst v63  }
0x15a: {  	_ = 	snop  }
0x15b: {  	[tilespmem:s16], [sflag:$0x1] =	stream.indirect_vreg.gather [hbm4b:s2+s3], $0x80, v3, vm0, $0xb8;
	[tilespmem:$0x18480] =	vst v63  }
0x15c: {  	_ = 	snop  }
0x15d: {  	[tilespmem:s8], [sflag:$0x1] =	stream.indirect_vreg.gather [hbm4b:s6+s3], $0x80, v3, vm0, $0xb8;
	[tilespmem:$0x18480] =	vst v63  }
0x15e: {  	v3 =	vld [tilespmem:$0x10];
	_ =	sdelay $0x4  }
0x15f: {  	v17 =	vshll.u32 v3, $0x2  }
0x160: {  	v3 =	vand.u32 $0x7, v3;
	v4 =	vand.u32 $0xFFFFFFE0, v17  }
0x161: {  	v3 =	vor.u32 v3, v4  }
0x162: {  	v4 =	vperm.xlane v3, v0;
	_ =	sdelay $0x1  }
0x163: {  	v4 =	vadd.s32 v1, v4;
	_ =	sdelay $0x1  }
0x164: {  	v3 =	vperm.xlane v3, v2;
	_ =	sdelay $0x1  }
0x165: {  	v3 =	vadd.s32 v1, v3  }
0x166: {  	[tilespmem:s17], [sflag:$0x1] =	stream.indirect_vreg.gather [hbm4b:s2+s3], $0x80, v4, vm0, $0xb8;
	[tilespmem:$0x18480] =	vst v63  }
0x167: {  	_ = 	snop  }
0x168: {  	[tilespmem:s18], [sflag:$0x1] =	stream.indirect_vreg.gather [hbm4b:s6+s3], $0x80, v4, vm0, $0xb8;
	[tilespmem:$0x18480] =	vst v63  }
0x169: {  	_ = 	snop  }
0x16a: {  	[tilespmem:s19], [sflag:$0x1] =	stream.indirect_vreg.gather [hbm4b:s2+s3], $0x80, v3, vm0, $0xb8;
	[tilespmem:$0x18480] =	vst v63  }
0x16b: {  	_ = 	snop  }
0x16c: {  	[tilespmem:s14], [sflag:$0x1] =	stream.indirect_vreg.gather [hbm4b:s6+s3], $0x80, v3, vm0, $0xb8;
	[tilespmem:$0x18480] =	vst v63  }
0x16d: {  	v3 =	vld [tilespmem:$0x20];
	_ =	sdelay $0x4  }
0x16e: {  	v18 =	vshll.u32 v3, $0x2  }
0x16f: {  	v3 =	vand.u32 $0x7, v3;
	v4 =	vand.u32 $0xFFFFFFE0, v18  }
0x170: {  	v3 =	vor.u32 v3, v4  }
0x171: {  	v4 =	vperm.xlane v3, v0;
	_ =	sdelay $0x1  }
0x172: {  	v4 =	vadd.s32 v1, v4;
	_ =	sdelay $0x1  }
0x173: {  	v3 =	vperm.xlane v3, v2;
	_ =	sdelay $0x1  }
0x174: {  	v3 =	vadd.s32 v1, v3  }
0x175: {  	[tilespmem:s20], [sflag:$0x1] =	stream.indirect_vreg.gather [hbm4b:s2+s3], $0x80, v4, vm0, $0xb8;
	[tilespmem:$0x18480] =	vst v63  }
0x176: {  	_ = 	snop  }
0x177: {  	[tilespmem:s21], [sflag:$0x1] =	stream.indirect_vreg.gather [hbm4b:s6+s3], $0x80, v4, vm0, $0xb8;
	[tilespmem:$0x18480] =	vst v63  }
0x178: {  	_ = 	snop  }
0x179: {  	[tilespmem:s22], [sflag:$0x1] =	stream.indirect_vreg.gather [hbm4b:s2+s3], $0x80, v3, vm0, $0xb8;
	[tilespmem:$0x18480] =	vst v63  }
0x17a: {  	_ = 	snop  }
0x17b: {  	[tilespmem:s10], [sflag:$0x1] =	stream.indirect_vreg.gather [hbm4b:s6+s3], $0x80, v3, vm0, $0xb8;
	[tilespmem:$0x18480] =	vst v63  }
0x17c: {  	v3 =	vld [tilespmem:$0x30];
	_ =	sdelay $0x4  }
0x17d: {  	v19 =	vshll.u32 v3, $0x2  }
0x17e: {  	v3 =	vand.u32 $0x7, v3;
	v4 =	vand.u32 $0xFFFFFFE0, v19  }
0x17f: {  	v3 =	vor.u32 v3, v4  }
0x180: {  	v4 =	vperm.xlane v3, v0;
	_ =	sdelay $0x1  }
0x181: {  	v4 =	vadd.s32 v1, v4;
	_ =	sdelay $0x1  }
0x182: {  	v3 =	vperm.xlane v3, v2;
	_ =	sdelay $0x1  }
0x183: {  	v3 =	vadd.s32 v1, v3  }
0x184: {  	[tilespmem:s24], [sflag:$0x1] =	stream.indirect_vreg.gather [hbm4b:s2+s3], $0x80, v4, vm0, $0xb8;
	[tilespmem:$0x18480] =	vst v63  }
0x185: {  	_ = 	snop  }
0x186: {  	[tilespmem:s29], [sflag:$0x1] =	stream.indirect_vreg.gather [hbm4b:s6+s3], $0x80, v4, vm0, $0xb8;
	[tilespmem:$0x18480] =	vst v63  }
0x187: {  	_ = 	snop  }
0x188: {  	[tilespmem:s1], [sflag:$0x1] =	stream.indirect_vreg.gather [hbm4b:s2+s3], $0x80, v3, vm0, $0xb8;
	[tilespmem:$0x18480] =	vst v63  }
0x189: {  	s29 =	simm.s32 $0x2  }
0x18a: {  	[tilespmem:s31], [sflag:$0x1] =	stream.indirect_vreg.gather [hbm4b:s6+s3], $0x80, v3, vm0, $0xb8;
	[tilespmem:$0x18480] =	vst v63  }
0x18b: {  	_ =	swait.ge [sflag:s29], $0x8000  }
0x18c: {  	[sflag:s29] =	ssyncset.done $0x0  }
0x18d: {  	[sflag:s29] =	ssyncadd.s32 $0xFFFF8000  }
0x18e: {  	v3 =	vld [tilespmem:$0x200];
	_ =	sdelay $0x4  }
0x18f: {  	v20 =	vshll.u32 v3, $0x2  }
0x190: {  	v3 =	vand.u32 $0x7, v3;
	v4 =	vand.u32 $0xFFFFFFE0, v20  }
0x191: {  	v3 =	vor.u32 v3, v4  }
0x192: {  	v4 =	vperm.xlane v3, v0;
	_ =	sdelay $0x1  }
0x193: {  	v4 =	vadd.s32 v1, v4;
	_ =	sdelay $0x1  }
0x194: {  	v3 =	vperm.xlane v3, v2;
	_ =	sdelay $0x1  }
0x195: {  	s1 =	simm.s32 $0x8480;
	v3 =	vadd.s32 v1, v3  }
0x196: {  	[hbm4b:s4+s3] =	stream.indirect_vreg.scatter [tilespmem:s1], [sflag:$0x5], $0x80, v4, vm0, $0xb8;
	[tilespmem:$0x18480] =	vst v63  }
0x197: {  	s8 =	simm.s32 $0x8C80  }
0x198: {  	[hbm4b:s7+s3] =	stream.indirect_vreg.scatter [tilespmem:s8], [sflag:$0x5], $0x80, v4, vm0, $0xb8;
	[tilespmem:$0x18480] =	vst v63  }
0x199: {  	s10 =	simm.s32 $0x9480  }
0x19a: {  	[hbm4b:s4+s3] =	stream.indirect_vreg.scatter [tilespmem:s10], [sflag:$0x5], $0x80, v3, vm0, $0xb8;
	[tilespmem:$0x18480] =	vst v63  }
0x19b: {  	s17 =	simm.s32 $0x9C80  }
0x19c: {  	[hbm4b:s7+s3] =	stream.indirect_vreg.scatter [tilespmem:s17], [sflag:$0x5], $0x80, v3, vm0, $0xb8;
	[tilespmem:$0x18480] =	vst v63  }
0x19d: {  	v3 =	vld [tilespmem:$0x210];
	_ =	sdelay $0x4  }
0x19e: {  	v21 =	vshll.u32 v3, $0x2  }
0x19f: {  	v3 =	vand.u32 $0x7, v3;
	v4 =	vand.u32 $0xFFFFFFE0, v21  }
0x1a0: {  	v3 =	vor.u32 v3, v4  }
0x1a1: {  	v4 =	vperm.xlane v3, v0;
	_ =	sdelay $0x1  }
0x1a2: {  	v4 =	vadd.s32 v1, v4;
	_ =	sdelay $0x1  }
0x1a3: {  	v3 =	vperm.xlane v3, v2;
	_ =	sdelay $0x1  }
0x1a4: {  	s11 =	simm.s32 $0xA480;
	v3 =	vadd.s32 v1, v3  }
0x1a5: {  	[hbm4b:s4+s3] =	stream.indirect_vreg.scatter [tilespmem:s11], [sflag:$0x5], $0x80, v4, vm0, $0xb8;
	[tilespmem:$0x18480] =	vst v63  }
0x1a6: {  	s14 =	simm.s32 $0xAC80  }
0x1a7: {  	[hbm4b:s7+s3] =	stream.indirect_vreg.scatter [tilespmem:s14], [sflag:$0x5], $0x80, v4, vm0, $0xb8;
	[tilespmem:$0x18480] =	vst v63  }
0x1a8: {  	s19 =	simm.s32 $0xB480  }
0x1a9: {  	[hbm4b:s4+s3] =	stream.indirect_vreg.scatter [tilespmem:s19], [sflag:$0x5], $0x80, v3, vm0, $0xb8;
	[tilespmem:$0x18480] =	vst v63  }
0x1aa: {  	s24 =	simm.s32 $0xBC80  }
0x1ab: {  	[hbm4b:s7+s3] =	stream.indirect_vreg.scatter [tilespmem:s24], [sflag:$0x5], $0x80, v3, vm0, $0xb8;
	[tilespmem:$0x18480] =	vst v63  }
0x1ac: {  	v3 =	vld [tilespmem:$0x220];
	_ =	sdelay $0x4  }
0x1ad: {  	v22 =	vshll.u32 v3, $0x2  }
0x1ae: {  	v3 =	vand.u32 $0x7, v3;
	v4 =	vand.u32 $0xFFFFFFE0, v22  }
0x1af: {  	v3 =	vor.u32 v3, v4  }
0x1b0: {  	v4 =	vperm.xlane v3, v0;
	_ =	sdelay $0x1  }
0x1b1: {  	v4 =	vadd.s32 v1, v4;
	_ =	sdelay $0x1  }
0x1b2: {  	v3 =	vperm.xlane v3, v2;
	_ =	sdelay $0x1  }
0x1b3: {  	s20 =	simm.s32 $0xC480;
	v3 =	vadd.s32 v1, v3  }
0x1b4: {  	[hbm4b:s4+s3] =	stream.indirect_vreg.scatter [tilespmem:s20], [sflag:$0x5], $0x80, v4, vm0, $0xb8;
	[tilespmem:$0x18480] =	vst v63  }
0x1b5: {  	s21 =	simm.s32 $0xCC80  }
0x1b6: {  	[hbm4b:s7+s3] =	stream.indirect_vreg.scatter [tilespmem:s21], [sflag:$0x5], $0x80, v4, vm0, $0xb8;
	[tilespmem:$0x18480] =	vst v63  }
0x1b7: {  	s22 =	simm.s32 $0xD480  }
0x1b8: {  	[hbm4b:s4+s3] =	stream.indirect_vreg.scatter [tilespmem:s22], [sflag:$0x5], $0x80, v3, vm0, $0xb8;
	[tilespmem:$0x18480] =	vst v63  }
0x1b9: {  	s15 =	simm.s32 $0xDC80  }
0x1ba: {  	[hbm4b:s7+s3] =	stream.indirect_vreg.scatter [tilespmem:s15], [sflag:$0x5], $0x80, v3, vm0, $0xb8;
	[tilespmem:$0x18480] =	vst v63  }
0x1bb: {  	v3 =	vld [tilespmem:$0x230];
	_ =	sdelay $0x4  }
0x1bc: {  	v23 =	vshll.u32 v3, $0x2  }
0x1bd: {  	v3 =	vand.u32 $0x7, v3;
	v4 =	vand.u32 $0xFFFFFFE0, v23  }
0x1be: {  	v3 =	vor.u32 v3, v4  }
0x1bf: {  	v4 =	vperm.xlane v3, v0;
	_ =	sdelay $0x1  }
0x1c0: {  	v4 =	vadd.s32 v1, v4;
	_ =	sdelay $0x1  }
0x1c1: {  	v3 =	vperm.xlane v3, v2;
	_ =	sdelay $0x1  }
0x1c2: {  	s23 =	simm.s32 $0xE480;
	v3 =	vadd.s32 v1, v3  }
0x1c3: {  	[hbm4b:s4+s3] =	stream.indirect_vreg.scatter [tilespmem:s23], [sflag:$0x5], $0x80, v4, vm0, $0xb8;
	[tilespmem:$0x18480] =	vst v63  }
0x1c4: {  	s29 =	simm.s32 $0xEC80  }
0x1c5: {  	[hbm4b:s7+s3] =	stream.indirect_vreg.scatter [tilespmem:s29], [sflag:$0x5], $0x80, v4, vm0, $0xb8;
	[tilespmem:$0x18480] =	vst v63  }
0x1c6: {  	s16 =	simm.s32 $0xF480  }
0x1c7: {  	[hbm4b:s4+s3] =	stream.indirect_vreg.scatter [tilespmem:s16], [sflag:$0x5], $0x80, v3, vm0, $0xb8;
	[tilespmem:$0x18480] =	vst v63  }
0x1c8: {  	s5 =	simm.s32 $0xFC80  }
0x1c9: {  	[hbm4b:s7+s3] =	stream.indirect_vreg.scatter [tilespmem:s5], [sflag:$0x5], $0x80, v3, vm0, $0xb8;
	[tilespmem:$0x18480] =	vst v63  }
0x1ca: {  	s12 =	simm.s32 $0x200;
	s30 =	simm.s32 $0x40;
	s13 =	simm.s32 $0x380  }
0x1cb: {  	[hbm4b:s25+s30] =	stream.indirect.scatter [tilespmem:s13], [sflag:$0x5], $0x1, s12, s30, $0xb8;
	[tilespmem:$0x18480] =	vst v63  }
0x1cc: {  	s28 =	smov.u32 s25;
	s25 =	simm.s32 $0x5  }
0x1cd: {  	_ =	swait.ge [sflag:s25], $0x8000  }
0x1ce: {  	[sflag:s25] =	ssyncset.done $0x0  }
0x1cf: {  	[sflag:s25] =	ssyncadd.s32 $0xFFFF8000  }
0x1d0: {  	_ =	swait.ge [sflag:s25], $0x40  }
0x1d1: {  	[sflag:s25] =	ssyncset.done $0x0  }
0x1d2: {  	s26 =	simm.s32 $0x80;
	s30 =	rddreg [dreg:$0xf];
	[sflag:s25] =	ssyncadd.s32 $0xFFFFFFC0  }
0x1d3: {  	[tilespmem:s26], [sflag:$0x7] =	stream.linear.gather [hbm4b:s30+s3], $0x40, $0x38;
	[tilespmem:$0x18480] =	vst v63  }
0x1d4: {  	_ =	swait.ge [sflag:s9], $0x40  }
0x1d5: {  	[sflag:s9] =	ssyncset.done $0x0  }
0x1d6: {  	s31 =	rddreg [dreg:$0x10];
	[sflag:s9] =	ssyncadd.s32 $0xFFFFFFC0  }
0x1d7: {  	[tilespmem:s12], [sflag:$0x7] =	stream.linear.gather [hbm4b:s31+s3], $0x40, $0x38;
	[tilespmem:$0x18480] =	vst v63  }
0x1d8: {  	_ =	swait.ge [sflag:s9], $0x40  }
0x1d9: {  	[sflag:s9] =	ssyncset.done $0x0  }
0x1da: {  	s18 =	rddreg [dreg:$0x11];
	[sflag:s9] =	ssyncadd.s32 $0xFFFFFFC0  }
0x1db: {  	[tilespmem:s13], [sflag:$0x7] =	stream.linear.gather [hbm4b:s18+s3], $0x40, $0x38;
	[tilespmem:$0x18480] =	vst v63  }
0x1dc: {  	_ =	swait.ge [sflag:s9], $0x40  }
0x1dd: {  	[sflag:s9] =	ssyncset.done $0x0  }
0x1de: {  	[sflag:s9] =	ssyncadd.s32 $0xFFFFFFC0  }
0x1df: {  	v3 =	vld [tilespmem:$0x80];
	_ =	sdelay $0x4  }
0x1e0: {  	v24 =	vshll.u32 v3, $0x2  }
0x1e1: {  	v3 =	vand.u32 $0x7, v3;
	v4 =	vand.u32 $0xFFFFFFE0, v24  }
0x1e2: {  	v3 =	vor.u32 v3, v4  }
0x1e3: {  	v4 =	vperm.xlane v3, v0;
	_ =	sdelay $0x1  }
0x1e4: {  	v4 =	vadd.s32 v1, v4;
	_ =	sdelay $0x1  }
0x1e5: {  	v3 =	vperm.xlane v3, v2;
	_ =	sdelay $0x1  }
0x1e6: {  	v3 =	vadd.s32 v1, v3  }
0x1e7: {  	[tilespmem:s1], [sflag:$0x2] =	stream.indirect_vreg.gather [hbm4b:s2+s3], $0x80, v4, vm0, $0xb8;
	[tilespmem:$0x18480] =	vst v63  }
0x1e8: {  	_ = 	snop  }
0x1e9: {  	[tilespmem:s8], [sflag:$0x2] =	stream.indirect_vreg.gather [hbm4b:s6+s3], $0x80, v4, vm0, $0xb8;
	[tilespmem:$0x18480] =	vst v63  }
0x1ea: {  	_ = 	snop  }
0x1eb: {  	[tilespmem:s10], [sflag:$0x2] =	stream.indirect_vreg.gather [hbm4b:s2+s3], $0x80, v3, vm0, $0xb8;
	[tilespmem:$0x18480] =	vst v63  }
0x1ec: {  	_ = 	snop  }
0x1ed: {  	[tilespmem:s17], [sflag:$0x2] =	stream.indirect_vreg.gather [hbm4b:s6+s3], $0x80, v3, vm0, $0xb8;
	[tilespmem:$0x18480] =	vst v63  }
0x1ee: {  	v3 =	vld [tilespmem:$0x90];
	_ =	sdelay $0x4  }
0x1ef: {  	v25 =	vshll.u32 v3, $0x2  }
0x1f0: {  	v3 =	vand.u32 $0x7, v3;
	v4 =	vand.u32 $0xFFFFFFE0, v25  }
0x1f1: {  	v3 =	vor.u32 v3, v4  }
0x1f2: {  	v4 =	vperm.xlane v3, v0;
	_ =	sdelay $0x1  }
0x1f3: {  	v4 =	vadd.s32 v1, v4;
	_ =	sdelay $0x1  }
0x1f4: {  	v3 =	vperm.xlane v3, v2;
	_ =	sdelay $0x1  }
0x1f5: {  	v3 =	vadd.s32 v1, v3  }
0x1f6: {  	[tilespmem:s11], [sflag:$0x2] =	stream.indirect_vreg.gather [hbm4b:s2+s3], $0x80, v4, vm0, $0xb8;
	[tilespmem:$0x18480] =	vst v63  }
0x1f7: {  	_ = 	snop  }
0x1f8: {  	[tilespmem:s14], [sflag:$0x2] =	stream.indirect_vreg.gather [hbm4b:s6+s3], $0x80, v4, vm0, $0xb8;
	[tilespmem:$0x18480] =	vst v63  }
0x1f9: {  	_ = 	snop  }
0x1fa: {  	[tilespmem:s19], [sflag:$0x2] =	stream.indirect_vreg.gather [hbm4b:s2+s3], $0x80, v3, vm0, $0xb8;
	[tilespmem:$0x18480] =	vst v63  }
0x1fb: {  	_ = 	snop  }
0x1fc: {  	[tilespmem:s24], [sflag:$0x2] =	stream.indirect_vreg.gather [hbm4b:s6+s3], $0x80, v3, vm0, $0xb8;
	[tilespmem:$0x18480] =	vst v63  }
0x1fd: {  	v3 =	vld [tilespmem:$0xA0];
	_ =	sdelay $0x4  }
0x1fe: {  	v26 =	vshll.u32 v3, $0x2  }
0x1ff: {  	v3 =	vand.u32 $0x7, v3;
	v4 =	vand.u32 $0xFFFFFFE0, v26  }
0x200: {  	v3 =	vor.u32 v3, v4  }
0x201: {  	v4 =	vperm.xlane v3, v0;
	_ =	sdelay $0x1  }
0x202: {  	v4 =	vadd.s32 v1, v4;
	_ =	sdelay $0x1  }
0x203: {  	v3 =	vperm.xlane v3, v2;
	_ =	sdelay $0x1  }
0x204: {  	v3 =	vadd.s32 v1, v3  }
0x205: {  	[tilespmem:s20], [sflag:$0x2] =	stream.indirect_vreg.gather [hbm4b:s2+s3], $0x80, v4, vm0, $0xb8;
	[tilespmem:$0x18480] =	vst v63  }
0x206: {  	_ = 	snop  }
0x207: {  	[tilespmem:s21], [sflag:$0x2] =	stream.indirect_vreg.gather [hbm4b:s6+s3], $0x80, v4, vm0, $0xb8;
	[tilespmem:$0x18480] =	vst v63  }
0x208: {  	_ = 	snop  }
0x209: {  	[tilespmem:s22], [sflag:$0x2] =	stream.indirect_vreg.gather [hbm4b:s2+s3], $0x80, v3, vm0, $0xb8;
	[tilespmem:$0x18480] =	vst v63  }
0x20a: {  	_ = 	snop  }
0x20b: {  	[tilespmem:s15], [sflag:$0x2] =	stream.indirect_vreg.gather [hbm4b:s6+s3], $0x80, v3, vm0, $0xb8;
	[tilespmem:$0x18480] =	vst v63  }
0x20c: {  	v3 =	vld [tilespmem:$0xB0];
	_ =	sdelay $0x4  }
0x20d: {  	v27 =	vshll.u32 v3, $0x2  }
0x20e: {  	v3 =	vand.u32 $0x7, v3;
	v4 =	vand.u32 $0xFFFFFFE0, v27  }
0x20f: {  	v3 =	vor.u32 v3, v4  }
0x210: {  	v4 =	vperm.xlane v3, v0;
	_ =	sdelay $0x1  }
0x211: {  	v4 =	vadd.s32 v1, v4;
	_ =	sdelay $0x1  }
0x212: {  	v3 =	vperm.xlane v3, v2;
	_ =	sdelay $0x1  }
0x213: {  	v3 =	vadd.s32 v1, v3  }
0x214: {  	[tilespmem:s23], [sflag:$0x2] =	stream.indirect_vreg.gather [hbm4b:s2+s3], $0x80, v4, vm0, $0xb8;
	[tilespmem:$0x18480] =	vst v63  }
0x215: {  	_ = 	snop  }
0x216: {  	[tilespmem:s29], [sflag:$0x2] =	stream.indirect_vreg.gather [hbm4b:s6+s3], $0x80, v4, vm0, $0xb8;
	[tilespmem:$0x18480] =	vst v63  }
0x217: {  	_ = 	snop  }
0x218: {  	[tilespmem:s16], [sflag:$0x2] =	stream.indirect_vreg.gather [hbm4b:s2+s3], $0x80, v3, vm0, $0xb8;
	[tilespmem:$0x18480] =	vst v63  }
0x219: {  	s21 =	simm.s32 $0x3  }
0x21a: {  	[tilespmem:s5], [sflag:$0x2] =	stream.indirect_vreg.gather [hbm4b:s6+s3], $0x80, v3, vm0, $0xb8;
	[tilespmem:$0x18480] =	vst v63  }
0x21b: {  	_ =	swait.ge [sflag:s21], $0x8000  }
0x21c: {  	[sflag:s21] =	ssyncset.done $0x0  }
0x21d: {  	[sflag:s21] =	ssyncadd.s32 $0xFFFF8000  }
0x21e: {  	v3 =	vld [tilespmem:$0x280];
	_ =	sdelay $0x4  }
0x21f: {  	v28 =	vshll.u32 v3, $0x2  }
0x220: {  	v3 =	vand.u32 $0x7, v3;
	v4 =	vand.u32 $0xFFFFFFE0, v28  }
0x221: {  	v3 =	vor.u32 v3, v4  }
0x222: {  	v4 =	vperm.xlane v3, v0;
	_ =	sdelay $0x1  }
0x223: {  	v4 =	vadd.s32 v1, v4;
	_ =	sdelay $0x1  }
0x224: {  	v3 =	vperm.xlane v3, v2;
	_ =	sdelay $0x1  }
0x225: {  	s10 =	simm.s32 $0x10480;
	v3 =	vadd.s32 v1, v3  }
0x226: {  	[hbm4b:s4+s3] =	stream.indirect_vreg.scatter [tilespmem:s10], [sflag:$0x6], $0x80, v4, vm0, $0xb8;
	[tilespmem:$0x18480] =	vst v63  }
0x227: {  	s11 =	simm.s32 $0x10C80  }
0x228: {  	[hbm4b:s7+s3] =	stream.indirect_vreg.scatter [tilespmem:s11], [sflag:$0x6], $0x80, v4, vm0, $0xb8;
	[tilespmem:$0x18480] =	vst v63  }
0x229: {  	s12 =	simm.s32 $0x11480  }
0x22a: {  	[hbm4b:s4+s3] =	stream.indirect_vreg.scatter [tilespmem:s12], [sflag:$0x6], $0x80, v3, vm0, $0xb8;
	[tilespmem:$0x18480] =	vst v63  }
0x22b: {  	s18 =	simm.s32 $0x11C80  }
0x22c: {  	[hbm4b:s7+s3] =	stream.indirect_vreg.scatter [tilespmem:s18], [sflag:$0x6], $0x80, v3, vm0, $0xb8;
	[tilespmem:$0x18480] =	vst v63  }
0x22d: {  	v3 =	vld [tilespmem:$0x290];
	_ =	sdelay $0x4  }
0x22e: {  	v29 =	vshll.u32 v3, $0x2  }
0x22f: {  	v3 =	vand.u32 $0x7, v3;
	v4 =	vand.u32 $0xFFFFFFE0, v29  }
0x230: {  	v3 =	vor.u32 v3, v4  }
0x231: {  	v4 =	vperm.xlane v3, v0;
	_ =	sdelay $0x1  }
0x232: {  	v4 =	vadd.s32 v1, v4;
	_ =	sdelay $0x1  }
0x233: {  	v3 =	vperm.xlane v3, v2;
	_ =	sdelay $0x1  }
0x234: {  	s14 =	simm.s32 $0x12480;
	v3 =	vadd.s32 v1, v3  }
0x235: {  	[hbm4b:s4+s3] =	stream.indirect_vreg.scatter [tilespmem:s14], [sflag:$0x6], $0x80, v4, vm0, $0xb8;
	[tilespmem:$0x18480] =	vst v63  }
0x236: {  	s15 =	simm.s32 $0x12C80  }
0x237: {  	[hbm4b:s7+s3] =	stream.indirect_vreg.scatter [tilespmem:s15], [sflag:$0x6], $0x80, v4, vm0, $0xb8;
	[tilespmem:$0x18480] =	vst v63  }
0x238: {  	s26 =	simm.s32 $0x13480  }
0x239: {  	[hbm4b:s4+s3] =	stream.indirect_vreg.scatter [tilespmem:s26], [sflag:$0x6], $0x80, v3, vm0, $0xb8;
	[tilespmem:$0x18480] =	vst v63  }
0x23a: {  	s19 =	simm.s32 $0x13C80  }
0x23b: {  	[hbm4b:s7+s3] =	stream.indirect_vreg.scatter [tilespmem:s19], [sflag:$0x6], $0x80, v3, vm0, $0xb8;
	[tilespmem:$0x18480] =	vst v63  }
0x23c: {  	v3 =	vld [tilespmem:$0x2A0];
	_ =	sdelay $0x4  }
0x23d: {  	v30 =	vshll.u32 v3, $0x2  }
0x23e: {  	v3 =	vand.u32 $0x7, v3;
	v4 =	vand.u32 $0xFFFFFFE0, v30  }
0x23f: {  	v3 =	vor.u32 v3, v4  }
0x240: {  	v4 =	vperm.xlane v3, v0;
	_ =	sdelay $0x1  }
0x241: {  	v4 =	vadd.s32 v1, v4;
	_ =	sdelay $0x1  }
0x242: {  	v3 =	vperm.xlane v3, v2;
	_ =	sdelay $0x1  }
0x243: {  	s29 =	simm.s32 $0x14480;
	v3 =	vadd.s32 v1, v3  }
0x244: {  	[hbm4b:s4+s3] =	stream.indirect_vreg.scatter [tilespmem:s29], [sflag:$0x6], $0x80, v4, vm0, $0xb8;
	[tilespmem:$0x18480] =	vst v63  }
0x245: {  	s31 =	simm.s32 $0x14C80  }
0x246: {  	[hbm4b:s7+s3] =	stream.indirect_vreg.scatter [tilespmem:s31], [sflag:$0x6], $0x80, v4, vm0, $0xb8;
	[tilespmem:$0x18480] =	vst v63  }
0x247: {  	s30 =	simm.s32 $0x15480  }
0x248: {  	[hbm4b:s4+s3] =	stream.indirect_vreg.scatter [tilespmem:s30], [sflag:$0x6], $0x80, v3, vm0, $0xb8;
	[tilespmem:$0x18480] =	vst v63  }
0x249: {  	s20 =	simm.s32 $0x15C80  }
0x24a: {  	[hbm4b:s7+s3] =	stream.indirect_vreg.scatter [tilespmem:s20], [sflag:$0x6], $0x80, v3, vm0, $0xb8;
	[tilespmem:$0x18480] =	vst v63  }
0x24b: {  	v3 =	vld [tilespmem:$0x2B0];
	_ =	sdelay $0x4  }
0x24c: {  	v31 =	vshll.u32 v3, $0x2  }
0x24d: {  	v3 =	vand.u32 $0x7, v3;
	v4 =	vand.u32 $0xFFFFFFE0, v31  }
0x24e: {  	v3 =	vor.u32 v3, v4  }
0x24f: {  	v4 =	vperm.xlane v3, v0;
	_ =	sdelay $0x1  }
0x250: {  	v4 =	vadd.s32 v1, v4;
	_ =	sdelay $0x1  }
0x251: {  	v3 =	vperm.xlane v3, v2;
	_ =	sdelay $0x1  }
0x252: {  	s1 =	simm.s32 $0x16480;
	v3 =	vadd.s32 v1, v3  }
0x253: {  	[hbm4b:s4+s3] =	stream.indirect_vreg.scatter [tilespmem:s1], [sflag:$0x6], $0x80, v4, vm0, $0xb8;
	[tilespmem:$0x18480] =	vst v63  }
0x254: {  	s13 =	simm.s32 $0x16C80  }
0x255: {  	[hbm4b:s7+s3] =	stream.indirect_vreg.scatter [tilespmem:s13], [sflag:$0x6], $0x80, v4, vm0, $0xb8;
	[tilespmem:$0x18480] =	vst v63  }
0x256: {  	s16 =	simm.s32 $0x17480  }
0x257: {  	[hbm4b:s4+s3] =	stream.indirect_vreg.scatter [tilespmem:s16], [sflag:$0x6], $0x80, v3, vm0, $0xb8;
	[tilespmem:$0x18480] =	vst v63  }
0x258: {  	s17 =	simm.s32 $0x17C80  }
0x259: {  	[hbm4b:s7+s3] =	stream.indirect_vreg.scatter [tilespmem:s17], [sflag:$0x6], $0x80, v3, vm0, $0xb8;
	[tilespmem:$0x18480] =	vst v63  }
0x25a: {  	s8 =	simm.s32 $0x400;
	s23 =	simm.s32 $0x40;
	s5 =	simm.s32 $0x280  }
0x25b: {  	[hbm4b:s28+s23] =	stream.indirect.scatter [tilespmem:s8], [sflag:$0x6], $0x1, s5, s23, $0xb8;
	[tilespmem:$0x18480] =	vst v63  }
0x25c: {  	s21 =	smov.u32 s28;
	s28 =	simm.s32 $0x6  }
0x25d: {  	_ =	swait.ge [sflag:s28], $0x8000  }
0x25e: {  	[sflag:s28] =	ssyncset.done $0x0  }
0x25f: {  	[sflag:s28] =	ssyncadd.s32 $0xFFFF8000  }
0x260: {  	_ =	swait.ge [sflag:s28], $0x40  }
0x261: {  	[sflag:s28] =	ssyncset.done $0x0  }
0x262: {  	s24 =	simm.s32 $0x100;
	s22 =	rddreg [dreg:$0x12];
	[sflag:s28] =	ssyncadd.s32 $0xFFFFFFC0  }
0x263: {  	[tilespmem:s24], [sflag:$0x7] =	stream.linear.gather [hbm4b:s22+s3], $0x40, $0x38;
	[tilespmem:$0x18480] =	vst v63  }
0x264: {  	_ =	swait.ge [sflag:s9], $0x40  }
0x265: {  	[sflag:s9] =	ssyncset.done $0x0  }
0x266: {  	s22 =	rddreg [dreg:$0x13];
	[sflag:s9] =	ssyncadd.s32 $0xFFFFFFC0  }
0x267: {  	[tilespmem:s5], [sflag:$0x7] =	stream.linear.gather [hbm4b:s22+s3], $0x40, $0x38;
	[tilespmem:$0x18480] =	vst v63  }
0x268: {  	_ =	swait.ge [sflag:s9], $0x40  }
0x269: {  	[sflag:s9] =	ssyncset.done $0x0  }
0x26a: {  	s24 =	rddreg [dreg:$0x14];
	[sflag:s9] =	ssyncadd.s32 $0xFFFFFFC0  }
0x26b: {  	[tilespmem:s8], [sflag:$0x7] =	stream.linear.gather [hbm4b:s24+s3], $0x40, $0x38;
	[tilespmem:$0x18480] =	vst v63  }
0x26c: {  	_ =	swait.ge [sflag:s9], $0x40  }
0x26d: {  	[sflag:s9] =	ssyncset.done $0x0  }
0x26e: {  	[sflag:s9] =	ssyncadd.s32 $0xFFFFFFC0  }
0x26f: {  	v3 =	vld [tilespmem:$0x100];
	_ =	sdelay $0x4  }
0x270: {  	v32 =	vshll.u32 v3, $0x2  }
0x271: {  	v3 =	vand.u32 $0x7, v3;
	v4 =	vand.u32 $0xFFFFFFE0, v32  }
0x272: {  	v3 =	vor.u32 v3, v4  }
0x273: {  	v4 =	vperm.xlane v3, v0;
	_ =	sdelay $0x1  }
0x274: {  	v4 =	vadd.s32 v1, v4;
	_ =	sdelay $0x1  }
0x275: {  	v3 =	vperm.xlane v3, v2;
	_ =	sdelay $0x1  }
0x276: {  	v3 =	vadd.s32 v1, v3  }
0x277: {  	[tilespmem:s10], [sflag:$0x3] =	stream.indirect_vreg.gather [hbm4b:s2+s3], $0x80, v4, vm0, $0xb8;
	[tilespmem:$0x18480] =	vst v63  }
0x278: {  	_ = 	snop  }
0x279: {  	[tilespmem:s11], [sflag:$0x3] =	stream.indirect_vreg.gather [hbm4b:s6+s3], $0x80, v4, vm0, $0xb8;
	[tilespmem:$0x18480] =	vst v63  }
0x27a: {  	_ = 	snop  }
0x27b: {  	[tilespmem:s12], [sflag:$0x3] =	stream.indirect_vreg.gather [hbm4b:s2+s3], $0x80, v3, vm0, $0xb8;
	[tilespmem:$0x18480] =	vst v63  }
0x27c: {  	_ = 	snop  }
0x27d: {  	[tilespmem:s18], [sflag:$0x3] =	stream.indirect_vreg.gather [hbm4b:s6+s3], $0x80, v3, vm0, $0xb8;
	[tilespmem:$0x18480] =	vst v63  }
0x27e: {  	v3 =	vld [tilespmem:$0x110];
	_ =	sdelay $0x4  }
0x27f: {  	v33 =	vshll.u32 v3, $0x2  }
0x280: {  	v3 =	vand.u32 $0x7, v3;
	v4 =	vand.u32 $0xFFFFFFE0, v33  }
0x281: {  	v3 =	vor.u32 v3, v4  }
0x282: {  	v4 =	vperm.xlane v3, v0;
	_ =	sdelay $0x1  }
0x283: {  	v4 =	vadd.s32 v1, v4;
	_ =	sdelay $0x1  }
0x284: {  	v3 =	vperm.xlane v3, v2;
	_ =	sdelay $0x1  }
0x285: {  	v3 =	vadd.s32 v1, v3  }
0x286: {  	[tilespmem:s14], [sflag:$0x3] =	stream.indirect_vreg.gather [hbm4b:s2+s3], $0x80, v4, vm0, $0xb8;
	[tilespmem:$0x18480] =	vst v63  }
0x287: {  	_ = 	snop  }
0x288: {  	[tilespmem:s15], [sflag:$0x3] =	stream.indirect_vreg.gather [hbm4b:s6+s3], $0x80, v4, vm0, $0xb8;
	[tilespmem:$0x18480] =	vst v63  }
0x289: {  	_ = 	snop  }
0x28a: {  	[tilespmem:s26], [sflag:$0x3] =	stream.indirect_vreg.gather [hbm4b:s2+s3], $0x80, v3, vm0, $0xb8;
	[tilespmem:$0x18480] =	vst v63  }
0x28b: {  	_ = 	snop  }
0x28c: {  	[tilespmem:s19], [sflag:$0x3] =	stream.indirect_vreg.gather [hbm4b:s6+s3], $0x80, v3, vm0, $0xb8;
	[tilespmem:$0x18480] =	vst v63  }
0x28d: {  	v3 =	vld [tilespmem:$0x120];
	_ =	sdelay $0x4  }
0x28e: {  	v34 =	vshll.u32 v3, $0x2  }
0x28f: {  	v3 =	vand.u32 $0x7, v3;
	v4 =	vand.u32 $0xFFFFFFE0, v34  }
0x290: {  	v3 =	vor.u32 v3, v4  }
0x291: {  	v4 =	vperm.xlane v3, v0;
	_ =	sdelay $0x1  }
0x292: {  	v4 =	vadd.s32 v1, v4;
	_ =	sdelay $0x1  }
0x293: {  	v3 =	vperm.xlane v3, v2;
	_ =	sdelay $0x1  }
0x294: {  	v3 =	vadd.s32 v1, v3  }
0x295: {  	[tilespmem:s29], [sflag:$0x3] =	stream.indirect_vreg.gather [hbm4b:s2+s3], $0x80, v4, vm0, $0xb8;
	[tilespmem:$0x18480] =	vst v63  }
0x296: {  	_ = 	snop  }
0x297: {  	[tilespmem:s31], [sflag:$0x3] =	stream.indirect_vreg.gather [hbm4b:s6+s3], $0x80, v4, vm0, $0xb8;
	[tilespmem:$0x18480] =	vst v63  }
0x298: {  	_ = 	snop  }
0x299: {  	[tilespmem:s30], [sflag:$0x3] =	stream.indirect_vreg.gather [hbm4b:s2+s3], $0x80, v3, vm0, $0xb8;
	[tilespmem:$0x18480] =	vst v63  }
0x29a: {  	_ = 	snop  }
0x29b: {  	[tilespmem:s20], [sflag:$0x3] =	stream.indirect_vreg.gather [hbm4b:s6+s3], $0x80, v3, vm0, $0xb8;
	[tilespmem:$0x18480] =	vst v63  }
0x29c: {  	v3 =	vld [tilespmem:$0x130];
	_ =	sdelay $0x4  }
0x29d: {  	v35 =	vshll.u32 v3, $0x2  }
0x29e: {  	v3 =	vand.u32 $0x7, v3;
	v4 =	vand.u32 $0xFFFFFFE0, v35  }
0x29f: {  	v3 =	vor.u32 v3, v4  }
0x2a0: {  	v4 =	vperm.xlane v3, v0;
	_ =	sdelay $0x1  }
0x2a1: {  	v4 =	vadd.s32 v1, v4;
	_ =	sdelay $0x1  }
0x2a2: {  	v3 =	vperm.xlane v3, v2;
	_ =	sdelay $0x1  }
0x2a3: {  	v3 =	vadd.s32 v1, v3  }
0x2a4: {  	[tilespmem:s1], [sflag:$0x3] =	stream.indirect_vreg.gather [hbm4b:s2+s3], $0x80, v4, vm0, $0xb8;
	[tilespmem:$0x18480] =	vst v63  }
0x2a5: {  	_ = 	snop  }
0x2a6: {  	[tilespmem:s13], [sflag:$0x3] =	stream.indirect_vreg.gather [hbm4b:s6+s3], $0x80, v4, vm0, $0xb8;
	[tilespmem:$0x18480] =	vst v63  }
0x2a7: {  	_ = 	snop  }
0x2a8: {  	[tilespmem:s16], [sflag:$0x3] =	stream.indirect_vreg.gather [hbm4b:s2+s3], $0x80, v3, vm0, $0xb8;
	[tilespmem:$0x18480] =	vst v63  }
0x2a9: {  	s29 =	simm.s32 $0x1  }
0x2aa: {  	[tilespmem:s17], [sflag:$0x3] =	stream.indirect_vreg.gather [hbm4b:s6+s3], $0x80, v3, vm0, $0xb8;
	[tilespmem:$0x18480] =	vst v63  }
0x2ab: {  	_ =	swait.ge [sflag:s29], $0x8000  }
0x2ac: {  	[sflag:s29] =	ssyncset.done $0x0  }
0x2ad: {  	[sflag:s29] =	ssyncadd.s32 $0xFFFF8000  }
0x2ae: {  	v3 =	vld [tilespmem:$0x180];
	_ =	sdelay $0x4  }
0x2af: {  	v36 =	vshll.u32 v3, $0x2  }
0x2b0: {  	v3 =	vand.u32 $0x7, v3;
	v4 =	vand.u32 $0xFFFFFFE0, v36  }
0x2b1: {  	v3 =	vor.u32 v3, v4  }
0x2b2: {  	v4 =	vperm.xlane v3, v0;
	_ =	sdelay $0x1  }
0x2b3: {  	v4 =	vadd.s32 v1, v4;
	_ =	sdelay $0x1  }
0x2b4: {  	v3 =	vperm.xlane v3, v2;
	_ =	sdelay $0x1  }
0x2b5: {  	s5 =	simm.s32 $0x480;
	v3 =	vadd.s32 v1, v3  }
0x2b6: {  	[hbm4b:s4+s3] =	stream.indirect_vreg.scatter [tilespmem:s5], [sflag:$0x4], $0x80, v4, vm0, $0xb8;
	[tilespmem:$0x18480] =	vst v63  }
0x2b7: {  	s13 =	simm.s32 $0xC80  }
0x2b8: {  	[hbm4b:s7+s3] =	stream.indirect_vreg.scatter [tilespmem:s13], [sflag:$0x4], $0x80, v4, vm0, $0xb8;
	[tilespmem:$0x18480] =	vst v63  }
0x2b9: {  	s16 =	simm.s32 $0x1480  }
0x2ba: {  	[hbm4b:s4+s3] =	stream.indirect_vreg.scatter [tilespmem:s16], [sflag:$0x4], $0x80, v3, vm0, $0xb8;
	[tilespmem:$0x18480] =	vst v63  }
0x2bb: {  	s10 =	simm.s32 $0x1C80  }
0x2bc: {  	[hbm4b:s7+s3] =	stream.indirect_vreg.scatter [tilespmem:s10], [sflag:$0x4], $0x80, v3, vm0, $0xb8;
	[tilespmem:$0x18480] =	vst v63  }
0x2bd: {  	v3 =	vld [tilespmem:$0x190];
	_ =	sdelay $0x4  }
0x2be: {  	v37 =	vshll.u32 v3, $0x2  }
0x2bf: {  	v3 =	vand.u32 $0x7, v3;
	v4 =	vand.u32 $0xFFFFFFE0, v37  }
0x2c0: {  	v3 =	vor.u32 v3, v4  }
0x2c1: {  	v4 =	vperm.xlane v3, v0;
	_ =	sdelay $0x1  }
0x2c2: {  	v4 =	vadd.s32 v1, v4;
	_ =	sdelay $0x1  }
0x2c3: {  	v3 =	vperm.xlane v3, v2;
	_ =	sdelay $0x1  }
0x2c4: {  	s17 =	simm.s32 $0x2480;
	v3 =	vadd.s32 v1, v3  }
0x2c5: {  	[hbm4b:s4+s3] =	stream.indirect_vreg.scatter [tilespmem:s17], [sflag:$0x4], $0x80, v4, vm0, $0xb8;
	[tilespmem:$0x18480] =	vst v63  }
0x2c6: {  	s19 =	simm.s32 $0x2C80  }
0x2c7: {  	[hbm4b:s7+s3] =	stream.indirect_vreg.scatter [tilespmem:s19], [sflag:$0x4], $0x80, v4, vm0, $0xb8;
	[tilespmem:$0x18480] =	vst v63  }
0x2c8: {  	s22 =	simm.s32 $0x3480  }
0x2c9: {  	[hbm4b:s4+s3] =	stream.indirect_vreg.scatter [tilespmem:s22], [sflag:$0x4], $0x80, v3, vm0, $0xb8;
	[tilespmem:$0x18480] =	vst v63  }
0x2ca: {  	s14 =	simm.s32 $0x3C80  }
0x2cb: {  	[hbm4b:s7+s3] =	stream.indirect_vreg.scatter [tilespmem:s14], [sflag:$0x4], $0x80, v3, vm0, $0xb8;
	[tilespmem:$0x18480] =	vst v63  }
0x2cc: {  	v3 =	vld [tilespmem:$0x1A0];
	_ =	sdelay $0x4  }
0x2cd: {  	v38 =	vshll.u32 v3, $0x2  }
0x2ce: {  	v3 =	vand.u32 $0x7, v3;
	v4 =	vand.u32 $0xFFFFFFE0, v38  }
0x2cf: {  	v3 =	vor.u32 v3, v4  }
0x2d0: {  	v4 =	vperm.xlane v3, v0;
	_ =	sdelay $0x1  }
0x2d1: {  	v4 =	vadd.s32 v1, v4;
	_ =	sdelay $0x1  }
0x2d2: {  	v3 =	vperm.xlane v3, v2;
	_ =	sdelay $0x1  }
0x2d3: {  	s24 =	simm.s32 $0x4480;
	v3 =	vadd.s32 v1, v3  }
0x2d4: {  	[hbm4b:s4+s3] =	stream.indirect_vreg.scatter [tilespmem:s24], [sflag:$0x4], $0x80, v4, vm0, $0xb8;
	[tilespmem:$0x18480] =	vst v63  }
0x2d5: {  	s26 =	simm.s32 $0x4C80  }
0x2d6: {  	[hbm4b:s7+s3] =	stream.indirect_vreg.scatter [tilespmem:s26], [sflag:$0x4], $0x80, v4, vm0, $0xb8;
	[tilespmem:$0x18480] =	vst v63  }
0x2d7: {  	s1 =	simm.s32 $0x5480  }
0x2d8: {  	[hbm4b:s4+s3] =	stream.indirect_vreg.scatter [tilespmem:s1], [sflag:$0x4], $0x80, v3, vm0, $0xb8;
	[tilespmem:$0x18480] =	vst v63  }
0x2d9: {  	s31 =	simm.s32 $0x5C80  }
0x2da: {  	[hbm4b:s7+s3] =	stream.indirect_vreg.scatter [tilespmem:s31], [sflag:$0x4], $0x80, v3, vm0, $0xb8;
	[tilespmem:$0x18480] =	vst v63  }
0x2db: {  	v3 =	vld [tilespmem:$0x1B0];
	_ =	sdelay $0x4  }
0x2dc: {  	v39 =	vshll.u32 v3, $0x2  }
0x2dd: {  	v3 =	vand.u32 $0x7, v3;
	v4 =	vand.u32 $0xFFFFFFE0, v39  }
0x2de: {  	v3 =	vor.u32 v3, v4  }
0x2df: {  	v4 =	vperm.xlane v3, v0;
	_ =	sdelay $0x1  }
0x2e0: {  	v4 =	vadd.s32 v1, v4;
	_ =	sdelay $0x1  }
0x2e1: {  	v3 =	vperm.xlane v3, v2;
	_ =	sdelay $0x1  }
0x2e2: {  	s15 =	simm.s32 $0x6480;
	v3 =	vadd.s32 v1, v3  }
0x2e3: {  	[hbm4b:s4+s3] =	stream.indirect_vreg.scatter [tilespmem:s15], [sflag:$0x4], $0x80, v4, vm0, $0xb8;
	[tilespmem:$0x18480] =	vst v63  }
0x2e4: {  	s18 =	simm.s32 $0x6C80  }
0x2e5: {  	[hbm4b:s7+s3] =	stream.indirect_vreg.scatter [tilespmem:s18], [sflag:$0x4], $0x80, v4, vm0, $0xb8;
	[tilespmem:$0x18480] =	vst v63  }
0x2e6: {  	s20 =	simm.s32 $0x7480  }
0x2e7: {  	[hbm4b:s4+s3] =	stream.indirect_vreg.scatter [tilespmem:s20], [sflag:$0x4], $0x80, v3, vm0, $0xb8;
	[tilespmem:$0x18480] =	vst v63  }
0x2e8: {  	s8 =	simm.s32 $0x7C80  }
0x2e9: {  	[hbm4b:s7+s3] =	stream.indirect_vreg.scatter [tilespmem:s8], [sflag:$0x4], $0x80, v3, vm0, $0xb8;
	[tilespmem:$0x18480] =	vst v63  }
0x2ea: {  	s11 =	simm.s32 $0x180;
	s12 =	simm.s32 $0x300;
	s30 =	simm.s32 $0x4  }
0x2eb: {  	[hbm4b:s21+s23] =	stream.indirect.scatter [tilespmem:s12], [sflag:$0x4], $0x1, s11, s23, $0xb8;
	[tilespmem:$0x18480] =	vst v63  }
0x2ec: {  	_ =	swait.ge [sflag:s30], $0x8000  }
0x2ed: {  	[sflag:s30] =	ssyncset.done $0x0  }
0x2ee: {  	[sflag:s30] =	ssyncadd.s32 $0xFFFF8000  }
0x2ef: {  	_ =	swait.ge [sflag:s30], $0x40  }
0x2f0: {  	[sflag:s30] =	ssyncset.done $0x0  }
0x2f1: {  	s0 =	rddreg [dreg:$0x15];
	[sflag:s30] =	ssyncadd.s32 $0xFFFFFFC0  }
0x2f2: {  	[tilespmem:s3], [sflag:$0x7] =	stream.linear.gather [hbm4b:s0+s3], $0x40, $0x38;
	[tilespmem:$0x18480] =	vst v63  }
0x2f3: {  	_ =	swait.ge [sflag:s9], $0x40  }
0x2f4: {  	[sflag:s9] =	ssyncset.done $0x0  }
0x2f5: {  	s29 =	smov.u32 s21;
	s21 =	rddreg [dreg:$0x16];
	[sflag:s9] =	ssyncadd.s32 $0xFFFFFFC0  }
0x2f6: {  	[tilespmem:s11], [sflag:$0x7] =	stream.linear.gather [hbm4b:s21+s3], $0x40, $0x38;
	[tilespmem:$0x18480] =	vst v63  }
0x2f7: {  	_ =	swait.ge [sflag:s9], $0x40  }
0x2f8: {  	[sflag:s9] =	ssyncset.done $0x0  }
0x2f9: {  	s21 =	rddreg [dreg:$0x17];
	[sflag:s9] =	ssyncadd.s32 $0xFFFFFFC0  }
0x2fa: {  	[tilespmem:s12], [sflag:$0x7] =	stream.linear.gather [hbm4b:s21+s3], $0x40, $0x38;
	[tilespmem:$0x18480] =	vst v63  }
0x2fb: {  	_ =	swait.ge [sflag:s9], $0x40  }
0x2fc: {  	[sflag:s9] =	ssyncset.done $0x0  }
0x2fd: {  	[sflag:s9] =	ssyncadd.s32 $0xFFFFFFC0  }
0x2fe: {  	v3 =	vld [tilespmem:$0x0];
	_ =	sdelay $0x4  }
0x2ff: {  	v40 =	vshll.u32 v3, $0x2  }
0x300: {  	v3 =	vand.u32 $0x7, v3;
	v4 =	vand.u32 $0xFFFFFFE0, v40  }
0x301: {  	v3 =	vor.u32 v3, v4  }
0x302: {  	v4 =	vperm.xlane v3, v0;
	_ =	sdelay $0x1  }
0x303: {  	v4 =	vadd.s32 v1, v4;
	_ =	sdelay $0x1  }
0x304: {  	v3 =	vperm.xlane v3, v2;
	_ =	sdelay $0x1  }
0x305: {  	v3 =	vadd.s32 v1, v3  }
0x306: {  	[tilespmem:s5], [sflag:$0x1] =	stream.indirect_vreg.gather [hbm4b:s2+s3], $0x80, v4, vm0, $0xb8;
	[tilespmem:$0x18480] =	vst v63  }
0x307: {  	_ = 	snop  }
0x308: {  	[tilespmem:s13], [sflag:$0x1] =	stream.indirect_vreg.gather [hbm4b:s6+s3], $0x80, v4, vm0, $0xb8;
	[tilespmem:$0x18480] =	vst v63  }
0x309: {  	_ = 	snop  }
0x30a: {  	[tilespmem:s16], [sflag:$0x1] =	stream.indirect_vreg.gather [hbm4b:s2+s3], $0x80, v3, vm0, $0xb8;
	[tilespmem:$0x18480] =	vst v63  }
0x30b: {  	_ = 	snop  }
0x30c: {  	[tilespmem:s10], [sflag:$0x1] =	stream.indirect_vreg.gather [hbm4b:s6+s3], $0x80, v3, vm0, $0xb8;
	[tilespmem:$0x18480] =	vst v63  }
0x30d: {  	v3 =	vld [tilespmem:$0x10];
	_ =	sdelay $0x4  }
0x30e: {  	v41 =	vshll.u32 v3, $0x2  }
0x30f: {  	v3 =	vand.u32 $0x7, v3;
	v4 =	vand.u32 $0xFFFFFFE0, v41  }
0x310: {  	v3 =	vor.u32 v3, v4  }
0x311: {  	v4 =	vperm.xlane v3, v0;
	_ =	sdelay $0x1  }
0x312: {  	v4 =	vadd.s32 v1, v4;
	_ =	sdelay $0x1  }
0x313: {  	v3 =	vperm.xlane v3, v2;
	_ =	sdelay $0x1  }
0x314: {  	v3 =	vadd.s32 v1, v3  }
0x315: {  	[tilespmem:s17], [sflag:$0x1] =	stream.indirect_vreg.gather [hbm4b:s2+s3], $0x80, v4, vm0, $0xb8;
	[tilespmem:$0x18480] =	vst v63  }
0x316: {  	_ = 	snop  }
0x317: {  	[tilespmem:s19], [sflag:$0x1] =	stream.indirect_vreg.gather [hbm4b:s6+s3], $0x80, v4, vm0, $0xb8;
	[tilespmem:$0x18480] =	vst v63  }
0x318: {  	_ = 	snop  }
0x319: {  	[tilespmem:s22], [sflag:$0x1] =	stream.indirect_vreg.gather [hbm4b:s2+s3], $0x80, v3, vm0, $0xb8;
	[tilespmem:$0x18480] =	vst v63  }
0x31a: {  	_ = 	snop  }
0x31b: {  	[tilespmem:s14], [sflag:$0x1] =	stream.indirect_vreg.gather [hbm4b:s6+s3], $0x80, v3, vm0, $0xb8;
	[tilespmem:$0x18480] =	vst v63  }
0x31c: {  	v3 =	vld [tilespmem:$0x20];
	_ =	sdelay $0x4  }
0x31d: {  	v42 =	vshll.u32 v3, $0x2  }
0x31e: {  	v3 =	vand.u32 $0x7, v3;
	v4 =	vand.u32 $0xFFFFFFE0, v42  }
0x31f: {  	v3 =	vor.u32 v3, v4  }
0x320: {  	v4 =	vperm.xlane v3, v0;
	_ =	sdelay $0x1  }
0x321: {  	v4 =	vadd.s32 v1, v4;
	_ =	sdelay $0x1  }
0x322: {  	v3 =	vperm.xlane v3, v2;
	_ =	sdelay $0x1  }
0x323: {  	v3 =	vadd.s32 v1, v3  }
0x324: {  	[tilespmem:s24], [sflag:$0x1] =	stream.indirect_vreg.gather [hbm4b:s2+s3], $0x80, v4, vm0, $0xb8;
	[tilespmem:$0x18480] =	vst v63  }
0x325: {  	_ = 	snop  }
0x326: {  	[tilespmem:s26], [sflag:$0x1] =	stream.indirect_vreg.gather [hbm4b:s6+s3], $0x80, v4, vm0, $0xb8;
	[tilespmem:$0x18480] =	vst v63  }
0x327: {  	_ = 	snop  }
0x328: {  	[tilespmem:s1], [sflag:$0x1] =	stream.indirect_vreg.gather [hbm4b:s2+s3], $0x80, v3, vm0, $0xb8;
	[tilespmem:$0x18480] =	vst v63  }
0x329: {  	_ = 	snop  }
0x32a: {  	[tilespmem:s31], [sflag:$0x1] =	stream.indirect_vreg.gather [hbm4b:s6+s3], $0x80, v3, vm0, $0xb8;
	[tilespmem:$0x18480] =	vst v63  }
0x32b: {  	v3 =	vld [tilespmem:$0x30];
	_ =	sdelay $0x4  }
0x32c: {  	v43 =	vshll.u32 v3, $0x2  }
0x32d: {  	v3 =	vand.u32 $0x7, v3;
	v4 =	vand.u32 $0xFFFFFFE0, v43  }
0x32e: {  	v3 =	vor.u32 v3, v4  }
0x32f: {  	v4 =	vperm.xlane v3, v0;
	_ =	sdelay $0x1  }
0x330: {  	v4 =	vadd.s32 v1, v4;
	_ =	sdelay $0x1  }
0x331: {  	v3 =	vperm.xlane v3, v2;
	_ =	sdelay $0x1  }
0x332: {  	v3 =	vadd.s32 v1, v3  }
0x333: {  	[tilespmem:s15], [sflag:$0x1] =	stream.indirect_vreg.gather [hbm4b:s2+s3], $0x80, v4, vm0, $0xb8;
	[tilespmem:$0x18480] =	vst v63  }
0x334: {  	_ = 	snop  }
0x335: {  	[tilespmem:s18], [sflag:$0x1] =	stream.indirect_vreg.gather [hbm4b:s6+s3], $0x80, v4, vm0, $0xb8;
	[tilespmem:$0x18480] =	vst v63  }
0x336: {  	_ = 	snop  }
0x337: {  	[tilespmem:s20], [sflag:$0x1] =	stream.indirect_vreg.gather [hbm4b:s2+s3], $0x80, v3, vm0, $0xb8;
	[tilespmem:$0x18480] =	vst v63  }
0x338: {  	s22 =	simm.s32 $0x2  }
0x339: {  	[tilespmem:s8], [sflag:$0x1] =	stream.indirect_vreg.gather [hbm4b:s6+s3], $0x80, v3, vm0, $0xb8;
	[tilespmem:$0x18480] =	vst v63  }
0x33a: {  	_ =	swait.ge [sflag:s22], $0x8000  }
0x33b: {  	[sflag:s22] =	ssyncset.done $0x0  }
0x33c: {  	[sflag:s22] =	ssyncadd.s32 $0xFFFF8000  }
0x33d: {  	v3 =	vld [tilespmem:$0x200];
	_ =	sdelay $0x4  }
0x33e: {  	v44 =	vshll.u32 v3, $0x2  }
0x33f: {  	v3 =	vand.u32 $0x7, v3;
	v4 =	vand.u32 $0xFFFFFFE0, v44  }
0x340: {  	v3 =	vor.u32 v3, v4  }
0x341: {  	v4 =	vperm.xlane v3, v0;
	_ =	sdelay $0x1  }
0x342: {  	v4 =	vadd.s32 v1, v4;
	_ =	sdelay $0x1  }
0x343: {  	v3 =	vperm.xlane v3, v2;
	_ =	sdelay $0x1  }
0x344: {  	s1 =	simm.s32 $0x8480;
	v3 =	vadd.s32 v1, v3  }
0x345: {  	[hbm4b:s4+s3] =	stream.indirect_vreg.scatter [tilespmem:s1], [sflag:$0x5], $0x80, v4, vm0, $0xb8;
	[tilespmem:$0x18480] =	vst v63  }
0x346: {  	s11 =	simm.s32 $0x8C80  }
0x347: {  	[hbm4b:s7+s3] =	stream.indirect_vreg.scatter [tilespmem:s11], [sflag:$0x5], $0x80, v4, vm0, $0xb8;
	[tilespmem:$0x18480] =	vst v63  }
0x348: {  	s13 =	simm.s32 $0x9480  }
0x349: {  	[hbm4b:s4+s3] =	stream.indirect_vreg.scatter [tilespmem:s13], [sflag:$0x5], $0x80, v3, vm0, $0xb8;
	[tilespmem:$0x18480] =	vst v63  }
0x34a: {  	s31 =	simm.s32 $0x9C80  }
0x34b: {  	[hbm4b:s7+s3] =	stream.indirect_vreg.scatter [tilespmem:s31], [sflag:$0x5], $0x80, v3, vm0, $0xb8;
	[tilespmem:$0x18480] =	vst v63  }
0x34c: {  	v3 =	vld [tilespmem:$0x210];
	_ =	sdelay $0x4  }
0x34d: {  	v45 =	vshll.u32 v3, $0x2  }
0x34e: {  	v3 =	vand.u32 $0x7, v3;
	v4 =	vand.u32 $0xFFFFFFE0, v45  }
0x34f: {  	v3 =	vor.u32 v3, v4  }
0x350: {  	v4 =	vperm.xlane v3, v0;
	_ =	sdelay $0x1  }
0x351: {  	v4 =	vadd.s32 v1, v4;
	_ =	sdelay $0x1  }
0x352: {  	v3 =	vperm.xlane v3, v2;
	_ =	sdelay $0x1  }
0x353: {  	s14 =	simm.s32 $0xA480;
	v3 =	vadd.s32 v1, v3  }
0x354: {  	[hbm4b:s4+s3] =	stream.indirect_vreg.scatter [tilespmem:s14], [sflag:$0x5], $0x80, v4, vm0, $0xb8;
	[tilespmem:$0x18480] =	vst v63  }
0x355: {  	s15 =	simm.s32 $0xAC80  }
0x356: {  	[hbm4b:s7+s3] =	stream.indirect_vreg.scatter [tilespmem:s15], [sflag:$0x5], $0x80, v4, vm0, $0xb8;
	[tilespmem:$0x18480] =	vst v63  }
0x357: {  	s16 =	simm.s32 $0xB480  }
0x358: {  	[hbm4b:s4+s3] =	stream.indirect_vreg.scatter [tilespmem:s16], [sflag:$0x5], $0x80, v3, vm0, $0xb8;
	[tilespmem:$0x18480] =	vst v63  }
0x359: {  	s22 =	simm.s32 $0xBC80  }
0x35a: {  	[hbm4b:s7+s3] =	stream.indirect_vreg.scatter [tilespmem:s22], [sflag:$0x5], $0x80, v3, vm0, $0xb8;
	[tilespmem:$0x18480] =	vst v63  }
0x35b: {  	v3 =	vld [tilespmem:$0x220];
	_ =	sdelay $0x4  }
0x35c: {  	v46 =	vshll.u32 v3, $0x2  }
0x35d: {  	v3 =	vand.u32 $0x7, v3;
	v4 =	vand.u32 $0xFFFFFFE0, v46  }
0x35e: {  	v3 =	vor.u32 v3, v4  }
0x35f: {  	v4 =	vperm.xlane v3, v0;
	_ =	sdelay $0x1  }
0x360: {  	v4 =	vadd.s32 v1, v4;
	_ =	sdelay $0x1  }
0x361: {  	v3 =	vperm.xlane v3, v2;
	_ =	sdelay $0x1  }
0x362: {  	s17 =	simm.s32 $0xC480;
	v3 =	vadd.s32 v1, v3  }
0x363: {  	[hbm4b:s4+s3] =	stream.indirect_vreg.scatter [tilespmem:s17], [sflag:$0x5], $0x80, v4, vm0, $0xb8;
	[tilespmem:$0x18480] =	vst v63  }
0x364: {  	s18 =	simm.s32 $0xCC80  }
0x365: {  	[hbm4b:s7+s3] =	stream.indirect_vreg.scatter [tilespmem:s18], [sflag:$0x5], $0x80, v4, vm0, $0xb8;
	[tilespmem:$0x18480] =	vst v63  }
0x366: {  	s19 =	simm.s32 $0xD480  }
0x367: {  	[hbm4b:s4+s3] =	stream.indirect_vreg.scatter [tilespmem:s19], [sflag:$0x5], $0x80, v3, vm0, $0xb8;
	[tilespmem:$0x18480] =	vst v63  }
0x368: {  	s8 =	simm.s32 $0xDC80  }
0x369: {  	[hbm4b:s7+s3] =	stream.indirect_vreg.scatter [tilespmem:s8], [sflag:$0x5], $0x80, v3, vm0, $0xb8;
	[tilespmem:$0x18480] =	vst v63  }
0x36a: {  	v3 =	vld [tilespmem:$0x230];
	_ =	sdelay $0x4  }
0x36b: {  	v47 =	vshll.u32 v3, $0x2  }
0x36c: {  	v3 =	vand.u32 $0x7, v3;
	v4 =	vand.u32 $0xFFFFFFE0, v47  }
0x36d: {  	v3 =	vor.u32 v3, v4  }
0x36e: {  	v4 =	vperm.xlane v3, v0;
	_ =	sdelay $0x1  }
0x36f: {  	v4 =	vadd.s32 v1, v4;
	_ =	sdelay $0x1  }
0x370: {  	v3 =	vperm.xlane v3, v2;
	_ =	sdelay $0x1  }
0x371: {  	s20 =	simm.s32 $0xE480;
	v3 =	vadd.s32 v1, v3  }
0x372: {  	[hbm4b:s4+s3] =	stream.indirect_vreg.scatter [tilespmem:s20], [sflag:$0x5], $0x80, v4, vm0, $0xb8;
	[tilespmem:$0x18480] =	vst v63  }
0x373: {  	s21 =	simm.s32 $0xEC80  }
0x374: {  	[hbm4b:s7+s3] =	stream.indirect_vreg.scatter [tilespmem:s21], [sflag:$0x5], $0x80, v4, vm0, $0xb8;
	[tilespmem:$0x18480] =	vst v63  }
0x375: {  	s5 =	simm.s32 $0xF480  }
0x376: {  	[hbm4b:s4+s3] =	stream.indirect_vreg.scatter [tilespmem:s5], [sflag:$0x5], $0x80, v3, vm0, $0xb8;
	[tilespmem:$0x18480] =	vst v63  }
0x377: {  	s26 =	simm.s32 $0xFC80  }
0x378: {  	[hbm4b:s7+s3] =	stream.indirect_vreg.scatter [tilespmem:s26], [sflag:$0x5], $0x80, v3, vm0, $0xb8;
	[tilespmem:$0x18480] =	vst v63  }
0x379: {  	s23 =	simm.s32 $0x40;
	s12 =	simm.s32 $0x200;
	s10 =	simm.s32 $0x380  }
0x37a: {  	[hbm4b:s29+s23] =	stream.indirect.scatter [tilespmem:s10], [sflag:$0x5], $0x1, s12, s23, $0xb8;
	[tilespmem:$0x18480] =	vst v63  }
0x37b: {  	_ =	swait.ge [sflag:s25], $0x8000  }
0x37c: {  	[sflag:s25] =	ssyncset.done $0x0  }
0x37d: {  	[sflag:s25] =	ssyncadd.s32 $0xFFFF8000  }
0x37e: {  	_ =	swait.ge [sflag:s25], $0x40  }
0x37f: {  	[sflag:s25] =	ssyncset.done $0x0  }
0x380: {  	s23 =	simm.s32 $0x80;
	s24 =	rddreg [dreg:$0x18];
	[sflag:s25] =	ssyncadd.s32 $0xFFFFFFC0  }
0x381: {  	[tilespmem:s23], [sflag:$0x7] =	stream.linear.gather [hbm4b:s24+s3], $0x40, $0x38;
	[tilespmem:$0x18480] =	vst v63  }
0x382: {  	_ =	swait.ge [sflag:s9], $0x40  }
0x383: {  	[sflag:s9] =	ssyncset.done $0x0  }
0x384: {  	s24 =	rddreg [dreg:$0x19];
	[sflag:s9] =	ssyncadd.s32 $0xFFFFFFC0  }
0x385: {  	[tilespmem:s12], [sflag:$0x7] =	stream.linear.gather [hbm4b:s24+s3], $0x40, $0x38;
	[tilespmem:$0x18480] =	vst v63  }
0x386: {  	_ =	swait.ge [sflag:s9], $0x40  }
0x387: {  	[sflag:s9] =	ssyncset.done $0x0  }
0x388: {  	s12 =	rddreg [dreg:$0x1a];
	[sflag:s9] =	ssyncadd.s32 $0xFFFFFFC0  }
0x389: {  	[tilespmem:s10], [sflag:$0x7] =	stream.linear.gather [hbm4b:s12+s3], $0x40, $0x38;
	[tilespmem:$0x18480] =	vst v63  }
0x38a: {  	_ =	swait.ge [sflag:s9], $0x40  }
0x38b: {  	[sflag:s9] =	ssyncset.done $0x0  }
0x38c: {  	[sflag:s9] =	ssyncadd.s32 $0xFFFFFFC0  }
0x38d: {  	v3 =	vld [tilespmem:$0x80];
	_ =	sdelay $0x4  }
0x38e: {  	v48 =	vshll.u32 v3, $0x2  }
0x38f: {  	v3 =	vand.u32 $0x7, v3;
	v4 =	vand.u32 $0xFFFFFFE0, v48  }
0x390: {  	v3 =	vor.u32 v3, v4  }
0x391: {  	v4 =	vperm.xlane v3, v0;
	_ =	sdelay $0x1  }
0x392: {  	v4 =	vadd.s32 v1, v4;
	_ =	sdelay $0x1  }
0x393: {  	v3 =	vperm.xlane v3, v2;
	_ =	sdelay $0x1  }
0x394: {  	v3 =	vadd.s32 v1, v3  }
0x395: {  	[tilespmem:s1], [sflag:$0x2] =	stream.indirect_vreg.gather [hbm4b:s2+s3], $0x80, v4, vm0, $0xb8;
	[tilespmem:$0x18480] =	vst v63  }
0x396: {  	_ = 	snop  }
0x397: {  	[tilespmem:s11], [sflag:$0x2] =	stream.indirect_vreg.gather [hbm4b:s6+s3], $0x80, v4, vm0, $0xb8;
	[tilespmem:$0x18480] =	vst v63  }
0x398: {  	_ = 	snop  }
0x399: {  	[tilespmem:s13], [sflag:$0x2] =	stream.indirect_vreg.gather [hbm4b:s2+s3], $0x80, v3, vm0, $0xb8;
	[tilespmem:$0x18480] =	vst v63  }
0x39a: {  	_ = 	snop  }
0x39b: {  	[tilespmem:s31], [sflag:$0x2] =	stream.indirect_vreg.gather [hbm4b:s6+s3], $0x80, v3, vm0, $0xb8;
	[tilespmem:$0x18480] =	vst v63  }
0x39c: {  	v3 =	vld [tilespmem:$0x90];
	_ =	sdelay $0x4  }
0x39d: {  	v49 =	vshll.u32 v3, $0x2  }
0x39e: {  	v3 =	vand.u32 $0x7, v3;
	v4 =	vand.u32 $0xFFFFFFE0, v49  }
0x39f: {  	v3 =	vor.u32 v3, v4  }
0x3a0: {  	v4 =	vperm.xlane v3, v0;
	_ =	sdelay $0x1  }
0x3a1: {  	v4 =	vadd.s32 v1, v4;
	_ =	sdelay $0x1  }
0x3a2: {  	v3 =	vperm.xlane v3, v2;
	_ =	sdelay $0x1  }
0x3a3: {  	v3 =	vadd.s32 v1, v3  }
0x3a4: {  	[tilespmem:s14], [sflag:$0x2] =	stream.indirect_vreg.gather [hbm4b:s2+s3], $0x80, v4, vm0, $0xb8;
	[tilespmem:$0x18480] =	vst v63  }
0x3a5: {  	_ = 	snop  }
0x3a6: {  	[tilespmem:s15], [sflag:$0x2] =	stream.indirect_vreg.gather [hbm4b:s6+s3], $0x80, v4, vm0, $0xb8;
	[tilespmem:$0x18480] =	vst v63  }
0x3a7: {  	_ = 	snop  }
0x3a8: {  	[tilespmem:s16], [sflag:$0x2] =	stream.indirect_vreg.gather [hbm4b:s2+s3], $0x80, v3, vm0, $0xb8;
	[tilespmem:$0x18480] =	vst v63  }
0x3a9: {  	_ = 	snop  }
0x3aa: {  	[tilespmem:s22], [sflag:$0x2] =	stream.indirect_vreg.gather [hbm4b:s6+s3], $0x80, v3, vm0, $0xb8;
	[tilespmem:$0x18480] =	vst v63  }
0x3ab: {  	v3 =	vld [tilespmem:$0xA0];
	_ =	sdelay $0x4  }
0x3ac: {  	v50 =	vshll.u32 v3, $0x2  }
0x3ad: {  	v3 =	vand.u32 $0x7, v3;
	v4 =	vand.u32 $0xFFFFFFE0, v50  }
0x3ae: {  	v3 =	vor.u32 v3, v4  }
0x3af: {  	v4 =	vperm.xlane v3, v0;
	_ =	sdelay $0x1  }
0x3b0: {  	v4 =	vadd.s32 v1, v4;
	_ =	sdelay $0x1  }
0x3b1: {  	v3 =	vperm.xlane v3, v2;
	_ =	sdelay $0x1  }
0x3b2: {  	v3 =	vadd.s32 v1, v3  }
0x3b3: {  	[tilespmem:s17], [sflag:$0x2] =	stream.indirect_vreg.gather [hbm4b:s2+s3], $0x80, v4, vm0, $0xb8;
	[tilespmem:$0x18480] =	vst v63  }
0x3b4: {  	_ = 	snop  }
0x3b5: {  	[tilespmem:s18], [sflag:$0x2] =	stream.indirect_vreg.gather [hbm4b:s6+s3], $0x80, v4, vm0, $0xb8;
	[tilespmem:$0x18480] =	vst v63  }
0x3b6: {  	_ = 	snop  }
0x3b7: {  	[tilespmem:s19], [sflag:$0x2] =	stream.indirect_vreg.gather [hbm4b:s2+s3], $0x80, v3, vm0, $0xb8;
	[tilespmem:$0x18480] =	vst v63  }
0x3b8: {  	_ = 	snop  }
0x3b9: {  	[tilespmem:s8], [sflag:$0x2] =	stream.indirect_vreg.gather [hbm4b:s6+s3], $0x80, v3, vm0, $0xb8;
	[tilespmem:$0x18480] =	vst v63  }
0x3ba: {  	v3 =	vld [tilespmem:$0xB0];
	_ =	sdelay $0x4  }
0x3bb: {  	v51 =	vshll.u32 v3, $0x2  }
0x3bc: {  	v3 =	vand.u32 $0x7, v3;
	v4 =	vand.u32 $0xFFFFFFE0, v51  }
0x3bd: {  	v3 =	vor.u32 v3, v4  }
0x3be: {  	v4 =	vperm.xlane v3, v0;
	_ =	sdelay $0x1  }
0x3bf: {  	v4 =	vadd.s32 v1, v4;
	_ =	sdelay $0x1  }
0x3c0: {  	v3 =	vperm.xlane v3, v2;
	_ =	sdelay $0x1  }
0x3c1: {  	v3 =	vadd.s32 v1, v3  }
0x3c2: {  	[tilespmem:s20], [sflag:$0x2] =	stream.indirect_vreg.gather [hbm4b:s2+s3], $0x80, v4, vm0, $0xb8;
	[tilespmem:$0x18480] =	vst v63  }
0x3c3: {  	_ = 	snop  }
0x3c4: {  	[tilespmem:s21], [sflag:$0x2] =	stream.indirect_vreg.gather [hbm4b:s6+s3], $0x80, v4, vm0, $0xb8;
	[tilespmem:$0x18480] =	vst v63  }
0x3c5: {  	_ = 	snop  }
0x3c6: {  	[tilespmem:s5], [sflag:$0x2] =	stream.indirect_vreg.gather [hbm4b:s2+s3], $0x80, v3, vm0, $0xb8;
	[tilespmem:$0x18480] =	vst v63  }
0x3c7: {  	s23 =	simm.s32 $0x3  }
0x3c8: {  	[tilespmem:s26], [sflag:$0x2] =	stream.indirect_vreg.gather [hbm4b:s6+s3], $0x80, v3, vm0, $0xb8;
	[tilespmem:$0x18480] =	vst v63  }
0x3c9: {  	_ =	swait.ge [sflag:s23], $0x8000  }
0x3ca: {  	[sflag:s23] =	ssyncset.done $0x0  }
0x3cb: {  	[sflag:s23] =	ssyncadd.s32 $0xFFFF8000  }
0x3cc: {  	v3 =	vld [tilespmem:$0x280];
	_ =	sdelay $0x4  }
0x3cd: {  	v52 =	vshll.u32 v3, $0x2  }
0x3ce: {  	v3 =	vand.u32 $0x7, v3;
	v4 =	vand.u32 $0xFFFFFFE0, v52  }
0x3cf: {  	v3 =	vor.u32 v3, v4  }
0x3d0: {  	v4 =	vperm.xlane v3, v0;
	_ =	sdelay $0x1  }
0x3d1: {  	v4 =	vadd.s32 v1, v4;
	_ =	sdelay $0x1  }
0x3d2: {  	v3 =	vperm.xlane v3, v2;
	_ =	sdelay $0x1  }
0x3d3: {  	s26 =	simm.s32 $0x10480;
	v3 =	vadd.s32 v1, v3  }
0x3d4: {  	[hbm4b:s4+s3] =	stream.indirect_vreg.scatter [tilespmem:s26], [sflag:$0x6], $0x80, v4, vm0, $0xb8;
	[tilespmem:$0x18480] =	vst v63  }
0x3d5: {  	s11 =	simm.s32 $0x10C80  }
0x3d6: {  	[hbm4b:s7+s3] =	stream.indirect_vreg.scatter [tilespmem:s11], [sflag:$0x6], $0x80, v4, vm0, $0xb8;
	[tilespmem:$0x18480] =	vst v63  }
0x3d7: {  	s21 =	simm.s32 $0x11480  }
0x3d8: {  	[hbm4b:s4+s3] =	stream.indirect_vreg.scatter [tilespmem:s21], [sflag:$0x6], $0x80, v3, vm0, $0xb8;
	[tilespmem:$0x18480] =	vst v63  }
0x3d9: {  	s23 =	simm.s32 $0x11C80  }
0x3da: {  	[hbm4b:s7+s3] =	stream.indirect_vreg.scatter [tilespmem:s23], [sflag:$0x6], $0x80, v3, vm0, $0xb8;
	[tilespmem:$0x18480] =	vst v63  }
0x3db: {  	v3 =	vld [tilespmem:$0x290];
	_ =	sdelay $0x4  }
0x3dc: {  	v53 =	vshll.u32 v3, $0x2  }
0x3dd: {  	v3 =	vand.u32 $0x7, v3;
	v4 =	vand.u32 $0xFFFFFFE0, v53  }
0x3de: {  	v3 =	vor.u32 v3, v4  }
0x3df: {  	v4 =	vperm.xlane v3, v0;
	_ =	sdelay $0x1  }
0x3e0: {  	v4 =	vadd.s32 v1, v4;
	_ =	sdelay $0x1  }
0x3e1: {  	v3 =	vperm.xlane v3, v2;
	_ =	sdelay $0x1  }
0x3e2: {  	s26 =	simm.s32 $0x12480;
	v3 =	vadd.s32 v1, v3  }
0x3e3: {  	[hbm4b:s4+s3] =	stream.indirect_vreg.scatter [tilespmem:s26], [sflag:$0x6], $0x80, v4, vm0, $0xb8;
	[tilespmem:$0x18480] =	vst v63  }
0x3e4: {  	s11 =	simm.s32 $0x12C80  }
0x3e5: {  	[hbm4b:s7+s3] =	stream.indirect_vreg.scatter [tilespmem:s11], [sflag:$0x6], $0x80, v4, vm0, $0xb8;
	[tilespmem:$0x18480] =	vst v63  }
0x3e6: {  	s21 =	simm.s32 $0x13480  }
0x3e7: {  	[hbm4b:s4+s3] =	stream.indirect_vreg.scatter [tilespmem:s21], [sflag:$0x6], $0x80, v3, vm0, $0xb8;
	[tilespmem:$0x18480] =	vst v63  }
0x3e8: {  	s23 =	simm.s32 $0x13C80  }
0x3e9: {  	[hbm4b:s7+s3] =	stream.indirect_vreg.scatter [tilespmem:s23], [sflag:$0x6], $0x80, v3, vm0, $0xb8;
	[tilespmem:$0x18480] =	vst v63  }
0x3ea: {  	v3 =	vld [tilespmem:$0x2A0];
	_ =	sdelay $0x4  }
0x3eb: {  	v54 =	vshll.u32 v3, $0x2  }
0x3ec: {  	v3 =	vand.u32 $0x7, v3;
	v4 =	vand.u32 $0xFFFFFFE0, v54  }
0x3ed: {  	v3 =	vor.u32 v3, v4  }
0x3ee: {  	v4 =	vperm.xlane v3, v0;
	_ =	sdelay $0x1  }
0x3ef: {  	v4 =	vadd.s32 v1, v4;
	_ =	sdelay $0x1  }
0x3f0: {  	v3 =	vperm.xlane v3, v2;
	_ =	sdelay $0x1  }
0x3f1: {  	s26 =	simm.s32 $0x14480;
	v3 =	vadd.s32 v1, v3  }
0x3f2: {  	[hbm4b:s4+s3] =	stream.indirect_vreg.scatter [tilespmem:s26], [sflag:$0x6], $0x80, v4, vm0, $0xb8;
	[tilespmem:$0x18480] =	vst v63  }
0x3f3: {  	s11 =	simm.s32 $0x14C80  }
0x3f4: {  	[hbm4b:s7+s3] =	stream.indirect_vreg.scatter [tilespmem:s11], [sflag:$0x6], $0x80, v4, vm0, $0xb8;
	[tilespmem:$0x18480] =	vst v63  }
0x3f5: {  	s21 =	simm.s32 $0x15480  }
0x3f6: {  	[hbm4b:s4+s3] =	stream.indirect_vreg.scatter [tilespmem:s21], [sflag:$0x6], $0x80, v3, vm0, $0xb8;
	[tilespmem:$0x18480] =	vst v63  }
0x3f7: {  	s23 =	simm.s32 $0x15C80  }
0x3f8: {  	[hbm4b:s7+s3] =	stream.indirect_vreg.scatter [tilespmem:s23], [sflag:$0x6], $0x80, v3, vm0, $0xb8;
	[tilespmem:$0x18480] =	vst v63  }
0x3f9: {  	v3 =	vld [tilespmem:$0x2B0];
	_ =	sdelay $0x4  }
0x3fa: {  	v55 =	vshll.u32 v3, $0x2  }
0x3fb: {  	v3 =	vand.u32 $0x7, v3;
	v4 =	vand.u32 $0xFFFFFFE0, v55  }
0x3fc: {  	v3 =	vor.u32 v3, v4  }
0x3fd: {  	v4 =	vperm.xlane v3, v0;
	_ =	sdelay $0x1  }
0x3fe: {  	v4 =	vadd.s32 v1, v4;
	_ =	sdelay $0x1  }
0x3ff: {  	v3 =	vperm.xlane v3, v2;
	_ =	sdelay $0x1  }
0x400: {  	s26 =	simm.s32 $0x16480;
	v3 =	vadd.s32 v1, v3  }
0x401: {  	[hbm4b:s4+s3] =	stream.indirect_vreg.scatter [tilespmem:s26], [sflag:$0x6], $0x80, v4, vm0, $0xb8;
	[tilespmem:$0x18480] =	vst v63  }
0x402: {  	s11 =	simm.s32 $0x16C80  }
0x403: {  	[hbm4b:s7+s3] =	stream.indirect_vreg.scatter [tilespmem:s11], [sflag:$0x6], $0x80, v4, vm0, $0xb8;
	[tilespmem:$0x18480] =	vst v63  }
0x404: {  	s21 =	simm.s32 $0x17480  }
0x405: {  	[hbm4b:s4+s3] =	stream.indirect_vreg.scatter [tilespmem:s21], [sflag:$0x6], $0x80, v3, vm0, $0xb8;
	[tilespmem:$0x18480] =	vst v63  }
0x406: {  	s23 =	simm.s32 $0x17C80  }
0x407: {  	[hbm4b:s7+s3] =	stream.indirect_vreg.scatter [tilespmem:s23], [sflag:$0x6], $0x80, v3, vm0, $0xb8;
	[tilespmem:$0x18480] =	vst v63  }
0x408: {  	s1 =	simm.s32 $0x400;
	s26 =	simm.s32 $0x280;
	s23 =	simm.s32 $0x40  }
0x409: {  	[hbm4b:s29+s23] =	stream.indirect.scatter [tilespmem:s1], [sflag:$0x6], $0x1, s26, s23, $0xb8;
	[tilespmem:$0x18480] =	vst v63  }
0x40a: {  	s26 =	simm.s32 $0x1  }
0x40b: {  	_ =	swait.ge [sflag:s26], $0x8000  }
0x40c: {  	[sflag:s26] =	ssyncset.done $0x0  }
0x40d: {  	[sflag:s26] =	ssyncadd.s32 $0xFFFF8000  }
0x40e: {  	v3 =	vld [tilespmem:$0x180];
	_ =	sdelay $0x4  }
0x40f: {  	v56 =	vshll.u32 v3, $0x2  }
0x410: {  	v3 =	vand.u32 $0x7, v3;
	v4 =	vand.u32 $0xFFFFFFE0, v56  }
0x411: {  	v3 =	vor.u32 v3, v4  }
0x412: {  	v4 =	vperm.xlane v3, v0;
	_ =	sdelay $0x1  }
0x413: {  	v4 =	vadd.s32 v1, v4;
	_ =	sdelay $0x1  }
0x414: {  	v3 =	vperm.xlane v3, v2;
	_ =	sdelay $0x1  }
0x415: {  	s1 =	simm.s32 $0x480;
	v3 =	vadd.s32 v1, v3  }
0x416: {  	[hbm4b:s4+s3] =	stream.indirect_vreg.scatter [tilespmem:s1], [sflag:$0x4], $0x80, v4, vm0, $0xb8;
	[tilespmem:$0x18480] =	vst v63  }
0x417: {  	s21 =	simm.s32 $0xC80  }
0x418: {  	[hbm4b:s7+s3] =	stream.indirect_vreg.scatter [tilespmem:s21], [sflag:$0x4], $0x80, v4, vm0, $0xb8;
	[tilespmem:$0x18480] =	vst v63  }
0x419: {  	s26 =	simm.s32 $0x1480  }
0x41a: {  	[hbm4b:s4+s3] =	stream.indirect_vreg.scatter [tilespmem:s26], [sflag:$0x4], $0x80, v3, vm0, $0xb8;
	[tilespmem:$0x18480] =	vst v63  }
0x41b: {  	s1 =	simm.s32 $0x1C80  }
0x41c: {  	[hbm4b:s7+s3] =	stream.indirect_vreg.scatter [tilespmem:s1], [sflag:$0x4], $0x80, v3, vm0, $0xb8;
	[tilespmem:$0x18480] =	vst v63  }
0x41d: {  	v3 =	vld [tilespmem:$0x190];
	_ =	sdelay $0x4  }
0x41e: {  	v57 =	vshll.u32 v3, $0x2  }
0x41f: {  	v3 =	vand.u32 $0x7, v3;
	v4 =	vand.u32 $0xFFFFFFE0, v57  }
0x420: {  	v3 =	vor.u32 v3, v4  }
0x421: {  	v4 =	vperm.xlane v3, v0;
	_ =	sdelay $0x1  }
0x422: {  	v4 =	vadd.s32 v1, v4;
	_ =	sdelay $0x1  }
0x423: {  	v3 =	vperm.xlane v3, v2;
	_ =	sdelay $0x1  }
0x424: {  	s21 =	simm.s32 $0x2480;
	v3 =	vadd.s32 v1, v3  }
0x425: {  	[hbm4b:s4+s3] =	stream.indirect_vreg.scatter [tilespmem:s21], [sflag:$0x4], $0x80, v4, vm0, $0xb8;
	[tilespmem:$0x18480] =	vst v63  }
0x426: {  	s26 =	simm.s32 $0x2C80  }
0x427: {  	[hbm4b:s7+s3] =	stream.indirect_vreg.scatter [tilespmem:s26], [sflag:$0x4], $0x80, v4, vm0, $0xb8;
	[tilespmem:$0x18480] =	vst v63  }
0x428: {  	s1 =	simm.s32 $0x3480  }
0x429: {  	[hbm4b:s4+s3] =	stream.indirect_vreg.scatter [tilespmem:s1], [sflag:$0x4], $0x80, v3, vm0, $0xb8;
	[tilespmem:$0x18480] =	vst v63  }
0x42a: {  	s21 =	simm.s32 $0x3C80  }
0x42b: {  	[hbm4b:s7+s3] =	stream.indirect_vreg.scatter [tilespmem:s21], [sflag:$0x4], $0x80, v3, vm0, $0xb8;
	[tilespmem:$0x18480] =	vst v63  }
0x42c: {  	v3 =	vld [tilespmem:$0x1A0];
	_ =	sdelay $0x4  }
0x42d: {  	v58 =	vshll.u32 v3, $0x2  }
0x42e: {  	v3 =	vand.u32 $0x7, v3;
	v4 =	vand.u32 $0xFFFFFFE0, v58  }
0x42f: {  	v3 =	vor.u32 v3, v4  }
0x430: {  	v4 =	vperm.xlane v3, v0;
	_ =	sdelay $0x1  }
0x431: {  	v4 =	vadd.s32 v1, v4;
	_ =	sdelay $0x1  }
0x432: {  	v3 =	vperm.xlane v3, v2;
	_ =	sdelay $0x1  }
0x433: {  	s26 =	simm.s32 $0x4480;
	v3 =	vadd.s32 v1, v3  }
0x434: {  	[hbm4b:s4+s3] =	stream.indirect_vreg.scatter [tilespmem:s26], [sflag:$0x4], $0x80, v4, vm0, $0xb8;
	[tilespmem:$0x18480] =	vst v63  }
0x435: {  	s1 =	simm.s32 $0x4C80  }
0x436: {  	[hbm4b:s7+s3] =	stream.indirect_vreg.scatter [tilespmem:s1], [sflag:$0x4], $0x80, v4, vm0, $0xb8;
	[tilespmem:$0x18480] =	vst v63  }
0x437: {  	s21 =	simm.s32 $0x5480  }
0x438: {  	[hbm4b:s4+s3] =	stream.indirect_vreg.scatter [tilespmem:s21], [sflag:$0x4], $0x80, v3, vm0, $0xb8;
	[tilespmem:$0x18480] =	vst v63  }
0x439: {  	s26 =	simm.s32 $0x5C80  }
0x43a: {  	[hbm4b:s7+s3] =	stream.indirect_vreg.scatter [tilespmem:s26], [sflag:$0x4], $0x80, v3, vm0, $0xb8;
	[tilespmem:$0x18480] =	vst v63  }
0x43b: {  	v3 =	vld [tilespmem:$0x1B0];
	_ =	sdelay $0x4  }
0x43c: {  	v59 =	vshll.u32 v3, $0x2  }
0x43d: {  	v3 =	vand.u32 $0x7, v3;
	v4 =	vand.u32 $0xFFFFFFE0, v59  }
0x43e: {  	v3 =	vor.u32 v3, v4  }
0x43f: {  	v4 =	vperm.xlane v3, v0;
	_ =	sdelay $0x1  }
0x440: {  	v4 =	vadd.s32 v1, v4;
	_ =	sdelay $0x1  }
0x441: {  	v3 =	vperm.xlane v3, v2;
	_ =	sdelay $0x1  }
0x442: {  	s1 =	simm.s32 $0x6480;
	v3 =	vadd.s32 v1, v3  }
0x443: {  	[hbm4b:s4+s3] =	stream.indirect_vreg.scatter [tilespmem:s1], [sflag:$0x4], $0x80, v4, vm0, $0xb8;
	[tilespmem:$0x18480] =	vst v63  }
0x444: {  	s21 =	simm.s32 $0x6C80  }
0x445: {  	[hbm4b:s7+s3] =	stream.indirect_vreg.scatter [tilespmem:s21], [sflag:$0x4], $0x80, v4, vm0, $0xb8;
	[tilespmem:$0x18480] =	vst v63  }
0x446: {  	s26 =	simm.s32 $0x7480  }
0x447: {  	[hbm4b:s4+s3] =	stream.indirect_vreg.scatter [tilespmem:s26], [sflag:$0x4], $0x80, v3, vm0, $0xb8;
	[tilespmem:$0x18480] =	vst v63  }
0x448: {  	s1 =	simm.s32 $0x7C80  }
0x449: {  	[hbm4b:s7+s3] =	stream.indirect_vreg.scatter [tilespmem:s1], [sflag:$0x4], $0x80, v3, vm0, $0xb8;
	[tilespmem:$0x18480] =	vst v63  }
0x44a: {  	s21 =	simm.s32 $0x180;
	s26 =	simm.s32 $0x300;
	s1 =	simm.s32 $0x2  }
0x44b: {  	[hbm4b:s29+s23] =	stream.indirect.scatter [tilespmem:s26], [sflag:$0x4], $0x1, s21, s23, $0xb8;
	[tilespmem:$0x18480] =	vst v63  }
0x44c: {  	_ =	swait.ge [sflag:s1], $0x8000  }
0x44d: {  	[sflag:s1] =	ssyncset.done $0x0  }
0x44e: {  	[sflag:s1] =	ssyncadd.s32 $0xFFFF8000  }
0x44f: {  	v3 =	vld [tilespmem:$0x200];
	_ =	sdelay $0x4  }
0x450: {  	v60 =	vshll.u32 v3, $0x2  }
0x451: {  	v3 =	vand.u32 $0x7, v3;
	v4 =	vand.u32 $0xFFFFFFE0, v60  }
0x452: {  	v3 =	vor.u32 v3, v4  }
0x453: {  	v4 =	vperm.xlane v3, v0;
	_ =	sdelay $0x1  }
0x454: {  	v4 =	vadd.s32 v1, v4;
	_ =	sdelay $0x1  }
0x455: {  	v3 =	vperm.xlane v3, v2;
	_ =	sdelay $0x1  }
0x456: {  	s23 =	simm.s32 $0x8480;
	v3 =	vadd.s32 v1, v3  }
0x457: {  	[hbm4b:s4+s3] =	stream.indirect_vreg.scatter [tilespmem:s23], [sflag:$0x5], $0x80, v4, vm0, $0xb8;
	[tilespmem:$0x18480] =	vst v63  }
0x458: {  	s0 =	simm.s32 $0x8C80  }
0x459: {  	[hbm4b:s7+s3] =	stream.indirect_vreg.scatter [tilespmem:s0], [sflag:$0x5], $0x80, v4, vm0, $0xb8;
	[tilespmem:$0x18480] =	vst v63  }
0x45a: {  	s12 =	simm.s32 $0x9480  }
0x45b: {  	[hbm4b:s4+s3] =	stream.indirect_vreg.scatter [tilespmem:s12], [sflag:$0x5], $0x80, v3, vm0, $0xb8;
	[tilespmem:$0x18480] =	vst v63  }
0x45c: {  	s31 =	simm.s32 $0x9C80  }
0x45d: {  	[hbm4b:s7+s3] =	stream.indirect_vreg.scatter [tilespmem:s31], [sflag:$0x5], $0x80, v3, vm0, $0xb8;
	[tilespmem:$0x18480] =	vst v63  }
0x45e: {  	v3 =	vld [tilespmem:$0x210];
	_ =	sdelay $0x4  }
0x45f: {  	v61 =	vshll.u32 v3, $0x2  }
0x460: {  	v3 =	vand.u32 $0x7, v3;
	v4 =	vand.u32 $0xFFFFFFE0, v61  }
0x461: {  	v3 =	vor.u32 v3, v4  }
0x462: {  	v4 =	vperm.xlane v3, v0;
	_ =	sdelay $0x1  }
0x463: {  	v4 =	vadd.s32 v1, v4;
	_ =	sdelay $0x1  }
0x464: {  	v3 =	vperm.xlane v3, v2;
	_ =	sdelay $0x1  }
0x465: {  	s13 =	simm.s32 $0xA480;
	v3 =	vadd.s32 v1, v3  }
0x466: {  	[hbm4b:s4+s3] =	stream.indirect_vreg.scatter [tilespmem:s13], [sflag:$0x5], $0x80, v4, vm0, $0xb8;
	[tilespmem:$0x18480] =	vst v63  }
0x467: {  	s14 =	simm.s32 $0xAC80  }
0x468: {  	[hbm4b:s7+s3] =	stream.indirect_vreg.scatter [tilespmem:s14], [sflag:$0x5], $0x80, v4, vm0, $0xb8;
	[tilespmem:$0x18480] =	vst v63  }
0x469: {  	s15 =	simm.s32 $0xB480  }
0x46a: {  	[hbm4b:s4+s3] =	stream.indirect_vreg.scatter [tilespmem:s15], [sflag:$0x5], $0x80, v3, vm0, $0xb8;
	[tilespmem:$0x18480] =	vst v63  }
0x46b: {  	s22 =	simm.s32 $0xBC80  }
0x46c: {  	[hbm4b:s7+s3] =	stream.indirect_vreg.scatter [tilespmem:s22], [sflag:$0x5], $0x80, v3, vm0, $0xb8;
	[tilespmem:$0x18480] =	vst v63  }
0x46d: {  	v3 =	vld [tilespmem:$0x220];
	_ =	sdelay $0x4  }
0x46e: {  	v62 =	vshll.u32 v3, $0x2  }
0x46f: {  	v3 =	vand.u32 $0x7, v3;
	v4 =	vand.u32 $0xFFFFFFE0, v62  }
0x470: {  	v3 =	vor.u32 v3, v4  }
0x471: {  	v4 =	vperm.xlane v3, v0;
	_ =	sdelay $0x1  }
0x472: {  	v4 =	vadd.s32 v1, v4;
	_ =	sdelay $0x1  }
0x473: {  	v3 =	vperm.xlane v3, v2;
	_ =	sdelay $0x1  }
0x474: {  	s16 =	simm.s32 $0xC480;
	v3 =	vadd.s32 v1, v3  }
0x475: {  	[hbm4b:s4+s3] =	stream.indirect_vreg.scatter [tilespmem:s16], [sflag:$0x5], $0x80, v4, vm0, $0xb8;
	[tilespmem:$0x18480] =	vst v63  }
0x476: {  	s17 =	simm.s32 $0xCC80  }
0x477: {  	[hbm4b:s7+s3] =	stream.indirect_vreg.scatter [tilespmem:s17], [sflag:$0x5], $0x80, v4, vm0, $0xb8;
	[tilespmem:$0x18480] =	vst v63  }
0x478: {  	s18 =	simm.s32 $0xD480  }
0x479: {  	[hbm4b:s4+s3] =	stream.indirect_vreg.scatter [tilespmem:s18], [sflag:$0x5], $0x80, v3, vm0, $0xb8;
	[tilespmem:$0x18480] =	vst v63  }
0x47a: {  	s8 =	simm.s32 $0xDC80  }
0x47b: {  	[hbm4b:s7+s3] =	stream.indirect_vreg.scatter [tilespmem:s8], [sflag:$0x5], $0x80, v3, vm0, $0xb8;
	[tilespmem:$0x18480] =	vst v63  }
0x47c: {  	v3 =	vld [tilespmem:$0x230];
	_ =	sdelay $0x4  }
0x47d: {  	v63 =	vshll.u32 v3, $0x2  }
0x47e: {  	v3 =	vand.u32 $0x7, v3;
	v4 =	vand.u32 $0xFFFFFFE0, v63  }
0x47f: {  	v3 =	vor.u32 v3, v4  }
0x480: {  	v4 =	vperm.xlane v3, v0;
	_ =	sdelay $0x1  }
0x481: {  	v4 =	vadd.s32 v1, v4;
	_ =	sdelay $0x1  }
0x482: {  	v3 =	vperm.xlane v3, v2;
	_ =	sdelay $0x1  }
0x483: {  	s19 =	simm.s32 $0xE480;
	v3 =	vadd.s32 v1, v3  }
0x484: {  	[hbm4b:s4+s3] =	stream.indirect_vreg.scatter [tilespmem:s19], [sflag:$0x5], $0x80, v4, vm0, $0xb8;
	[tilespmem:$0x18480] =	vst v63  }
0x485: {  	s20 =	simm.s32 $0xEC80  }
0x486: {  	[hbm4b:s7+s3] =	stream.indirect_vreg.scatter [tilespmem:s20], [sflag:$0x5], $0x80, v4, vm0, $0xb8;
	[tilespmem:$0x18480] =	vst v63  }
0x487: {  	s10 =	simm.s32 $0xF480  }
0x488: {  	[hbm4b:s4+s3] =	stream.indirect_vreg.scatter [tilespmem:s10], [sflag:$0x5], $0x80, v3, vm0, $0xb8;
	[tilespmem:$0x18480] =	vst v63  }
0x489: {  	s5 =	simm.s32 $0xFC80  }
0x48a: {  	[hbm4b:s7+s3] =	stream.indirect_vreg.scatter [tilespmem:s5], [sflag:$0x5], $0x80, v3, vm0, $0xb8;
	[tilespmem:$0x18480] =	vst v63  }
0x48b: {  	s24 =	simm.s32 $0x200;
	s11 =	simm.s32 $0x40;
	s26 =	simm.s32 $0x380  }
0x48c: {  	[hbm4b:s29+s11] =	stream.indirect.scatter [tilespmem:s26], [sflag:$0x5], $0x1, s24, s11, $0xb8;
	[tilespmem:$0x18480] =	vst v63  }
0x48d: {  	s31 =	rddreg [dreg:$0x1b];
	_ =	swait.ge [sflag:s28], $0x8000  }
0x48e: {  	[sflag:s28] =	ssyncset.done $0x0  }
0x48f: {  	[sflag:s28] =	ssyncadd.s32 $0xFFFF8000  }
0x490: {  	_ =	swait.ge [sflag:s28], $0x40  }
0x491: {  	[sflag:s28] =	ssyncset.done $0x0  }
0x492: {  	s30 =	simm.s32 $0x4;
	[sflag:s28] =	ssyncadd.s32 $0xFFFFFFC0  }
0x493: {  	_ =	swait.ge [sflag:s30], $0x8000  }
0x494: {  	[sflag:s30] =	ssyncset.done $0x0  }
0x495: {  	[sflag:s30] =	ssyncadd.s32 $0xFFFF8000  }
0x496: {  	_ =	swait.ge [sflag:s30], $0x40  }
0x497: {  	[sflag:s30] =	ssyncset.done $0x0  }
0x498: {  	[sflag:s30] =	ssyncadd.s32 $0xFFFFFFC0  }
0x499: {  	p0 =	sne.s32 s31, $0x1;
	_ =	swait.ge [sflag:s25], $0x8000  }
.Ltmp0:
0x49a: {  	[sflag:s25] =	ssyncset.done $0x0;
	(pc) =	sbr.rel @p0 .LBB2_1-.Ltmp0, $4  }
0x49b: {  	[sflag:s25] =	ssyncadd.s32 $0xFFFF8000  }
0x49c: {  	_ =	swait.ge [sflag:s25], $0x40  }
0x49d: {  	[sflag:s25] =	ssyncset.done $0x0  }
0x49e: {  	s0 =	sadd.s32 $0xFFFFFFFF, s31;
	[sflag:s25] =	ssyncadd.s32 $0xFFFFFFC0  }
0x49f: {  	_ =	sfence.sel $0x180000  }
0x4a0: {  	[bflag:$0x0] =	sbarrier.arrive $0xFFFF  }
0x4a1: {  	_ =	strace $0x90000047  }
0x4a2: {  	s0 =	stileid.u32;
	[bflag:$0x2] =	sbarrier.arrive $0xFFFF  }
0x4a3: {  	p0 =	sne.s32 s0, $0x0;
	s0 =	rddreg [dreg:$0x2]  }
0x4a4: {  	s0 =	sadd.s32 @!p0 $0x100000, s0  }
0x4a5: {  	[sflag:s0] =	ssyncadd.tile.s32 @!p0 $0x1;
	_ =	shalt  }
.Lfunc_end2:
_tile_overlayer_lowered:
.L_overlay_start_2:
0x4a6: {  	(tag) =	ssettag $0x2  }
0x4a7: {  	s0 =	rddreg [dreg:$0x0];
	s2 =	stileid.u32  }
0x4a8: {  	s1 =	rddreg [dreg:$0x1];
	p0 =	sne.s32 s2, $0x0  }
0x4a9: {  	s3 =	rddreg [dreg:$0x2];
	[bflag:$0x3] =	sbarrier.arrive $0xFFFF;
	s2 =	simm.s32 @!p0 $0x1C07  }
0x4aa: {  	[timem:s3], [sflag:s2] =	dma.local @!p0 [hbm:s0], s1  }
0x4ab: {  	s0 =	simm.s32 @!p0 $0x7  }
0x4ac: {  	_ =	swait.ge @!p0 [sflag:s0], s1  }
0x4ad: {  	s1 =	ssub.s32 @!p0 $0x0, s1;
	[sflag:s0] =	ssyncset.done @!p0 $0x0  }
0x4ae: {  	[sflag:s0] =	ssyncadd.s32 @!p0 s1  }
0x4af: {  	[bflag:$0x3] =	sbarrier.arrive $0xFFFF  }
0x4b0: {  	_ =	shalt  }

</sc_bundles>
